<compile_context>
chip_gen: v7x
topology: tpu7x:2x2x1
jax: 0.10.2.dev20260603
libtpu: 0.0.44.dev20260713+nightly
codegen_flags: <defaults>
</compile_context>

<pallas_src>
import functools

import jax
import jax.numpy as jnp
import numpy as np
from jax import lax
from jax.experimental import pallas as pl
from jax.experimental.pallas import tpu as pltpu
from jax.experimental.pallas import tpu_sc as plsc

_N = 512
_E = 16384
_U = _N * (_N - 1) // 2
_NUM_LOGITS = _U + _N
_NW = 32
_EPW = _E // _NW
_CHUNK = 128
_SLICE = _N * _N // 16
_GPW = _N * _N // _NW
_TILE = 12288
_DPW = _NUM_LOGITS // 16


def _sc_mesh():
    return plsc.VectorSubcoreMesh(core_axis_name="c", subcore_axis_name="s")


def _edge_counts(edge_index):

    @functools.partial(
        pl.kernel,
        out_type=jax.ShapeDtypeStruct((2, _N, _N), jnp.float32),
        mesh=_sc_mesh(),
        scratch_types=[
            pltpu.VMEM((_EPW,), jnp.int32),
            pltpu.VMEM((_EPW,), jnp.int32),
            pltpu.VMEM((_EPW // _CHUNK, _CHUNK), jnp.int32),
            pltpu.VMEM((_CHUNK,), jnp.float32),
            pltpu.VMEM((2048,), jnp.float32),
            pltpu.VMEM((_SLICE // _N, _N), jnp.float32),
            pltpu.VMEM_SHARED((_N * _N,), jnp.float32),
            pltpu.SemaphoreType.DMA,
            pltpu.SemaphoreType.DMA,
        ],
    )
    def k(edges, out, src_v, dst_v, idx_v, ones_v, zeros_v, rows_v, acc, sem,
          sem_ld):
        cid = lax.axis_index("c")
        sid = lax.axis_index("s")
        wid = cid * 16 + sid
        base = wid * _EPW
        ld_s = pltpu.async_copy(edges.at[0, pl.ds(base, _EPW)], src_v, sem_ld)
        ld_d = pltpu.async_copy(edges.at[1, pl.ds(base, _EPW)], dst_v, sem_ld)

        def _zero(i, carry):
            zeros_v[pl.ds(i * 16, 16)] = jnp.zeros((16,), jnp.float32)
            return carry

        lax.fori_loop(0, 128, _zero, 0)
        for t in range(_CHUNK // 16):
            ones_v[pl.ds(t * 16, 16)] = jnp.ones((16,), jnp.float32)
        zs = [
            pltpu.async_copy(zeros_v,
                             acc.at[pl.ds(sid * _SLICE + q * 2048, 2048)], sem)
            for q in range(_SLICE // 2048)
        ]
        ld_s.wait()
        ld_d.wait()
        for t in range(_EPW // 16):
            s = src_v[pl.ds(t * 16, 16)]
            d = dst_v[pl.ds(t * 16, 16)]
            idx_v[t * 16 // _CHUNK, pl.ds(t * 16 % _CHUNK, 16)] = d * _N + s
        for z in zs:
            z.wait()
        plsc.subcore_barrier()
        for c in range(_EPW // _CHUNK):
            pltpu.sync_copy(ones_v, acc.at[idx_v.at[c]], add=True)
        plsc.subcore_barrier()
        nrow = _SLICE // _N
        stages = [
            pltpu.async_copy(acc.at[pl.ds(sid * _SLICE + r * _N, _N)],
                             rows_v.at[r], sem)
            for r in range(nrow)
        ]
        for s_ in stages:
            s_.wait()
        pltpu.sync_copy(rows_v, out.at[cid, pl.ds(sid * nrow, nrow)])

    return k(edge_index)


def _encode_decode(counts, x, W1, b1, g1, be1, W2, b2, g2, be2,
                   Wmu, bmu, Wlv, blv, Wd1, bd1, eps, Wd2, bd2):

    def body(c_ref, x_ref, w1, b1r, g1r, be1r, w2, b2r, g2r, be2r,
             wmu, bmur, wlv, blvr, wd1, bd1r, eps_ref,
             wq0, wq1, wq2, wq3, b_ref, o_ref, a_scr):
        @pl.when(pl.program_id(0) == 0)
        def _():
            A = c_ref[0] + c_ref[1]
            deg = jnp.sum(A, axis=1, keepdims=True) + 1.0
            dinv = lax.rsqrt(deg)

            def gcn_bn_relu(h, W, b, g, be):
                gmat = jnp.dot(h, W, preferred_element_type=jnp.float32) * dinv
                m = (jnp.dot(A, gmat, preferred_element_type=jnp.float32)
                     + gmat) * dinv + b
                mu_ = jnp.sum(m, axis=0, keepdims=True) * (1.0 / _N)
                var = jnp.sum((m - mu_) ** 2, axis=0, keepdims=True) * (1.0 / _N)
                return jnp.maximum(
                    (m - mu_) * lax.rsqrt(var + 1e-5) * g + be, 0.0)

            h = gcn_bn_relu(x_ref[...], w1[...], b1r[...], g1r[...], be1r[...])
            h = gcn_bn_relu(h, w2[...], b2r[...], g2r[...], be2r[...])
            hg = jnp.sum(h, axis=0, keepdims=True) * (1.0 / _N)
            mu = (jnp.dot(hg, wmu[...], preferred_element_type=jnp.float32)
                  + bmur[...])
            logvar = (jnp.dot(hg, wlv[...], preferred_element_type=jnp.float32)
                      + blvr[...])
            z = mu + eps_ref[...] * jnp.exp(0.5 * logvar)
            a_scr[...] = jnp.maximum(
                jnp.dot(z, wd1[...], preferred_element_type=jnp.float32)
                + bd1r[...], 0.0)

        acc = jnp.broadcast_to(b_ref[...], (1, _TILE))
        for q, w in enumerate((wq0, wq1, wq2, wq3)):
            acc = acc + jnp.dot(a_scr[:, q * 64:(q + 1) * 64], w[...],
                                preferred_element_type=jnp.float32)
        o_ref[...] = jnp.tanh(acc).reshape(_TILE)

    enc_spec = lambda *shape: pl.BlockSpec(shape, lambda g: (0,) * len(shape))
    return pl.pallas_call(
        body,
        grid=(pl.cdiv(_NUM_LOGITS, _TILE),),
        in_specs=[
            enc_spec(2, _N, _N),
            enc_spec(*x.shape),
            enc_spec(*W1.shape), enc_spec(*b1.shape),
            enc_spec(*g1.shape), enc_spec(*be1.shape),
            enc_spec(*W2.shape), enc_spec(*b2.shape),
            enc_spec(*g2.shape), enc_spec(*be2.shape),
            enc_spec(*Wmu.shape), enc_spec(*bmu.shape),
            enc_spec(*Wlv.shape), enc_spec(*blv.shape),
            enc_spec(*Wd1.shape), enc_spec(*bd1.shape),
            enc_spec(*eps.shape),
            pl.BlockSpec((64, _TILE), lambda g: (0, g)),
            pl.BlockSpec((64, _TILE), lambda g: (1, g)),
            pl.BlockSpec((64, _TILE), lambda g: (2, g)),
            pl.BlockSpec((64, _TILE), lambda g: (3, g)),
            pl.BlockSpec((_TILE,), lambda g: (g,)),
        ],
        out_specs=pl.BlockSpec((_TILE,), lambda g: (g,)),
        out_shape=jax.ShapeDtypeStruct((_NUM_LOGITS,), jnp.float32),
        scratch_shapes=[pltpu.VMEM((1, 256), jnp.float32)],
        compiler_params=pltpu.CompilerParams(
            dimension_semantics=("arbitrary",)),
    )(counts, x, W1, b1, g1, be1, W2, b2, g2, be2,
      Wmu, bmu, Wlv, blv, Wd1, bd1, eps, Wd2, Wd2, Wd2, Wd2, bd2)


def _adj_gather(d, idx):

    @functools.partial(
        pl.kernel,
        out_type=jax.ShapeDtypeStruct((_N, _N), jnp.float32),
        mesh=_sc_mesh(),
        scratch_types=[
            pltpu.VMEM((_GPW // _CHUNK, _CHUNK), jnp.int32),
            pltpu.VMEM((_N // _NW, _N), jnp.float32),
            pltpu.VMEM((_DPW,), jnp.float32),
            pltpu.VMEM_SHARED((_NUM_LOGITS,), jnp.float32),
            pltpu.SemaphoreType.DMA,
            pltpu.SemaphoreType.DMA,
        ],
    )
    def k(d_hbm, idx_hbm, out, idx_v, rows_v, stage_v, d_sh, sem, sem_ld):
        cid = lax.axis_index("c")
        sid = lax.axis_index("s")
        wid = cid * 16 + sid
        st = pltpu.async_copy(d_hbm.at[pl.ds(sid * _DPW, _DPW)], stage_v,
                              sem_ld)
        ix = pltpu.async_copy(idx_hbm.at[wid], idx_v, sem_ld)
        st.wait()
        ix.wait()
        pltpu.sync_copy(stage_v, d_sh.at[pl.ds(sid * _DPW, _DPW)])
        plsc.subcore_barrier()
        nch = _GPW // _CHUNK
        cpr = _N // _CHUNK
        copies = [
            pltpu.async_copy(d_sh.at[idx_v.at[j]],
                             rows_v.at[j // cpr, pl.ds((j % cpr) * _CHUNK,
                                                       _CHUNK)], sem)
            for j in range(nch)
        ]
        for c_ in copies:
            c_.wait()
        pltpu.sync_copy(rows_v, out.at[pl.ds(wid * (_N // _NW), _N // _NW)])

    return k(d, idx)


def _adj_index_map():
    ii = np.arange(_N, dtype=np.int32)[:, None]
    jj = np.arange(_N, dtype=np.int32)[None, :]
    lo = np.minimum(ii, jj)
    hi = np.maximum(ii, jj)
    start = lo * (_N - 1) - (lo * (lo - 1)) // 2
    k = start + hi - lo - 1
    k = np.where(ii == jj, _U + ii, k).astype(np.int32)
    return jnp.asarray(k.reshape(_NW, _GPW // _CHUNK, _CHUNK))


def kernel(x, edge_index, eps, W1, b1, g1, be1, W2, b2, g2, be2,
           Wmu, bmu, Wlv, blv, Wd1, bd1, Wd2, bd2):
    counts = _edge_counts(edge_index)
    d = _encode_decode(
        counts, x, W1, b1.reshape(1, -1), g1.reshape(1, -1), be1.reshape(1, -1),
        W2, b2.reshape(1, -1), g2.reshape(1, -1), be2.reshape(1, -1),
        Wmu, bmu.reshape(1, -1), Wlv, blv.reshape(1, -1),
        Wd1, bd1.reshape(1, -1), eps, Wd2, bd2)
    return _adj_gather(d, _adj_index_map())

# --- scband reference (transcript-rebuilt; emitter-appended) ---
"""Pipeline reference for scband-graph-vae-44985487459129 (READ-ONLY COPY).

The authoritative reference and input builder live on the scoring server;
editing this copy changes nothing except your own understanding.
"""

import jax, jax.numpy as jnp
import numpy as np

N = 512
E = 16384
IN_DIM = 128
HID = 256
ZDIM = 64
U = N * (N - 1) // 2
NUM_LOGITS = U + N


def _w(key, shape):
    fan_in = shape[0]
    return jax.random.normal(key, shape, dtype=jnp.float32) * (1.0 / np.sqrt(fan_in))


def setup_inputs(seed: int = 0) -> dict:
    key = jax.random.key(seed)
    ks = jax.random.split(key, 12)
    x = jax.random.normal(ks[0], (N, IN_DIM), dtype=jnp.float32)
    edge_index = jax.random.randint(ks[1], (2, E), 0, N, dtype=jnp.int32)
    eps = jax.random.normal(ks[2], (1, ZDIM), dtype=jnp.float32)
    return {
        'x': x,
        'edge_index': edge_index,
        'eps': eps,
        'W1': _w(ks[3], (IN_DIM, HID)), 'b1': jnp.zeros((HID,), jnp.float32),
        'g1': jnp.ones((HID,), jnp.float32), 'be1': jnp.zeros((HID,), jnp.float32),
        'W2': _w(ks[4], (HID, HID)), 'b2': jnp.zeros((HID,), jnp.float32),
        'g2': jnp.ones((HID,), jnp.float32), 'be2': jnp.zeros((HID,), jnp.float32),
        'Wmu': _w(ks[5], (HID, ZDIM)), 'bmu': jnp.zeros((ZDIM,), jnp.float32),
        'Wlv': _w(ks[6], (HID, ZDIM)), 'blv': jnp.zeros((ZDIM,), jnp.float32),
        'Wd1': _w(ks[7], (ZDIM, HID)), 'bd1': jnp.zeros((HID,), jnp.float32),
        'Wd2': _w(ks[8], (HID, NUM_LOGITS)), 'bd2': jnp.zeros((NUM_LOGITS,), jnp.float32),
    }


def _gcn_conv(x, edge_index, W, b):
    # PyG-style GCNConv: add self-loops, symmetric normalization, linear transform.
    src = edge_index[0]
    dst = edge_index[1]
    loop = jnp.arange(N, dtype=src.dtype)
    src = jnp.concatenate([src, loop])
    dst = jnp.concatenate([dst, loop])
    h = x @ W
    deg = jnp.zeros((N,), x.dtype).at[dst].add(1.0)
    dinv = jax.lax.rsqrt(jnp.maximum(deg, 1.0))
    norm = dinv[src] * dinv[dst]
    out = jnp.zeros((N, h.shape[1]), x.dtype).at[dst].add(h[src] * norm[:, None])
    return out + b


def _bn(h, g, be):
    m = jnp.mean(h, axis=0)
    v = jnp.var(h, axis=0)
    return (h - m) * jax.lax.rsqrt(v + 1e-5) * g + be


def _vec_to_adj(vec):
    off = vec[:U]
    diag = vec[U:]
    iu = jnp.triu_indices(N, k=1)
    adj = jnp.zeros((N, N), vec.dtype).at[iu].set(off)
    adj = adj + adj.T
    adj = adj.at[jnp.diag_indices(N)].set(diag)
    return adj


def reference(x, edge_index, eps, W1, b1, g1, be1, W2, b2, g2, be2, Wmu, bmu, Wlv, blv, Wd1, bd1, Wd2, bd2):
    # Encoder: two GCN layers with BatchNorm (batch statistics) + ReLU.
    h = jax.nn.relu(_bn(_gcn_conv(x, edge_index, W1, b1), g1, be1))
    h = jax.nn.relu(_bn(_gcn_conv(h, edge_index, W2, b2), g2, be2))
    # Graph read-out: sum pool divided by number of real nodes (single graph, R = N).
    hg = jnp.sum(h, axis=0, keepdims=True) / float(N)
    mu = hg @ Wmu + bmu
    logvar = hg @ Wlv + blv
    # Reparameterization (eps supplied for determinism).
    z = mu + eps * jnp.exp(0.5 * logvar)
    # Decoder MLP -> tanh logits -> dense adjacency via upper-tri unpacking.
    d = jnp.tanh(jax.nn.relu(z @ Wd1 + bd1) @ Wd2 + bd2)
    adj = _vec_to_adj(d[0])
    return adj

if __name__ == "__main__":
    import jax
    _d = setup_inputs()
    print(jax.jit(kernel)(*tuple(_d.values())))

</pallas_src>

<mosaic_0001>
#map = affine_map<(d0, d1) -> (0)>
#map1 = affine_map<(d0, d1) -> (0, 0, 0)>
#map2 = affine_map<(d0, d1) -> (0, 0)>
module attributes {stable_mosaic.version = 14 : i64} {
  func.func @k(%arg0: i32, %arg1: i32, %arg2: memref<131328xf32, #tpu.memory_space<hbm>>, %arg3: memref<32x64x128xi32, #tpu.memory_space<hbm>>, %arg4: memref<512x512xf32, #tpu.memory_space<hbm>>, %arg5: memref<64x128xi32, #tpu.memory_space<vmem>>, %arg6: memref<16x512xf32, #tpu.memory_space<vmem>>, %arg7: memref<8208xf32, #tpu.memory_space<vmem>>, %arg8: memref<131328xf32, #tpu.memory_space<vmem_shared>>, %arg9: memref<!tpu.dma_semaphore, #tpu.memory_space<semaphore_mem>>, %arg10: memref<!tpu.dma_semaphore, #tpu.memory_space<semaphore_mem>>) attributes {dimension_semantics = [#tpu.dimension_semantics<core_parallel>, #tpu.dimension_semantics<subcore_parallel>], iteration_bounds = array<i64: 2, 16>, scalar_prefetch = 0 : i64, scratch_operands = 6 : i64, tpu.core_type = #tpu.core_type<sc_vector_subcore>, window_params = [{transform_indices = #map}, {transform_indices = #map1}, {transform_indices = #map2}]} {
    %mul3A = arith.constant 16 : i32
    %mul3A_0 = arith.muli %arg0, %mul3A : i32
    %add3A = arith.addi %mul3A_0, %arg1 : i32
    %mul3A_1 = arith.constant 8208 : i32
    %mul3A_2 = arith.muli %arg1, %mul3A_1 : i32
    %dma_start3A = tpu.memref_slice %arg2[%mul3A_2] : memref<131328xf32, #tpu.memory_space<hbm>> -> memref<8208xf32, #tpu.memory_space<hbm>>
    %dma_start3A_3 = tpu.memref_slice %arg2[%mul3A_2] : memref<131328xf32, #tpu.memory_space<hbm>> -> memref<8208xf32, #tpu.memory_space<hbm>>
    tpu.enqueue_dma source(%dma_start3A_3 : memref<8208xf32, #tpu.memory_space<hbm>>) target(%arg7 : memref<8208xf32, #tpu.memory_space<vmem>>) target_semaphore(%arg10 : memref<!tpu.dma_semaphore, #tpu.memory_space<semaphore_mem>>)
    %dma_start3A_4 = arith.constant 0 : i32
    %dma_start3A_5 = arith.constant 0 : i32
    %dma_start3A_6 = tpu.memref_slice %arg3[%add3A, %dma_start3A_4, %dma_start3A_5] : memref<32x64x128xi32, #tpu.memory_space<hbm>> -> memref<1x64x128xi32, #tpu.memory_space<hbm>>
    %dma_start3A_7 = tpu.memref_squeeze %dma_start3A_6 : memref<1x64x128xi32, #tpu.memory_space<hbm>> -> memref<64x128xi32, #tpu.memory_space<hbm>>
    %dma_start3A_8 = arith.constant 0 : i32
    %dma_start3A_9 = arith.constant 0 : i32
    %dma_start3A_10 = tpu.memref_slice %arg3[%add3A, %dma_start3A_8, %dma_start3A_9] : memref<32x64x128xi32, #tpu.memory_space<hbm>> -> memref<1x64x128xi32, #tpu.memory_space<hbm>>
    %dma_start3A_11 = tpu.memref_squeeze %dma_start3A_10 : memref<1x64x128xi32, #tpu.memory_space<hbm>> -> memref<64x128xi32, #tpu.memory_space<hbm>>
    tpu.enqueue_dma source(%dma_start3A_11 : memref<64x128xi32, #tpu.memory_space<hbm>>) target(%arg5 : memref<64x128xi32, #tpu.memory_space<vmem>>) target_semaphore(%arg10 : memref<!tpu.dma_semaphore, #tpu.memory_space<semaphore_mem>>)
    %dma_wait3A = tpu.memref_slice %arg2[%mul3A_2] : memref<131328xf32, #tpu.memory_space<hbm>> -> memref<8208xf32, #tpu.memory_space<hbm>>
    %dma_wait3A_12 = tpu.memref_slice %arg2[%mul3A_2] : memref<131328xf32, #tpu.memory_space<hbm>> -> memref<8208xf32, #tpu.memory_space<hbm>>
    tpu.wait_dma2 semaphore(%arg10 : memref<!tpu.dma_semaphore, #tpu.memory_space<semaphore_mem>>) src(%dma_wait3A_12 : memref<8208xf32, #tpu.memory_space<hbm>>) dst(%arg7 : memref<8208xf32, #tpu.memory_space<vmem>>)
    %dma_wait3A_13 = arith.constant 0 : i32
    %dma_wait3A_14 = arith.constant 0 : i32
    %dma_wait3A_15 = tpu.memref_slice %arg3[%add3A, %dma_wait3A_13, %dma_wait3A_14] : memref<32x64x128xi32, #tpu.memory_space<hbm>> -> memref<1x64x128xi32, #tpu.memory_space<hbm>>
    %dma_wait3A_16 = tpu.memref_squeeze %dma_wait3A_15 : memref<1x64x128xi32, #tpu.memory_space<hbm>> -> memref<64x128xi32, #tpu.memory_space<hbm>>
    %dma_wait3A_17 = arith.constant 0 : i32
    %dma_wait3A_18 = arith.constant 0 : i32
    %dma_wait3A_19 = tpu.memref_slice %arg3[%add3A, %dma_wait3A_17, %dma_wait3A_18] : memref<32x64x128xi32, #tpu.memory_space<hbm>> -> memref<1x64x128xi32, #tpu.memory_space<hbm>>
    %dma_wait3A_20 = tpu.memref_squeeze %dma_wait3A_19 : memref<1x64x128xi32, #tpu.memory_space<hbm>> -> memref<64x128xi32, #tpu.memory_space<hbm>>
    tpu.wait_dma2 semaphore(%arg10 : memref<!tpu.dma_semaphore, #tpu.memory_space<semaphore_mem>>) src(%dma_wait3A_20 : memref<64x128xi32, #tpu.memory_space<hbm>>) dst(%arg5 : memref<64x128xi32, #tpu.memory_space<vmem>>)
    %mul3A_21 = arith.constant 8208 : i32
    %mul3A_22 = arith.muli %arg1, %mul3A_21 : i32
    "tpu.region"() ({
      %run_scoped3A = tpu.sem_alloc : memref<!tpu.dma_semaphore, #tpu.memory_space<semaphore_mem>>
      %dma_start3A_1305 = tpu.memref_slice %arg8[%mul3A_22] : memref<131328xf32, #tpu.memory_space<vmem_shared>> -> memref<8208xf32, #tpu.memory_space<vmem_shared>>
      %dma_start3A_1306 = tpu.memref_slice %arg8[%mul3A_22] : memref<131328xf32, #tpu.memory_space<vmem_shared>> -> memref<8208xf32, #tpu.memory_space<vmem_shared>>
      tpu.enqueue_dma source(%arg7 : memref<8208xf32, #tpu.memory_space<vmem>>) target(%dma_start3A_1306 : memref<8208xf32, #tpu.memory_space<vmem_shared>>) target_semaphore(%run_scoped3A : memref<!tpu.dma_semaphore, #tpu.memory_space<semaphore_mem>>)
      %dma_wait3A_1307 = tpu.memref_slice %arg8[%mul3A_22] : memref<131328xf32, #tpu.memory_space<vmem_shared>> -> memref<8208xf32, #tpu.memory_space<vmem_shared>>
      %dma_wait3A_1308 = tpu.memref_slice %arg8[%mul3A_22] : memref<131328xf32, #tpu.memory_space<vmem_shared>> -> memref<8208xf32, #tpu.memory_space<vmem_shared>>
      tpu.wait_dma2 semaphore(%run_scoped3A : memref<!tpu.dma_semaphore, #tpu.memory_space<semaphore_mem>>) src(%arg7 : memref<8208xf32, #tpu.memory_space<vmem>>) dst(%dma_wait3A_1308 : memref<8208xf32, #tpu.memory_space<vmem_shared>>)
      tpu.yield
    }) : () -> ()
    %barrier3A = arith.constant 0 : index
    tpu.barrier barrier_id(%barrier3A)
    %dma_start3A_23 = arith.constant 0 : i32
    %dma_start3A_24 = arith.constant 0 : i32
    %dma_start3A_25 = arith.constant 0 : i32
    %dma_start3A_26 = tpu.memref_slice %arg6[%dma_start3A_24, %dma_start3A_25] : memref<16x512xf32, #tpu.memory_space<vmem>> -> memref<1x128xf32, #tpu.memory_space<vmem>>
    %dma_start3A_27 = tpu.memref_squeeze %dma_start3A_26 : memref<1x128xf32, #tpu.memory_space<vmem>> -> memref<128xf32, #tpu.memory_space<vmem>>
    %dma_start3A_28 = arith.constant 0 : i32
    %dma_start3A_29 = tpu.memref_slice %arg5[%dma_start3A_23, %dma_start3A_28] : memref<64x128xi32, #tpu.memory_space<vmem>> -> memref<1x128xi32, #tpu.memory_space<vmem>>
    %dma_start3A_30 = tpu.memref_squeeze %dma_start3A_29 : memref<1x128xi32, #tpu.memory_space<vmem>> -> memref<128xi32, #tpu.memory_space<vmem>>
    %dma_start3A_31 = arith.constant 0 : i32
    %dma_start3A_32 = tpu.memref_slice %arg8[%dma_start3A_31] : memref<131328xf32, #tpu.memory_space<vmem_shared>> -> memref<131328xf32, #tpu.memory_space<vmem_shared>>
    tpu.enqueue_indirect_dma source(%dma_start3A_32 : memref<131328xf32, #tpu.memory_space<vmem_shared>>) target(%dma_start3A_27 : memref<128xf32, #tpu.memory_space<vmem>>) offsets(%dma_start3A_30 : memref<128xi32, #tpu.memory_space<vmem>>) semaphore(%arg9 : memref<!tpu.dma_semaphore, #tpu.memory_space<semaphore_mem>>)
    %dma_start3A_33 = arith.constant 1 : i32
    %dma_start3A_34 = arith.constant 0 : i32
    %dma_start3A_35 = arith.constant 128 : i32
    %dma_start3A_36 = tpu.memref_slice %arg6[%dma_start3A_34, %dma_start3A_35] : memref<16x512xf32, #tpu.memory_space<vmem>> -> memref<1x128xf32, #tpu.memory_space<vmem>>
    %dma_start3A_37 = tpu.memref_squeeze %dma_start3A_36 : memref<1x128xf32, #tpu.memory_space<vmem>> -> memref<128xf32, #tpu.memory_space<vmem>>
    %dma_start3A_38 = arith.constant 0 : i32
    %dma_start3A_39 = tpu.memref_slice %arg5[%dma_start3A_33, %dma_start3A_38] : memref<64x128xi32, #tpu.memory_space<vmem>> -> memref<1x128xi32, #tpu.memory_space<vmem>>
    %dma_start3A_40 = tpu.memref_squeeze %dma_start3A_39 : memref<1x128xi32, #tpu.memory_space<vmem>> -> memref<128xi32, #tpu.memory_space<vmem>>
    %dma_start3A_41 = arith.constant 0 : i32
    %dma_start3A_42 = tpu.memref_slice %arg8[%dma_start3A_41] : memref<131328xf32, #tpu.memory_space<vmem_shared>> -> memref<131328xf32, #tpu.memory_space<vmem_shared>>
    tpu.enqueue_indirect_dma source(%dma_start3A_42 : memref<131328xf32, #tpu.memory_space<vmem_shared>>) target(%dma_start3A_37 : memref<128xf32, #tpu.memory_space<vmem>>) offsets(%dma_start3A_40 : memref<128xi32, #tpu.memory_space<vmem>>) semaphore(%arg9 : memref<!tpu.dma_semaphore, #tpu.memory_space<semaphore_mem>>)
    %dma_start3A_43 = arith.constant 2 : i32
    %dma_start3A_44 = arith.constant 0 : i32
    %dma_start3A_45 = arith.constant 256 : i32
    %dma_start3A_46 = tpu.memref_slice %arg6[%dma_start3A_44, %dma_start3A_45] : memref<16x512xf32, #tpu.memory_space<vmem>> -> memref<1x128xf32, #tpu.memory_space<vmem>>
    %dma_start3A_47 = tpu.memref_squeeze %dma_start3A_46 : memref<1x128xf32, #tpu.memory_space<vmem>> -> memref<128xf32, #tpu.memory_space<vmem>>
    %dma_start3A_48 = arith.constant 0 : i32
    %dma_start3A_49 = tpu.memref_slice %arg5[%dma_start3A_43, %dma_start3A_48] : memref<64x128xi32, #tpu.memory_space<vmem>> -> memref<1x128xi32, #tpu.memory_space<vmem>>
    %dma_start3A_50 = tpu.memref_squeeze %dma_start3A_49 : memref<1x128xi32, #tpu.memory_space<vmem>> -> memref<128xi32, #tpu.memory_space<vmem>>
    %dma_start3A_51 = arith.constant 0 : i32
    %dma_start3A_52 = tpu.memref_slice %arg8[%dma_start3A_51] : memref<131328xf32, #tpu.memory_space<vmem_shared>> -> memref<131328xf32, #tpu.memory_space<vmem_shared>>
    tpu.enqueue_indirect_dma source(%dma_start3A_52 : memref<131328xf32, #tpu.memory_space<vmem_shared>>) target(%dma_start3A_47 : memref<128xf32, #tpu.memory_space<vmem>>) offsets(%dma_start3A_50 : memref<128xi32, #tpu.memory_space<vmem>>) semaphore(%arg9 : memref<!tpu.dma_semaphore, #tpu.memory_space<semaphore_mem>>)
    %dma_start3A_53 = arith.constant 3 : i32
    %dma_start3A_54 = arith.constant 0 : i32
    %dma_start3A_55 = arith.constant 384 : i32
    %dma_start3A_56 = tpu.memref_slice %arg6[%dma_start3A_54, %dma_start3A_55] : memref<16x512xf32, #tpu.memory_space<vmem>> -> memref<1x128xf32, #tpu.memory_space<vmem>>
    %dma_start3A_57 = tpu.memref_squeeze %dma_start3A_56 : memref<1x128xf32, #tpu.memory_space<vmem>> -> memref<128xf32, #tpu.memory_space<vmem>>
    %dma_start3A_58 = arith.constant 0 : i32
    %dma_start3A_59 = tpu.memref_slice %arg5[%dma_start3A_53, %dma_start3A_58] : memref<64x128xi32, #tpu.memory_space<vmem>> -> memref<1x128xi32, #tpu.memory_space<vmem>>
    %dma_start3A_60 = tpu.memref_squeeze %dma_start3A_59 : memref<1x128xi32, #tpu.memory_space<vmem>> -> memref<128xi32, #tpu.memory_space<vmem>>
    %dma_start3A_61 = arith.constant 0 : i32
    %dma_start3A_62 = tpu.memref_slice %arg8[%dma_start3A_61] : memref<131328xf32, #tpu.memory_space<vmem_shared>> -> memref<131328xf32, #tpu.memory_space<vmem_shared>>
    tpu.enqueue_indirect_dma source(%dma_start3A_62 : memref<131328xf32, #tpu.memory_space<vmem_shared>>) target(%dma_start3A_57 : memref<128xf32, #tpu.memory_space<vmem>>) offsets(%dma_start3A_60 : memref<128xi32, #tpu.memory_space<vmem>>) semaphore(%arg9 : memref<!tpu.dma_semaphore, #tpu.memory_space<semaphore_mem>>)
    %dma_start3A_63 = arith.constant 4 : i32
    %dma_start3A_64 = arith.constant 1 : i32
    %dma_start3A_65 = arith.constant 0 : i32
    %dma_start3A_66 = tpu.memref_slice %arg6[%dma_start3A_64, %dma_start3A_65] : memref<16x512xf32, #tpu.memory_space<vmem>> -> memref<1x128xf32, #tpu.memory_space<vmem>>
    %dma_start3A_67 = tpu.memref_squeeze %dma_start3A_66 : memref<1x128xf32, #tpu.memory_space<vmem>> -> memref<128xf32, #tpu.memory_space<vmem>>
    %dma_start3A_68 = arith.constant 0 : i32
    %dma_start3A_69 = tpu.memref_slice %arg5[%dma_start3A_63, %dma_start3A_68] : memref<64x128xi32, #tpu.memory_space<vmem>> -> memref<1x128xi32, #tpu.memory_space<vmem>>
    %dma_start3A_70 = tpu.memref_squeeze %dma_start3A_69 : memref<1x128xi32, #tpu.memory_space<vmem>> -> memref<128xi32, #tpu.memory_space<vmem>>
    %dma_start3A_71 = arith.constant 0 : i32
    %dma_start3A_72 = tpu.memref_slice %arg8[%dma_start3A_71] : memref<131328xf32, #tpu.memory_space<vmem_shared>> -> memref<131328xf32, #tpu.memory_space<vmem_shared>>
    tpu.enqueue_indirect_dma source(%dma_start3A_72 : memref<131328xf32, #tpu.memory_space<vmem_shared>>) target(%dma_start3A_67 : memref<128xf32, #tpu.memory_space<vmem>>) offsets(%dma_start3A_70 : memref<128xi32, #tpu.memory_space<vmem>>) semaphore(%arg9 : memref<!tpu.dma_semaphore, #tpu.memory_space<semaphore_mem>>)
    %dma_start3A_73 = arith.constant 5 : i32
    %dma_start3A_74 = arith.constant 1 : i32
    %dma_start3A_75 = arith.constant 128 : i32
    %dma_start3A_76 = tpu.memref_slice %arg6[%dma_start3A_74, %dma_start3A_75] : memref<16x512xf32, #tpu.memory_space<vmem>> -> memref<1x128xf32, #tpu.memory_space<vmem>>
    %dma_start3A_77 = tpu.memref_squeeze %dma_start3A_76 : memref<1x128xf32, #tpu.memory_space<vmem>> -> memref<128xf32, #tpu.memory_space<vmem>>
    %dma_start3A_78 = arith.constant 0 : i32
    %dma_start3A_79 = tpu.memref_slice %arg5[%dma_start3A_73, %dma_start3A_78] : memref<64x128xi32, #tpu.memory_space<vmem>> -> memref<1x128xi32, #tpu.memory_space<vmem>>
    %dma_start3A_80 = tpu.memref_squeeze %dma_start3A_79 : memref<1x128xi32, #tpu.memory_space<vmem>> -> memref<128xi32, #tpu.memory_space<vmem>>
    %dma_start3A_81 = arith.constant 0 : i32
    %dma_start3A_82 = tpu.memref_slice %arg8[%dma_start3A_81] : memref<131328xf32, #tpu.memory_space<vmem_shared>> -> memref<131328xf32, #tpu.memory_space<vmem_shared>>
    tpu.enqueue_indirect_dma source(%dma_start3A_82 : memref<131328xf32, #tpu.memory_space<vmem_shared>>) target(%dma_start3A_77 : memref<128xf32, #tpu.memory_space<vmem>>) offsets(%dma_start3A_80 : memref<128xi32, #tpu.memory_space<vmem>>) semaphore(%arg9 : memref<!tpu.dma_semaphore, #tpu.memory_space<semaphore_mem>>)
    %dma_start3A_83 = arith.constant 6 : i32
    %dma_start3A_84 = arith.constant 1 : i32
    %dma_start3A_85 = arith.constant 256 : i32
    %dma_start3A_86 = tpu.memref_slice %arg6[%dma_start3A_84, %dma_start3A_85] : memref<16x512xf32, #tpu.memory_space<vmem>> -> memref<1x128xf32, #tpu.memory_space<vmem>>
    %dma_start3A_87 = tpu.memref_squeeze %dma_start3A_86 : memref<1x128xf32, #tpu.memory_space<vmem>> -> memref<128xf32, #tpu.memory_space<vmem>>
    %dma_start3A_88 = arith.constant 0 : i32
    %dma_start3A_89 = tpu.memref_slice %arg5[%dma_start3A_83, %dma_start3A_88] : memref<64x128xi32, #tpu.memory_space<vmem>> -> memref<1x128xi32, #tpu.memory_space<vmem>>
    %dma_start3A_90 = tpu.memref_squeeze %dma_start3A_89 : memref<1x128xi32, #tpu.memory_space<vmem>> -> memref<128xi32, #tpu.memory_space<vmem>>
    %dma_start3A_91 = arith.constant 0 : i32
    %dma_start3A_92 = tpu.memref_slice %arg8[%dma_start3A_91] : memref<131328xf32, #tpu.memory_space<vmem_shared>> -> memref<131328xf32, #tpu.memory_space<vmem_shared>>
    tpu.enqueue_indirect_dma source(%dma_start3A_92 : memref<131328xf32, #tpu.memory_space<vmem_shared>>) target(%dma_start3A_87 : memref<128xf32, #tpu.memory_space<vmem>>) offsets(%dma_start3A_90 : memref<128xi32, #tpu.memory_space<vmem>>) semaphore(%arg9 : memref<!tpu.dma_semaphore, #tpu.memory_space<semaphore_mem>>)
    %dma_start3A_93 = arith.constant 7 : i32
    %dma_start3A_94 = arith.constant 1 : i32
    %dma_start3A_95 = arith.constant 384 : i32
    %dma_start3A_96 = tpu.memref_slice %arg6[%dma_start3A_94, %dma_start3A_95] : memref<16x512xf32, #tpu.memory_space<vmem>> -> memref<1x128xf32, #tpu.memory_space<vmem>>
    %dma_start3A_97 = tpu.memref_squeeze %dma_start3A_96 : memref<1x128xf32, #tpu.memory_space<vmem>> -> memref<128xf32, #tpu.memory_space<vmem>>
    %dma_start3A_98 = arith.constant 0 : i32
    %dma_start3A_99 = tpu.memref_slice %arg5[%dma_start3A_93, %dma_start3A_98] : memref<64x128xi32, #tpu.memory_space<vmem>> -> memref<1x128xi32, #tpu.memory_space<vmem>>
    %dma_start3A_100 = tpu.memref_squeeze %dma_start3A_99 : memref<1x128xi32, #tpu.memory_space<vmem>> -> memref<128xi32, #tpu.memory_space<vmem>>
    %dma_start3A_101 = arith.constant 0 : i32
    %dma_start3A_102 = tpu.memref_slice %arg8[%dma_start3A_101] : memref<131328xf32, #tpu.memory_space<vmem_shared>> -> memref<131328xf32, #tpu.memory_space<vmem_shared>>
    tpu.enqueue_indirect_dma source(%dma_start3A_102 : memref<131328xf32, #tpu.memory_space<vmem_shared>>) target(%dma_start3A_97 : memref<128xf32, #tpu.memory_space<vmem>>) offsets(%dma_start3A_100 : memref<128xi32, #tpu.memory_space<vmem>>) semaphore(%arg9 : memref<!tpu.dma_semaphore, #tpu.memory_space<semaphore_mem>>)
    %dma_start3A_103 = arith.constant 8 : i32
    %dma_start3A_104 = arith.constant 2 : i32
    %dma_start3A_105 = arith.constant 0 : i32
    %dma_start3A_106 = tpu.memref_slice %arg6[%dma_start3A_104, %dma_start3A_105] : memref<16x512xf32, #tpu.memory_space<vmem>> -> memref<1x128xf32, #tpu.memory_space<vmem>>
    %dma_start3A_107 = tpu.memref_squeeze %dma_start3A_106 : memref<1x128xf32, #tpu.memory_space<vmem>> -> memref<128xf32, #tpu.memory_space<vmem>>
    %dma_start3A_108 = arith.constant 0 : i32
    %dma_start3A_109 = tpu.memref_slice %arg5[%dma_start3A_103, %dma_start3A_108] : memref<64x128xi32, #tpu.memory_space<vmem>> -> memref<1x128xi32, #tpu.memory_space<vmem>>
    %dma_start3A_110 = tpu.memref_squeeze %dma_start3A_109 : memref<1x128xi32, #tpu.memory_space<vmem>> -> memref<128xi32, #tpu.memory_space<vmem>>
    %dma_start3A_111 = arith.constant 0 : i32
    %dma_start3A_112 = tpu.memref_slice %arg8[%dma_start3A_111] : memref<131328xf32, #tpu.memory_space<vmem_shared>> -> memref<131328xf32, #tpu.memory_space<vmem_shared>>
    tpu.enqueue_indirect_dma source(%dma_start3A_112 : memref<131328xf32, #tpu.memory_space<vmem_shared>>) target(%dma_start3A_107 : memref<128xf32, #tpu.memory_space<vmem>>) offsets(%dma_start3A_110 : memref<128xi32, #tpu.memory_space<vmem>>) semaphore(%arg9 : memref<!tpu.dma_semaphore, #tpu.memory_space<semaphore_mem>>)
    %dma_start3A_113 = arith.constant 9 : i32
    %dma_start3A_114 = arith.constant 2 : i32
    %dma_start3A_115 = arith.constant 128 : i32
    %dma_start3A_116 = tpu.memref_slice %arg6[%dma_start3A_114, %dma_start3A_115] : memref<16x512xf32, #tpu.memory_space<vmem>> -> memref<1x128xf32, #tpu.memory_space<vmem>>
    %dma_start3A_117 = tpu.memref_squeeze %dma_start3A_116 : memref<1x128xf32, #tpu.memory_space<vmem>> -> memref<128xf32, #tpu.memory_space<vmem>>
    %dma_start3A_118 = arith.constant 0 : i32
    %dma_start3A_119 = tpu.memref_slice %arg5[%dma_start3A_113, %dma_start3A_118] : memref<64x128xi32, #tpu.memory_space<vmem>> -> memref<1x128xi32, #tpu.memory_space<vmem>>
    %dma_start3A_120 = tpu.memref_squeeze %dma_start3A_119 : memref<1x128xi32, #tpu.memory_space<vmem>> -> memref<128xi32, #tpu.memory_space<vmem>>
    %dma_start3A_121 = arith.constant 0 : i32
    %dma_start3A_122 = tpu.memref_slice %arg8[%dma_start3A_121] : memref<131328xf32, #tpu.memory_space<vmem_shared>> -> memref<131328xf32, #tpu.memory_space<vmem_shared>>
    tpu.enqueue_indirect_dma source(%dma_start3A_122 : memref<131328xf32, #tpu.memory_space<vmem_shared>>) target(%dma_start3A_117 : memref<128xf32, #tpu.memory_space<vmem>>) offsets(%dma_start3A_120 : memref<128xi32, #tpu.memory_space<vmem>>) semaphore(%arg9 : memref<!tpu.dma_semaphore, #tpu.memory_space<semaphore_mem>>)
    %dma_start3A_123 = arith.constant 10 : i32
    %dma_start3A_124 = arith.constant 2 : i32
    %dma_start3A_125 = arith.constant 256 : i32
    %dma_start3A_126 = tpu.memref_slice %arg6[%dma_start3A_124, %dma_start3A_125] : memref<16x512xf32, #tpu.memory_space<vmem>> -> memref<1x128xf32, #tpu.memory_space<vmem>>
    %dma_start3A_127 = tpu.memref_squeeze %dma_start3A_126 : memref<1x128xf32, #tpu.memory_space<vmem>> -> memref<128xf32, #tpu.memory_space<vmem>>
    %dma_start3A_128 = arith.constant 0 : i32
    %dma_start3A_129 = tpu.memref_slice %arg5[%dma_start3A_123, %dma_start3A_128] : memref<64x128xi32, #tpu.memory_space<vmem>> -> memref<1x128xi32, #tpu.memory_space<vmem>>
    %dma_start3A_130 = tpu.memref_squeeze %dma_start3A_129 : memref<1x128xi32, #tpu.memory_space<vmem>> -> memref<128xi32, #tpu.memory_space<vmem>>
    %dma_start3A_131 = arith.constant 0 : i32
    %dma_start3A_132 = tpu.memref_slice %arg8[%dma_start3A_131] : memref<131328xf32, #tpu.memory_space<vmem_shared>> -> memref<131328xf32, #tpu.memory_space<vmem_shared>>
    tpu.enqueue_indirect_dma source(%dma_start3A_132 : memref<131328xf32, #tpu.memory_space<vmem_shared>>) target(%dma_start3A_127 : memref<128xf32, #tpu.memory_space<vmem>>) offsets(%dma_start3A_130 : memref<128xi32, #tpu.memory_space<vmem>>) semaphore(%arg9 : memref<!tpu.dma_semaphore, #tpu.memory_space<semaphore_mem>>)
    %dma_start3A_133 = arith.constant 11 : i32
    %dma_start3A_134 = arith.constant 2 : i32
    %dma_start3A_135 = arith.constant 384 : i32
    %dma_start3A_136 = tpu.memref_slice %arg6[%dma_start3A_134, %dma_start3A_135] : memref<16x512xf32, #tpu.memory_space<vmem>> -> memref<1x128xf32, #tpu.memory_space<vmem>>
    %dma_start3A_137 = tpu.memref_squeeze %dma_start3A_136 : memref<1x128xf32, #tpu.memory_space<vmem>> -> memref<128xf32, #tpu.memory_space<vmem>>
    %dma_start3A_138 = arith.constant 0 : i32
    %dma_start3A_139 = tpu.memref_slice %arg5[%dma_start3A_133, %dma_start3A_138] : memref<64x128xi32, #tpu.memory_space<vmem>> -> memref<1x128xi32, #tpu.memory_space<vmem>>
    %dma_start3A_140 = tpu.memref_squeeze %dma_start3A_139 : memref<1x128xi32, #tpu.memory_space<vmem>> -> memref<128xi32, #tpu.memory_space<vmem>>
    %dma_start3A_141 = arith.constant 0 : i32
    %dma_start3A_142 = tpu.memref_slice %arg8[%dma_start3A_141] : memref<131328xf32, #tpu.memory_space<vmem_shared>> -> memref<131328xf32, #tpu.memory_space<vmem_shared>>
    tpu.enqueue_indirect_dma source(%dma_start3A_142 : memref<131328xf32, #tpu.memory_space<vmem_shared>>) target(%dma_start3A_137 : memref<128xf32, #tpu.memory_space<vmem>>) offsets(%dma_start3A_140 : memref<128xi32, #tpu.memory_space<vmem>>) semaphore(%arg9 : memref<!tpu.dma_semaphore, #tpu.memory_space<semaphore_mem>>)
    %dma_start3A_143 = arith.constant 12 : i32
    %dma_start3A_144 = arith.constant 3 : i32
    %dma_start3A_145 = arith.constant 0 : i32
    %dma_start3A_146 = tpu.memref_slice %arg6[%dma_start3A_144, %dma_start3A_145] : memref<16x512xf32, #tpu.memory_space<vmem>> -> memref<1x128xf32, #tpu.memory_space<vmem>>
    %dma_start3A_147 = tpu.memref_squeeze %dma_start3A_146 : memref<1x128xf32, #tpu.memory_space<vmem>> -> memref<128xf32, #tpu.memory_space<vmem>>
    %dma_start3A_148 = arith.constant 0 : i32
    %dma_start3A_149 = tpu.memref_slice %arg5[%dma_start3A_143, %dma_start3A_148] : memref<64x128xi32, #tpu.memory_space<vmem>> -> memref<1x128xi32, #tpu.memory_space<vmem>>
    %dma_start3A_150 = tpu.memref_squeeze %dma_start3A_149 : memref<1x128xi32, #tpu.memory_space<vmem>> -> memref<128xi32, #tpu.memory_space<vmem>>
    %dma_start3A_151 = arith.constant 0 : i32
    %dma_start3A_152 = tpu.memref_slice %arg8[%dma_start3A_151] : memref<131328xf32, #tpu.memory_space<vmem_shared>> -> memref<131328xf32, #tpu.memory_space<vmem_shared>>
    tpu.enqueue_indirect_dma source(%dma_start3A_152 : memref<131328xf32, #tpu.memory_space<vmem_shared>>) target(%dma_start3A_147 : memref<128xf32, #tpu.memory_space<vmem>>) offsets(%dma_start3A_150 : memref<128xi32, #tpu.memory_space<vmem>>) semaphore(%arg9 : memref<!tpu.dma_semaphore, #tpu.memory_space<semaphore_mem>>)
    %dma_start3A_153 = arith.constant 13 : i32
    %dma_start3A_154 = arith.constant 3 : i32
    %dma_start3A_155 = arith.constant 128 : i32
    %dma_start3A_156 = tpu.memref_slice %arg6[%dma_start3A_154, %dma_start3A_155] : memref<16x512xf32, #tpu.memory_space<vmem>> -> memref<1x128xf32, #tpu.memory_space<vmem>>
    %dma_start3A_157 = tpu.memref_squeeze %dma_start3A_156 : memref<1x128xf32, #tpu.memory_space<vmem>> -> memref<128xf32, #tpu.memory_space<vmem>>
    %dma_start3A_158 = arith.constant 0 : i32
    %dma_start3A_159 = tpu.memref_slice %arg5[%dma_start3A_153, %dma_start3A_158] : memref<64x128xi32, #tpu.memory_space<vmem>> -> memref<1x128xi32, #tpu.memory_space<vmem>>
    %dma_start3A_160 = tpu.memref_squeeze %dma_start3A_159 : memref<1x128xi32, #tpu.memory_space<vmem>> -> memref<128xi32, #tpu.memory_space<vmem>>
    %dma_start3A_161 = arith.constant 0 : i32
    %dma_start3A_162 = tpu.memref_slice %arg8[%dma_start3A_161] : memref<131328xf32, #tpu.memory_space<vmem_shared>> -> memref<131328xf32, #tpu.memory_space<vmem_shared>>
    tpu.enqueue_indirect_dma source(%dma_start3A_162 : memref<131328xf32, #tpu.memory_space<vmem_shared>>) target(%dma_start3A_157 : memref<128xf32, #tpu.memory_space<vmem>>) offsets(%dma_start3A_160 : memref<128xi32, #tpu.memory_space<vmem>>) semaphore(%arg9 : memref<!tpu.dma_semaphore, #tpu.memory_space<semaphore_mem>>)
    %dma_start3A_163 = arith.constant 14 : i32
    %dma_start3A_164 = arith.constant 3 : i32
    %dma_start3A_165 = arith.constant 256 : i32
    %dma_start3A_166 = tpu.memref_slice %arg6[%dma_start3A_164, %dma_start3A_165] : memref<16x512xf32, #tpu.memory_space<vmem>> -> memref<1x128xf32, #tpu.memory_space<vmem>>
    %dma_start3A_167 = tpu.memref_squeeze %dma_start3A_166 : memref<1x128xf32, #tpu.memory_space<vmem>> -> memref<128xf32, #tpu.memory_space<vmem>>
    %dma_start3A_168 = arith.constant 0 : i32
    %dma_start3A_169 = tpu.memref_slice %arg5[%dma_start3A_163, %dma_start3A_168] : memref<64x128xi32, #tpu.memory_space<vmem>> -> memref<1x128xi32, #tpu.memory_space<vmem>>
    %dma_start3A_170 = tpu.memref_squeeze %dma_start3A_169 : memref<1x128xi32, #tpu.memory_space<vmem>> -> memref<128xi32, #tpu.memory_space<vmem>>
    %dma_start3A_171 = arith.constant 0 : i32
    %dma_start3A_172 = tpu.memref_slice %arg8[%dma_start3A_171] : memref<131328xf32, #tpu.memory_space<vmem_shared>> -> memref<131328xf32, #tpu.memory_space<vmem_shared>>
    tpu.enqueue_indirect_dma source(%dma_start3A_172 : memref<131328xf32, #tpu.memory_space<vmem_shared>>) target(%dma_start3A_167 : memref<128xf32, #tpu.memory_space<vmem>>) offsets(%dma_start3A_170 : memref<128xi32, #tpu.memory_space<vmem>>) semaphore(%arg9 : memref<!tpu.dma_semaphore, #tpu.memory_space<semaphore_mem>>)
    %dma_start3A_173 = arith.constant 15 : i32
    %dma_start3A_174 = arith.constant 3 : i32
    %dma_start3A_175 = arith.constant 384 : i32
    %dma_start3A_176 = tpu.memref_slice %arg6[%dma_start3A_174, %dma_start3A_175] : memref<16x512xf32, #tpu.memory_space<vmem>> -> memref<1x128xf32, #tpu.memory_space<vmem>>
    %dma_start3A_177 = tpu.memref_squeeze %dma_start3A_176 : memref<1x128xf32, #tpu.memory_space<vmem>> -> memref<128xf32, #tpu.memory_space<vmem>>
    %dma_start3A_178 = arith.constant 0 : i32
    %dma_start3A_179 = tpu.memref_slice %arg5[%dma_start3A_173, %dma_start3A_178] : memref<64x128xi32, #tpu.memory_space<vmem>> -> memref<1x128xi32, #tpu.memory_space<vmem>>
    %dma_start3A_180 = tpu.memref_squeeze %dma_start3A_179 : memref<1x128xi32, #tpu.memory_space<vmem>> -> memref<128xi32, #tpu.memory_space<vmem>>
    %dma_start3A_181 = arith.constant 0 : i32
    %dma_start3A_182 = tpu.memref_slice %arg8[%dma_start3A_181] : memref<131328xf32, #tpu.memory_space<vmem_shared>> -> memref<131328xf32, #tpu.memory_space<vmem_shared>>
    tpu.enqueue_indirect_dma source(%dma_start3A_182 : memref<131328xf32, #tpu.memory_space<vmem_shared>>) target(%dma_start3A_177 : memref<128xf32, #tpu.memory_space<vmem>>) offsets(%dma_start3A_180 : memref<128xi32, #tpu.memory_space<vmem>>) semaphore(%arg9 : memref<!tpu.dma_semaphore, #tpu.memory_space<semaphore_mem>>)
    %dma_start3A_183 = arith.constant 16 : i32
    %dma_start3A_184 = arith.constant 4 : i32
    %dma_start3A_185 = arith.constant 0 : i32
    %dma_start3A_186 = tpu.memref_slice %arg6[%dma_start3A_184, %dma_start3A_185] : memref<16x512xf32, #tpu.memory_space<vmem>> -> memref<1x128xf32, #tpu.memory_space<vmem>>
    %dma_start3A_187 = tpu.memref_squeeze %dma_start3A_186 : memref<1x128xf32, #tpu.memory_space<vmem>> -> memref<128xf32, #tpu.memory_space<vmem>>
    %dma_start3A_188 = arith.constant 0 : i32
    %dma_start3A_189 = tpu.memref_slice %arg5[%dma_start3A_183, %dma_start3A_188] : memref<64x128xi32, #tpu.memory_space<vmem>> -> memref<1x128xi32, #tpu.memory_space<vmem>>
    %dma_start3A_190 = tpu.memref_squeeze %dma_start3A_189 : memref<1x128xi32, #tpu.memory_space<vmem>> -> memref<128xi32, #tpu.memory_space<vmem>>
    %dma_start3A_191 = arith.constant 0 : i32
    %dma_start3A_192 = tpu.memref_slice %arg8[%dma_start3A_191] : memref<131328xf32, #tpu.memory_space<vmem_shared>> -> memref<131328xf32, #tpu.memory_space<vmem_shared>>
    tpu.enqueue_indirect_dma source(%dma_start3A_192 : memref<131328xf32, #tpu.memory_space<vmem_shared>>) target(%dma_start3A_187 : memref<128xf32, #tpu.memory_space<vmem>>) offsets(%dma_start3A_190 : memref<128xi32, #tpu.memory_space<vmem>>) semaphore(%arg9 : memref<!tpu.dma_semaphore, #tpu.memory_space<semaphore_mem>>)
    %dma_start3A_193 = arith.constant 17 : i32
    %dma_start3A_194 = arith.constant 4 : i32
    %dma_start3A_195 = arith.constant 128 : i32
    %dma_start3A_196 = tpu.memref_slice %arg6[%dma_start3A_194, %dma_start3A_195] : memref<16x512xf32, #tpu.memory_space<vmem>> -> memref<1x128xf32, #tpu.memory_space<vmem>>
    %dma_start3A_197 = tpu.memref_squeeze %dma_start3A_196 : memref<1x128xf32, #tpu.memory_space<vmem>> -> memref<128xf32, #tpu.memory_space<vmem>>
    %dma_start3A_198 = arith.constant 0 : i32
    %dma_start3A_199 = tpu.memref_slice %arg5[%dma_start3A_193, %dma_start3A_198] : memref<64x128xi32, #tpu.memory_space<vmem>> -> memref<1x128xi32, #tpu.memory_space<vmem>>
    %dma_start3A_200 = tpu.memref_squeeze %dma_start3A_199 : memref<1x128xi32, #tpu.memory_space<vmem>> -> memref<128xi32, #tpu.memory_space<vmem>>
    %dma_start3A_201 = arith.constant 0 : i32
    %dma_start3A_202 = tpu.memref_slice %arg8[%dma_start3A_201] : memref<131328xf32, #tpu.memory_space<vmem_shared>> -> memref<131328xf32, #tpu.memory_space<vmem_shared>>
    tpu.enqueue_indirect_dma source(%dma_start3A_202 : memref<131328xf32, #tpu.memory_space<vmem_shared>>) target(%dma_start3A_197 : memref<128xf32, #tpu.memory_space<vmem>>) offsets(%dma_start3A_200 : memref<128xi32, #tpu.memory_space<vmem>>) semaphore(%arg9 : memref<!tpu.dma_semaphore, #tpu.memory_space<semaphore_mem>>)
    %dma_start3A_203 = arith.constant 18 : i32
    %dma_start3A_204 = arith.constant 4 : i32
    %dma_start3A_205 = arith.constant 256 : i32
    %dma_start3A_206 = tpu.memref_slice %arg6[%dma_start3A_204, %dma_start3A_205] : memref<16x512xf32, #tpu.memory_space<vmem>> -> memref<1x128xf32, #tpu.memory_space<vmem>>
    %dma_start3A_207 = tpu.memref_squeeze %dma_start3A_206 : memref<1x128xf32, #tpu.memory_space<vmem>> -> memref<128xf32, #tpu.memory_space<vmem>>
    %dma_start3A_208 = arith.constant 0 : i32
    %dma_start3A_209 = tpu.memref_slice %arg5[%dma_start3A_203, %dma_start3A_208] : memref<64x128xi32, #tpu.memory_space<vmem>> -> memref<1x128xi32, #tpu.memory_space<vmem>>
    %dma_start3A_210 = tpu.memref_squeeze %dma_start3A_209 : memref<1x128xi32, #tpu.memory_space<vmem>> -> memref<128xi32, #tpu.memory_space<vmem>>
    %dma_start3A_211 = arith.constant 0 : i32
    %dma_start3A_212 = tpu.memref_slice %arg8[%dma_start3A_211] : memref<131328xf32, #tpu.memory_space<vmem_shared>> -> memref<131328xf32, #tpu.memory_space<vmem_shared>>
    tpu.enqueue_indirect_dma source(%dma_start3A_212 : memref<131328xf32, #tpu.memory_space<vmem_shared>>) target(%dma_start3A_207 : memref<128xf32, #tpu.memory_space<vmem>>) offsets(%dma_start3A_210 : memref<128xi32, #tpu.memory_space<vmem>>) semaphore(%arg9 : memref<!tpu.dma_semaphore, #tpu.memory_space<semaphore_mem>>)
    %dma_start3A_213 = arith.constant 19 : i32
    %dma_start3A_214 = arith.constant 4 : i32
    %dma_start3A_215 = arith.constant 384 : i32
    %dma_start3A_216 = tpu.memref_slice %arg6[%dma_start3A_214, %dma_start3A_215] : memref<16x512xf32, #tpu.memory_space<vmem>> -> memref<1x128xf32, #tpu.memory_space<vmem>>
    %dma_start3A_217 = tpu.memref_squeeze %dma_start3A_216 : memref<1x128xf32, #tpu.memory_space<vmem>> -> memref<128xf32, #tpu.memory_space<vmem>>
    %dma_start3A_218 = arith.constant 0 : i32
    %dma_start3A_219 = tpu.memref_slice %arg5[%dma_start3A_213, %dma_start3A_218] : memref<64x128xi32, #tpu.memory_space<vmem>> -> memref<1x128xi32, #tpu.memory_space<vmem>>
    %dma_start3A_220 = tpu.memref_squeeze %dma_start3A_219 : memref<1x128xi32, #tpu.memory_space<vmem>> -> memref<128xi32, #tpu.memory_space<vmem>>
    %dma_start3A_221 = arith.constant 0 : i32
    %dma_start3A_222 = tpu.memref_slice %arg8[%dma_start3A_221] : memref<131328xf32, #tpu.memory_space<vmem_shared>> -> memref<131328xf32, #tpu.memory_space<vmem_shared>>
    tpu.enqueue_indirect_dma source(%dma_start3A_222 : memref<131328xf32, #tpu.memory_space<vmem_shared>>) target(%dma_start3A_217 : memref<128xf32, #tpu.memory_space<vmem>>) offsets(%dma_start3A_220 : memref<128xi32, #tpu.memory_space<vmem>>) semaphore(%arg9 : memref<!tpu.dma_semaphore, #tpu.memory_space<semaphore_mem>>)
    %dma_start3A_223 = arith.constant 20 : i32
    %dma_start3A_224 = arith.constant 5 : i32
    %dma_start3A_225 = arith.constant 0 : i32
    %dma_start3A_226 = tpu.memref_slice %arg6[%dma_start3A_224, %dma_start3A_225] : memref<16x512xf32, #tpu.memory_space<vmem>> -> memref<1x128xf32, #tpu.memory_space<vmem>>
    %dma_start3A_227 = tpu.memref_squeeze %dma_start3A_226 : memref<1x128xf32, #tpu.memory_space<vmem>> -> memref<128xf32, #tpu.memory_space<vmem>>
    %dma_start3A_228 = arith.constant 0 : i32
    %dma_start3A_229 = tpu.memref_slice %arg5[%dma_start3A_223, %dma_start3A_228] : memref<64x128xi32, #tpu.memory_space<vmem>> -> memref<1x128xi32, #tpu.memory_space<vmem>>
    %dma_start3A_230 = tpu.memref_squeeze %dma_start3A_229 : memref<1x128xi32, #tpu.memory_space<vmem>> -> memref<128xi32, #tpu.memory_space<vmem>>
    %dma_start3A_231 = arith.constant 0 : i32
    %dma_start3A_232 = tpu.memref_slice %arg8[%dma_start3A_231] : memref<131328xf32, #tpu.memory_space<vmem_shared>> -> memref<131328xf32, #tpu.memory_space<vmem_shared>>
    tpu.enqueue_indirect_dma source(%dma_start3A_232 : memref<131328xf32, #tpu.memory_space<vmem_shared>>) target(%dma_start3A_227 : memref<128xf32, #tpu.memory_space<vmem>>) offsets(%dma_start3A_230 : memref<128xi32, #tpu.memory_space<vmem>>) semaphore(%arg9 : memref<!tpu.dma_semaphore, #tpu.memory_space<semaphore_mem>>)
    %dma_start3A_233 = arith.constant 21 : i32
    %dma_start3A_234 = arith.constant 5 : i32
    %dma_start3A_235 = arith.constant 128 : i32
    %dma_start3A_236 = tpu.memref_slice %arg6[%dma_start3A_234, %dma_start3A_235] : memref<16x512xf32, #tpu.memory_space<vmem>> -> memref<1x128xf32, #tpu.memory_space<vmem>>
    %dma_start3A_237 = tpu.memref_squeeze %dma_start3A_236 : memref<1x128xf32, #tpu.memory_space<vmem>> -> memref<128xf32, #tpu.memory_space<vmem>>
    %dma_start3A_238 = arith.constant 0 : i32
    %dma_start3A_239 = tpu.memref_slice %arg5[%dma_start3A_233, %dma_start3A_238] : memref<64x128xi32, #tpu.memory_space<vmem>> -> memref<1x128xi32, #tpu.memory_space<vmem>>
    %dma_start3A_240 = tpu.memref_squeeze %dma_start3A_239 : memref<1x128xi32, #tpu.memory_space<vmem>> -> memref<128xi32, #tpu.memory_space<vmem>>
    %dma_start3A_241 = arith.constant 0 : i32
    %dma_start3A_242 = tpu.memref_slice %arg8[%dma_start3A_241] : memref<131328xf32, #tpu.memory_space<vmem_shared>> -> memref<131328xf32, #tpu.memory_space<vmem_shared>>
    tpu.enqueue_indirect_dma source(%dma_start3A_242 : memref<131328xf32, #tpu.memory_space<vmem_shared>>) target(%dma_start3A_237 : memref<128xf32, #tpu.memory_space<vmem>>) offsets(%dma_start3A_240 : memref<128xi32, #tpu.memory_space<vmem>>) semaphore(%arg9 : memref<!tpu.dma_semaphore, #tpu.memory_space<semaphore_mem>>)
    %dma_start3A_243 = arith.constant 22 : i32
    %dma_start3A_244 = arith.constant 5 : i32
    %dma_start3A_245 = arith.constant 256 : i32
    %dma_start3A_246 = tpu.memref_slice %arg6[%dma_start3A_244, %dma_start3A_245] : memref<16x512xf32, #tpu.memory_space<vmem>> -> memref<1x128xf32, #tpu.memory_space<vmem>>
    %dma_start3A_247 = tpu.memref_squeeze %dma_start3A_246 : memref<1x128xf32, #tpu.memory_space<vmem>> -> memref<128xf32, #tpu.memory_space<vmem>>
    %dma_start3A_248 = arith.constant 0 : i32
    %dma_start3A_249 = tpu.memref_slice %arg5[%dma_start3A_243, %dma_start3A_248] : memref<64x128xi32, #tpu.memory_space<vmem>> -> memref<1x128xi32, #tpu.memory_space<vmem>>
    %dma_start3A_250 = tpu.memref_squeeze %dma_start3A_249 : memref<1x128xi32, #tpu.memory_space<vmem>> -> memref<128xi32, #tpu.memory_space<vmem>>
    %dma_start3A_251 = arith.constant 0 : i32
    %dma_start3A_252 = tpu.memref_slice %arg8[%dma_start3A_251] : memref<131328xf32, #tpu.memory_space<vmem_shared>> -> memref<131328xf32, #tpu.memory_space<vmem_shared>>
    tpu.enqueue_indirect_dma source(%dma_start3A_252 : memref<131328xf32, #tpu.memory_space<vmem_shared>>) target(%dma_start3A_247 : memref<128xf32, #tpu.memory_space<vmem>>) offsets(%dma_start3A_250 : memref<128xi32, #tpu.memory_space<vmem>>) semaphore(%arg9 : memref<!tpu.dma_semaphore, #tpu.memory_space<semaphore_mem>>)
    %dma_start3A_253 = arith.constant 23 : i32
    %dma_start3A_254 = arith.constant 5 : i32
    %dma_start3A_255 = arith.constant 384 : i32
    %dma_start3A_256 = tpu.memref_slice %arg6[%dma_start3A_254, %dma_start3A_255] : memref<16x512xf32, #tpu.memory_space<vmem>> -> memref<1x128xf32, #tpu.memory_space<vmem>>
    %dma_start3A_257 = tpu.memref_squeeze %dma_start3A_256 : memref<1x128xf32, #tpu.memory_space<vmem>> -> memref<128xf32, #tpu.memory_space<vmem>>
    %dma_start3A_258 = arith.constant 0 : i32
    %dma_start3A_259 = tpu.memref_slice %arg5[%dma_start3A_253, %dma_start3A_258] : memref<64x128xi32, #tpu.memory_space<vmem>> -> memref<1x128xi32, #tpu.memory_space<vmem>>
    %dma_start3A_260 = tpu.memref_squeeze %dma_start3A_259 : memref<1x128xi32, #tpu.memory_space<vmem>> -> memref<128xi32, #tpu.memory_space<vmem>>
    %dma_start3A_261 = arith.constant 0 : i32
    %dma_start3A_262 = tpu.memref_slice %arg8[%dma_start3A_261] : memref<131328xf32, #tpu.memory_space<vmem_shared>> -> memref<131328xf32, #tpu.memory_space<vmem_shared>>
    tpu.enqueue_indirect_dma source(%dma_start3A_262 : memref<131328xf32, #tpu.memory_space<vmem_shared>>) target(%dma_start3A_257 : memref<128xf32, #tpu.memory_space<vmem>>) offsets(%dma_start3A_260 : memref<128xi32, #tpu.memory_space<vmem>>) semaphore(%arg9 : memref<!tpu.dma_semaphore, #tpu.memory_space<semaphore_mem>>)
    %dma_start3A_263 = arith.constant 24 : i32
    %dma_start3A_264 = arith.constant 6 : i32
    %dma_start3A_265 = arith.constant 0 : i32
    %dma_start3A_266 = tpu.memref_slice %arg6[%dma_start3A_264, %dma_start3A_265] : memref<16x512xf32, #tpu.memory_space<vmem>> -> memref<1x128xf32, #tpu.memory_space<vmem>>
    %dma_start3A_267 = tpu.memref_squeeze %dma_start3A_266 : memref<1x128xf32, #tpu.memory_space<vmem>> -> memref<128xf32, #tpu.memory_space<vmem>>
    %dma_start3A_268 = arith.constant 0 : i32
    %dma_start3A_269 = tpu.memref_slice %arg5[%dma_start3A_263, %dma_start3A_268] : memref<64x128xi32, #tpu.memory_space<vmem>> -> memref<1x128xi32, #tpu.memory_space<vmem>>
    %dma_start3A_270 = tpu.memref_squeeze %dma_start3A_269 : memref<1x128xi32, #tpu.memory_space<vmem>> -> memref<128xi32, #tpu.memory_space<vmem>>
    %dma_start3A_271 = arith.constant 0 : i32
    %dma_start3A_272 = tpu.memref_slice %arg8[%dma_start3A_271] : memref<131328xf32, #tpu.memory_space<vmem_shared>> -> memref<131328xf32, #tpu.memory_space<vmem_shared>>
    tpu.enqueue_indirect_dma source(%dma_start3A_272 : memref<131328xf32, #tpu.memory_space<vmem_shared>>) target(%dma_start3A_267 : memref<128xf32, #tpu.memory_space<vmem>>) offsets(%dma_start3A_270 : memref<128xi32, #tpu.memory_space<vmem>>) semaphore(%arg9 : memref<!tpu.dma_semaphore, #tpu.memory_space<semaphore_mem>>)
    %dma_start3A_273 = arith.constant 25 : i32
    %dma_start3A_274 = arith.constant 6 : i32
    %dma_start3A_275 = arith.constant 128 : i32
    %dma_start3A_276 = tpu.memref_slice %arg6[%dma_start3A_274, %dma_start3A_275] : memref<16x512xf32, #tpu.memory_space<vmem>> -> memref<1x128xf32, #tpu.memory_space<vmem>>
    %dma_start3A_277 = tpu.memref_squeeze %dma_start3A_276 : memref<1x128xf32, #tpu.memory_space<vmem>> -> memref<128xf32, #tpu.memory_space<vmem>>
    %dma_start3A_278 = arith.constant 0 : i32
    %dma_start3A_279 = tpu.memref_slice %arg5[%dma_start3A_273, %dma_start3A_278] : memref<64x128xi32, #tpu.memory_space<vmem>> -> memref<1x128xi32, #tpu.memory_space<vmem>>
    %dma_start3A_280 = tpu.memref_squeeze %dma_start3A_279 : memref<1x128xi32, #tpu.memory_space<vmem>> -> memref<128xi32, #tpu.memory_space<vmem>>
    %dma_start3A_281 = arith.constant 0 : i32
    %dma_start3A_282 = tpu.memref_slice %arg8[%dma_start3A_281] : memref<131328xf32, #tpu.memory_space<vmem_shared>> -> memref<131328xf32, #tpu.memory_space<vmem_shared>>
    tpu.enqueue_indirect_dma source(%dma_start3A_282 : memref<131328xf32, #tpu.memory_space<vmem_shared>>) target(%dma_start3A_277 : memref<128xf32, #tpu.memory_space<vmem>>) offsets(%dma_start3A_280 : memref<128xi32, #tpu.memory_space<vmem>>) semaphore(%arg9 : memref<!tpu.dma_semaphore, #tpu.memory_space<semaphore_mem>>)
    %dma_start3A_283 = arith.constant 26 : i32
    %dma_start3A_284 = arith.constant 6 : i32
    %dma_start3A_285 = arith.constant 256 : i32
    %dma_start3A_286 = tpu.memref_slice %arg6[%dma_start3A_284, %dma_start3A_285] : memref<16x512xf32, #tpu.memory_space<vmem>> -> memref<1x128xf32, #tpu.memory_space<vmem>>
    %dma_start3A_287 = tpu.memref_squeeze %dma_start3A_286 : memref<1x128xf32, #tpu.memory_space<vmem>> -> memref<128xf32, #tpu.memory_space<vmem>>
    %dma_start3A_288 = arith.constant 0 : i32
    %dma_start3A_289 = tpu.memref_slice %arg5[%dma_start3A_283, %dma_start3A_288] : memref<64x128xi32, #tpu.memory_space<vmem>> -> memref<1x128xi32, #tpu.memory_space<vmem>>
    %dma_start3A_290 = tpu.memref_squeeze %dma_start3A_289 : memref<1x128xi32, #tpu.memory_space<vmem>> -> memref<128xi32, #tpu.memory_space<vmem>>
    %dma_start3A_291 = arith.constant 0 : i32
    %dma_start3A_292 = tpu.memref_slice %arg8[%dma_start3A_291] : memref<131328xf32, #tpu.memory_space<vmem_shared>> -> memref<131328xf32, #tpu.memory_space<vmem_shared>>
    tpu.enqueue_indirect_dma source(%dma_start3A_292 : memref<131328xf32, #tpu.memory_space<vmem_shared>>) target(%dma_start3A_287 : memref<128xf32, #tpu.memory_space<vmem>>) offsets(%dma_start3A_290 : memref<128xi32, #tpu.memory_space<vmem>>) semaphore(%arg9 : memref<!tpu.dma_semaphore, #tpu.memory_space<semaphore_mem>>)
    %dma_start3A_293 = arith.constant 27 : i32
    %dma_start3A_294 = arith.constant 6 : i32
    %dma_start3A_295 = arith.constant 384 : i32
    %dma_start3A_296 = tpu.memref_slice %arg6[%dma_start3A_294, %dma_start3A_295] : memref<16x512xf32, #tpu.memory_space<vmem>> -> memref<1x128xf32, #tpu.memory_space<vmem>>
    %dma_start3A_297 = tpu.memref_squeeze %dma_start3A_296 : memref<1x128xf32, #tpu.memory_space<vmem>> -> memref<128xf32, #tpu.memory_space<vmem>>
    %dma_start3A_298 = arith.constant 0 : i32
    %dma_start3A_299 = tpu.memref_slice %arg5[%dma_start3A_293, %dma_start3A_298] : memref<64x128xi32, #tpu.memory_space<vmem>> -> memref<1x128xi32, #tpu.memory_space<vmem>>
    %dma_start3A_300 = tpu.memref_squeeze %dma_start3A_299 : memref<1x128xi32, #tpu.memory_space<vmem>> -> memref<128xi32, #tpu.memory_space<vmem>>
    %dma_start3A_301 = arith.constant 0 : i32
    %dma_start3A_302 = tpu.memref_slice %arg8[%dma_start3A_301] : memref<131328xf32, #tpu.memory_space<vmem_shared>> -> memref<131328xf32, #tpu.memory_space<vmem_shared>>
    tpu.enqueue_indirect_dma source(%dma_start3A_302 : memref<131328xf32, #tpu.memory_space<vmem_shared>>) target(%dma_start3A_297 : memref<128xf32, #tpu.memory_space<vmem>>) offsets(%dma_start3A_300 : memref<128xi32, #tpu.memory_space<vmem>>) semaphore(%arg9 : memref<!tpu.dma_semaphore, #tpu.memory_space<semaphore_mem>>)
    %dma_start3A_303 = arith.constant 28 : i32
    %dma_start3A_304 = arith.constant 7 : i32
    %dma_start3A_305 = arith.constant 0 : i32
    %dma_start3A_306 = tpu.memref_slice %arg6[%dma_start3A_304, %dma_start3A_305] : memref<16x512xf32, #tpu.memory_space<vmem>> -> memref<1x128xf32, #tpu.memory_space<vmem>>
    %dma_start3A_307 = tpu.memref_squeeze %dma_start3A_306 : memref<1x128xf32, #tpu.memory_space<vmem>> -> memref<128xf32, #tpu.memory_space<vmem>>
    %dma_start3A_308 = arith.constant 0 : i32
    %dma_start3A_309 = tpu.memref_slice %arg5[%dma_start3A_303, %dma_start3A_308] : memref<64x128xi32, #tpu.memory_space<vmem>> -> memref<1x128xi32, #tpu.memory_space<vmem>>
    %dma_start3A_310 = tpu.memref_squeeze %dma_start3A_309 : memref<1x128xi32, #tpu.memory_space<vmem>> -> memref<128xi32, #tpu.memory_space<vmem>>
    %dma_start3A_311 = arith.constant 0 : i32
    %dma_start3A_312 = tpu.memref_slice %arg8[%dma_start3A_311] : memref<131328xf32, #tpu.memory_space<vmem_shared>> -> memref<131328xf32, #tpu.memory_space<vmem_shared>>
    tpu.enqueue_indirect_dma source(%dma_start3A_312 : memref<131328xf32, #tpu.memory_space<vmem_shared>>) target(%dma_start3A_307 : memref<128xf32, #tpu.memory_space<vmem>>) offsets(%dma_start3A_310 : memref<128xi32, #tpu.memory_space<vmem>>) semaphore(%arg9 : memref<!tpu.dma_semaphore, #tpu.memory_space<semaphore_mem>>)
    %dma_start3A_313 = arith.constant 29 : i32
    %dma_start3A_314 = arith.constant 7 : i32
    %dma_start3A_315 = arith.constant 128 : i32
    %dma_start3A_316 = tpu.memref_slice %arg6[%dma_start3A_314, %dma_start3A_315] : memref<16x512xf32, #tpu.memory_space<vmem>> -> memref<1x128xf32, #tpu.memory_space<vmem>>
    %dma_start3A_317 = tpu.memref_squeeze %dma_start3A_316 : memref<1x128xf32, #tpu.memory_space<vmem>> -> memref<128xf32, #tpu.memory_space<vmem>>
    %dma_start3A_318 = arith.constant 0 : i32
    %dma_start3A_319 = tpu.memref_slice %arg5[%dma_start3A_313, %dma_start3A_318] : memref<64x128xi32, #tpu.memory_space<vmem>> -> memref<1x128xi32, #tpu.memory_space<vmem>>
    %dma_start3A_320 = tpu.memref_squeeze %dma_start3A_319 : memref<1x128xi32, #tpu.memory_space<vmem>> -> memref<128xi32, #tpu.memory_space<vmem>>
    %dma_start3A_321 = arith.constant 0 : i32
    %dma_start3A_322 = tpu.memref_slice %arg8[%dma_start3A_321] : memref<131328xf32, #tpu.memory_space<vmem_shared>> -> memref<131328xf32, #tpu.memory_space<vmem_shared>>
    tpu.enqueue_indirect_dma source(%dma_start3A_322 : memref<131328xf32, #tpu.memory_space<vmem_shared>>) target(%dma_start3A_317 : memref<128xf32, #tpu.memory_space<vmem>>) offsets(%dma_start3A_320 : memref<128xi32, #tpu.memory_space<vmem>>) semaphore(%arg9 : memref<!tpu.dma_semaphore, #tpu.memory_space<semaphore_mem>>)
    %dma_start3A_323 = arith.constant 30 : i32
    %dma_start3A_324 = arith.constant 7 : i32
    %dma_start3A_325 = arith.constant 256 : i32
    %dma_start3A_326 = tpu.memref_slice %arg6[%dma_start3A_324, %dma_start3A_325] : memref<16x512xf32, #tpu.memory_space<vmem>> -> memref<1x128xf32, #tpu.memory_space<vmem>>
    %dma_start3A_327 = tpu.memref_squeeze %dma_start3A_326 : memref<1x128xf32, #tpu.memory_space<vmem>> -> memref<128xf32, #tpu.memory_space<vmem>>
    %dma_start3A_328 = arith.constant 0 : i32
    %dma_start3A_329 = tpu.memref_slice %arg5[%dma_start3A_323, %dma_start3A_328] : memref<64x128xi32, #tpu.memory_space<vmem>> -> memref<1x128xi32, #tpu.memory_space<vmem>>
    %dma_start3A_330 = tpu.memref_squeeze %dma_start3A_329 : memref<1x128xi32, #tpu.memory_space<vmem>> -> memref<128xi32, #tpu.memory_space<vmem>>
    %dma_start3A_331 = arith.constant 0 : i32
    %dma_start3A_332 = tpu.memref_slice %arg8[%dma_start3A_331] : memref<131328xf32, #tpu.memory_space<vmem_shared>> -> memref<131328xf32, #tpu.memory_space<vmem_shared>>
    tpu.enqueue_indirect_dma source(%dma_start3A_332 : memref<131328xf32, #tpu.memory_space<vmem_shared>>) target(%dma_start3A_327 : memref<128xf32, #tpu.memory_space<vmem>>) offsets(%dma_start3A_330 : memref<128xi32, #tpu.memory_space<vmem>>) semaphore(%arg9 : memref<!tpu.dma_semaphore, #tpu.memory_space<semaphore_mem>>)
    %dma_start3A_333 = arith.constant 31 : i32
    %dma_start3A_334 = arith.constant 7 : i32
    %dma_start3A_335 = arith.constant 384 : i32
    %dma_start3A_336 = tpu.memref_slice %arg6[%dma_start3A_334, %dma_start3A_335] : memref<16x512xf32, #tpu.memory_space<vmem>> -> memref<1x128xf32, #tpu.memory_space<vmem>>
    %dma_start3A_337 = tpu.memref_squeeze %dma_start3A_336 : memref<1x128xf32, #tpu.memory_space<vmem>> -> memref<128xf32, #tpu.memory_space<vmem>>
    %dma_start3A_338 = arith.constant 0 : i32
    %dma_start3A_339 = tpu.memref_slice %arg5[%dma_start3A_333, %dma_start3A_338] : memref<64x128xi32, #tpu.memory_space<vmem>> -> memref<1x128xi32, #tpu.memory_space<vmem>>
    %dma_start3A_340 = tpu.memref_squeeze %dma_start3A_339 : memref<1x128xi32, #tpu.memory_space<vmem>> -> memref<128xi32, #tpu.memory_space<vmem>>
    %dma_start3A_341 = arith.constant 0 : i32
    %dma_start3A_342 = tpu.memref_slice %arg8[%dma_start3A_341] : memref<131328xf32, #tpu.memory_space<vmem_shared>> -> memref<131328xf32, #tpu.memory_space<vmem_shared>>
    tpu.enqueue_indirect_dma source(%dma_start3A_342 : memref<131328xf32, #tpu.memory_space<vmem_shared>>) target(%dma_start3A_337 : memref<128xf32, #tpu.memory_space<vmem>>) offsets(%dma_start3A_340 : memref<128xi32, #tpu.memory_space<vmem>>) semaphore(%arg9 : memref<!tpu.dma_semaphore, #tpu.memory_space<semaphore_mem>>)
    %dma_start3A_343 = arith.constant 32 : i32
    %dma_start3A_344 = arith.constant 8 : i32
    %dma_start3A_345 = arith.constant 0 : i32
    %dma_start3A_346 = tpu.memref_slice %arg6[%dma_start3A_344, %dma_start3A_345] : memref<16x512xf32, #tpu.memory_space<vmem>> -> memref<1x128xf32, #tpu.memory_space<vmem>>
    %dma_start3A_347 = tpu.memref_squeeze %dma_start3A_346 : memref<1x128xf32, #tpu.memory_space<vmem>> -> memref<128xf32, #tpu.memory_space<vmem>>
    %dma_start3A_348 = arith.constant 0 : i32
    %dma_start3A_349 = tpu.memref_slice %arg5[%dma_start3A_343, %dma_start3A_348] : memref<64x128xi32, #tpu.memory_space<vmem>> -> memref<1x128xi32, #tpu.memory_space<vmem>>
    %dma_start3A_350 = tpu.memref_squeeze %dma_start3A_349 : memref<1x128xi32, #tpu.memory_space<vmem>> -> memref<128xi32, #tpu.memory_space<vmem>>
    %dma_start3A_351 = arith.constant 0 : i32
    %dma_start3A_352 = tpu.memref_slice %arg8[%dma_start3A_351] : memref<131328xf32, #tpu.memory_space<vmem_shared>> -> memref<131328xf32, #tpu.memory_space<vmem_shared>>
    tpu.enqueue_indirect_dma source(%dma_start3A_352 : memref<131328xf32, #tpu.memory_space<vmem_shared>>) target(%dma_start3A_347 : memref<128xf32, #tpu.memory_space<vmem>>) offsets(%dma_start3A_350 : memref<128xi32, #tpu.memory_space<vmem>>) semaphore(%arg9 : memref<!tpu.dma_semaphore, #tpu.memory_space<semaphore_mem>>)
    %dma_start3A_353 = arith.constant 33 : i32
    %dma_start3A_354 = arith.constant 8 : i32
    %dma_start3A_355 = arith.constant 128 : i32
    %dma_start3A_356 = tpu.memref_slice %arg6[%dma_start3A_354, %dma_start3A_355] : memref<16x512xf32, #tpu.memory_space<vmem>> -> memref<1x128xf32, #tpu.memory_space<vmem>>
    %dma_start3A_357 = tpu.memref_squeeze %dma_start3A_356 : memref<1x128xf32, #tpu.memory_space<vmem>> -> memref<128xf32, #tpu.memory_space<vmem>>
    %dma_start3A_358 = arith.constant 0 : i32
    %dma_start3A_359 = tpu.memref_slice %arg5[%dma_start3A_353, %dma_start3A_358] : memref<64x128xi32, #tpu.memory_space<vmem>> -> memref<1x128xi32, #tpu.memory_space<vmem>>
    %dma_start3A_360 = tpu.memref_squeeze %dma_start3A_359 : memref<1x128xi32, #tpu.memory_space<vmem>> -> memref<128xi32, #tpu.memory_space<vmem>>
    %dma_start3A_361 = arith.constant 0 : i32
    %dma_start3A_362 = tpu.memref_slice %arg8[%dma_start3A_361] : memref<131328xf32, #tpu.memory_space<vmem_shared>> -> memref<131328xf32, #tpu.memory_space<vmem_shared>>
    tpu.enqueue_indirect_dma source(%dma_start3A_362 : memref<131328xf32, #tpu.memory_space<vmem_shared>>) target(%dma_start3A_357 : memref<128xf32, #tpu.memory_space<vmem>>) offsets(%dma_start3A_360 : memref<128xi32, #tpu.memory_space<vmem>>) semaphore(%arg9 : memref<!tpu.dma_semaphore, #tpu.memory_space<semaphore_mem>>)
    %dma_start3A_363 = arith.constant 34 : i32
    %dma_start3A_364 = arith.constant 8 : i32
    %dma_start3A_365 = arith.constant 256 : i32
    %dma_start3A_366 = tpu.memref_slice %arg6[%dma_start3A_364, %dma_start3A_365] : memref<16x512xf32, #tpu.memory_space<vmem>> -> memref<1x128xf32, #tpu.memory_space<vmem>>
    %dma_start3A_367 = tpu.memref_squeeze %dma_start3A_366 : memref<1x128xf32, #tpu.memory_space<vmem>> -> memref<128xf32, #tpu.memory_space<vmem>>
    %dma_start3A_368 = arith.constant 0 : i32
    %dma_start3A_369 = tpu.memref_slice %arg5[%dma_start3A_363, %dma_start3A_368] : memref<64x128xi32, #tpu.memory_space<vmem>> -> memref<1x128xi32, #tpu.memory_space<vmem>>
    %dma_start3A_370 = tpu.memref_squeeze %dma_start3A_369 : memref<1x128xi32, #tpu.memory_space<vmem>> -> memref<128xi32, #tpu.memory_space<vmem>>
    %dma_start3A_371 = arith.constant 0 : i32
    %dma_start3A_372 = tpu.memref_slice %arg8[%dma_start3A_371] : memref<131328xf32, #tpu.memory_space<vmem_shared>> -> memref<131328xf32, #tpu.memory_space<vmem_shared>>
    tpu.enqueue_indirect_dma source(%dma_start3A_372 : memref<131328xf32, #tpu.memory_space<vmem_shared>>) target(%dma_start3A_367 : memref<128xf32, #tpu.memory_space<vmem>>) offsets(%dma_start3A_370 : memref<128xi32, #tpu.memory_space<vmem>>) semaphore(%arg9 : memref<!tpu.dma_semaphore, #tpu.memory_space<semaphore_mem>>)
    %dma_start3A_373 = arith.constant 35 : i32
    %dma_start3A_374 = arith.constant 8 : i32
    %dma_start3A_375 = arith.constant 384 : i32
    %dma_start3A_376 = tpu.memref_slice %arg6[%dma_start3A_374, %dma_start3A_375] : memref<16x512xf32, #tpu.memory_space<vmem>> -> memref<1x128xf32, #tpu.memory_space<vmem>>
    %dma_start3A_377 = tpu.memref_squeeze %dma_start3A_376 : memref<1x128xf32, #tpu.memory_space<vmem>> -> memref<128xf32, #tpu.memory_space<vmem>>
    %dma_start3A_378 = arith.constant 0 : i32
    %dma_start3A_379 = tpu.memref_slice %arg5[%dma_start3A_373, %dma_start3A_378] : memref<64x128xi32, #tpu.memory_space<vmem>> -> memref<1x128xi32, #tpu.memory_space<vmem>>
    %dma_start3A_380 = tpu.memref_squeeze %dma_start3A_379 : memref<1x128xi32, #tpu.memory_space<vmem>> -> memref<128xi32, #tpu.memory_space<vmem>>
    %dma_start3A_381 = arith.constant 0 : i32
    %dma_start3A_382 = tpu.memref_slice %arg8[%dma_start3A_381] : memref<131328xf32, #tpu.memory_space<vmem_shared>> -> memref<131328xf32, #tpu.memory_space<vmem_shared>>
    tpu.enqueue_indirect_dma source(%dma_start3A_382 : memref<131328xf32, #tpu.memory_space<vmem_shared>>) target(%dma_start3A_377 : memref<128xf32, #tpu.memory_space<vmem>>) offsets(%dma_start3A_380 : memref<128xi32, #tpu.memory_space<vmem>>) semaphore(%arg9 : memref<!tpu.dma_semaphore, #tpu.memory_space<semaphore_mem>>)
    %dma_start3A_383 = arith.constant 36 : i32
    %dma_start3A_384 = arith.constant 9 : i32
    %dma_start3A_385 = arith.constant 0 : i32
    %dma_start3A_386 = tpu.memref_slice %arg6[%dma_start3A_384, %dma_start3A_385] : memref<16x512xf32, #tpu.memory_space<vmem>> -> memref<1x128xf32, #tpu.memory_space<vmem>>
    %dma_start3A_387 = tpu.memref_squeeze %dma_start3A_386 : memref<1x128xf32, #tpu.memory_space<vmem>> -> memref<128xf32, #tpu.memory_space<vmem>>
    %dma_start3A_388 = arith.constant 0 : i32
    %dma_start3A_389 = tpu.memref_slice %arg5[%dma_start3A_383, %dma_start3A_388] : memref<64x128xi32, #tpu.memory_space<vmem>> -> memref<1x128xi32, #tpu.memory_space<vmem>>
    %dma_start3A_390 = tpu.memref_squeeze %dma_start3A_389 : memref<1x128xi32, #tpu.memory_space<vmem>> -> memref<128xi32, #tpu.memory_space<vmem>>
    %dma_start3A_391 = arith.constant 0 : i32
    %dma_start3A_392 = tpu.memref_slice %arg8[%dma_start3A_391] : memref<131328xf32, #tpu.memory_space<vmem_shared>> -> memref<131328xf32, #tpu.memory_space<vmem_shared>>
    tpu.enqueue_indirect_dma source(%dma_start3A_392 : memref<131328xf32, #tpu.memory_space<vmem_shared>>) target(%dma_start3A_387 : memref<128xf32, #tpu.memory_space<vmem>>) offsets(%dma_start3A_390 : memref<128xi32, #tpu.memory_space<vmem>>) semaphore(%arg9 : memref<!tpu.dma_semaphore, #tpu.memory_space<semaphore_mem>>)
    %dma_start3A_393 = arith.constant 37 : i32
    %dma_start3A_394 = arith.constant 9 : i32
    %dma_start3A_395 = arith.constant 128 : i32
    %dma_start3A_396 = tpu.memref_slice %arg6[%dma_start3A_394, %dma_start3A_395] : memref<16x512xf32, #tpu.memory_space<vmem>> -> memref<1x128xf32, #tpu.memory_space<vmem>>
    %dma_start3A_397 = tpu.memref_squeeze %dma_start3A_396 : memref<1x128xf32, #tpu.memory_space<vmem>> -> memref<128xf32, #tpu.memory_space<vmem>>
    %dma_start3A_398 = arith.constant 0 : i32
    %dma_start3A_399 = tpu.memref_slice %arg5[%dma_start3A_393, %dma_start3A_398] : memref<64x128xi32, #tpu.memory_space<vmem>> -> memref<1x128xi32, #tpu.memory_space<vmem>>
    %dma_start3A_400 = tpu.memref_squeeze %dma_start3A_399 : memref<1x128xi32, #tpu.memory_space<vmem>> -> memref<128xi32, #tpu.memory_space<vmem>>
    %dma_start3A_401 = arith.constant 0 : i32
    %dma_start3A_402 = tpu.memref_slice %arg8[%dma_start3A_401] : memref<131328xf32, #tpu.memory_space<vmem_shared>> -> memref<131328xf32, #tpu.memory_space<vmem_shared>>
    tpu.enqueue_indirect_dma source(%dma_start3A_402 : memref<131328xf32, #tpu.memory_space<vmem_shared>>) target(%dma_start3A_397 : memref<128xf32, #tpu.memory_space<vmem>>) offsets(%dma_start3A_400 : memref<128xi32, #tpu.memory_space<vmem>>) semaphore(%arg9 : memref<!tpu.dma_semaphore, #tpu.memory_space<semaphore_mem>>)
    %dma_start3A_403 = arith.constant 38 : i32
    %dma_start3A_404 = arith.constant 9 : i32
    %dma_start3A_405 = arith.constant 256 : i32
    %dma_start3A_406 = tpu.memref_slice %arg6[%dma_start3A_404, %dma_start3A_405] : memref<16x512xf32, #tpu.memory_space<vmem>> -> memref<1x128xf32, #tpu.memory_space<vmem>>
    %dma_start3A_407 = tpu.memref_squeeze %dma_start3A_406 : memref<1x128xf32, #tpu.memory_space<vmem>> -> memref<128xf32, #tpu.memory_space<vmem>>
    %dma_start3A_408 = arith.constant 0 : i32
    %dma_start3A_409 = tpu.memref_slice %arg5[%dma_start3A_403, %dma_start3A_408] : memref<64x128xi32, #tpu.memory_space<vmem>> -> memref<1x128xi32, #tpu.memory_space<vmem>>
    %dma_start3A_410 = tpu.memref_squeeze %dma_start3A_409 : memref<1x128xi32, #tpu.memory_space<vmem>> -> memref<128xi32, #tpu.memory_space<vmem>>
    %dma_start3A_411 = arith.constant 0 : i32
    %dma_start3A_412 = tpu.memref_slice %arg8[%dma_start3A_411] : memref<131328xf32, #tpu.memory_space<vmem_shared>> -> memref<131328xf32, #tpu.memory_space<vmem_shared>>
    tpu.enqueue_indirect_dma source(%dma_start3A_412 : memref<131328xf32, #tpu.memory_space<vmem_shared>>) target(%dma_start3A_407 : memref<128xf32, #tpu.memory_space<vmem>>) offsets(%dma_start3A_410 : memref<128xi32, #tpu.memory_space<vmem>>) semaphore(%arg9 : memref<!tpu.dma_semaphore, #tpu.memory_space<semaphore_mem>>)
    %dma_start3A_413 = arith.constant 39 : i32
    %dma_start3A_414 = arith.constant 9 : i32
    %dma_start3A_415 = arith.constant 384 : i32
    %dma_start3A_416 = tpu.memref_slice %arg6[%dma_start3A_414, %dma_start3A_415] : memref<16x512xf32, #tpu.memory_space<vmem>> -> memref<1x128xf32, #tpu.memory_space<vmem>>
    %dma_start3A_417 = tpu.memref_squeeze %dma_start3A_416 : memref<1x128xf32, #tpu.memory_space<vmem>> -> memref<128xf32, #tpu.memory_space<vmem>>
    %dma_start3A_418 = arith.constant 0 : i32
    %dma_start3A_419 = tpu.memref_slice %arg5[%dma_start3A_413, %dma_start3A_418] : memref<64x128xi32, #tpu.memory_space<vmem>> -> memref<1x128xi32, #tpu.memory_space<vmem>>
    %dma_start3A_420 = tpu.memref_squeeze %dma_start3A_419 : memref<1x128xi32, #tpu.memory_space<vmem>> -> memref<128xi32, #tpu.memory_space<vmem>>
    %dma_start3A_421 = arith.constant 0 : i32
    %dma_start3A_422 = tpu.memref_slice %arg8[%dma_start3A_421] : memref<131328xf32, #tpu.memory_space<vmem_shared>> -> memref<131328xf32, #tpu.memory_space<vmem_shared>>
    tpu.enqueue_indirect_dma source(%dma_start3A_422 : memref<131328xf32, #tpu.memory_space<vmem_shared>>) target(%dma_start3A_417 : memref<128xf32, #tpu.memory_space<vmem>>) offsets(%dma_start3A_420 : memref<128xi32, #tpu.memory_space<vmem>>) semaphore(%arg9 : memref<!tpu.dma_semaphore, #tpu.memory_space<semaphore_mem>>)
    %dma_start3A_423 = arith.constant 40 : i32
    %dma_start3A_424 = arith.constant 10 : i32
    %dma_start3A_425 = arith.constant 0 : i32
    %dma_start3A_426 = tpu.memref_slice %arg6[%dma_start3A_424, %dma_start3A_425] : memref<16x512xf32, #tpu.memory_space<vmem>> -> memref<1x128xf32, #tpu.memory_space<vmem>>
    %dma_start3A_427 = tpu.memref_squeeze %dma_start3A_426 : memref<1x128xf32, #tpu.memory_space<vmem>> -> memref<128xf32, #tpu.memory_space<vmem>>
    %dma_start3A_428 = arith.constant 0 : i32
    %dma_start3A_429 = tpu.memref_slice %arg5[%dma_start3A_423, %dma_start3A_428] : memref<64x128xi32, #tpu.memory_space<vmem>> -> memref<1x128xi32, #tpu.memory_space<vmem>>
    %dma_start3A_430 = tpu.memref_squeeze %dma_start3A_429 : memref<1x128xi32, #tpu.memory_space<vmem>> -> memref<128xi32, #tpu.memory_space<vmem>>
    %dma_start3A_431 = arith.constant 0 : i32
    %dma_start3A_432 = tpu.memref_slice %arg8[%dma_start3A_431] : memref<131328xf32, #tpu.memory_space<vmem_shared>> -> memref<131328xf32, #tpu.memory_space<vmem_shared>>
    tpu.enqueue_indirect_dma source(%dma_start3A_432 : memref<131328xf32, #tpu.memory_space<vmem_shared>>) target(%dma_start3A_427 : memref<128xf32, #tpu.memory_space<vmem>>) offsets(%dma_start3A_430 : memref<128xi32, #tpu.memory_space<vmem>>) semaphore(%arg9 : memref<!tpu.dma_semaphore, #tpu.memory_space<semaphore_mem>>)
    %dma_start3A_433 = arith.constant 41 : i32
    %dma_start3A_434 = arith.constant 10 : i32
    %dma_start3A_435 = arith.constant 128 : i32
    %dma_start3A_436 = tpu.memref_slice %arg6[%dma_start3A_434, %dma_start3A_435] : memref<16x512xf32, #tpu.memory_space<vmem>> -> memref<1x128xf32, #tpu.memory_space<vmem>>
    %dma_start3A_437 = tpu.memref_squeeze %dma_start3A_436 : memref<1x128xf32, #tpu.memory_space<vmem>> -> memref<128xf32, #tpu.memory_space<vmem>>
    %dma_start3A_438 = arith.constant 0 : i32
    %dma_start3A_439 = tpu.memref_slice %arg5[%dma_start3A_433, %dma_start3A_438] : memref<64x128xi32, #tpu.memory_space<vmem>> -> memref<1x128xi32, #tpu.memory_space<vmem>>
    %dma_start3A_440 = tpu.memref_squeeze %dma_start3A_439 : memref<1x128xi32, #tpu.memory_space<vmem>> -> memref<128xi32, #tpu.memory_space<vmem>>
    %dma_start3A_441 = arith.constant 0 : i32
    %dma_start3A_442 = tpu.memref_slice %arg8[%dma_start3A_441] : memref<131328xf32, #tpu.memory_space<vmem_shared>> -> memref<131328xf32, #tpu.memory_space<vmem_shared>>
    tpu.enqueue_indirect_dma source(%dma_start3A_442 : memref<131328xf32, #tpu.memory_space<vmem_shared>>) target(%dma_start3A_437 : memref<128xf32, #tpu.memory_space<vmem>>) offsets(%dma_start3A_440 : memref<128xi32, #tpu.memory_space<vmem>>) semaphore(%arg9 : memref<!tpu.dma_semaphore, #tpu.memory_space<semaphore_mem>>)
    %dma_start3A_443 = arith.constant 42 : i32
    %dma_start3A_444 = arith.constant 10 : i32
    %dma_start3A_445 = arith.constant 256 : i32
    %dma_start3A_446 = tpu.memref_slice %arg6[%dma_start3A_444, %dma_start3A_445] : memref<16x512xf32, #tpu.memory_space<vmem>> -> memref<1x128xf32, #tpu.memory_space<vmem>>
    %dma_start3A_447 = tpu.memref_squeeze %dma_start3A_446 : memref<1x128xf32, #tpu.memory_space<vmem>> -> memref<128xf32, #tpu.memory_space<vmem>>
    %dma_start3A_448 = arith.constant 0 : i32
    %dma_start3A_449 = tpu.memref_slice %arg5[%dma_start3A_443, %dma_start3A_448] : memref<64x128xi32, #tpu.memory_space<vmem>> -> memref<1x128xi32, #tpu.memory_space<vmem>>
    %dma_start3A_450 = tpu.memref_squeeze %dma_start3A_449 : memref<1x128xi32, #tpu.memory_space<vmem>> -> memref<128xi32, #tpu.memory_space<vmem>>
    %dma_start3A_451 = arith.constant 0 : i32
    %dma_start3A_452 = tpu.memref_slice %arg8[%dma_start3A_451] : memref<131328xf32, #tpu.memory_space<vmem_shared>> -> memref<131328xf32, #tpu.memory_space<vmem_shared>>
    tpu.enqueue_indirect_dma source(%dma_start3A_452 : memref<131328xf32, #tpu.memory_space<vmem_shared>>) target(%dma_start3A_447 : memref<128xf32, #tpu.memory_space<vmem>>) offsets(%dma_start3A_450 : memref<128xi32, #tpu.memory_space<vmem>>) semaphore(%arg9 : memref<!tpu.dma_semaphore, #tpu.memory_space<semaphore_mem>>)
    %dma_start3A_453 = arith.constant 43 : i32
    %dma_start3A_454 = arith.constant 10 : i32
    %dma_start3A_455 = arith.constant 384 : i32
    %dma_start3A_456 = tpu.memref_slice %arg6[%dma_start3A_454, %dma_start3A_455] : memref<16x512xf32, #tpu.memory_space<vmem>> -> memref<1x128xf32, #tpu.memory_space<vmem>>
    %dma_start3A_457 = tpu.memref_squeeze %dma_start3A_456 : memref<1x128xf32, #tpu.memory_space<vmem>> -> memref<128xf32, #tpu.memory_space<vmem>>
    %dma_start3A_458 = arith.constant 0 : i32
    %dma_start3A_459 = tpu.memref_slice %arg5[%dma_start3A_453, %dma_start3A_458] : memref<64x128xi32, #tpu.memory_space<vmem>> -> memref<1x128xi32, #tpu.memory_space<vmem>>
    %dma_start3A_460 = tpu.memref_squeeze %dma_start3A_459 : memref<1x128xi32, #tpu.memory_space<vmem>> -> memref<128xi32, #tpu.memory_space<vmem>>
    %dma_start3A_461 = arith.constant 0 : i32
    %dma_start3A_462 = tpu.memref_slice %arg8[%dma_start3A_461] : memref<131328xf32, #tpu.memory_space<vmem_shared>> -> memref<131328xf32, #tpu.memory_space<vmem_shared>>
    tpu.enqueue_indirect_dma source(%dma_start3A_462 : memref<131328xf32, #tpu.memory_space<vmem_shared>>) target(%dma_start3A_457 : memref<128xf32, #tpu.memory_space<vmem>>) offsets(%dma_start3A_460 : memref<128xi32, #tpu.memory_space<vmem>>) semaphore(%arg9 : memref<!tpu.dma_semaphore, #tpu.memory_space<semaphore_mem>>)
    %dma_start3A_463 = arith.constant 44 : i32
    %dma_start3A_464 = arith.constant 11 : i32
    %dma_start3A_465 = arith.constant 0 : i32
    %dma_start3A_466 = tpu.memref_slice %arg6[%dma_start3A_464, %dma_start3A_465] : memref<16x512xf32, #tpu.memory_space<vmem>> -> memref<1x128xf32, #tpu.memory_space<vmem>>
    %dma_start3A_467 = tpu.memref_squeeze %dma_start3A_466 : memref<1x128xf32, #tpu.memory_space<vmem>> -> memref<128xf32, #tpu.memory_space<vmem>>
    %dma_start3A_468 = arith.constant 0 : i32
    %dma_start3A_469 = tpu.memref_slice %arg5[%dma_start3A_463, %dma_start3A_468] : memref<64x128xi32, #tpu.memory_space<vmem>> -> memref<1x128xi32, #tpu.memory_space<vmem>>
    %dma_start3A_470 = tpu.memref_squeeze %dma_start3A_469 : memref<1x128xi32, #tpu.memory_space<vmem>> -> memref<128xi32, #tpu.memory_space<vmem>>
    %dma_start3A_471 = arith.constant 0 : i32
    %dma_start3A_472 = tpu.memref_slice %arg8[%dma_start3A_471] : memref<131328xf32, #tpu.memory_space<vmem_shared>> -> memref<131328xf32, #tpu.memory_space<vmem_shared>>
    tpu.enqueue_indirect_dma source(%dma_start3A_472 : memref<131328xf32, #tpu.memory_space<vmem_shared>>) target(%dma_start3A_467 : memref<128xf32, #tpu.memory_space<vmem>>) offsets(%dma_start3A_470 : memref<128xi32, #tpu.memory_space<vmem>>) semaphore(%arg9 : memref<!tpu.dma_semaphore, #tpu.memory_space<semaphore_mem>>)
    %dma_start3A_473 = arith.constant 45 : i32
    %dma_start3A_474 = arith.constant 11 : i32
    %dma_start3A_475 = arith.constant 128 : i32
    %dma_start3A_476 = tpu.memref_slice %arg6[%dma_start3A_474, %dma_start3A_475] : memref<16x512xf32, #tpu.memory_space<vmem>> -> memref<1x128xf32, #tpu.memory_space<vmem>>
    %dma_start3A_477 = tpu.memref_squeeze %dma_start3A_476 : memref<1x128xf32, #tpu.memory_space<vmem>> -> memref<128xf32, #tpu.memory_space<vmem>>
    %dma_start3A_478 = arith.constant 0 : i32
    %dma_start3A_479 = tpu.memref_slice %arg5[%dma_start3A_473, %dma_start3A_478] : memref<64x128xi32, #tpu.memory_space<vmem>> -> memref<1x128xi32, #tpu.memory_space<vmem>>
    %dma_start3A_480 = tpu.memref_squeeze %dma_start3A_479 : memref<1x128xi32, #tpu.memory_space<vmem>> -> memref<128xi32, #tpu.memory_space<vmem>>
    %dma_start3A_481 = arith.constant 0 : i32
    %dma_start3A_482 = tpu.memref_slice %arg8[%dma_start3A_481] : memref<131328xf32, #tpu.memory_space<vmem_shared>> -> memref<131328xf32, #tpu.memory_space<vmem_shared>>
    tpu.enqueue_indirect_dma source(%dma_start3A_482 : memref<131328xf32, #tpu.memory_space<vmem_shared>>) target(%dma_start3A_477 : memref<128xf32, #tpu.memory_space<vmem>>) offsets(%dma_start3A_480 : memref<128xi32, #tpu.memory_space<vmem>>) semaphore(%arg9 : memref<!tpu.dma_semaphore, #tpu.memory_space<semaphore_mem>>)
    %dma_start3A_483 = arith.constant 46 : i32
    %dma_start3A_484 = arith.constant 11 : i32
    %dma_start3A_485 = arith.constant 256 : i32
    %dma_start3A_486 = tpu.memref_slice %arg6[%dma_start3A_484, %dma_start3A_485] : memref<16x512xf32, #tpu.memory_space<vmem>> -> memref<1x128xf32, #tpu.memory_space<vmem>>
    %dma_start3A_487 = tpu.memref_squeeze %dma_start3A_486 : memref<1x128xf32, #tpu.memory_space<vmem>> -> memref<128xf32, #tpu.memory_space<vmem>>
    %dma_start3A_488 = arith.constant 0 : i32
    %dma_start3A_489 = tpu.memref_slice %arg5[%dma_start3A_483, %dma_start3A_488] : memref<64x128xi32, #tpu.memory_space<vmem>> -> memref<1x128xi32, #tpu.memory_space<vmem>>
    %dma_start3A_490 = tpu.memref_squeeze %dma_start3A_489 : memref<1x128xi32, #tpu.memory_space<vmem>> -> memref<128xi32, #tpu.memory_space<vmem>>
    %dma_start3A_491 = arith.constant 0 : i32
    %dma_start3A_492 = tpu.memref_slice %arg8[%dma_start3A_491] : memref<131328xf32, #tpu.memory_space<vmem_shared>> -> memref<131328xf32, #tpu.memory_space<vmem_shared>>
    tpu.enqueue_indirect_dma source(%dma_start3A_492 : memref<131328xf32, #tpu.memory_space<vmem_shared>>) target(%dma_start3A_487 : memref<128xf32, #tpu.memory_space<vmem>>) offsets(%dma_start3A_490 : memref<128xi32, #tpu.memory_space<vmem>>) semaphore(%arg9 : memref<!tpu.dma_semaphore, #tpu.memory_space<semaphore_mem>>)
    %dma_start3A_493 = arith.constant 47 : i32
    %dma_start3A_494 = arith.constant 11 : i32
    %dma_start3A_495 = arith.constant 384 : i32
    %dma_start3A_496 = tpu.memref_slice %arg6[%dma_start3A_494, %dma_start3A_495] : memref<16x512xf32, #tpu.memory_space<vmem>> -> memref<1x128xf32, #tpu.memory_space<vmem>>
    %dma_start3A_497 = tpu.memref_squeeze %dma_start3A_496 : memref<1x128xf32, #tpu.memory_space<vmem>> -> memref<128xf32, #tpu.memory_space<vmem>>
    %dma_start3A_498 = arith.constant 0 : i32
    %dma_start3A_499 = tpu.memref_slice %arg5[%dma_start3A_493, %dma_start3A_498] : memref<64x128xi32, #tpu.memory_space<vmem>> -> memref<1x128xi32, #tpu.memory_space<vmem>>
    %dma_start3A_500 = tpu.memref_squeeze %dma_start3A_499 : memref<1x128xi32, #tpu.memory_space<vmem>> -> memref<128xi32, #tpu.memory_space<vmem>>
    %dma_start3A_501 = arith.constant 0 : i32
    %dma_start3A_502 = tpu.memref_slice %arg8[%dma_start3A_501] : memref<131328xf32, #tpu.memory_space<vmem_shared>> -> memref<131328xf32, #tpu.memory_space<vmem_shared>>
    tpu.enqueue_indirect_dma source(%dma_start3A_502 : memref<131328xf32, #tpu.memory_space<vmem_shared>>) target(%dma_start3A_497 : memref<128xf32, #tpu.memory_space<vmem>>) offsets(%dma_start3A_500 : memref<128xi32, #tpu.memory_space<vmem>>) semaphore(%arg9 : memref<!tpu.dma_semaphore, #tpu.memory_space<semaphore_mem>>)
    %dma_start3A_503 = arith.constant 48 : i32
    %dma_start3A_504 = arith.constant 12 : i32
    %dma_start3A_505 = arith.constant 0 : i32
    %dma_start3A_506 = tpu.memref_slice %arg6[%dma_start3A_504, %dma_start3A_505] : memref<16x512xf32, #tpu.memory_space<vmem>> -> memref<1x128xf32, #tpu.memory_space<vmem>>
    %dma_start3A_507 = tpu.memref_squeeze %dma_start3A_506 : memref<1x128xf32, #tpu.memory_space<vmem>> -> memref<128xf32, #tpu.memory_space<vmem>>
    %dma_start3A_508 = arith.constant 0 : i32
    %dma_start3A_509 = tpu.memref_slice %arg5[%dma_start3A_503, %dma_start3A_508] : memref<64x128xi32, #tpu.memory_space<vmem>> -> memref<1x128xi32, #tpu.memory_space<vmem>>
    %dma_start3A_510 = tpu.memref_squeeze %dma_start3A_509 : memref<1x128xi32, #tpu.memory_space<vmem>> -> memref<128xi32, #tpu.memory_space<vmem>>
    %dma_start3A_511 = arith.constant 0 : i32
    %dma_start3A_512 = tpu.memref_slice %arg8[%dma_start3A_511] : memref<131328xf32, #tpu.memory_space<vmem_shared>> -> memref<131328xf32, #tpu.memory_space<vmem_shared>>
    tpu.enqueue_indirect_dma source(%dma_start3A_512 : memref<131328xf32, #tpu.memory_space<vmem_shared>>) target(%dma_start3A_507 : memref<128xf32, #tpu.memory_space<vmem>>) offsets(%dma_start3A_510 : memref<128xi32, #tpu.memory_space<vmem>>) semaphore(%arg9 : memref<!tpu.dma_semaphore, #tpu.memory_space<semaphore_mem>>)
    %dma_start3A_513 = arith.constant 49 : i32
    %dma_start3A_514 = arith.constant 12 : i32
    %dma_start3A_515 = arith.constant 128 : i32
    %dma_start3A_516 = tpu.memref_slice %arg6[%dma_start3A_514, %dma_start3A_515] : memref<16x512xf32, #tpu.memory_space<vmem>> -> memref<1x128xf32, #tpu.memory_space<vmem>>
    %dma_start3A_517 = tpu.memref_squeeze %dma_start3A_516 : memref<1x128xf32, #tpu.memory_space<vmem>> -> memref<128xf32, #tpu.memory_space<vmem>>
    %dma_start3A_518 = arith.constant 0 : i32
    %dma_start3A_519 = tpu.memref_slice %arg5[%dma_start3A_513, %dma_start3A_518] : memref<64x128xi32, #tpu.memory_space<vmem>> -> memref<1x128xi32, #tpu.memory_space<vmem>>
    %dma_start3A_520 = tpu.memref_squeeze %dma_start3A_519 : memref<1x128xi32, #tpu.memory_space<vmem>> -> memref<128xi32, #tpu.memory_space<vmem>>
    %dma_start3A_521 = arith.constant 0 : i32
    %dma_start3A_522 = tpu.memref_slice %arg8[%dma_start3A_521] : memref<131328xf32, #tpu.memory_space<vmem_shared>> -> memref<131328xf32, #tpu.memory_space<vmem_shared>>
    tpu.enqueue_indirect_dma source(%dma_start3A_522 : memref<131328xf32, #tpu.memory_space<vmem_shared>>) target(%dma_start3A_517 : memref<128xf32, #tpu.memory_space<vmem>>) offsets(%dma_start3A_520 : memref<128xi32, #tpu.memory_space<vmem>>) semaphore(%arg9 : memref<!tpu.dma_semaphore, #tpu.memory_space<semaphore_mem>>)
    %dma_start3A_523 = arith.constant 50 : i32
    %dma_start3A_524 = arith.constant 12 : i32
    %dma_start3A_525 = arith.constant 256 : i32
    %dma_start3A_526 = tpu.memref_slice %arg6[%dma_start3A_524, %dma_start3A_525] : memref<16x512xf32, #tpu.memory_space<vmem>> -> memref<1x128xf32, #tpu.memory_space<vmem>>
    %dma_start3A_527 = tpu.memref_squeeze %dma_start3A_526 : memref<1x128xf32, #tpu.memory_space<vmem>> -> memref<128xf32, #tpu.memory_space<vmem>>
    %dma_start3A_528 = arith.constant 0 : i32
    %dma_start3A_529 = tpu.memref_slice %arg5[%dma_start3A_523, %dma_start3A_528] : memref<64x128xi32, #tpu.memory_space<vmem>> -> memref<1x128xi32, #tpu.memory_space<vmem>>
    %dma_start3A_530 = tpu.memref_squeeze %dma_start3A_529 : memref<1x128xi32, #tpu.memory_space<vmem>> -> memref<128xi32, #tpu.memory_space<vmem>>
    %dma_start3A_531 = arith.constant 0 : i32
    %dma_start3A_532 = tpu.memref_slice %arg8[%dma_start3A_531] : memref<131328xf32, #tpu.memory_space<vmem_shared>> -> memref<131328xf32, #tpu.memory_space<vmem_shared>>
    tpu.enqueue_indirect_dma source(%dma_start3A_532 : memref<131328xf32, #tpu.memory_space<vmem_shared>>) target(%dma_start3A_527 : memref<128xf32, #tpu.memory_space<vmem>>) offsets(%dma_start3A_530 : memref<128xi32, #tpu.memory_space<vmem>>) semaphore(%arg9 : memref<!tpu.dma_semaphore, #tpu.memory_space<semaphore_mem>>)
    %dma_start3A_533 = arith.constant 51 : i32
    %dma_start3A_534 = arith.constant 12 : i32
    %dma_start3A_535 = arith.constant 384 : i32
    %dma_start3A_536 = tpu.memref_slice %arg6[%dma_start3A_534, %dma_start3A_535] : memref<16x512xf32, #tpu.memory_space<vmem>> -> memref<1x128xf32, #tpu.memory_space<vmem>>
    %dma_start3A_537 = tpu.memref_squeeze %dma_start3A_536 : memref<1x128xf32, #tpu.memory_space<vmem>> -> memref<128xf32, #tpu.memory_space<vmem>>
    %dma_start3A_538 = arith.constant 0 : i32
    %dma_start3A_539 = tpu.memref_slice %arg5[%dma_start3A_533, %dma_start3A_538] : memref<64x128xi32, #tpu.memory_space<vmem>> -> memref<1x128xi32, #tpu.memory_space<vmem>>
    %dma_start3A_540 = tpu.memref_squeeze %dma_start3A_539 : memref<1x128xi32, #tpu.memory_space<vmem>> -> memref<128xi32, #tpu.memory_space<vmem>>
    %dma_start3A_541 = arith.constant 0 : i32
    %dma_start3A_542 = tpu.memref_slice %arg8[%dma_start3A_541] : memref<131328xf32, #tpu.memory_space<vmem_shared>> -> memref<131328xf32, #tpu.memory_space<vmem_shared>>
    tpu.enqueue_indirect_dma source(%dma_start3A_542 : memref<131328xf32, #tpu.memory_space<vmem_shared>>) target(%dma_start3A_537 : memref<128xf32, #tpu.memory_space<vmem>>) offsets(%dma_start3A_540 : memref<128xi32, #tpu.memory_space<vmem>>) semaphore(%arg9 : memref<!tpu.dma_semaphore, #tpu.memory_space<semaphore_mem>>)
    %dma_start3A_543 = arith.constant 52 : i32
    %dma_start3A_544 = arith.constant 13 : i32
    %dma_start3A_545 = arith.constant 0 : i32
    %dma_start3A_546 = tpu.memref_slice %arg6[%dma_start3A_544, %dma_start3A_545] : memref<16x512xf32, #tpu.memory_space<vmem>> -> memref<1x128xf32, #tpu.memory_space<vmem>>
    %dma_start3A_547 = tpu.memref_squeeze %dma_start3A_546 : memref<1x128xf32, #tpu.memory_space<vmem>> -> memref<128xf32, #tpu.memory_space<vmem>>
    %dma_start3A_548 = arith.constant 0 : i32
    %dma_start3A_549 = tpu.memref_slice %arg5[%dma_start3A_543, %dma_start3A_548] : memref<64x128xi32, #tpu.memory_space<vmem>> -> memref<1x128xi32, #tpu.memory_space<vmem>>
    %dma_start3A_550 = tpu.memref_squeeze %dma_start3A_549 : memref<1x128xi32, #tpu.memory_space<vmem>> -> memref<128xi32, #tpu.memory_space<vmem>>
    %dma_start3A_551 = arith.constant 0 : i32
    %dma_start3A_552 = tpu.memref_slice %arg8[%dma_start3A_551] : memref<131328xf32, #tpu.memory_space<vmem_shared>> -> memref<131328xf32, #tpu.memory_space<vmem_shared>>
    tpu.enqueue_indirect_dma source(%dma_start3A_552 : memref<131328xf32, #tpu.memory_space<vmem_shared>>) target(%dma_start3A_547 : memref<128xf32, #tpu.memory_space<vmem>>) offsets(%dma_start3A_550 : memref<128xi32, #tpu.memory_space<vmem>>) semaphore(%arg9 : memref<!tpu.dma_semaphore, #tpu.memory_space<semaphore_mem>>)
    %dma_start3A_553 = arith.constant 53 : i32
    %dma_start3A_554 = arith.constant 13 : i32
    %dma_start3A_555 = arith.constant 128 : i32
    %dma_start3A_556 = tpu.memref_slice %arg6[%dma_start3A_554, %dma_start3A_555] : memref<16x512xf32, #tpu.memory_space<vmem>> -> memref<1x128xf32, #tpu.memory_space<vmem>>
    %dma_start3A_557 = tpu.memref_squeeze %dma_start3A_556 : memref<1x128xf32, #tpu.memory_space<vmem>> -> memref<128xf32, #tpu.memory_space<vmem>>
    %dma_start3A_558 = arith.constant 0 : i32
    %dma_start3A_559 = tpu.memref_slice %arg5[%dma_start3A_553, %dma_start3A_558] : memref<64x128xi32, #tpu.memory_space<vmem>> -> memref<1x128xi32, #tpu.memory_space<vmem>>
    %dma_start3A_560 = tpu.memref_squeeze %dma_start3A_559 : memref<1x128xi32, #tpu.memory_space<vmem>> -> memref<128xi32, #tpu.memory_space<vmem>>
    %dma_start3A_561 = arith.constant 0 : i32
    %dma_start3A_562 = tpu.memref_slice %arg8[%dma_start3A_561] : memref<131328xf32, #tpu.memory_space<vmem_shared>> -> memref<131328xf32, #tpu.memory_space<vmem_shared>>
    tpu.enqueue_indirect_dma source(%dma_start3A_562 : memref<131328xf32, #tpu.memory_space<vmem_shared>>) target(%dma_start3A_557 : memref<128xf32, #tpu.memory_space<vmem>>) offsets(%dma_start3A_560 : memref<128xi32, #tpu.memory_space<vmem>>) semaphore(%arg9 : memref<!tpu.dma_semaphore, #tpu.memory_space<semaphore_mem>>)
    %dma_start3A_563 = arith.constant 54 : i32
    %dma_start3A_564 = arith.constant 13 : i32
    %dma_start3A_565 = arith.constant 256 : i32
    %dma_start3A_566 = tpu.memref_slice %arg6[%dma_start3A_564, %dma_start3A_565] : memref<16x512xf32, #tpu.memory_space<vmem>> -> memref<1x128xf32, #tpu.memory_space<vmem>>
    %dma_start3A_567 = tpu.memref_squeeze %dma_start3A_566 : memref<1x128xf32, #tpu.memory_space<vmem>> -> memref<128xf32, #tpu.memory_space<vmem>>
    %dma_start3A_568 = arith.constant 0 : i32
    %dma_start3A_569 = tpu.memref_slice %arg5[%dma_start3A_563, %dma_start3A_568] : memref<64x128xi32, #tpu.memory_space<vmem>> -> memref<1x128xi32, #tpu.memory_space<vmem>>
    %dma_start3A_570 = tpu.memref_squeeze %dma_start3A_569 : memref<1x128xi32, #tpu.memory_space<vmem>> -> memref<128xi32, #tpu.memory_space<vmem>>
    %dma_start3A_571 = arith.constant 0 : i32
    %dma_start3A_572 = tpu.memref_slice %arg8[%dma_start3A_571] : memref<131328xf32, #tpu.memory_space<vmem_shared>> -> memref<131328xf32, #tpu.memory_space<vmem_shared>>
    tpu.enqueue_indirect_dma source(%dma_start3A_572 : memref<131328xf32, #tpu.memory_space<vmem_shared>>) target(%dma_start3A_567 : memref<128xf32, #tpu.memory_space<vmem>>) offsets(%dma_start3A_570 : memref<128xi32, #tpu.memory_space<vmem>>) semaphore(%arg9 : memref<!tpu.dma_semaphore, #tpu.memory_space<semaphore_mem>>)
    %dma_start3A_573 = arith.constant 55 : i32
    %dma_start3A_574 = arith.constant 13 : i32
    %dma_start3A_575 = arith.constant 384 : i32
    %dma_start3A_576 = tpu.memref_slice %arg6[%dma_start3A_574, %dma_start3A_575] : memref<16x512xf32, #tpu.memory_space<vmem>> -> memref<1x128xf32, #tpu.memory_space<vmem>>
    %dma_start3A_577 = tpu.memref_squeeze %dma_start3A_576 : memref<1x128xf32, #tpu.memory_space<vmem>> -> memref<128xf32, #tpu.memory_space<vmem>>
    %dma_start3A_578 = arith.constant 0 : i32
    %dma_start3A_579 = tpu.memref_slice %arg5[%dma_start3A_573, %dma_start3A_578] : memref<64x128xi32, #tpu.memory_space<vmem>> -> memref<1x128xi32, #tpu.memory_space<vmem>>
    %dma_start3A_580 = tpu.memref_squeeze %dma_start3A_579 : memref<1x128xi32, #tpu.memory_space<vmem>> -> memref<128xi32, #tpu.memory_space<vmem>>
    %dma_start3A_581 = arith.constant 0 : i32
    %dma_start3A_582 = tpu.memref_slice %arg8[%dma_start3A_581] : memref<131328xf32, #tpu.memory_space<vmem_shared>> -> memref<131328xf32, #tpu.memory_space<vmem_shared>>
    tpu.enqueue_indirect_dma source(%dma_start3A_582 : memref<131328xf32, #tpu.memory_space<vmem_shared>>) target(%dma_start3A_577 : memref<128xf32, #tpu.memory_space<vmem>>) offsets(%dma_start3A_580 : memref<128xi32, #tpu.memory_space<vmem>>) semaphore(%arg9 : memref<!tpu.dma_semaphore, #tpu.memory_space<semaphore_mem>>)
    %dma_start3A_583 = arith.constant 56 : i32
    %dma_start3A_584 = arith.constant 14 : i32
    %dma_start3A_585 = arith.constant 0 : i32
    %dma_start3A_586 = tpu.memref_slice %arg6[%dma_start3A_584, %dma_start3A_585] : memref<16x512xf32, #tpu.memory_space<vmem>> -> memref<1x128xf32, #tpu.memory_space<vmem>>
    %dma_start3A_587 = tpu.memref_squeeze %dma_start3A_586 : memref<1x128xf32, #tpu.memory_space<vmem>> -> memref<128xf32, #tpu.memory_space<vmem>>
    %dma_start3A_588 = arith.constant 0 : i32
    %dma_start3A_589 = tpu.memref_slice %arg5[%dma_start3A_583, %dma_start3A_588] : memref<64x128xi32, #tpu.memory_space<vmem>> -> memref<1x128xi32, #tpu.memory_space<vmem>>
    %dma_start3A_590 = tpu.memref_squeeze %dma_start3A_589 : memref<1x128xi32, #tpu.memory_space<vmem>> -> memref<128xi32, #tpu.memory_space<vmem>>
    %dma_start3A_591 = arith.constant 0 : i32
    %dma_start3A_592 = tpu.memref_slice %arg8[%dma_start3A_591] : memref<131328xf32, #tpu.memory_space<vmem_shared>> -> memref<131328xf32, #tpu.memory_space<vmem_shared>>
    tpu.enqueue_indirect_dma source(%dma_start3A_592 : memref<131328xf32, #tpu.memory_space<vmem_shared>>) target(%dma_start3A_587 : memref<128xf32, #tpu.memory_space<vmem>>) offsets(%dma_start3A_590 : memref<128xi32, #tpu.memory_space<vmem>>) semaphore(%arg9 : memref<!tpu.dma_semaphore, #tpu.memory_space<semaphore_mem>>)
    %dma_start3A_593 = arith.constant 57 : i32
    %dma_start3A_594 = arith.constant 14 : i32
    %dma_start3A_595 = arith.constant 128 : i32
    %dma_start3A_596 = tpu.memref_slice %arg6[%dma_start3A_594, %dma_start3A_595] : memref<16x512xf32, #tpu.memory_space<vmem>> -> memref<1x128xf32, #tpu.memory_space<vmem>>
    %dma_start3A_597 = tpu.memref_squeeze %dma_start3A_596 : memref<1x128xf32, #tpu.memory_space<vmem>> -> memref<128xf32, #tpu.memory_space<vmem>>
    %dma_start3A_598 = arith.constant 0 : i32
    %dma_start3A_599 = tpu.memref_slice %arg5[%dma_start3A_593, %dma_start3A_598] : memref<64x128xi32, #tpu.memory_space<vmem>> -> memref<1x128xi32, #tpu.memory_space<vmem>>
    %dma_start3A_600 = tpu.memref_squeeze %dma_start3A_599 : memref<1x128xi32, #tpu.memory_space<vmem>> -> memref<128xi32, #tpu.memory_space<vmem>>
    %dma_start3A_601 = arith.constant 0 : i32
    %dma_start3A_602 = tpu.memref_slice %arg8[%dma_start3A_601] : memref<131328xf32, #tpu.memory_space<vmem_shared>> -> memref<131328xf32, #tpu.memory_space<vmem_shared>>
    tpu.enqueue_indirect_dma source(%dma_start3A_602 : memref<131328xf32, #tpu.memory_space<vmem_shared>>) target(%dma_start3A_597 : memref<128xf32, #tpu.memory_space<vmem>>) offsets(%dma_start3A_600 : memref<128xi32, #tpu.memory_space<vmem>>) semaphore(%arg9 : memref<!tpu.dma_semaphore, #tpu.memory_space<semaphore_mem>>)
    %dma_start3A_603 = arith.constant 58 : i32
    %dma_start3A_604 = arith.constant 14 : i32
    %dma_start3A_605 = arith.constant 256 : i32
    %dma_start3A_606 = tpu.memref_slice %arg6[%dma_start3A_604, %dma_start3A_605] : memref<16x512xf32, #tpu.memory_space<vmem>> -> memref<1x128xf32, #tpu.memory_space<vmem>>
    %dma_start3A_607 = tpu.memref_squeeze %dma_start3A_606 : memref<1x128xf32, #tpu.memory_space<vmem>> -> memref<128xf32, #tpu.memory_space<vmem>>
    %dma_start3A_608 = arith.constant 0 : i32
    %dma_start3A_609 = tpu.memref_slice %arg5[%dma_start3A_603, %dma_start3A_608] : memref<64x128xi32, #tpu.memory_space<vmem>> -> memref<1x128xi32, #tpu.memory_space<vmem>>
    %dma_start3A_610 = tpu.memref_squeeze %dma_start3A_609 : memref<1x128xi32, #tpu.memory_space<vmem>> -> memref<128xi32, #tpu.memory_space<vmem>>
    %dma_start3A_611 = arith.constant 0 : i32
    %dma_start3A_612 = tpu.memref_slice %arg8[%dma_start3A_611] : memref<131328xf32, #tpu.memory_space<vmem_shared>> -> memref<131328xf32, #tpu.memory_space<vmem_shared>>
    tpu.enqueue_indirect_dma source(%dma_start3A_612 : memref<131328xf32, #tpu.memory_space<vmem_shared>>) target(%dma_start3A_607 : memref<128xf32, #tpu.memory_space<vmem>>) offsets(%dma_start3A_610 : memref<128xi32, #tpu.memory_space<vmem>>) semaphore(%arg9 : memref<!tpu.dma_semaphore, #tpu.memory_space<semaphore_mem>>)
    %dma_start3A_613 = arith.constant 59 : i32
    %dma_start3A_614 = arith.constant 14 : i32
    %dma_start3A_615 = arith.constant 384 : i32
    %dma_start3A_616 = tpu.memref_slice %arg6[%dma_start3A_614, %dma_start3A_615] : memref<16x512xf32, #tpu.memory_space<vmem>> -> memref<1x128xf32, #tpu.memory_space<vmem>>
    %dma_start3A_617 = tpu.memref_squeeze %dma_start3A_616 : memref<1x128xf32, #tpu.memory_space<vmem>> -> memref<128xf32, #tpu.memory_space<vmem>>
    %dma_start3A_618 = arith.constant 0 : i32
    %dma_start3A_619 = tpu.memref_slice %arg5[%dma_start3A_613, %dma_start3A_618] : memref<64x128xi32, #tpu.memory_space<vmem>> -> memref<1x128xi32, #tpu.memory_space<vmem>>
    %dma_start3A_620 = tpu.memref_squeeze %dma_start3A_619 : memref<1x128xi32, #tpu.memory_space<vmem>> -> memref<128xi32, #tpu.memory_space<vmem>>
    %dma_start3A_621 = arith.constant 0 : i32
    %dma_start3A_622 = tpu.memref_slice %arg8[%dma_start3A_621] : memref<131328xf32, #tpu.memory_space<vmem_shared>> -> memref<131328xf32, #tpu.memory_space<vmem_shared>>
    tpu.enqueue_indirect_dma source(%dma_start3A_622 : memref<131328xf32, #tpu.memory_space<vmem_shared>>) target(%dma_start3A_617 : memref<128xf32, #tpu.memory_space<vmem>>) offsets(%dma_start3A_620 : memref<128xi32, #tpu.memory_space<vmem>>) semaphore(%arg9 : memref<!tpu.dma_semaphore, #tpu.memory_space<semaphore_mem>>)
    %dma_start3A_623 = arith.constant 60 : i32
    %dma_start3A_624 = arith.constant 15 : i32
    %dma_start3A_625 = arith.constant 0 : i32
    %dma_start3A_626 = tpu.memref_slice %arg6[%dma_start3A_624, %dma_start3A_625] : memref<16x512xf32, #tpu.memory_space<vmem>> -> memref<1x128xf32, #tpu.memory_space<vmem>>
    %dma_start3A_627 = tpu.memref_squeeze %dma_start3A_626 : memref<1x128xf32, #tpu.memory_space<vmem>> -> memref<128xf32, #tpu.memory_space<vmem>>
    %dma_start3A_628 = arith.constant 0 : i32
    %dma_start3A_629 = tpu.memref_slice %arg5[%dma_start3A_623, %dma_start3A_628] : memref<64x128xi32, #tpu.memory_space<vmem>> -> memref<1x128xi32, #tpu.memory_space<vmem>>
    %dma_start3A_630 = tpu.memref_squeeze %dma_start3A_629 : memref<1x128xi32, #tpu.memory_space<vmem>> -> memref<128xi32, #tpu.memory_space<vmem>>
    %dma_start3A_631 = arith.constant 0 : i32
    %dma_start3A_632 = tpu.memref_slice %arg8[%dma_start3A_631] : memref<131328xf32, #tpu.memory_space<vmem_shared>> -> memref<131328xf32, #tpu.memory_space<vmem_shared>>
    tpu.enqueue_indirect_dma source(%dma_start3A_632 : memref<131328xf32, #tpu.memory_space<vmem_shared>>) target(%dma_start3A_627 : memref<128xf32, #tpu.memory_space<vmem>>) offsets(%dma_start3A_630 : memref<128xi32, #tpu.memory_space<vmem>>) semaphore(%arg9 : memref<!tpu.dma_semaphore, #tpu.memory_space<semaphore_mem>>)
    %dma_start3A_633 = arith.constant 61 : i32
    %dma_start3A_634 = arith.constant 15 : i32
    %dma_start3A_635 = arith.constant 128 : i32
    %dma_start3A_636 = tpu.memref_slice %arg6[%dma_start3A_634, %dma_start3A_635] : memref<16x512xf32, #tpu.memory_space<vmem>> -> memref<1x128xf32, #tpu.memory_space<vmem>>
    %dma_start3A_637 = tpu.memref_squeeze %dma_start3A_636 : memref<1x128xf32, #tpu.memory_space<vmem>> -> memref<128xf32, #tpu.memory_space<vmem>>
    %dma_start3A_638 = arith.constant 0 : i32
    %dma_start3A_639 = tpu.memref_slice %arg5[%dma_start3A_633, %dma_start3A_638] : memref<64x128xi32, #tpu.memory_space<vmem>> -> memref<1x128xi32, #tpu.memory_space<vmem>>
    %dma_start3A_640 = tpu.memref_squeeze %dma_start3A_639 : memref<1x128xi32, #tpu.memory_space<vmem>> -> memref<128xi32, #tpu.memory_space<vmem>>
    %dma_start3A_641 = arith.constant 0 : i32
    %dma_start3A_642 = tpu.memref_slice %arg8[%dma_start3A_641] : memref<131328xf32, #tpu.memory_space<vmem_shared>> -> memref<131328xf32, #tpu.memory_space<vmem_shared>>
    tpu.enqueue_indirect_dma source(%dma_start3A_642 : memref<131328xf32, #tpu.memory_space<vmem_shared>>) target(%dma_start3A_637 : memref<128xf32, #tpu.memory_space<vmem>>) offsets(%dma_start3A_640 : memref<128xi32, #tpu.memory_space<vmem>>) semaphore(%arg9 : memref<!tpu.dma_semaphore, #tpu.memory_space<semaphore_mem>>)
    %dma_start3A_643 = arith.constant 62 : i32
    %dma_start3A_644 = arith.constant 15 : i32
    %dma_start3A_645 = arith.constant 256 : i32
    %dma_start3A_646 = tpu.memref_slice %arg6[%dma_start3A_644, %dma_start3A_645] : memref<16x512xf32, #tpu.memory_space<vmem>> -> memref<1x128xf32, #tpu.memory_space<vmem>>
    %dma_start3A_647 = tpu.memref_squeeze %dma_start3A_646 : memref<1x128xf32, #tpu.memory_space<vmem>> -> memref<128xf32, #tpu.memory_space<vmem>>
    %dma_start3A_648 = arith.constant 0 : i32
    %dma_start3A_649 = tpu.memref_slice %arg5[%dma_start3A_643, %dma_start3A_648] : memref<64x128xi32, #tpu.memory_space<vmem>> -> memref<1x128xi32, #tpu.memory_space<vmem>>
    %dma_start3A_650 = tpu.memref_squeeze %dma_start3A_649 : memref<1x128xi32, #tpu.memory_space<vmem>> -> memref<128xi32, #tpu.memory_space<vmem>>
    %dma_start3A_651 = arith.constant 0 : i32
    %dma_start3A_652 = tpu.memref_slice %arg8[%dma_start3A_651] : memref<131328xf32, #tpu.memory_space<vmem_shared>> -> memref<131328xf32, #tpu.memory_space<vmem_shared>>
    tpu.enqueue_indirect_dma source(%dma_start3A_652 : memref<131328xf32, #tpu.memory_space<vmem_shared>>) target(%dma_start3A_647 : memref<128xf32, #tpu.memory_space<vmem>>) offsets(%dma_start3A_650 : memref<128xi32, #tpu.memory_space<vmem>>) semaphore(%arg9 : memref<!tpu.dma_semaphore, #tpu.memory_space<semaphore_mem>>)
    %dma_start3A_653 = arith.constant 63 : i32
    %dma_start3A_654 = arith.constant 15 : i32
    %dma_start3A_655 = arith.constant 384 : i32
    %dma_start3A_656 = tpu.memref_slice %arg6[%dma_start3A_654, %dma_start3A_655] : memref<16x512xf32, #tpu.memory_space<vmem>> -> memref<1x128xf32, #tpu.memory_space<vmem>>
    %dma_start3A_657 = tpu.memref_squeeze %dma_start3A_656 : memref<1x128xf32, #tpu.memory_space<vmem>> -> memref<128xf32, #tpu.memory_space<vmem>>
    %dma_start3A_658 = arith.constant 0 : i32
    %dma_start3A_659 = tpu.memref_slice %arg5[%dma_start3A_653, %dma_start3A_658] : memref<64x128xi32, #tpu.memory_space<vmem>> -> memref<1x128xi32, #tpu.memory_space<vmem>>
    %dma_start3A_660 = tpu.memref_squeeze %dma_start3A_659 : memref<1x128xi32, #tpu.memory_space<vmem>> -> memref<128xi32, #tpu.memory_space<vmem>>
    %dma_start3A_661 = arith.constant 0 : i32
    %dma_start3A_662 = tpu.memref_slice %arg8[%dma_start3A_661] : memref<131328xf32, #tpu.memory_space<vmem_shared>> -> memref<131328xf32, #tpu.memory_space<vmem_shared>>
    tpu.enqueue_indirect_dma source(%dma_start3A_662 : memref<131328xf32, #tpu.memory_space<vmem_shared>>) target(%dma_start3A_657 : memref<128xf32, #tpu.memory_space<vmem>>) offsets(%dma_start3A_660 : memref<128xi32, #tpu.memory_space<vmem>>) semaphore(%arg9 : memref<!tpu.dma_semaphore, #tpu.memory_space<semaphore_mem>>)
    %dma_wait3A_663 = arith.constant 0 : i32
    %dma_wait3A_664 = arith.constant 0 : i32
    %dma_wait3A_665 = arith.constant 0 : i32
    %dma_wait3A_666 = tpu.memref_slice %arg6[%dma_wait3A_664, %dma_wait3A_665] : memref<16x512xf32, #tpu.memory_space<vmem>> -> memref<1x128xf32, #tpu.memory_space<vmem>>
    %dma_wait3A_667 = tpu.memref_squeeze %dma_wait3A_666 : memref<1x128xf32, #tpu.memory_space<vmem>> -> memref<128xf32, #tpu.memory_space<vmem>>
    %dma_wait3A_668 = arith.constant 0 : i32
    %dma_wait3A_669 = tpu.memref_slice %arg5[%dma_wait3A_663, %dma_wait3A_668] : memref<64x128xi32, #tpu.memory_space<vmem>> -> memref<1x128xi32, #tpu.memory_space<vmem>>
    %dma_wait3A_670 = tpu.memref_squeeze %dma_wait3A_669 : memref<1x128xi32, #tpu.memory_space<vmem>> -> memref<128xi32, #tpu.memory_space<vmem>>
    %dma_wait3A_671 = arith.constant 0 : i32
    %dma_wait3A_672 = tpu.memref_slice %arg8[%dma_wait3A_671] : memref<131328xf32, #tpu.memory_space<vmem_shared>> -> memref<131328xf32, #tpu.memory_space<vmem_shared>>
    tpu.wait_indirect_dma semaphore(%arg9 : memref<!tpu.dma_semaphore, #tpu.memory_space<semaphore_mem>>) src(%dma_wait3A_672 : memref<131328xf32, #tpu.memory_space<vmem_shared>>) dst(%dma_wait3A_667 : memref<128xf32, #tpu.memory_space<vmem>>)
    %dma_wait3A_673 = arith.constant 1 : i32
    %dma_wait3A_674 = arith.constant 0 : i32
    %dma_wait3A_675 = arith.constant 128 : i32
    %dma_wait3A_676 = tpu.memref_slice %arg6[%dma_wait3A_674, %dma_wait3A_675] : memref<16x512xf32, #tpu.memory_space<vmem>> -> memref<1x128xf32, #tpu.memory_space<vmem>>
    %dma_wait3A_677 = tpu.memref_squeeze %dma_wait3A_676 : memref<1x128xf32, #tpu.memory_space<vmem>> -> memref<128xf32, #tpu.memory_space<vmem>>
    %dma_wait3A_678 = arith.constant 0 : i32
    %dma_wait3A_679 = tpu.memref_slice %arg5[%dma_wait3A_673, %dma_wait3A_678] : memref<64x128xi32, #tpu.memory_space<vmem>> -> memref<1x128xi32, #tpu.memory_space<vmem>>
    %dma_wait3A_680 = tpu.memref_squeeze %dma_wait3A_679 : memref<1x128xi32, #tpu.memory_space<vmem>> -> memref<128xi32, #tpu.memory_space<vmem>>
    %dma_wait3A_681 = arith.constant 0 : i32
    %dma_wait3A_682 = tpu.memref_slice %arg8[%dma_wait3A_681] : memref<131328xf32, #tpu.memory_space<vmem_shared>> -> memref<131328xf32, #tpu.memory_space<vmem_shared>>
    tpu.wait_indirect_dma semaphore(%arg9 : memref<!tpu.dma_semaphore, #tpu.memory_space<semaphore_mem>>) src(%dma_wait3A_682 : memref<131328xf32, #tpu.memory_space<vmem_shared>>) dst(%dma_wait3A_677 : memref<128xf32, #tpu.memory_space<vmem>>)
    %dma_wait3A_683 = arith.constant 2 : i32
    %dma_wait3A_684 = arith.constant 0 : i32
    %dma_wait3A_685 = arith.constant 256 : i32
    %dma_wait3A_686 = tpu.memref_slice %arg6[%dma_wait3A_684, %dma_wait3A_685] : memref<16x512xf32, #tpu.memory_space<vmem>> -> memref<1x128xf32, #tpu.memory_space<vmem>>
    %dma_wait3A_687 = tpu.memref_squeeze %dma_wait3A_686 : memref<1x128xf32, #tpu.memory_space<vmem>> -> memref<128xf32, #tpu.memory_space<vmem>>
    %dma_wait3A_688 = arith.constant 0 : i32
    %dma_wait3A_689 = tpu.memref_slice %arg5[%dma_wait3A_683, %dma_wait3A_688] : memref<64x128xi32, #tpu.memory_space<vmem>> -> memref<1x128xi32, #tpu.memory_space<vmem>>
    %dma_wait3A_690 = tpu.memref_squeeze %dma_wait3A_689 : memref<1x128xi32, #tpu.memory_space<vmem>> -> memref<128xi32, #tpu.memory_space<vmem>>
    %dma_wait3A_691 = arith.constant 0 : i32
    %dma_wait3A_692 = tpu.memref_slice %arg8[%dma_wait3A_691] : memref<131328xf32, #tpu.memory_space<vmem_shared>> -> memref<131328xf32, #tpu.memory_space<vmem_shared>>
    tpu.wait_indirect_dma semaphore(%arg9 : memref<!tpu.dma_semaphore, #tpu.memory_space<semaphore_mem>>) src(%dma_wait3A_692 : memref<131328xf32, #tpu.memory_space<vmem_shared>>) dst(%dma_wait3A_687 : memref<128xf32, #tpu.memory_space<vmem>>)
    %dma_wait3A_693 = arith.constant 3 : i32
    %dma_wait3A_694 = arith.constant 0 : i32
    %dma_wait3A_695 = arith.constant 384 : i32
    %dma_wait3A_696 = tpu.memref_slice %arg6[%dma_wait3A_694, %dma_wait3A_695] : memref<16x512xf32, #tpu.memory_space<vmem>> -> memref<1x128xf32, #tpu.memory_space<vmem>>
    %dma_wait3A_697 = tpu.memref_squeeze %dma_wait3A_696 : memref<1x128xf32, #tpu.memory_space<vmem>> -> memref<128xf32, #tpu.memory_space<vmem>>
    %dma_wait3A_698 = arith.constant 0 : i32
    %dma_wait3A_699 = tpu.memref_slice %arg5[%dma_wait3A_693, %dma_wait3A_698] : memref<64x128xi32, #tpu.memory_space<vmem>> -> memref<1x128xi32, #tpu.memory_space<vmem>>
    %dma_wait3A_700 = tpu.memref_squeeze %dma_wait3A_699 : memref<1x128xi32, #tpu.memory_space<vmem>> -> memref<128xi32, #tpu.memory_space<vmem>>
    %dma_wait3A_701 = arith.constant 0 : i32
    %dma_wait3A_702 = tpu.memref_slice %arg8[%dma_wait3A_701] : memref<131328xf32, #tpu.memory_space<vmem_shared>> -> memref<131328xf32, #tpu.memory_space<vmem_shared>>
    tpu.wait_indirect_dma semaphore(%arg9 : memref<!tpu.dma_semaphore, #tpu.memory_space<semaphore_mem>>) src(%dma_wait3A_702 : memref<131328xf32, #tpu.memory_space<vmem_shared>>) dst(%dma_wait3A_697 : memref<128xf32, #tpu.memory_space<vmem>>)
    %dma_wait3A_703 = arith.constant 4 : i32
    %dma_wait3A_704 = arith.constant 1 : i32
    %dma_wait3A_705 = arith.constant 0 : i32
    %dma_wait3A_706 = tpu.memref_slice %arg6[%dma_wait3A_704, %dma_wait3A_705] : memref<16x512xf32, #tpu.memory_space<vmem>> -> memref<1x128xf32, #tpu.memory_space<vmem>>
    %dma_wait3A_707 = tpu.memref_squeeze %dma_wait3A_706 : memref<1x128xf32, #tpu.memory_space<vmem>> -> memref<128xf32, #tpu.memory_space<vmem>>
    %dma_wait3A_708 = arith.constant 0 : i32
    %dma_wait3A_709 = tpu.memref_slice %arg5[%dma_wait3A_703, %dma_wait3A_708] : memref<64x128xi32, #tpu.memory_space<vmem>> -> memref<1x128xi32, #tpu.memory_space<vmem>>
    %dma_wait3A_710 = tpu.memref_squeeze %dma_wait3A_709 : memref<1x128xi32, #tpu.memory_space<vmem>> -> memref<128xi32, #tpu.memory_space<vmem>>
    %dma_wait3A_711 = arith.constant 0 : i32
    %dma_wait3A_712 = tpu.memref_slice %arg8[%dma_wait3A_711] : memref<131328xf32, #tpu.memory_space<vmem_shared>> -> memref<131328xf32, #tpu.memory_space<vmem_shared>>
    tpu.wait_indirect_dma semaphore(%arg9 : memref<!tpu.dma_semaphore, #tpu.memory_space<semaphore_mem>>) src(%dma_wait3A_712 : memref<131328xf32, #tpu.memory_space<vmem_shared>>) dst(%dma_wait3A_707 : memref<128xf32, #tpu.memory_space<vmem>>)
    %dma_wait3A_713 = arith.constant 5 : i32
    %dma_wait3A_714 = arith.constant 1 : i32
    %dma_wait3A_715 = arith.constant 128 : i32
    %dma_wait3A_716 = tpu.memref_slice %arg6[%dma_wait3A_714, %dma_wait3A_715] : memref<16x512xf32, #tpu.memory_space<vmem>> -> memref<1x128xf32, #tpu.memory_space<vmem>>
    %dma_wait3A_717 = tpu.memref_squeeze %dma_wait3A_716 : memref<1x128xf32, #tpu.memory_space<vmem>> -> memref<128xf32, #tpu.memory_space<vmem>>
    %dma_wait3A_718 = arith.constant 0 : i32
    %dma_wait3A_719 = tpu.memref_slice %arg5[%dma_wait3A_713, %dma_wait3A_718] : memref<64x128xi32, #tpu.memory_space<vmem>> -> memref<1x128xi32, #tpu.memory_space<vmem>>
    %dma_wait3A_720 = tpu.memref_squeeze %dma_wait3A_719 : memref<1x128xi32, #tpu.memory_space<vmem>> -> memref<128xi32, #tpu.memory_space<vmem>>
    %dma_wait3A_721 = arith.constant 0 : i32
    %dma_wait3A_722 = tpu.memref_slice %arg8[%dma_wait3A_721] : memref<131328xf32, #tpu.memory_space<vmem_shared>> -> memref<131328xf32, #tpu.memory_space<vmem_shared>>
    tpu.wait_indirect_dma semaphore(%arg9 : memref<!tpu.dma_semaphore, #tpu.memory_space<semaphore_mem>>) src(%dma_wait3A_722 : memref<131328xf32, #tpu.memory_space<vmem_shared>>) dst(%dma_wait3A_717 : memref<128xf32, #tpu.memory_space<vmem>>)
    %dma_wait3A_723 = arith.constant 6 : i32
    %dma_wait3A_724 = arith.constant 1 : i32
    %dma_wait3A_725 = arith.constant 256 : i32
    %dma_wait3A_726 = tpu.memref_slice %arg6[%dma_wait3A_724, %dma_wait3A_725] : memref<16x512xf32, #tpu.memory_space<vmem>> -> memref<1x128xf32, #tpu.memory_space<vmem>>
    %dma_wait3A_727 = tpu.memref_squeeze %dma_wait3A_726 : memref<1x128xf32, #tpu.memory_space<vmem>> -> memref<128xf32, #tpu.memory_space<vmem>>
    %dma_wait3A_728 = arith.constant 0 : i32
    %dma_wait3A_729 = tpu.memref_slice %arg5[%dma_wait3A_723, %dma_wait3A_728] : memref<64x128xi32, #tpu.memory_space<vmem>> -> memref<1x128xi32, #tpu.memory_space<vmem>>
    %dma_wait3A_730 = tpu.memref_squeeze %dma_wait3A_729 : memref<1x128xi32, #tpu.memory_space<vmem>> -> memref<128xi32, #tpu.memory_space<vmem>>
    %dma_wait3A_731 = arith.constant 0 : i32
    %dma_wait3A_732 = tpu.memref_slice %arg8[%dma_wait3A_731] : memref<131328xf32, #tpu.memory_space<vmem_shared>> -> memref<131328xf32, #tpu.memory_space<vmem_shared>>
    tpu.wait_indirect_dma semaphore(%arg9 : memref<!tpu.dma_semaphore, #tpu.memory_space<semaphore_mem>>) src(%dma_wait3A_732 : memref<131328xf32, #tpu.memory_space<vmem_shared>>) dst(%dma_wait3A_727 : memref<128xf32, #tpu.memory_space<vmem>>)
    %dma_wait3A_733 = arith.constant 7 : i32
    %dma_wait3A_734 = arith.constant 1 : i32
    %dma_wait3A_735 = arith.constant 384 : i32
    %dma_wait3A_736 = tpu.memref_slice %arg6[%dma_wait3A_734, %dma_wait3A_735] : memref<16x512xf32, #tpu.memory_space<vmem>> -> memref<1x128xf32, #tpu.memory_space<vmem>>
    %dma_wait3A_737 = tpu.memref_squeeze %dma_wait3A_736 : memref<1x128xf32, #tpu.memory_space<vmem>> -> memref<128xf32, #tpu.memory_space<vmem>>
    %dma_wait3A_738 = arith.constant 0 : i32
    %dma_wait3A_739 = tpu.memref_slice %arg5[%dma_wait3A_733, %dma_wait3A_738] : memref<64x128xi32, #tpu.memory_space<vmem>> -> memref<1x128xi32, #tpu.memory_space<vmem>>
    %dma_wait3A_740 = tpu.memref_squeeze %dma_wait3A_739 : memref<1x128xi32, #tpu.memory_space<vmem>> -> memref<128xi32, #tpu.memory_space<vmem>>
    %dma_wait3A_741 = arith.constant 0 : i32
    %dma_wait3A_742 = tpu.memref_slice %arg8[%dma_wait3A_741] : memref<131328xf32, #tpu.memory_space<vmem_shared>> -> memref<131328xf32, #tpu.memory_space<vmem_shared>>
    tpu.wait_indirect_dma semaphore(%arg9 : memref<!tpu.dma_semaphore, #tpu.memory_space<semaphore_mem>>) src(%dma_wait3A_742 : memref<131328xf32, #tpu.memory_space<vmem_shared>>) dst(%dma_wait3A_737 : memref<128xf32, #tpu.memory_space<vmem>>)
    %dma_wait3A_743 = arith.constant 8 : i32
    %dma_wait3A_744 = arith.constant 2 : i32
    %dma_wait3A_745 = arith.constant 0 : i32
    %dma_wait3A_746 = tpu.memref_slice %arg6[%dma_wait3A_744, %dma_wait3A_745] : memref<16x512xf32, #tpu.memory_space<vmem>> -> memref<1x128xf32, #tpu.memory_space<vmem>>
    %dma_wait3A_747 = tpu.memref_squeeze %dma_wait3A_746 : memref<1x128xf32, #tpu.memory_space<vmem>> -> memref<128xf32, #tpu.memory_space<vmem>>
    %dma_wait3A_748 = arith.constant 0 : i32
    %dma_wait3A_749 = tpu.memref_slice %arg5[%dma_wait3A_743, %dma_wait3A_748] : memref<64x128xi32, #tpu.memory_space<vmem>> -> memref<1x128xi32, #tpu.memory_space<vmem>>
    %dma_wait3A_750 = tpu.memref_squeeze %dma_wait3A_749 : memref<1x128xi32, #tpu.memory_space<vmem>> -> memref<128xi32, #tpu.memory_space<vmem>>
    %dma_wait3A_751 = arith.constant 0 : i32
    %dma_wait3A_752 = tpu.memref_slice %arg8[%dma_wait3A_751] : memref<131328xf32, #tpu.memory_space<vmem_shared>> -> memref<131328xf32, #tpu.memory_space<vmem_shared>>
    tpu.wait_indirect_dma semaphore(%arg9 : memref<!tpu.dma_semaphore, #tpu.memory_space<semaphore_mem>>) src(%dma_wait3A_752 : memref<131328xf32, #tpu.memory_space<vmem_shared>>) dst(%dma_wait3A_747 : memref<128xf32, #tpu.memory_space<vmem>>)
    %dma_wait3A_753 = arith.constant 9 : i32
    %dma_wait3A_754 = arith.constant 2 : i32
    %dma_wait3A_755 = arith.constant 128 : i32
    %dma_wait3A_756 = tpu.memref_slice %arg6[%dma_wait3A_754, %dma_wait3A_755] : memref<16x512xf32, #tpu.memory_space<vmem>> -> memref<1x128xf32, #tpu.memory_space<vmem>>
    %dma_wait3A_757 = tpu.memref_squeeze %dma_wait3A_756 : memref<1x128xf32, #tpu.memory_space<vmem>> -> memref<128xf32, #tpu.memory_space<vmem>>
    %dma_wait3A_758 = arith.constant 0 : i32
    %dma_wait3A_759 = tpu.memref_slice %arg5[%dma_wait3A_753, %dma_wait3A_758] : memref<64x128xi32, #tpu.memory_space<vmem>> -> memref<1x128xi32, #tpu.memory_space<vmem>>
    %dma_wait3A_760 = tpu.memref_squeeze %dma_wait3A_759 : memref<1x128xi32, #tpu.memory_space<vmem>> -> memref<128xi32, #tpu.memory_space<vmem>>
    %dma_wait3A_761 = arith.constant 0 : i32
    %dma_wait3A_762 = tpu.memref_slice %arg8[%dma_wait3A_761] : memref<131328xf32, #tpu.memory_space<vmem_shared>> -> memref<131328xf32, #tpu.memory_space<vmem_shared>>
    tpu.wait_indirect_dma semaphore(%arg9 : memref<!tpu.dma_semaphore, #tpu.memory_space<semaphore_mem>>) src(%dma_wait3A_762 : memref<131328xf32, #tpu.memory_space<vmem_shared>>) dst(%dma_wait3A_757 : memref<128xf32, #tpu.memory_space<vmem>>)
    %dma_wait3A_763 = arith.constant 10 : i32
    %dma_wait3A_764 = arith.constant 2 : i32
    %dma_wait3A_765 = arith.constant 256 : i32
    %dma_wait3A_766 = tpu.memref_slice %arg6[%dma_wait3A_764, %dma_wait3A_765] : memref<16x512xf32, #tpu.memory_space<vmem>> -> memref<1x128xf32, #tpu.memory_space<vmem>>
    %dma_wait3A_767 = tpu.memref_squeeze %dma_wait3A_766 : memref<1x128xf32, #tpu.memory_space<vmem>> -> memref<128xf32, #tpu.memory_space<vmem>>
    %dma_wait3A_768 = arith.constant 0 : i32
    %dma_wait3A_769 = tpu.memref_slice %arg5[%dma_wait3A_763, %dma_wait3A_768] : memref<64x128xi32, #tpu.memory_space<vmem>> -> memref<1x128xi32, #tpu.memory_space<vmem>>
    %dma_wait3A_770 = tpu.memref_squeeze %dma_wait3A_769 : memref<1x128xi32, #tpu.memory_space<vmem>> -> memref<128xi32, #tpu.memory_space<vmem>>
    %dma_wait3A_771 = arith.constant 0 : i32
    %dma_wait3A_772 = tpu.memref_slice %arg8[%dma_wait3A_771] : memref<131328xf32, #tpu.memory_space<vmem_shared>> -> memref<131328xf32, #tpu.memory_space<vmem_shared>>
    tpu.wait_indirect_dma semaphore(%arg9 : memref<!tpu.dma_semaphore, #tpu.memory_space<semaphore_mem>>) src(%dma_wait3A_772 : memref<131328xf32, #tpu.memory_space<vmem_shared>>) dst(%dma_wait3A_767 : memref<128xf32, #tpu.memory_space<vmem>>)
    %dma_wait3A_773 = arith.constant 11 : i32
    %dma_wait3A_774 = arith.constant 2 : i32
    %dma_wait3A_775 = arith.constant 384 : i32
    %dma_wait3A_776 = tpu.memref_slice %arg6[%dma_wait3A_774, %dma_wait3A_775] : memref<16x512xf32, #tpu.memory_space<vmem>> -> memref<1x128xf32, #tpu.memory_space<vmem>>
    %dma_wait3A_777 = tpu.memref_squeeze %dma_wait3A_776 : memref<1x128xf32, #tpu.memory_space<vmem>> -> memref<128xf32, #tpu.memory_space<vmem>>
    %dma_wait3A_778 = arith.constant 0 : i32
    %dma_wait3A_779 = tpu.memref_slice %arg5[%dma_wait3A_773, %dma_wait3A_778] : memref<64x128xi32, #tpu.memory_space<vmem>> -> memref<1x128xi32, #tpu.memory_space<vmem>>
    %dma_wait3A_780 = tpu.memref_squeeze %dma_wait3A_779 : memref<1x128xi32, #tpu.memory_space<vmem>> -> memref<128xi32, #tpu.memory_space<vmem>>
    %dma_wait3A_781 = arith.constant 0 : i32
    %dma_wait3A_782 = tpu.memref_slice %arg8[%dma_wait3A_781] : memref<131328xf32, #tpu.memory_space<vmem_shared>> -> memref<131328xf32, #tpu.memory_space<vmem_shared>>
    tpu.wait_indirect_dma semaphore(%arg9 : memref<!tpu.dma_semaphore, #tpu.memory_space<semaphore_mem>>) src(%dma_wait3A_782 : memref<131328xf32, #tpu.memory_space<vmem_shared>>) dst(%dma_wait3A_777 : memref<128xf32, #tpu.memory_space<vmem>>)
    %dma_wait3A_783 = arith.constant 12 : i32
    %dma_wait3A_784 = arith.constant 3 : i32
    %dma_wait3A_785 = arith.constant 0 : i32
    %dma_wait3A_786 = tpu.memref_slice %arg6[%dma_wait3A_784, %dma_wait3A_785] : memref<16x512xf32, #tpu.memory_space<vmem>> -> memref<1x128xf32, #tpu.memory_space<vmem>>
    %dma_wait3A_787 = tpu.memref_squeeze %dma_wait3A_786 : memref<1x128xf32, #tpu.memory_space<vmem>> -> memref<128xf32, #tpu.memory_space<vmem>>
    %dma_wait3A_788 = arith.constant 0 : i32
    %dma_wait3A_789 = tpu.memref_slice %arg5[%dma_wait3A_783, %dma_wait3A_788] : memref<64x128xi32, #tpu.memory_space<vmem>> -> memref<1x128xi32, #tpu.memory_space<vmem>>
    %dma_wait3A_790 = tpu.memref_squeeze %dma_wait3A_789 : memref<1x128xi32, #tpu.memory_space<vmem>> -> memref<128xi32, #tpu.memory_space<vmem>>
    %dma_wait3A_791 = arith.constant 0 : i32
    %dma_wait3A_792 = tpu.memref_slice %arg8[%dma_wait3A_791] : memref<131328xf32, #tpu.memory_space<vmem_shared>> -> memref<131328xf32, #tpu.memory_space<vmem_shared>>
    tpu.wait_indirect_dma semaphore(%arg9 : memref<!tpu.dma_semaphore, #tpu.memory_space<semaphore_mem>>) src(%dma_wait3A_792 : memref<131328xf32, #tpu.memory_space<vmem_shared>>) dst(%dma_wait3A_787 : memref<128xf32, #tpu.memory_space<vmem>>)
    %dma_wait3A_793 = arith.constant 13 : i32
    %dma_wait3A_794 = arith.constant 3 : i32
    %dma_wait3A_795 = arith.constant 128 : i32
    %dma_wait3A_796 = tpu.memref_slice %arg6[%dma_wait3A_794, %dma_wait3A_795] : memref<16x512xf32, #tpu.memory_space<vmem>> -> memref<1x128xf32, #tpu.memory_space<vmem>>
    %dma_wait3A_797 = tpu.memref_squeeze %dma_wait3A_796 : memref<1x128xf32, #tpu.memory_space<vmem>> -> memref<128xf32, #tpu.memory_space<vmem>>
    %dma_wait3A_798 = arith.constant 0 : i32
    %dma_wait3A_799 = tpu.memref_slice %arg5[%dma_wait3A_793, %dma_wait3A_798] : memref<64x128xi32, #tpu.memory_space<vmem>> -> memref<1x128xi32, #tpu.memory_space<vmem>>
    %dma_wait3A_800 = tpu.memref_squeeze %dma_wait3A_799 : memref<1x128xi32, #tpu.memory_space<vmem>> -> memref<128xi32, #tpu.memory_space<vmem>>
    %dma_wait3A_801 = arith.constant 0 : i32
    %dma_wait3A_802 = tpu.memref_slice %arg8[%dma_wait3A_801] : memref<131328xf32, #tpu.memory_space<vmem_shared>> -> memref<131328xf32, #tpu.memory_space<vmem_shared>>
    tpu.wait_indirect_dma semaphore(%arg9 : memref<!tpu.dma_semaphore, #tpu.memory_space<semaphore_mem>>) src(%dma_wait3A_802 : memref<131328xf32, #tpu.memory_space<vmem_shared>>) dst(%dma_wait3A_797 : memref<128xf32, #tpu.memory_space<vmem>>)
    %dma_wait3A_803 = arith.constant 14 : i32
    %dma_wait3A_804 = arith.constant 3 : i32
    %dma_wait3A_805 = arith.constant 256 : i32
    %dma_wait3A_806 = tpu.memref_slice %arg6[%dma_wait3A_804, %dma_wait3A_805] : memref<16x512xf32, #tpu.memory_space<vmem>> -> memref<1x128xf32, #tpu.memory_space<vmem>>
    %dma_wait3A_807 = tpu.memref_squeeze %dma_wait3A_806 : memref<1x128xf32, #tpu.memory_space<vmem>> -> memref<128xf32, #tpu.memory_space<vmem>>
    %dma_wait3A_808 = arith.constant 0 : i32
    %dma_wait3A_809 = tpu.memref_slice %arg5[%dma_wait3A_803, %dma_wait3A_808] : memref<64x128xi32, #tpu.memory_space<vmem>> -> memref<1x128xi32, #tpu.memory_space<vmem>>
    %dma_wait3A_810 = tpu.memref_squeeze %dma_wait3A_809 : memref<1x128xi32, #tpu.memory_space<vmem>> -> memref<128xi32, #tpu.memory_space<vmem>>
    %dma_wait3A_811 = arith.constant 0 : i32
    %dma_wait3A_812 = tpu.memref_slice %arg8[%dma_wait3A_811] : memref<131328xf32, #tpu.memory_space<vmem_shared>> -> memref<131328xf32, #tpu.memory_space<vmem_shared>>
    tpu.wait_indirect_dma semaphore(%arg9 : memref<!tpu.dma_semaphore, #tpu.memory_space<semaphore_mem>>) src(%dma_wait3A_812 : memref<131328xf32, #tpu.memory_space<vmem_shared>>) dst(%dma_wait3A_807 : memref<128xf32, #tpu.memory_space<vmem>>)
    %dma_wait3A_813 = arith.constant 15 : i32
    %dma_wait3A_814 = arith.constant 3 : i32
    %dma_wait3A_815 = arith.constant 384 : i32
    %dma_wait3A_816 = tpu.memref_slice %arg6[%dma_wait3A_814, %dma_wait3A_815] : memref<16x512xf32, #tpu.memory_space<vmem>> -> memref<1x128xf32, #tpu.memory_space<vmem>>
    %dma_wait3A_817 = tpu.memref_squeeze %dma_wait3A_816 : memref<1x128xf32, #tpu.memory_space<vmem>> -> memref<128xf32, #tpu.memory_space<vmem>>
    %dma_wait3A_818 = arith.constant 0 : i32
    %dma_wait3A_819 = tpu.memref_slice %arg5[%dma_wait3A_813, %dma_wait3A_818] : memref<64x128xi32, #tpu.memory_space<vmem>> -> memref<1x128xi32, #tpu.memory_space<vmem>>
    %dma_wait3A_820 = tpu.memref_squeeze %dma_wait3A_819 : memref<1x128xi32, #tpu.memory_space<vmem>> -> memref<128xi32, #tpu.memory_space<vmem>>
    %dma_wait3A_821 = arith.constant 0 : i32
    %dma_wait3A_822 = tpu.memref_slice %arg8[%dma_wait3A_821] : memref<131328xf32, #tpu.memory_space<vmem_shared>> -> memref<131328xf32, #tpu.memory_space<vmem_shared>>
    tpu.wait_indirect_dma semaphore(%arg9 : memref<!tpu.dma_semaphore, #tpu.memory_space<semaphore_mem>>) src(%dma_wait3A_822 : memref<131328xf32, #tpu.memory_space<vmem_shared>>) dst(%dma_wait3A_817 : memref<128xf32, #tpu.memory_space<vmem>>)
    %dma_wait3A_823 = arith.constant 16 : i32
    %dma_wait3A_824 = arith.constant 4 : i32
    %dma_wait3A_825 = arith.constant 0 : i32
    %dma_wait3A_826 = tpu.memref_slice %arg6[%dma_wait3A_824, %dma_wait3A_825] : memref<16x512xf32, #tpu.memory_space<vmem>> -> memref<1x128xf32, #tpu.memory_space<vmem>>
    %dma_wait3A_827 = tpu.memref_squeeze %dma_wait3A_826 : memref<1x128xf32, #tpu.memory_space<vmem>> -> memref<128xf32, #tpu.memory_space<vmem>>
    %dma_wait3A_828 = arith.constant 0 : i32
    %dma_wait3A_829 = tpu.memref_slice %arg5[%dma_wait3A_823, %dma_wait3A_828] : memref<64x128xi32, #tpu.memory_space<vmem>> -> memref<1x128xi32, #tpu.memory_space<vmem>>
    %dma_wait3A_830 = tpu.memref_squeeze %dma_wait3A_829 : memref<1x128xi32, #tpu.memory_space<vmem>> -> memref<128xi32, #tpu.memory_space<vmem>>
    %dma_wait3A_831 = arith.constant 0 : i32
    %dma_wait3A_832 = tpu.memref_slice %arg8[%dma_wait3A_831] : memref<131328xf32, #tpu.memory_space<vmem_shared>> -> memref<131328xf32, #tpu.memory_space<vmem_shared>>
    tpu.wait_indirect_dma semaphore(%arg9 : memref<!tpu.dma_semaphore, #tpu.memory_space<semaphore_mem>>) src(%dma_wait3A_832 : memref<131328xf32, #tpu.memory_space<vmem_shared>>) dst(%dma_wait3A_827 : memref<128xf32, #tpu.memory_space<vmem>>)
    %dma_wait3A_833 = arith.constant 17 : i32
    %dma_wait3A_834 = arith.constant 4 : i32
    %dma_wait3A_835 = arith.constant 128 : i32
    %dma_wait3A_836 = tpu.memref_slice %arg6[%dma_wait3A_834, %dma_wait3A_835] : memref<16x512xf32, #tpu.memory_space<vmem>> -> memref<1x128xf32, #tpu.memory_space<vmem>>
    %dma_wait3A_837 = tpu.memref_squeeze %dma_wait3A_836 : memref<1x128xf32, #tpu.memory_space<vmem>> -> memref<128xf32, #tpu.memory_space<vmem>>
    %dma_wait3A_838 = arith.constant 0 : i32
    %dma_wait3A_839 = tpu.memref_slice %arg5[%dma_wait3A_833, %dma_wait3A_838] : memref<64x128xi32, #tpu.memory_space<vmem>> -> memref<1x128xi32, #tpu.memory_space<vmem>>
    %dma_wait3A_840 = tpu.memref_squeeze %dma_wait3A_839 : memref<1x128xi32, #tpu.memory_space<vmem>> -> memref<128xi32, #tpu.memory_space<vmem>>
    %dma_wait3A_841 = arith.constant 0 : i32
    %dma_wait3A_842 = tpu.memref_slice %arg8[%dma_wait3A_841] : memref<131328xf32, #tpu.memory_space<vmem_shared>> -> memref<131328xf32, #tpu.memory_space<vmem_shared>>
    tpu.wait_indirect_dma semaphore(%arg9 : memref<!tpu.dma_semaphore, #tpu.memory_space<semaphore_mem>>) src(%dma_wait3A_842 : memref<131328xf32, #tpu.memory_space<vmem_shared>>) dst(%dma_wait3A_837 : memref<128xf32, #tpu.memory_space<vmem>>)
    %dma_wait3A_843 = arith.constant 18 : i32
    %dma_wait3A_844 = arith.constant 4 : i32
    %dma_wait3A_845 = arith.constant 256 : i32
    %dma_wait3A_846 = tpu.memref_slice %arg6[%dma_wait3A_844, %dma_wait3A_845] : memref<16x512xf32, #tpu.memory_space<vmem>> -> memref<1x128xf32, #tpu.memory_space<vmem>>
    %dma_wait3A_847 = tpu.memref_squeeze %dma_wait3A_846 : memref<1x128xf32, #tpu.memory_space<vmem>> -> memref<128xf32, #tpu.memory_space<vmem>>
    %dma_wait3A_848 = arith.constant 0 : i32
    %dma_wait3A_849 = tpu.memref_slice %arg5[%dma_wait3A_843, %dma_wait3A_848] : memref<64x128xi32, #tpu.memory_space<vmem>> -> memref<1x128xi32, #tpu.memory_space<vmem>>
    %dma_wait3A_850 = tpu.memref_squeeze %dma_wait3A_849 : memref<1x128xi32, #tpu.memory_space<vmem>> -> memref<128xi32, #tpu.memory_space<vmem>>
    %dma_wait3A_851 = arith.constant 0 : i32
    %dma_wait3A_852 = tpu.memref_slice %arg8[%dma_wait3A_851] : memref<131328xf32, #tpu.memory_space<vmem_shared>> -> memref<131328xf32, #tpu.memory_space<vmem_shared>>
    tpu.wait_indirect_dma semaphore(%arg9 : memref<!tpu.dma_semaphore, #tpu.memory_space<semaphore_mem>>) src(%dma_wait3A_852 : memref<131328xf32, #tpu.memory_space<vmem_shared>>) dst(%dma_wait3A_847 : memref<128xf32, #tpu.memory_space<vmem>>)
    %dma_wait3A_853 = arith.constant 19 : i32
    %dma_wait3A_854 = arith.constant 4 : i32
    %dma_wait3A_855 = arith.constant 384 : i32
    %dma_wait3A_856 = tpu.memref_slice %arg6[%dma_wait3A_854, %dma_wait3A_855] : memref<16x512xf32, #tpu.memory_space<vmem>> -> memref<1x128xf32, #tpu.memory_space<vmem>>
    %dma_wait3A_857 = tpu.memref_squeeze %dma_wait3A_856 : memref<1x128xf32, #tpu.memory_space<vmem>> -> memref<128xf32, #tpu.memory_space<vmem>>
    %dma_wait3A_858 = arith.constant 0 : i32
    %dma_wait3A_859 = tpu.memref_slice %arg5[%dma_wait3A_853, %dma_wait3A_858] : memref<64x128xi32, #tpu.memory_space<vmem>> -> memref<1x128xi32, #tpu.memory_space<vmem>>
    %dma_wait3A_860 = tpu.memref_squeeze %dma_wait3A_859 : memref<1x128xi32, #tpu.memory_space<vmem>> -> memref<128xi32, #tpu.memory_space<vmem>>
    %dma_wait3A_861 = arith.constant 0 : i32
    %dma_wait3A_862 = tpu.memref_slice %arg8[%dma_wait3A_861] : memref<131328xf32, #tpu.memory_space<vmem_shared>> -> memref<131328xf32, #tpu.memory_space<vmem_shared>>
    tpu.wait_indirect_dma semaphore(%arg9 : memref<!tpu.dma_semaphore, #tpu.memory_space<semaphore_mem>>) src(%dma_wait3A_862 : memref<131328xf32, #tpu.memory_space<vmem_shared>>) dst(%dma_wait3A_857 : memref<128xf32, #tpu.memory_space<vmem>>)
    %dma_wait3A_863 = arith.constant 20 : i32
    %dma_wait3A_864 = arith.constant 5 : i32
    %dma_wait3A_865 = arith.constant 0 : i32
    %dma_wait3A_866 = tpu.memref_slice %arg6[%dma_wait3A_864, %dma_wait3A_865] : memref<16x512xf32, #tpu.memory_space<vmem>> -> memref<1x128xf32, #tpu.memory_space<vmem>>
    %dma_wait3A_867 = tpu.memref_squeeze %dma_wait3A_866 : memref<1x128xf32, #tpu.memory_space<vmem>> -> memref<128xf32, #tpu.memory_space<vmem>>
    %dma_wait3A_868 = arith.constant 0 : i32
    %dma_wait3A_869 = tpu.memref_slice %arg5[%dma_wait3A_863, %dma_wait3A_868] : memref<64x128xi32, #tpu.memory_space<vmem>> -> memref<1x128xi32, #tpu.memory_space<vmem>>
    %dma_wait3A_870 = tpu.memref_squeeze %dma_wait3A_869 : memref<1x128xi32, #tpu.memory_space<vmem>> -> memref<128xi32, #tpu.memory_space<vmem>>
    %dma_wait3A_871 = arith.constant 0 : i32
    %dma_wait3A_872 = tpu.memref_slice %arg8[%dma_wait3A_871] : memref<131328xf32, #tpu.memory_space<vmem_shared>> -> memref<131328xf32, #tpu.memory_space<vmem_shared>>
    tpu.wait_indirect_dma semaphore(%arg9 : memref<!tpu.dma_semaphore, #tpu.memory_space<semaphore_mem>>) src(%dma_wait3A_872 : memref<131328xf32, #tpu.memory_space<vmem_shared>>) dst(%dma_wait3A_867 : memref<128xf32, #tpu.memory_space<vmem>>)
    %dma_wait3A_873 = arith.constant 21 : i32
    %dma_wait3A_874 = arith.constant 5 : i32
    %dma_wait3A_875 = arith.constant 128 : i32
    %dma_wait3A_876 = tpu.memref_slice %arg6[%dma_wait3A_874, %dma_wait3A_875] : memref<16x512xf32, #tpu.memory_space<vmem>> -> memref<1x128xf32, #tpu.memory_space<vmem>>
    %dma_wait3A_877 = tpu.memref_squeeze %dma_wait3A_876 : memref<1x128xf32, #tpu.memory_space<vmem>> -> memref<128xf32, #tpu.memory_space<vmem>>
    %dma_wait3A_878 = arith.constant 0 : i32
    %dma_wait3A_879 = tpu.memref_slice %arg5[%dma_wait3A_873, %dma_wait3A_878] : memref<64x128xi32, #tpu.memory_space<vmem>> -> memref<1x128xi32, #tpu.memory_space<vmem>>
    %dma_wait3A_880 = tpu.memref_squeeze %dma_wait3A_879 : memref<1x128xi32, #tpu.memory_space<vmem>> -> memref<128xi32, #tpu.memory_space<vmem>>
    %dma_wait3A_881 = arith.constant 0 : i32
    %dma_wait3A_882 = tpu.memref_slice %arg8[%dma_wait3A_881] : memref<131328xf32, #tpu.memory_space<vmem_shared>> -> memref<131328xf32, #tpu.memory_space<vmem_shared>>
    tpu.wait_indirect_dma semaphore(%arg9 : memref<!tpu.dma_semaphore, #tpu.memory_space<semaphore_mem>>) src(%dma_wait3A_882 : memref<131328xf32, #tpu.memory_space<vmem_shared>>) dst(%dma_wait3A_877 : memref<128xf32, #tpu.memory_space<vmem>>)
    %dma_wait3A_883 = arith.constant 22 : i32
    %dma_wait3A_884 = arith.constant 5 : i32
    %dma_wait3A_885 = arith.constant 256 : i32
    %dma_wait3A_886 = tpu.memref_slice %arg6[%dma_wait3A_884, %dma_wait3A_885] : memref<16x512xf32, #tpu.memory_space<vmem>> -> memref<1x128xf32, #tpu.memory_space<vmem>>
    %dma_wait3A_887 = tpu.memref_squeeze %dma_wait3A_886 : memref<1x128xf32, #tpu.memory_space<vmem>> -> memref<128xf32, #tpu.memory_space<vmem>>
    %dma_wait3A_888 = arith.constant 0 : i32
    %dma_wait3A_889 = tpu.memref_slice %arg5[%dma_wait3A_883, %dma_wait3A_888] : memref<64x128xi32, #tpu.memory_space<vmem>> -> memref<1x128xi32, #tpu.memory_space<vmem>>
    %dma_wait3A_890 = tpu.memref_squeeze %dma_wait3A_889 : memref<1x128xi32, #tpu.memory_space<vmem>> -> memref<128xi32, #tpu.memory_space<vmem>>
    %dma_wait3A_891 = arith.constant 0 : i32
    %dma_wait3A_892 = tpu.memref_slice %arg8[%dma_wait3A_891] : memref<131328xf32, #tpu.memory_space<vmem_shared>> -> memref<131328xf32, #tpu.memory_space<vmem_shared>>
    tpu.wait_indirect_dma semaphore(%arg9 : memref<!tpu.dma_semaphore, #tpu.memory_space<semaphore_mem>>) src(%dma_wait3A_892 : memref<131328xf32, #tpu.memory_space<vmem_shared>>) dst(%dma_wait3A_887 : memref<128xf32, #tpu.memory_space<vmem>>)
    %dma_wait3A_893 = arith.constant 23 : i32
    %dma_wait3A_894 = arith.constant 5 : i32
    %dma_wait3A_895 = arith.constant 384 : i32
    %dma_wait3A_896 = tpu.memref_slice %arg6[%dma_wait3A_894, %dma_wait3A_895] : memref<16x512xf32, #tpu.memory_space<vmem>> -> memref<1x128xf32, #tpu.memory_space<vmem>>
    %dma_wait3A_897 = tpu.memref_squeeze %dma_wait3A_896 : memref<1x128xf32, #tpu.memory_space<vmem>> -> memref<128xf32, #tpu.memory_space<vmem>>
    %dma_wait3A_898 = arith.constant 0 : i32
    %dma_wait3A_899 = tpu.memref_slice %arg5[%dma_wait3A_893, %dma_wait3A_898] : memref<64x128xi32, #tpu.memory_space<vmem>> -> memref<1x128xi32, #tpu.memory_space<vmem>>
    %dma_wait3A_900 = tpu.memref_squeeze %dma_wait3A_899 : memref<1x128xi32, #tpu.memory_space<vmem>> -> memref<128xi32, #tpu.memory_space<vmem>>
    %dma_wait3A_901 = arith.constant 0 : i32
    %dma_wait3A_902 = tpu.memref_slice %arg8[%dma_wait3A_901] : memref<131328xf32, #tpu.memory_space<vmem_shared>> -> memref<131328xf32, #tpu.memory_space<vmem_shared>>
    tpu.wait_indirect_dma semaphore(%arg9 : memref<!tpu.dma_semaphore, #tpu.memory_space<semaphore_mem>>) src(%dma_wait3A_902 : memref<131328xf32, #tpu.memory_space<vmem_shared>>) dst(%dma_wait3A_897 : memref<128xf32, #tpu.memory_space<vmem>>)
    %dma_wait3A_903 = arith.constant 24 : i32
    %dma_wait3A_904 = arith.constant 6 : i32
    %dma_wait3A_905 = arith.constant 0 : i32
    %dma_wait3A_906 = tpu.memref_slice %arg6[%dma_wait3A_904, %dma_wait3A_905] : memref<16x512xf32, #tpu.memory_space<vmem>> -> memref<1x128xf32, #tpu.memory_space<vmem>>
    %dma_wait3A_907 = tpu.memref_squeeze %dma_wait3A_906 : memref<1x128xf32, #tpu.memory_space<vmem>> -> memref<128xf32, #tpu.memory_space<vmem>>
    %dma_wait3A_908 = arith.constant 0 : i32
    %dma_wait3A_909 = tpu.memref_slice %arg5[%dma_wait3A_903, %dma_wait3A_908] : memref<64x128xi32, #tpu.memory_space<vmem>> -> memref<1x128xi32, #tpu.memory_space<vmem>>
    %dma_wait3A_910 = tpu.memref_squeeze %dma_wait3A_909 : memref<1x128xi32, #tpu.memory_space<vmem>> -> memref<128xi32, #tpu.memory_space<vmem>>
    %dma_wait3A_911 = arith.constant 0 : i32
    %dma_wait3A_912 = tpu.memref_slice %arg8[%dma_wait3A_911] : memref<131328xf32, #tpu.memory_space<vmem_shared>> -> memref<131328xf32, #tpu.memory_space<vmem_shared>>
    tpu.wait_indirect_dma semaphore(%arg9 : memref<!tpu.dma_semaphore, #tpu.memory_space<semaphore_mem>>) src(%dma_wait3A_912 : memref<131328xf32, #tpu.memory_space<vmem_shared>>) dst(%dma_wait3A_907 : memref<128xf32, #tpu.memory_space<vmem>>)
    %dma_wait3A_913 = arith.constant 25 : i32
    %dma_wait3A_914 = arith.constant 6 : i32
    %dma_wait3A_915 = arith.constant 128 : i32
    %dma_wait3A_916 = tpu.memref_slice %arg6[%dma_wait3A_914, %dma_wait3A_915] : memref<16x512xf32, #tpu.memory_space<vmem>> -> memref<1x128xf32, #tpu.memory_space<vmem>>
    %dma_wait3A_917 = tpu.memref_squeeze %dma_wait3A_916 : memref<1x128xf32, #tpu.memory_space<vmem>> -> memref<128xf32, #tpu.memory_space<vmem>>
    %dma_wait3A_918 = arith.constant 0 : i32
    %dma_wait3A_919 = tpu.memref_slice %arg5[%dma_wait3A_913, %dma_wait3A_918] : memref<64x128xi32, #tpu.memory_space<vmem>> -> memref<1x128xi32, #tpu.memory_space<vmem>>
    %dma_wait3A_920 = tpu.memref_squeeze %dma_wait3A_919 : memref<1x128xi32, #tpu.memory_space<vmem>> -> memref<128xi32, #tpu.memory_space<vmem>>
    %dma_wait3A_921 = arith.constant 0 : i32
    %dma_wait3A_922 = tpu.memref_slice %arg8[%dma_wait3A_921] : memref<131328xf32, #tpu.memory_space<vmem_shared>> -> memref<131328xf32, #tpu.memory_space<vmem_shared>>
    tpu.wait_indirect_dma semaphore(%arg9 : memref<!tpu.dma_semaphore, #tpu.memory_space<semaphore_mem>>) src(%dma_wait3A_922 : memref<131328xf32, #tpu.memory_space<vmem_shared>>) dst(%dma_wait3A_917 : memref<128xf32, #tpu.memory_space<vmem>>)
    %dma_wait3A_923 = arith.constant 26 : i32
    %dma_wait3A_924 = arith.constant 6 : i32
    %dma_wait3A_925 = arith.constant 256 : i32
    %dma_wait3A_926 = tpu.memref_slice %arg6[%dma_wait3A_924, %dma_wait3A_925] : memref<16x512xf32, #tpu.memory_space<vmem>> -> memref<1x128xf32, #tpu.memory_space<vmem>>
    %dma_wait3A_927 = tpu.memref_squeeze %dma_wait3A_926 : memref<1x128xf32, #tpu.memory_space<vmem>> -> memref<128xf32, #tpu.memory_space<vmem>>
    %dma_wait3A_928 = arith.constant 0 : i32
    %dma_wait3A_929 = tpu.memref_slice %arg5[%dma_wait3A_923, %dma_wait3A_928] : memref<64x128xi32, #tpu.memory_space<vmem>> -> memref<1x128xi32, #tpu.memory_space<vmem>>
    %dma_wait3A_930 = tpu.memref_squeeze %dma_wait3A_929 : memref<1x128xi32, #tpu.memory_space<vmem>> -> memref<128xi32, #tpu.memory_space<vmem>>
    %dma_wait3A_931 = arith.constant 0 : i32
    %dma_wait3A_932 = tpu.memref_slice %arg8[%dma_wait3A_931] : memref<131328xf32, #tpu.memory_space<vmem_shared>> -> memref<131328xf32, #tpu.memory_space<vmem_shared>>
    tpu.wait_indirect_dma semaphore(%arg9 : memref<!tpu.dma_semaphore, #tpu.memory_space<semaphore_mem>>) src(%dma_wait3A_932 : memref<131328xf32, #tpu.memory_space<vmem_shared>>) dst(%dma_wait3A_927 : memref<128xf32, #tpu.memory_space<vmem>>)
    %dma_wait3A_933 = arith.constant 27 : i32
    %dma_wait3A_934 = arith.constant 6 : i32
    %dma_wait3A_935 = arith.constant 384 : i32
    %dma_wait3A_936 = tpu.memref_slice %arg6[%dma_wait3A_934, %dma_wait3A_935] : memref<16x512xf32, #tpu.memory_space<vmem>> -> memref<1x128xf32, #tpu.memory_space<vmem>>
    %dma_wait3A_937 = tpu.memref_squeeze %dma_wait3A_936 : memref<1x128xf32, #tpu.memory_space<vmem>> -> memref<128xf32, #tpu.memory_space<vmem>>
    %dma_wait3A_938 = arith.constant 0 : i32
    %dma_wait3A_939 = tpu.memref_slice %arg5[%dma_wait3A_933, %dma_wait3A_938] : memref<64x128xi32, #tpu.memory_space<vmem>> -> memref<1x128xi32, #tpu.memory_space<vmem>>
    %dma_wait3A_940 = tpu.memref_squeeze %dma_wait3A_939 : memref<1x128xi32, #tpu.memory_space<vmem>> -> memref<128xi32, #tpu.memory_space<vmem>>
    %dma_wait3A_941 = arith.constant 0 : i32
    %dma_wait3A_942 = tpu.memref_slice %arg8[%dma_wait3A_941] : memref<131328xf32, #tpu.memory_space<vmem_shared>> -> memref<131328xf32, #tpu.memory_space<vmem_shared>>
    tpu.wait_indirect_dma semaphore(%arg9 : memref<!tpu.dma_semaphore, #tpu.memory_space<semaphore_mem>>) src(%dma_wait3A_942 : memref<131328xf32, #tpu.memory_space<vmem_shared>>) dst(%dma_wait3A_937 : memref<128xf32, #tpu.memory_space<vmem>>)
    %dma_wait3A_943 = arith.constant 28 : i32
    %dma_wait3A_944 = arith.constant 7 : i32
    %dma_wait3A_945 = arith.constant 0 : i32
    %dma_wait3A_946 = tpu.memref_slice %arg6[%dma_wait3A_944, %dma_wait3A_945] : memref<16x512xf32, #tpu.memory_space<vmem>> -> memref<1x128xf32, #tpu.memory_space<vmem>>
    %dma_wait3A_947 = tpu.memref_squeeze %dma_wait3A_946 : memref<1x128xf32, #tpu.memory_space<vmem>> -> memref<128xf32, #tpu.memory_space<vmem>>
    %dma_wait3A_948 = arith.constant 0 : i32
    %dma_wait3A_949 = tpu.memref_slice %arg5[%dma_wait3A_943, %dma_wait3A_948] : memref<64x128xi32, #tpu.memory_space<vmem>> -> memref<1x128xi32, #tpu.memory_space<vmem>>
    %dma_wait3A_950 = tpu.memref_squeeze %dma_wait3A_949 : memref<1x128xi32, #tpu.memory_space<vmem>> -> memref<128xi32, #tpu.memory_space<vmem>>
    %dma_wait3A_951 = arith.constant 0 : i32
    %dma_wait3A_952 = tpu.memref_slice %arg8[%dma_wait3A_951] : memref<131328xf32, #tpu.memory_space<vmem_shared>> -> memref<131328xf32, #tpu.memory_space<vmem_shared>>
    tpu.wait_indirect_dma semaphore(%arg9 : memref<!tpu.dma_semaphore, #tpu.memory_space<semaphore_mem>>) src(%dma_wait3A_952 : memref<131328xf32, #tpu.memory_space<vmem_shared>>) dst(%dma_wait3A_947 : memref<128xf32, #tpu.memory_space<vmem>>)
    %dma_wait3A_953 = arith.constant 29 : i32
    %dma_wait3A_954 = arith.constant 7 : i32
    %dma_wait3A_955 = arith.constant 128 : i32
    %dma_wait3A_956 = tpu.memref_slice %arg6[%dma_wait3A_954, %dma_wait3A_955] : memref<16x512xf32, #tpu.memory_space<vmem>> -> memref<1x128xf32, #tpu.memory_space<vmem>>
    %dma_wait3A_957 = tpu.memref_squeeze %dma_wait3A_956 : memref<1x128xf32, #tpu.memory_space<vmem>> -> memref<128xf32, #tpu.memory_space<vmem>>
    %dma_wait3A_958 = arith.constant 0 : i32
    %dma_wait3A_959 = tpu.memref_slice %arg5[%dma_wait3A_953, %dma_wait3A_958] : memref<64x128xi32, #tpu.memory_space<vmem>> -> memref<1x128xi32, #tpu.memory_space<vmem>>
    %dma_wait3A_960 = tpu.memref_squeeze %dma_wait3A_959 : memref<1x128xi32, #tpu.memory_space<vmem>> -> memref<128xi32, #tpu.memory_space<vmem>>
    %dma_wait3A_961 = arith.constant 0 : i32
    %dma_wait3A_962 = tpu.memref_slice %arg8[%dma_wait3A_961] : memref<131328xf32, #tpu.memory_space<vmem_shared>> -> memref<131328xf32, #tpu.memory_space<vmem_shared>>
    tpu.wait_indirect_dma semaphore(%arg9 : memref<!tpu.dma_semaphore, #tpu.memory_space<semaphore_mem>>) src(%dma_wait3A_962 : memref<131328xf32, #tpu.memory_space<vmem_shared>>) dst(%dma_wait3A_957 : memref<128xf32, #tpu.memory_space<vmem>>)
    %dma_wait3A_963 = arith.constant 30 : i32
    %dma_wait3A_964 = arith.constant 7 : i32
    %dma_wait3A_965 = arith.constant 256 : i32
    %dma_wait3A_966 = tpu.memref_slice %arg6[%dma_wait3A_964, %dma_wait3A_965] : memref<16x512xf32, #tpu.memory_space<vmem>> -> memref<1x128xf32, #tpu.memory_space<vmem>>
    %dma_wait3A_967 = tpu.memref_squeeze %dma_wait3A_966 : memref<1x128xf32, #tpu.memory_space<vmem>> -> memref<128xf32, #tpu.memory_space<vmem>>
    %dma_wait3A_968 = arith.constant 0 : i32
    %dma_wait3A_969 = tpu.memref_slice %arg5[%dma_wait3A_963, %dma_wait3A_968] : memref<64x128xi32, #tpu.memory_space<vmem>> -> memref<1x128xi32, #tpu.memory_space<vmem>>
    %dma_wait3A_970 = tpu.memref_squeeze %dma_wait3A_969 : memref<1x128xi32, #tpu.memory_space<vmem>> -> memref<128xi32, #tpu.memory_space<vmem>>
    %dma_wait3A_971 = arith.constant 0 : i32
    %dma_wait3A_972 = tpu.memref_slice %arg8[%dma_wait3A_971] : memref<131328xf32, #tpu.memory_space<vmem_shared>> -> memref<131328xf32, #tpu.memory_space<vmem_shared>>
    tpu.wait_indirect_dma semaphore(%arg9 : memref<!tpu.dma_semaphore, #tpu.memory_space<semaphore_mem>>) src(%dma_wait3A_972 : memref<131328xf32, #tpu.memory_space<vmem_shared>>) dst(%dma_wait3A_967 : memref<128xf32, #tpu.memory_space<vmem>>)
    %dma_wait3A_973 = arith.constant 31 : i32
    %dma_wait3A_974 = arith.constant 7 : i32
    %dma_wait3A_975 = arith.constant 384 : i32
    %dma_wait3A_976 = tpu.memref_slice %arg6[%dma_wait3A_974, %dma_wait3A_975] : memref<16x512xf32, #tpu.memory_space<vmem>> -> memref<1x128xf32, #tpu.memory_space<vmem>>
    %dma_wait3A_977 = tpu.memref_squeeze %dma_wait3A_976 : memref<1x128xf32, #tpu.memory_space<vmem>> -> memref<128xf32, #tpu.memory_space<vmem>>
    %dma_wait3A_978 = arith.constant 0 : i32
    %dma_wait3A_979 = tpu.memref_slice %arg5[%dma_wait3A_973, %dma_wait3A_978] : memref<64x128xi32, #tpu.memory_space<vmem>> -> memref<1x128xi32, #tpu.memory_space<vmem>>
    %dma_wait3A_980 = tpu.memref_squeeze %dma_wait3A_979 : memref<1x128xi32, #tpu.memory_space<vmem>> -> memref<128xi32, #tpu.memory_space<vmem>>
    %dma_wait3A_981 = arith.constant 0 : i32
    %dma_wait3A_982 = tpu.memref_slice %arg8[%dma_wait3A_981] : memref<131328xf32, #tpu.memory_space<vmem_shared>> -> memref<131328xf32, #tpu.memory_space<vmem_shared>>
    tpu.wait_indirect_dma semaphore(%arg9 : memref<!tpu.dma_semaphore, #tpu.memory_space<semaphore_mem>>) src(%dma_wait3A_982 : memref<131328xf32, #tpu.memory_space<vmem_shared>>) dst(%dma_wait3A_977 : memref<128xf32, #tpu.memory_space<vmem>>)
    %dma_wait3A_983 = arith.constant 32 : i32
    %dma_wait3A_984 = arith.constant 8 : i32
    %dma_wait3A_985 = arith.constant 0 : i32
    %dma_wait3A_986 = tpu.memref_slice %arg6[%dma_wait3A_984, %dma_wait3A_985] : memref<16x512xf32, #tpu.memory_space<vmem>> -> memref<1x128xf32, #tpu.memory_space<vmem>>
    %dma_wait3A_987 = tpu.memref_squeeze %dma_wait3A_986 : memref<1x128xf32, #tpu.memory_space<vmem>> -> memref<128xf32, #tpu.memory_space<vmem>>
    %dma_wait3A_988 = arith.constant 0 : i32
    %dma_wait3A_989 = tpu.memref_slice %arg5[%dma_wait3A_983, %dma_wait3A_988] : memref<64x128xi32, #tpu.memory_space<vmem>> -> memref<1x128xi32, #tpu.memory_space<vmem>>
    %dma_wait3A_990 = tpu.memref_squeeze %dma_wait3A_989 : memref<1x128xi32, #tpu.memory_space<vmem>> -> memref<128xi32, #tpu.memory_space<vmem>>
    %dma_wait3A_991 = arith.constant 0 : i32
    %dma_wait3A_992 = tpu.memref_slice %arg8[%dma_wait3A_991] : memref<131328xf32, #tpu.memory_space<vmem_shared>> -> memref<131328xf32, #tpu.memory_space<vmem_shared>>
    tpu.wait_indirect_dma semaphore(%arg9 : memref<!tpu.dma_semaphore, #tpu.memory_space<semaphore_mem>>) src(%dma_wait3A_992 : memref<131328xf32, #tpu.memory_space<vmem_shared>>) dst(%dma_wait3A_987 : memref<128xf32, #tpu.memory_space<vmem>>)
    %dma_wait3A_993 = arith.constant 33 : i32
    %dma_wait3A_994 = arith.constant 8 : i32
    %dma_wait3A_995 = arith.constant 128 : i32
    %dma_wait3A_996 = tpu.memref_slice %arg6[%dma_wait3A_994, %dma_wait3A_995] : memref<16x512xf32, #tpu.memory_space<vmem>> -> memref<1x128xf32, #tpu.memory_space<vmem>>
    %dma_wait3A_997 = tpu.memref_squeeze %dma_wait3A_996 : memref<1x128xf32, #tpu.memory_space<vmem>> -> memref<128xf32, #tpu.memory_space<vmem>>
    %dma_wait3A_998 = arith.constant 0 : i32
    %dma_wait3A_999 = tpu.memref_slice %arg5[%dma_wait3A_993, %dma_wait3A_998] : memref<64x128xi32, #tpu.memory_space<vmem>> -> memref<1x128xi32, #tpu.memory_space<vmem>>
    %dma_wait3A_1000 = tpu.memref_squeeze %dma_wait3A_999 : memref<1x128xi32, #tpu.memory_space<vmem>> -> memref<128xi32, #tpu.memory_space<vmem>>
    %dma_wait3A_1001 = arith.constant 0 : i32
    %dma_wait3A_1002 = tpu.memref_slice %arg8[%dma_wait3A_1001] : memref<131328xf32, #tpu.memory_space<vmem_shared>> -> memref<131328xf32, #tpu.memory_space<vmem_shared>>
    tpu.wait_indirect_dma semaphore(%arg9 : memref<!tpu.dma_semaphore, #tpu.memory_space<semaphore_mem>>) src(%dma_wait3A_1002 : memref<131328xf32, #tpu.memory_space<vmem_shared>>) dst(%dma_wait3A_997 : memref<128xf32, #tpu.memory_space<vmem>>)
    %dma_wait3A_1003 = arith.constant 34 : i32
    %dma_wait3A_1004 = arith.constant 8 : i32
    %dma_wait3A_1005 = arith.constant 256 : i32
    %dma_wait3A_1006 = tpu.memref_slice %arg6[%dma_wait3A_1004, %dma_wait3A_1005] : memref<16x512xf32, #tpu.memory_space<vmem>> -> memref<1x128xf32, #tpu.memory_space<vmem>>
    %dma_wait3A_1007 = tpu.memref_squeeze %dma_wait3A_1006 : memref<1x128xf32, #tpu.memory_space<vmem>> -> memref<128xf32, #tpu.memory_space<vmem>>
    %dma_wait3A_1008 = arith.constant 0 : i32
    %dma_wait3A_1009 = tpu.memref_slice %arg5[%dma_wait3A_1003, %dma_wait3A_1008] : memref<64x128xi32, #tpu.memory_space<vmem>> -> memref<1x128xi32, #tpu.memory_space<vmem>>
    %dma_wait3A_1010 = tpu.memref_squeeze %dma_wait3A_1009 : memref<1x128xi32, #tpu.memory_space<vmem>> -> memref<128xi32, #tpu.memory_space<vmem>>
    %dma_wait3A_1011 = arith.constant 0 : i32
    %dma_wait3A_1012 = tpu.memref_slice %arg8[%dma_wait3A_1011] : memref<131328xf32, #tpu.memory_space<vmem_shared>> -> memref<131328xf32, #tpu.memory_space<vmem_shared>>
    tpu.wait_indirect_dma semaphore(%arg9 : memref<!tpu.dma_semaphore, #tpu.memory_space<semaphore_mem>>) src(%dma_wait3A_1012 : memref<131328xf32, #tpu.memory_space<vmem_shared>>) dst(%dma_wait3A_1007 : memref<128xf32, #tpu.memory_space<vmem>>)
    %dma_wait3A_1013 = arith.constant 35 : i32
    %dma_wait3A_1014 = arith.constant 8 : i32
    %dma_wait3A_1015 = arith.constant 384 : i32
    %dma_wait3A_1016 = tpu.memref_slice %arg6[%dma_wait3A_1014, %dma_wait3A_1015] : memref<16x512xf32, #tpu.memory_space<vmem>> -> memref<1x128xf32, #tpu.memory_space<vmem>>
    %dma_wait3A_1017 = tpu.memref_squeeze %dma_wait3A_1016 : memref<1x128xf32, #tpu.memory_space<vmem>> -> memref<128xf32, #tpu.memory_space<vmem>>
    %dma_wait3A_1018 = arith.constant 0 : i32
    %dma_wait3A_1019 = tpu.memref_slice %arg5[%dma_wait3A_1013, %dma_wait3A_1018] : memref<64x128xi32, #tpu.memory_space<vmem>> -> memref<1x128xi32, #tpu.memory_space<vmem>>
    %dma_wait3A_1020 = tpu.memref_squeeze %dma_wait3A_1019 : memref<1x128xi32, #tpu.memory_space<vmem>> -> memref<128xi32, #tpu.memory_space<vmem>>
    %dma_wait3A_1021 = arith.constant 0 : i32
    %dma_wait3A_1022 = tpu.memref_slice %arg8[%dma_wait3A_1021] : memref<131328xf32, #tpu.memory_space<vmem_shared>> -> memref<131328xf32, #tpu.memory_space<vmem_shared>>
    tpu.wait_indirect_dma semaphore(%arg9 : memref<!tpu.dma_semaphore, #tpu.memory_space<semaphore_mem>>) src(%dma_wait3A_1022 : memref<131328xf32, #tpu.memory_space<vmem_shared>>) dst(%dma_wait3A_1017 : memref<128xf32, #tpu.memory_space<vmem>>)
    %dma_wait3A_1023 = arith.constant 36 : i32
    %dma_wait3A_1024 = arith.constant 9 : i32
    %dma_wait3A_1025 = arith.constant 0 : i32
    %dma_wait3A_1026 = tpu.memref_slice %arg6[%dma_wait3A_1024, %dma_wait3A_1025] : memref<16x512xf32, #tpu.memory_space<vmem>> -> memref<1x128xf32, #tpu.memory_space<vmem>>
    %dma_wait3A_1027 = tpu.memref_squeeze %dma_wait3A_1026 : memref<1x128xf32, #tpu.memory_space<vmem>> -> memref<128xf32, #tpu.memory_space<vmem>>
    %dma_wait3A_1028 = arith.constant 0 : i32
    %dma_wait3A_1029 = tpu.memref_slice %arg5[%dma_wait3A_1023, %dma_wait3A_1028] : memref<64x128xi32, #tpu.memory_space<vmem>> -> memref<1x128xi32, #tpu.memory_space<vmem>>
    %dma_wait3A_1030 = tpu.memref_squeeze %dma_wait3A_1029 : memref<1x128xi32, #tpu.memory_space<vmem>> -> memref<128xi32, #tpu.memory_space<vmem>>
    %dma_wait3A_1031 = arith.constant 0 : i32
    %dma_wait3A_1032 = tpu.memref_slice %arg8[%dma_wait3A_1031] : memref<131328xf32, #tpu.memory_space<vmem_shared>> -> memref<131328xf32, #tpu.memory_space<vmem_shared>>
    tpu.wait_indirect_dma semaphore(%arg9 : memref<!tpu.dma_semaphore, #tpu.memory_space<semaphore_mem>>) src(%dma_wait3A_1032 : memref<131328xf32, #tpu.memory_space<vmem_shared>>) dst(%dma_wait3A_1027 : memref<128xf32, #tpu.memory_space<vmem>>)
    %dma_wait3A_1033 = arith.constant 37 : i32
    %dma_wait3A_1034 = arith.constant 9 : i32
    %dma_wait3A_1035 = arith.constant 128 : i32
    %dma_wait3A_1036 = tpu.memref_slice %arg6[%dma_wait3A_1034, %dma_wait3A_1035] : memref<16x512xf32, #tpu.memory_space<vmem>> -> memref<1x128xf32, #tpu.memory_space<vmem>>
    %dma_wait3A_1037 = tpu.memref_squeeze %dma_wait3A_1036 : memref<1x128xf32, #tpu.memory_space<vmem>> -> memref<128xf32, #tpu.memory_space<vmem>>
    %dma_wait3A_1038 = arith.constant 0 : i32
    %dma_wait3A_1039 = tpu.memref_slice %arg5[%dma_wait3A_1033, %dma_wait3A_1038] : memref<64x128xi32, #tpu.memory_space<vmem>> -> memref<1x128xi32, #tpu.memory_space<vmem>>
    %dma_wait3A_1040 = tpu.memref_squeeze %dma_wait3A_1039 : memref<1x128xi32, #tpu.memory_space<vmem>> -> memref<128xi32, #tpu.memory_space<vmem>>
    %dma_wait3A_1041 = arith.constant 0 : i32
    %dma_wait3A_1042 = tpu.memref_slice %arg8[%dma_wait3A_1041] : memref<131328xf32, #tpu.memory_space<vmem_shared>> -> memref<131328xf32, #tpu.memory_space<vmem_shared>>
    tpu.wait_indirect_dma semaphore(%arg9 : memref<!tpu.dma_semaphore, #tpu.memory_space<semaphore_mem>>) src(%dma_wait3A_1042 : memref<131328xf32, #tpu.memory_space<vmem_shared>>) dst(%dma_wait3A_1037 : memref<128xf32, #tpu.memory_space<vmem>>)
    %dma_wait3A_1043 = arith.constant 38 : i32
    %dma_wait3A_1044 = arith.constant 9 : i32
    %dma_wait3A_1045 = arith.constant 256 : i32
    %dma_wait3A_1046 = tpu.memref_slice %arg6[%dma_wait3A_1044, %dma_wait3A_1045] : memref<16x512xf32, #tpu.memory_space<vmem>> -> memref<1x128xf32, #tpu.memory_space<vmem>>
    %dma_wait3A_1047 = tpu.memref_squeeze %dma_wait3A_1046 : memref<1x128xf32, #tpu.memory_space<vmem>> -> memref<128xf32, #tpu.memory_space<vmem>>
    %dma_wait3A_1048 = arith.constant 0 : i32
    %dma_wait3A_1049 = tpu.memref_slice %arg5[%dma_wait3A_1043, %dma_wait3A_1048] : memref<64x128xi32, #tpu.memory_space<vmem>> -> memref<1x128xi32, #tpu.memory_space<vmem>>
    %dma_wait3A_1050 = tpu.memref_squeeze %dma_wait3A_1049 : memref<1x128xi32, #tpu.memory_space<vmem>> -> memref<128xi32, #tpu.memory_space<vmem>>
    %dma_wait3A_1051 = arith.constant 0 : i32
    %dma_wait3A_1052 = tpu.memref_slice %arg8[%dma_wait3A_1051] : memref<131328xf32, #tpu.memory_space<vmem_shared>> -> memref<131328xf32, #tpu.memory_space<vmem_shared>>
    tpu.wait_indirect_dma semaphore(%arg9 : memref<!tpu.dma_semaphore, #tpu.memory_space<semaphore_mem>>) src(%dma_wait3A_1052 : memref<131328xf32, #tpu.memory_space<vmem_shared>>) dst(%dma_wait3A_1047 : memref<128xf32, #tpu.memory_space<vmem>>)
    %dma_wait3A_1053 = arith.constant 39 : i32
    %dma_wait3A_1054 = arith.constant 9 : i32
    %dma_wait3A_1055 = arith.constant 384 : i32
    %dma_wait3A_1056 = tpu.memref_slice %arg6[%dma_wait3A_1054, %dma_wait3A_1055] : memref<16x512xf32, #tpu.memory_space<vmem>> -> memref<1x128xf32, #tpu.memory_space<vmem>>
    %dma_wait3A_1057 = tpu.memref_squeeze %dma_wait3A_1056 : memref<1x128xf32, #tpu.memory_space<vmem>> -> memref<128xf32, #tpu.memory_space<vmem>>
    %dma_wait3A_1058 = arith.constant 0 : i32
    %dma_wait3A_1059 = tpu.memref_slice %arg5[%dma_wait3A_1053, %dma_wait3A_1058] : memref<64x128xi32, #tpu.memory_space<vmem>> -> memref<1x128xi32, #tpu.memory_space<vmem>>
    %dma_wait3A_1060 = tpu.memref_squeeze %dma_wait3A_1059 : memref<1x128xi32, #tpu.memory_space<vmem>> -> memref<128xi32, #tpu.memory_space<vmem>>
    %dma_wait3A_1061 = arith.constant 0 : i32
    %dma_wait3A_1062 = tpu.memref_slice %arg8[%dma_wait3A_1061] : memref<131328xf32, #tpu.memory_space<vmem_shared>> -> memref<131328xf32, #tpu.memory_space<vmem_shared>>
    tpu.wait_indirect_dma semaphore(%arg9 : memref<!tpu.dma_semaphore, #tpu.memory_space<semaphore_mem>>) src(%dma_wait3A_1062 : memref<131328xf32, #tpu.memory_space<vmem_shared>>) dst(%dma_wait3A_1057 : memref<128xf32, #tpu.memory_space<vmem>>)
    %dma_wait3A_1063 = arith.constant 40 : i32
    %dma_wait3A_1064 = arith.constant 10 : i32
    %dma_wait3A_1065 = arith.constant 0 : i32
    %dma_wait3A_1066 = tpu.memref_slice %arg6[%dma_wait3A_1064, %dma_wait3A_1065] : memref<16x512xf32, #tpu.memory_space<vmem>> -> memref<1x128xf32, #tpu.memory_space<vmem>>
    %dma_wait3A_1067 = tpu.memref_squeeze %dma_wait3A_1066 : memref<1x128xf32, #tpu.memory_space<vmem>> -> memref<128xf32, #tpu.memory_space<vmem>>
    %dma_wait3A_1068 = arith.constant 0 : i32
    %dma_wait3A_1069 = tpu.memref_slice %arg5[%dma_wait3A_1063, %dma_wait3A_1068] : memref<64x128xi32, #tpu.memory_space<vmem>> -> memref<1x128xi32, #tpu.memory_space<vmem>>
    %dma_wait3A_1070 = tpu.memref_squeeze %dma_wait3A_1069 : memref<1x128xi32, #tpu.memory_space<vmem>> -> memref<128xi32, #tpu.memory_space<vmem>>
    %dma_wait3A_1071 = arith.constant 0 : i32
    %dma_wait3A_1072 = tpu.memref_slice %arg8[%dma_wait3A_1071] : memref<131328xf32, #tpu.memory_space<vmem_shared>> -> memref<131328xf32, #tpu.memory_space<vmem_shared>>
    tpu.wait_indirect_dma semaphore(%arg9 : memref<!tpu.dma_semaphore, #tpu.memory_space<semaphore_mem>>) src(%dma_wait3A_1072 : memref<131328xf32, #tpu.memory_space<vmem_shared>>) dst(%dma_wait3A_1067 : memref<128xf32, #tpu.memory_space<vmem>>)
    %dma_wait3A_1073 = arith.constant 41 : i32
    %dma_wait3A_1074 = arith.constant 10 : i32
    %dma_wait3A_1075 = arith.constant 128 : i32
    %dma_wait3A_1076 = tpu.memref_slice %arg6[%dma_wait3A_1074, %dma_wait3A_1075] : memref<16x512xf32, #tpu.memory_space<vmem>> -> memref<1x128xf32, #tpu.memory_space<vmem>>
    %dma_wait3A_1077 = tpu.memref_squeeze %dma_wait3A_1076 : memref<1x128xf32, #tpu.memory_space<vmem>> -> memref<128xf32, #tpu.memory_space<vmem>>
    %dma_wait3A_1078 = arith.constant 0 : i32
    %dma_wait3A_1079 = tpu.memref_slice %arg5[%dma_wait3A_1073, %dma_wait3A_1078] : memref<64x128xi32, #tpu.memory_space<vmem>> -> memref<1x128xi32, #tpu.memory_space<vmem>>
    %dma_wait3A_1080 = tpu.memref_squeeze %dma_wait3A_1079 : memref<1x128xi32, #tpu.memory_space<vmem>> -> memref<128xi32, #tpu.memory_space<vmem>>
    %dma_wait3A_1081 = arith.constant 0 : i32
    %dma_wait3A_1082 = tpu.memref_slice %arg8[%dma_wait3A_1081] : memref<131328xf32, #tpu.memory_space<vmem_shared>> -> memref<131328xf32, #tpu.memory_space<vmem_shared>>
    tpu.wait_indirect_dma semaphore(%arg9 : memref<!tpu.dma_semaphore, #tpu.memory_space<semaphore_mem>>) src(%dma_wait3A_1082 : memref<131328xf32, #tpu.memory_space<vmem_shared>>) dst(%dma_wait3A_1077 : memref<128xf32, #tpu.memory_space<vmem>>)
    %dma_wait3A_1083 = arith.constant 42 : i32
    %dma_wait3A_1084 = arith.constant 10 : i32
    %dma_wait3A_1085 = arith.constant 256 : i32
    %dma_wait3A_1086 = tpu.memref_slice %arg6[%dma_wait3A_1084, %dma_wait3A_1085] : memref<16x512xf32, #tpu.memory_space<vmem>> -> memref<1x128xf32, #tpu.memory_space<vmem>>
    %dma_wait3A_1087 = tpu.memref_squeeze %dma_wait3A_1086 : memref<1x128xf32, #tpu.memory_space<vmem>> -> memref<128xf32, #tpu.memory_space<vmem>>
    %dma_wait3A_1088 = arith.constant 0 : i32
    %dma_wait3A_1089 = tpu.memref_slice %arg5[%dma_wait3A_1083, %dma_wait3A_1088] : memref<64x128xi32, #tpu.memory_space<vmem>> -> memref<1x128xi32, #tpu.memory_space<vmem>>
    %dma_wait3A_1090 = tpu.memref_squeeze %dma_wait3A_1089 : memref<1x128xi32, #tpu.memory_space<vmem>> -> memref<128xi32, #tpu.memory_space<vmem>>
    %dma_wait3A_1091 = arith.constant 0 : i32
    %dma_wait3A_1092 = tpu.memref_slice %arg8[%dma_wait3A_1091] : memref<131328xf32, #tpu.memory_space<vmem_shared>> -> memref<131328xf32, #tpu.memory_space<vmem_shared>>
    tpu.wait_indirect_dma semaphore(%arg9 : memref<!tpu.dma_semaphore, #tpu.memory_space<semaphore_mem>>) src(%dma_wait3A_1092 : memref<131328xf32, #tpu.memory_space<vmem_shared>>) dst(%dma_wait3A_1087 : memref<128xf32, #tpu.memory_space<vmem>>)
    %dma_wait3A_1093 = arith.constant 43 : i32
    %dma_wait3A_1094 = arith.constant 10 : i32
    %dma_wait3A_1095 = arith.constant 384 : i32
    %dma_wait3A_1096 = tpu.memref_slice %arg6[%dma_wait3A_1094, %dma_wait3A_1095] : memref<16x512xf32, #tpu.memory_space<vmem>> -> memref<1x128xf32, #tpu.memory_space<vmem>>
    %dma_wait3A_1097 = tpu.memref_squeeze %dma_wait3A_1096 : memref<1x128xf32, #tpu.memory_space<vmem>> -> memref<128xf32, #tpu.memory_space<vmem>>
    %dma_wait3A_1098 = arith.constant 0 : i32
    %dma_wait3A_1099 = tpu.memref_slice %arg5[%dma_wait3A_1093, %dma_wait3A_1098] : memref<64x128xi32, #tpu.memory_space<vmem>> -> memref<1x128xi32, #tpu.memory_space<vmem>>
    %dma_wait3A_1100 = tpu.memref_squeeze %dma_wait3A_1099 : memref<1x128xi32, #tpu.memory_space<vmem>> -> memref<128xi32, #tpu.memory_space<vmem>>
    %dma_wait3A_1101 = arith.constant 0 : i32
    %dma_wait3A_1102 = tpu.memref_slice %arg8[%dma_wait3A_1101] : memref<131328xf32, #tpu.memory_space<vmem_shared>> -> memref<131328xf32, #tpu.memory_space<vmem_shared>>
    tpu.wait_indirect_dma semaphore(%arg9 : memref<!tpu.dma_semaphore, #tpu.memory_space<semaphore_mem>>) src(%dma_wait3A_1102 : memref<131328xf32, #tpu.memory_space<vmem_shared>>) dst(%dma_wait3A_1097 : memref<128xf32, #tpu.memory_space<vmem>>)
    %dma_wait3A_1103 = arith.constant 44 : i32
    %dma_wait3A_1104 = arith.constant 11 : i32
    %dma_wait3A_1105 = arith.constant 0 : i32
    %dma_wait3A_1106 = tpu.memref_slice %arg6[%dma_wait3A_1104, %dma_wait3A_1105] : memref<16x512xf32, #tpu.memory_space<vmem>> -> memref<1x128xf32, #tpu.memory_space<vmem>>
    %dma_wait3A_1107 = tpu.memref_squeeze %dma_wait3A_1106 : memref<1x128xf32, #tpu.memory_space<vmem>> -> memref<128xf32, #tpu.memory_space<vmem>>
    %dma_wait3A_1108 = arith.constant 0 : i32
    %dma_wait3A_1109 = tpu.memref_slice %arg5[%dma_wait3A_1103, %dma_wait3A_1108] : memref<64x128xi32, #tpu.memory_space<vmem>> -> memref<1x128xi32, #tpu.memory_space<vmem>>
    %dma_wait3A_1110 = tpu.memref_squeeze %dma_wait3A_1109 : memref<1x128xi32, #tpu.memory_space<vmem>> -> memref<128xi32, #tpu.memory_space<vmem>>
    %dma_wait3A_1111 = arith.constant 0 : i32
    %dma_wait3A_1112 = tpu.memref_slice %arg8[%dma_wait3A_1111] : memref<131328xf32, #tpu.memory_space<vmem_shared>> -> memref<131328xf32, #tpu.memory_space<vmem_shared>>
    tpu.wait_indirect_dma semaphore(%arg9 : memref<!tpu.dma_semaphore, #tpu.memory_space<semaphore_mem>>) src(%dma_wait3A_1112 : memref<131328xf32, #tpu.memory_space<vmem_shared>>) dst(%dma_wait3A_1107 : memref<128xf32, #tpu.memory_space<vmem>>)
    %dma_wait3A_1113 = arith.constant 45 : i32
    %dma_wait3A_1114 = arith.constant 11 : i32
    %dma_wait3A_1115 = arith.constant 128 : i32
    %dma_wait3A_1116 = tpu.memref_slice %arg6[%dma_wait3A_1114, %dma_wait3A_1115] : memref<16x512xf32, #tpu.memory_space<vmem>> -> memref<1x128xf32, #tpu.memory_space<vmem>>
    %dma_wait3A_1117 = tpu.memref_squeeze %dma_wait3A_1116 : memref<1x128xf32, #tpu.memory_space<vmem>> -> memref<128xf32, #tpu.memory_space<vmem>>
    %dma_wait3A_1118 = arith.constant 0 : i32
    %dma_wait3A_1119 = tpu.memref_slice %arg5[%dma_wait3A_1113, %dma_wait3A_1118] : memref<64x128xi32, #tpu.memory_space<vmem>> -> memref<1x128xi32, #tpu.memory_space<vmem>>
    %dma_wait3A_1120 = tpu.memref_squeeze %dma_wait3A_1119 : memref<1x128xi32, #tpu.memory_space<vmem>> -> memref<128xi32, #tpu.memory_space<vmem>>
    %dma_wait3A_1121 = arith.constant 0 : i32
    %dma_wait3A_1122 = tpu.memref_slice %arg8[%dma_wait3A_1121] : memref<131328xf32, #tpu.memory_space<vmem_shared>> -> memref<131328xf32, #tpu.memory_space<vmem_shared>>
    tpu.wait_indirect_dma semaphore(%arg9 : memref<!tpu.dma_semaphore, #tpu.memory_space<semaphore_mem>>) src(%dma_wait3A_1122 : memref<131328xf32, #tpu.memory_space<vmem_shared>>) dst(%dma_wait3A_1117 : memref<128xf32, #tpu.memory_space<vmem>>)
    %dma_wait3A_1123 = arith.constant 46 : i32
    %dma_wait3A_1124 = arith.constant 11 : i32
    %dma_wait3A_1125 = arith.constant 256 : i32
    %dma_wait3A_1126 = tpu.memref_slice %arg6[%dma_wait3A_1124, %dma_wait3A_1125] : memref<16x512xf32, #tpu.memory_space<vmem>> -> memref<1x128xf32, #tpu.memory_space<vmem>>
    %dma_wait3A_1127 = tpu.memref_squeeze %dma_wait3A_1126 : memref<1x128xf32, #tpu.memory_space<vmem>> -> memref<128xf32, #tpu.memory_space<vmem>>
    %dma_wait3A_1128 = arith.constant 0 : i32
    %dma_wait3A_1129 = tpu.memref_slice %arg5[%dma_wait3A_1123, %dma_wait3A_1128] : memref<64x128xi32, #tpu.memory_space<vmem>> -> memref<1x128xi32, #tpu.memory_space<vmem>>
    %dma_wait3A_1130 = tpu.memref_squeeze %dma_wait3A_1129 : memref<1x128xi32, #tpu.memory_space<vmem>> -> memref<128xi32, #tpu.memory_space<vmem>>
    %dma_wait3A_1131 = arith.constant 0 : i32
    %dma_wait3A_1132 = tpu.memref_slice %arg8[%dma_wait3A_1131] : memref<131328xf32, #tpu.memory_space<vmem_shared>> -> memref<131328xf32, #tpu.memory_space<vmem_shared>>
    tpu.wait_indirect_dma semaphore(%arg9 : memref<!tpu.dma_semaphore, #tpu.memory_space<semaphore_mem>>) src(%dma_wait3A_1132 : memref<131328xf32, #tpu.memory_space<vmem_shared>>) dst(%dma_wait3A_1127 : memref<128xf32, #tpu.memory_space<vmem>>)
    %dma_wait3A_1133 = arith.constant 47 : i32
    %dma_wait3A_1134 = arith.constant 11 : i32
    %dma_wait3A_1135 = arith.constant 384 : i32
    %dma_wait3A_1136 = tpu.memref_slice %arg6[%dma_wait3A_1134, %dma_wait3A_1135] : memref<16x512xf32, #tpu.memory_space<vmem>> -> memref<1x128xf32, #tpu.memory_space<vmem>>
    %dma_wait3A_1137 = tpu.memref_squeeze %dma_wait3A_1136 : memref<1x128xf32, #tpu.memory_space<vmem>> -> memref<128xf32, #tpu.memory_space<vmem>>
    %dma_wait3A_1138 = arith.constant 0 : i32
    %dma_wait3A_1139 = tpu.memref_slice %arg5[%dma_wait3A_1133, %dma_wait3A_1138] : memref<64x128xi32, #tpu.memory_space<vmem>> -> memref<1x128xi32, #tpu.memory_space<vmem>>
    %dma_wait3A_1140 = tpu.memref_squeeze %dma_wait3A_1139 : memref<1x128xi32, #tpu.memory_space<vmem>> -> memref<128xi32, #tpu.memory_space<vmem>>
    %dma_wait3A_1141 = arith.constant 0 : i32
    %dma_wait3A_1142 = tpu.memref_slice %arg8[%dma_wait3A_1141] : memref<131328xf32, #tpu.memory_space<vmem_shared>> -> memref<131328xf32, #tpu.memory_space<vmem_shared>>
    tpu.wait_indirect_dma semaphore(%arg9 : memref<!tpu.dma_semaphore, #tpu.memory_space<semaphore_mem>>) src(%dma_wait3A_1142 : memref<131328xf32, #tpu.memory_space<vmem_shared>>) dst(%dma_wait3A_1137 : memref<128xf32, #tpu.memory_space<vmem>>)
    %dma_wait3A_1143 = arith.constant 48 : i32
    %dma_wait3A_1144 = arith.constant 12 : i32
    %dma_wait3A_1145 = arith.constant 0 : i32
    %dma_wait3A_1146 = tpu.memref_slice %arg6[%dma_wait3A_1144, %dma_wait3A_1145] : memref<16x512xf32, #tpu.memory_space<vmem>> -> memref<1x128xf32, #tpu.memory_space<vmem>>
    %dma_wait3A_1147 = tpu.memref_squeeze %dma_wait3A_1146 : memref<1x128xf32, #tpu.memory_space<vmem>> -> memref<128xf32, #tpu.memory_space<vmem>>
    %dma_wait3A_1148 = arith.constant 0 : i32
    %dma_wait3A_1149 = tpu.memref_slice %arg5[%dma_wait3A_1143, %dma_wait3A_1148] : memref<64x128xi32, #tpu.memory_space<vmem>> -> memref<1x128xi32, #tpu.memory_space<vmem>>
    %dma_wait3A_1150 = tpu.memref_squeeze %dma_wait3A_1149 : memref<1x128xi32, #tpu.memory_space<vmem>> -> memref<128xi32, #tpu.memory_space<vmem>>
    %dma_wait3A_1151 = arith.constant 0 : i32
    %dma_wait3A_1152 = tpu.memref_slice %arg8[%dma_wait3A_1151] : memref<131328xf32, #tpu.memory_space<vmem_shared>> -> memref<131328xf32, #tpu.memory_space<vmem_shared>>
    tpu.wait_indirect_dma semaphore(%arg9 : memref<!tpu.dma_semaphore, #tpu.memory_space<semaphore_mem>>) src(%dma_wait3A_1152 : memref<131328xf32, #tpu.memory_space<vmem_shared>>) dst(%dma_wait3A_1147 : memref<128xf32, #tpu.memory_space<vmem>>)
    %dma_wait3A_1153 = arith.constant 49 : i32
    %dma_wait3A_1154 = arith.constant 12 : i32
    %dma_wait3A_1155 = arith.constant 128 : i32
    %dma_wait3A_1156 = tpu.memref_slice %arg6[%dma_wait3A_1154, %dma_wait3A_1155] : memref<16x512xf32, #tpu.memory_space<vmem>> -> memref<1x128xf32, #tpu.memory_space<vmem>>
    %dma_wait3A_1157 = tpu.memref_squeeze %dma_wait3A_1156 : memref<1x128xf32, #tpu.memory_space<vmem>> -> memref<128xf32, #tpu.memory_space<vmem>>
    %dma_wait3A_1158 = arith.constant 0 : i32
    %dma_wait3A_1159 = tpu.memref_slice %arg5[%dma_wait3A_1153, %dma_wait3A_1158] : memref<64x128xi32, #tpu.memory_space<vmem>> -> memref<1x128xi32, #tpu.memory_space<vmem>>
    %dma_wait3A_1160 = tpu.memref_squeeze %dma_wait3A_1159 : memref<1x128xi32, #tpu.memory_space<vmem>> -> memref<128xi32, #tpu.memory_space<vmem>>
    %dma_wait3A_1161 = arith.constant 0 : i32
    %dma_wait3A_1162 = tpu.memref_slice %arg8[%dma_wait3A_1161] : memref<131328xf32, #tpu.memory_space<vmem_shared>> -> memref<131328xf32, #tpu.memory_space<vmem_shared>>
    tpu.wait_indirect_dma semaphore(%arg9 : memref<!tpu.dma_semaphore, #tpu.memory_space<semaphore_mem>>) src(%dma_wait3A_1162 : memref<131328xf32, #tpu.memory_space<vmem_shared>>) dst(%dma_wait3A_1157 : memref<128xf32, #tpu.memory_space<vmem>>)
    %dma_wait3A_1163 = arith.constant 50 : i32
    %dma_wait3A_1164 = arith.constant 12 : i32
    %dma_wait3A_1165 = arith.constant 256 : i32
    %dma_wait3A_1166 = tpu.memref_slice %arg6[%dma_wait3A_1164, %dma_wait3A_1165] : memref<16x512xf32, #tpu.memory_space<vmem>> -> memref<1x128xf32, #tpu.memory_space<vmem>>
    %dma_wait3A_1167 = tpu.memref_squeeze %dma_wait3A_1166 : memref<1x128xf32, #tpu.memory_space<vmem>> -> memref<128xf32, #tpu.memory_space<vmem>>
    %dma_wait3A_1168 = arith.constant 0 : i32
    %dma_wait3A_1169 = tpu.memref_slice %arg5[%dma_wait3A_1163, %dma_wait3A_1168] : memref<64x128xi32, #tpu.memory_space<vmem>> -> memref<1x128xi32, #tpu.memory_space<vmem>>
    %dma_wait3A_1170 = tpu.memref_squeeze %dma_wait3A_1169 : memref<1x128xi32, #tpu.memory_space<vmem>> -> memref<128xi32, #tpu.memory_space<vmem>>
    %dma_wait3A_1171 = arith.constant 0 : i32
    %dma_wait3A_1172 = tpu.memref_slice %arg8[%dma_wait3A_1171] : memref<131328xf32, #tpu.memory_space<vmem_shared>> -> memref<131328xf32, #tpu.memory_space<vmem_shared>>
    tpu.wait_indirect_dma semaphore(%arg9 : memref<!tpu.dma_semaphore, #tpu.memory_space<semaphore_mem>>) src(%dma_wait3A_1172 : memref<131328xf32, #tpu.memory_space<vmem_shared>>) dst(%dma_wait3A_1167 : memref<128xf32, #tpu.memory_space<vmem>>)
    %dma_wait3A_1173 = arith.constant 51 : i32
    %dma_wait3A_1174 = arith.constant 12 : i32
    %dma_wait3A_1175 = arith.constant 384 : i32
    %dma_wait3A_1176 = tpu.memref_slice %arg6[%dma_wait3A_1174, %dma_wait3A_1175] : memref<16x512xf32, #tpu.memory_space<vmem>> -> memref<1x128xf32, #tpu.memory_space<vmem>>
    %dma_wait3A_1177 = tpu.memref_squeeze %dma_wait3A_1176 : memref<1x128xf32, #tpu.memory_space<vmem>> -> memref<128xf32, #tpu.memory_space<vmem>>
    %dma_wait3A_1178 = arith.constant 0 : i32
    %dma_wait3A_1179 = tpu.memref_slice %arg5[%dma_wait3A_1173, %dma_wait3A_1178] : memref<64x128xi32, #tpu.memory_space<vmem>> -> memref<1x128xi32, #tpu.memory_space<vmem>>
    %dma_wait3A_1180 = tpu.memref_squeeze %dma_wait3A_1179 : memref<1x128xi32, #tpu.memory_space<vmem>> -> memref<128xi32, #tpu.memory_space<vmem>>
    %dma_wait3A_1181 = arith.constant 0 : i32
    %dma_wait3A_1182 = tpu.memref_slice %arg8[%dma_wait3A_1181] : memref<131328xf32, #tpu.memory_space<vmem_shared>> -> memref<131328xf32, #tpu.memory_space<vmem_shared>>
    tpu.wait_indirect_dma semaphore(%arg9 : memref<!tpu.dma_semaphore, #tpu.memory_space<semaphore_mem>>) src(%dma_wait3A_1182 : memref<131328xf32, #tpu.memory_space<vmem_shared>>) dst(%dma_wait3A_1177 : memref<128xf32, #tpu.memory_space<vmem>>)
    %dma_wait3A_1183 = arith.constant 52 : i32
    %dma_wait3A_1184 = arith.constant 13 : i32
    %dma_wait3A_1185 = arith.constant 0 : i32
    %dma_wait3A_1186 = tpu.memref_slice %arg6[%dma_wait3A_1184, %dma_wait3A_1185] : memref<16x512xf32, #tpu.memory_space<vmem>> -> memref<1x128xf32, #tpu.memory_space<vmem>>
    %dma_wait3A_1187 = tpu.memref_squeeze %dma_wait3A_1186 : memref<1x128xf32, #tpu.memory_space<vmem>> -> memref<128xf32, #tpu.memory_space<vmem>>
    %dma_wait3A_1188 = arith.constant 0 : i32
    %dma_wait3A_1189 = tpu.memref_slice %arg5[%dma_wait3A_1183, %dma_wait3A_1188] : memref<64x128xi32, #tpu.memory_space<vmem>> -> memref<1x128xi32, #tpu.memory_space<vmem>>
    %dma_wait3A_1190 = tpu.memref_squeeze %dma_wait3A_1189 : memref<1x128xi32, #tpu.memory_space<vmem>> -> memref<128xi32, #tpu.memory_space<vmem>>
    %dma_wait3A_1191 = arith.constant 0 : i32
    %dma_wait3A_1192 = tpu.memref_slice %arg8[%dma_wait3A_1191] : memref<131328xf32, #tpu.memory_space<vmem_shared>> -> memref<131328xf32, #tpu.memory_space<vmem_shared>>
    tpu.wait_indirect_dma semaphore(%arg9 : memref<!tpu.dma_semaphore, #tpu.memory_space<semaphore_mem>>) src(%dma_wait3A_1192 : memref<131328xf32, #tpu.memory_space<vmem_shared>>) dst(%dma_wait3A_1187 : memref<128xf32, #tpu.memory_space<vmem>>)
    %dma_wait3A_1193 = arith.constant 53 : i32
    %dma_wait3A_1194 = arith.constant 13 : i32
    %dma_wait3A_1195 = arith.constant 128 : i32
    %dma_wait3A_1196 = tpu.memref_slice %arg6[%dma_wait3A_1194, %dma_wait3A_1195] : memref<16x512xf32, #tpu.memory_space<vmem>> -> memref<1x128xf32, #tpu.memory_space<vmem>>
    %dma_wait3A_1197 = tpu.memref_squeeze %dma_wait3A_1196 : memref<1x128xf32, #tpu.memory_space<vmem>> -> memref<128xf32, #tpu.memory_space<vmem>>
    %dma_wait3A_1198 = arith.constant 0 : i32
    %dma_wait3A_1199 = tpu.memref_slice %arg5[%dma_wait3A_1193, %dma_wait3A_1198] : memref<64x128xi32, #tpu.memory_space<vmem>> -> memref<1x128xi32, #tpu.memory_space<vmem>>
    %dma_wait3A_1200 = tpu.memref_squeeze %dma_wait3A_1199 : memref<1x128xi32, #tpu.memory_space<vmem>> -> memref<128xi32, #tpu.memory_space<vmem>>
    %dma_wait3A_1201 = arith.constant 0 : i32
    %dma_wait3A_1202 = tpu.memref_slice %arg8[%dma_wait3A_1201] : memref<131328xf32, #tpu.memory_space<vmem_shared>> -> memref<131328xf32, #tpu.memory_space<vmem_shared>>
    tpu.wait_indirect_dma semaphore(%arg9 : memref<!tpu.dma_semaphore, #tpu.memory_space<semaphore_mem>>) src(%dma_wait3A_1202 : memref<131328xf32, #tpu.memory_space<vmem_shared>>) dst(%dma_wait3A_1197 : memref<128xf32, #tpu.memory_space<vmem>>)
    %dma_wait3A_1203 = arith.constant 54 : i32
    %dma_wait3A_1204 = arith.constant 13 : i32
    %dma_wait3A_1205 = arith.constant 256 : i32
    %dma_wait3A_1206 = tpu.memref_slice %arg6[%dma_wait3A_1204, %dma_wait3A_1205] : memref<16x512xf32, #tpu.memory_space<vmem>> -> memref<1x128xf32, #tpu.memory_space<vmem>>
    %dma_wait3A_1207 = tpu.memref_squeeze %dma_wait3A_1206 : memref<1x128xf32, #tpu.memory_space<vmem>> -> memref<128xf32, #tpu.memory_space<vmem>>
    %dma_wait3A_1208 = arith.constant 0 : i32
    %dma_wait3A_1209 = tpu.memref_slice %arg5[%dma_wait3A_1203, %dma_wait3A_1208] : memref<64x128xi32, #tpu.memory_space<vmem>> -> memref<1x128xi32, #tpu.memory_space<vmem>>
    %dma_wait3A_1210 = tpu.memref_squeeze %dma_wait3A_1209 : memref<1x128xi32, #tpu.memory_space<vmem>> -> memref<128xi32, #tpu.memory_space<vmem>>
    %dma_wait3A_1211 = arith.constant 0 : i32
    %dma_wait3A_1212 = tpu.memref_slice %arg8[%dma_wait3A_1211] : memref<131328xf32, #tpu.memory_space<vmem_shared>> -> memref<131328xf32, #tpu.memory_space<vmem_shared>>
    tpu.wait_indirect_dma semaphore(%arg9 : memref<!tpu.dma_semaphore, #tpu.memory_space<semaphore_mem>>) src(%dma_wait3A_1212 : memref<131328xf32, #tpu.memory_space<vmem_shared>>) dst(%dma_wait3A_1207 : memref<128xf32, #tpu.memory_space<vmem>>)
    %dma_wait3A_1213 = arith.constant 55 : i32
    %dma_wait3A_1214 = arith.constant 13 : i32
    %dma_wait3A_1215 = arith.constant 384 : i32
    %dma_wait3A_1216 = tpu.memref_slice %arg6[%dma_wait3A_1214, %dma_wait3A_1215] : memref<16x512xf32, #tpu.memory_space<vmem>> -> memref<1x128xf32, #tpu.memory_space<vmem>>
    %dma_wait3A_1217 = tpu.memref_squeeze %dma_wait3A_1216 : memref<1x128xf32, #tpu.memory_space<vmem>> -> memref<128xf32, #tpu.memory_space<vmem>>
    %dma_wait3A_1218 = arith.constant 0 : i32
    %dma_wait3A_1219 = tpu.memref_slice %arg5[%dma_wait3A_1213, %dma_wait3A_1218] : memref<64x128xi32, #tpu.memory_space<vmem>> -> memref<1x128xi32, #tpu.memory_space<vmem>>
    %dma_wait3A_1220 = tpu.memref_squeeze %dma_wait3A_1219 : memref<1x128xi32, #tpu.memory_space<vmem>> -> memref<128xi32, #tpu.memory_space<vmem>>
    %dma_wait3A_1221 = arith.constant 0 : i32
    %dma_wait3A_1222 = tpu.memref_slice %arg8[%dma_wait3A_1221] : memref<131328xf32, #tpu.memory_space<vmem_shared>> -> memref<131328xf32, #tpu.memory_space<vmem_shared>>
    tpu.wait_indirect_dma semaphore(%arg9 : memref<!tpu.dma_semaphore, #tpu.memory_space<semaphore_mem>>) src(%dma_wait3A_1222 : memref<131328xf32, #tpu.memory_space<vmem_shared>>) dst(%dma_wait3A_1217 : memref<128xf32, #tpu.memory_space<vmem>>)
    %dma_wait3A_1223 = arith.constant 56 : i32
    %dma_wait3A_1224 = arith.constant 14 : i32
    %dma_wait3A_1225 = arith.constant 0 : i32
    %dma_wait3A_1226 = tpu.memref_slice %arg6[%dma_wait3A_1224, %dma_wait3A_1225] : memref<16x512xf32, #tpu.memory_space<vmem>> -> memref<1x128xf32, #tpu.memory_space<vmem>>
    %dma_wait3A_1227 = tpu.memref_squeeze %dma_wait3A_1226 : memref<1x128xf32, #tpu.memory_space<vmem>> -> memref<128xf32, #tpu.memory_space<vmem>>
    %dma_wait3A_1228 = arith.constant 0 : i32
    %dma_wait3A_1229 = tpu.memref_slice %arg5[%dma_wait3A_1223, %dma_wait3A_1228] : memref<64x128xi32, #tpu.memory_space<vmem>> -> memref<1x128xi32, #tpu.memory_space<vmem>>
    %dma_wait3A_1230 = tpu.memref_squeeze %dma_wait3A_1229 : memref<1x128xi32, #tpu.memory_space<vmem>> -> memref<128xi32, #tpu.memory_space<vmem>>
    %dma_wait3A_1231 = arith.constant 0 : i32
    %dma_wait3A_1232 = tpu.memref_slice %arg8[%dma_wait3A_1231] : memref<131328xf32, #tpu.memory_space<vmem_shared>> -> memref<131328xf32, #tpu.memory_space<vmem_shared>>
    tpu.wait_indirect_dma semaphore(%arg9 : memref<!tpu.dma_semaphore, #tpu.memory_space<semaphore_mem>>) src(%dma_wait3A_1232 : memref<131328xf32, #tpu.memory_space<vmem_shared>>) dst(%dma_wait3A_1227 : memref<128xf32, #tpu.memory_space<vmem>>)
    %dma_wait3A_1233 = arith.constant 57 : i32
    %dma_wait3A_1234 = arith.constant 14 : i32
    %dma_wait3A_1235 = arith.constant 128 : i32
    %dma_wait3A_1236 = tpu.memref_slice %arg6[%dma_wait3A_1234, %dma_wait3A_1235] : memref<16x512xf32, #tpu.memory_space<vmem>> -> memref<1x128xf32, #tpu.memory_space<vmem>>
    %dma_wait3A_1237 = tpu.memref_squeeze %dma_wait3A_1236 : memref<1x128xf32, #tpu.memory_space<vmem>> -> memref<128xf32, #tpu.memory_space<vmem>>
    %dma_wait3A_1238 = arith.constant 0 : i32
    %dma_wait3A_1239 = tpu.memref_slice %arg5[%dma_wait3A_1233, %dma_wait3A_1238] : memref<64x128xi32, #tpu.memory_space<vmem>> -> memref<1x128xi32, #tpu.memory_space<vmem>>
    %dma_wait3A_1240 = tpu.memref_squeeze %dma_wait3A_1239 : memref<1x128xi32, #tpu.memory_space<vmem>> -> memref<128xi32, #tpu.memory_space<vmem>>
    %dma_wait3A_1241 = arith.constant 0 : i32
    %dma_wait3A_1242 = tpu.memref_slice %arg8[%dma_wait3A_1241] : memref<131328xf32, #tpu.memory_space<vmem_shared>> -> memref<131328xf32, #tpu.memory_space<vmem_shared>>
    tpu.wait_indirect_dma semaphore(%arg9 : memref<!tpu.dma_semaphore, #tpu.memory_space<semaphore_mem>>) src(%dma_wait3A_1242 : memref<131328xf32, #tpu.memory_space<vmem_shared>>) dst(%dma_wait3A_1237 : memref<128xf32, #tpu.memory_space<vmem>>)
    %dma_wait3A_1243 = arith.constant 58 : i32
    %dma_wait3A_1244 = arith.constant 14 : i32
    %dma_wait3A_1245 = arith.constant 256 : i32
    %dma_wait3A_1246 = tpu.memref_slice %arg6[%dma_wait3A_1244, %dma_wait3A_1245] : memref<16x512xf32, #tpu.memory_space<vmem>> -> memref<1x128xf32, #tpu.memory_space<vmem>>
    %dma_wait3A_1247 = tpu.memref_squeeze %dma_wait3A_1246 : memref<1x128xf32, #tpu.memory_space<vmem>> -> memref<128xf32, #tpu.memory_space<vmem>>
    %dma_wait3A_1248 = arith.constant 0 : i32
    %dma_wait3A_1249 = tpu.memref_slice %arg5[%dma_wait3A_1243, %dma_wait3A_1248] : memref<64x128xi32, #tpu.memory_space<vmem>> -> memref<1x128xi32, #tpu.memory_space<vmem>>
    %dma_wait3A_1250 = tpu.memref_squeeze %dma_wait3A_1249 : memref<1x128xi32, #tpu.memory_space<vmem>> -> memref<128xi32, #tpu.memory_space<vmem>>
    %dma_wait3A_1251 = arith.constant 0 : i32
    %dma_wait3A_1252 = tpu.memref_slice %arg8[%dma_wait3A_1251] : memref<131328xf32, #tpu.memory_space<vmem_shared>> -> memref<131328xf32, #tpu.memory_space<vmem_shared>>
    tpu.wait_indirect_dma semaphore(%arg9 : memref<!tpu.dma_semaphore, #tpu.memory_space<semaphore_mem>>) src(%dma_wait3A_1252 : memref<131328xf32, #tpu.memory_space<vmem_shared>>) dst(%dma_wait3A_1247 : memref<128xf32, #tpu.memory_space<vmem>>)
    %dma_wait3A_1253 = arith.constant 59 : i32
    %dma_wait3A_1254 = arith.constant 14 : i32
    %dma_wait3A_1255 = arith.constant 384 : i32
    %dma_wait3A_1256 = tpu.memref_slice %arg6[%dma_wait3A_1254, %dma_wait3A_1255] : memref<16x512xf32, #tpu.memory_space<vmem>> -> memref<1x128xf32, #tpu.memory_space<vmem>>
    %dma_wait3A_1257 = tpu.memref_squeeze %dma_wait3A_1256 : memref<1x128xf32, #tpu.memory_space<vmem>> -> memref<128xf32, #tpu.memory_space<vmem>>
    %dma_wait3A_1258 = arith.constant 0 : i32
    %dma_wait3A_1259 = tpu.memref_slice %arg5[%dma_wait3A_1253, %dma_wait3A_1258] : memref<64x128xi32, #tpu.memory_space<vmem>> -> memref<1x128xi32, #tpu.memory_space<vmem>>
    %dma_wait3A_1260 = tpu.memref_squeeze %dma_wait3A_1259 : memref<1x128xi32, #tpu.memory_space<vmem>> -> memref<128xi32, #tpu.memory_space<vmem>>
    %dma_wait3A_1261 = arith.constant 0 : i32
    %dma_wait3A_1262 = tpu.memref_slice %arg8[%dma_wait3A_1261] : memref<131328xf32, #tpu.memory_space<vmem_shared>> -> memref<131328xf32, #tpu.memory_space<vmem_shared>>
    tpu.wait_indirect_dma semaphore(%arg9 : memref<!tpu.dma_semaphore, #tpu.memory_space<semaphore_mem>>) src(%dma_wait3A_1262 : memref<131328xf32, #tpu.memory_space<vmem_shared>>) dst(%dma_wait3A_1257 : memref<128xf32, #tpu.memory_space<vmem>>)
    %dma_wait3A_1263 = arith.constant 60 : i32
    %dma_wait3A_1264 = arith.constant 15 : i32
    %dma_wait3A_1265 = arith.constant 0 : i32
    %dma_wait3A_1266 = tpu.memref_slice %arg6[%dma_wait3A_1264, %dma_wait3A_1265] : memref<16x512xf32, #tpu.memory_space<vmem>> -> memref<1x128xf32, #tpu.memory_space<vmem>>
    %dma_wait3A_1267 = tpu.memref_squeeze %dma_wait3A_1266 : memref<1x128xf32, #tpu.memory_space<vmem>> -> memref<128xf32, #tpu.memory_space<vmem>>
    %dma_wait3A_1268 = arith.constant 0 : i32
    %dma_wait3A_1269 = tpu.memref_slice %arg5[%dma_wait3A_1263, %dma_wait3A_1268] : memref<64x128xi32, #tpu.memory_space<vmem>> -> memref<1x128xi32, #tpu.memory_space<vmem>>
    %dma_wait3A_1270 = tpu.memref_squeeze %dma_wait3A_1269 : memref<1x128xi32, #tpu.memory_space<vmem>> -> memref<128xi32, #tpu.memory_space<vmem>>
    %dma_wait3A_1271 = arith.constant 0 : i32
    %dma_wait3A_1272 = tpu.memref_slice %arg8[%dma_wait3A_1271] : memref<131328xf32, #tpu.memory_space<vmem_shared>> -> memref<131328xf32, #tpu.memory_space<vmem_shared>>
    tpu.wait_indirect_dma semaphore(%arg9 : memref<!tpu.dma_semaphore, #tpu.memory_space<semaphore_mem>>) src(%dma_wait3A_1272 : memref<131328xf32, #tpu.memory_space<vmem_shared>>) dst(%dma_wait3A_1267 : memref<128xf32, #tpu.memory_space<vmem>>)
    %dma_wait3A_1273 = arith.constant 61 : i32
    %dma_wait3A_1274 = arith.constant 15 : i32
    %dma_wait3A_1275 = arith.constant 128 : i32
    %dma_wait3A_1276 = tpu.memref_slice %arg6[%dma_wait3A_1274, %dma_wait3A_1275] : memref<16x512xf32, #tpu.memory_space<vmem>> -> memref<1x128xf32, #tpu.memory_space<vmem>>
    %dma_wait3A_1277 = tpu.memref_squeeze %dma_wait3A_1276 : memref<1x128xf32, #tpu.memory_space<vmem>> -> memref<128xf32, #tpu.memory_space<vmem>>
    %dma_wait3A_1278 = arith.constant 0 : i32
    %dma_wait3A_1279 = tpu.memref_slice %arg5[%dma_wait3A_1273, %dma_wait3A_1278] : memref<64x128xi32, #tpu.memory_space<vmem>> -> memref<1x128xi32, #tpu.memory_space<vmem>>
    %dma_wait3A_1280 = tpu.memref_squeeze %dma_wait3A_1279 : memref<1x128xi32, #tpu.memory_space<vmem>> -> memref<128xi32, #tpu.memory_space<vmem>>
    %dma_wait3A_1281 = arith.constant 0 : i32
    %dma_wait3A_1282 = tpu.memref_slice %arg8[%dma_wait3A_1281] : memref<131328xf32, #tpu.memory_space<vmem_shared>> -> memref<131328xf32, #tpu.memory_space<vmem_shared>>
    tpu.wait_indirect_dma semaphore(%arg9 : memref<!tpu.dma_semaphore, #tpu.memory_space<semaphore_mem>>) src(%dma_wait3A_1282 : memref<131328xf32, #tpu.memory_space<vmem_shared>>) dst(%dma_wait3A_1277 : memref<128xf32, #tpu.memory_space<vmem>>)
    %dma_wait3A_1283 = arith.constant 62 : i32
    %dma_wait3A_1284 = arith.constant 15 : i32
    %dma_wait3A_1285 = arith.constant 256 : i32
    %dma_wait3A_1286 = tpu.memref_slice %arg6[%dma_wait3A_1284, %dma_wait3A_1285] : memref<16x512xf32, #tpu.memory_space<vmem>> -> memref<1x128xf32, #tpu.memory_space<vmem>>
    %dma_wait3A_1287 = tpu.memref_squeeze %dma_wait3A_1286 : memref<1x128xf32, #tpu.memory_space<vmem>> -> memref<128xf32, #tpu.memory_space<vmem>>
    %dma_wait3A_1288 = arith.constant 0 : i32
    %dma_wait3A_1289 = tpu.memref_slice %arg5[%dma_wait3A_1283, %dma_wait3A_1288] : memref<64x128xi32, #tpu.memory_space<vmem>> -> memref<1x128xi32, #tpu.memory_space<vmem>>
    %dma_wait3A_1290 = tpu.memref_squeeze %dma_wait3A_1289 : memref<1x128xi32, #tpu.memory_space<vmem>> -> memref<128xi32, #tpu.memory_space<vmem>>
    %dma_wait3A_1291 = arith.constant 0 : i32
    %dma_wait3A_1292 = tpu.memref_slice %arg8[%dma_wait3A_1291] : memref<131328xf32, #tpu.memory_space<vmem_shared>> -> memref<131328xf32, #tpu.memory_space<vmem_shared>>
    tpu.wait_indirect_dma semaphore(%arg9 : memref<!tpu.dma_semaphore, #tpu.memory_space<semaphore_mem>>) src(%dma_wait3A_1292 : memref<131328xf32, #tpu.memory_space<vmem_shared>>) dst(%dma_wait3A_1287 : memref<128xf32, #tpu.memory_space<vmem>>)
    %dma_wait3A_1293 = arith.constant 63 : i32
    %dma_wait3A_1294 = arith.constant 15 : i32
    %dma_wait3A_1295 = arith.constant 384 : i32
    %dma_wait3A_1296 = tpu.memref_slice %arg6[%dma_wait3A_1294, %dma_wait3A_1295] : memref<16x512xf32, #tpu.memory_space<vmem>> -> memref<1x128xf32, #tpu.memory_space<vmem>>
    %dma_wait3A_1297 = tpu.memref_squeeze %dma_wait3A_1296 : memref<1x128xf32, #tpu.memory_space<vmem>> -> memref<128xf32, #tpu.memory_space<vmem>>
    %dma_wait3A_1298 = arith.constant 0 : i32
    %dma_wait3A_1299 = tpu.memref_slice %arg5[%dma_wait3A_1293, %dma_wait3A_1298] : memref<64x128xi32, #tpu.memory_space<vmem>> -> memref<1x128xi32, #tpu.memory_space<vmem>>
    %dma_wait3A_1300 = tpu.memref_squeeze %dma_wait3A_1299 : memref<1x128xi32, #tpu.memory_space<vmem>> -> memref<128xi32, #tpu.memory_space<vmem>>
    %dma_wait3A_1301 = arith.constant 0 : i32
    %dma_wait3A_1302 = tpu.memref_slice %arg8[%dma_wait3A_1301] : memref<131328xf32, #tpu.memory_space<vmem_shared>> -> memref<131328xf32, #tpu.memory_space<vmem_shared>>
    tpu.wait_indirect_dma semaphore(%arg9 : memref<!tpu.dma_semaphore, #tpu.memory_space<semaphore_mem>>) src(%dma_wait3A_1302 : memref<131328xf32, #tpu.memory_space<vmem_shared>>) dst(%dma_wait3A_1297 : memref<128xf32, #tpu.memory_space<vmem>>)
    %mul3A_1303 = arith.constant 16 : i32
    %mul3A_1304 = arith.muli %add3A, %mul3A_1303 : i32
    "tpu.region"() ({
      %run_scoped3A = tpu.sem_alloc : memref<!tpu.dma_semaphore, #tpu.memory_space<semaphore_mem>>
      %dma_start3A_1305 = arith.constant 0 : i32
      %dma_start3A_1306 = tpu.memref_slice %arg4[%mul3A_1304, %dma_start3A_1305] : memref<512x512xf32, #tpu.memory_space<hbm>> -> memref<16x512xf32, #tpu.memory_space<hbm>>
      %dma_start3A_1307 = arith.constant 0 : i32
      %dma_start3A_1308 = tpu.memref_slice %arg4[%mul3A_1304, %dma_start3A_1307] : memref<512x512xf32, #tpu.memory_space<hbm>> -> memref<16x512xf32, #tpu.memory_space<hbm>>
      tpu.enqueue_dma source(%arg6 : memref<16x512xf32, #tpu.memory_space<vmem>>) target(%dma_start3A_1308 : memref<16x512xf32, #tpu.memory_space<hbm>>) target_semaphore(%run_scoped3A : memref<!tpu.dma_semaphore, #tpu.memory_space<semaphore_mem>>)
      %dma_wait3A_1309 = arith.constant 0 : i32
      %dma_wait3A_1310 = tpu.memref_slice %arg4[%mul3A_1304, %dma_wait3A_1309] : memref<512x512xf32, #tpu.memory_space<hbm>> -> memref<16x512xf32, #tpu.memory_space<hbm>>
      %dma_wait3A_1311 = arith.constant 0 : i32
      %dma_wait3A_1312 = tpu.memref_slice %arg4[%mul3A_1304, %dma_wait3A_1311] : memref<512x512xf32, #tpu.memory_space<hbm>> -> memref<16x512xf32, #tpu.memory_space<hbm>>
      tpu.wait_dma2 semaphore(%run_scoped3A : memref<!tpu.dma_semaphore, #tpu.memory_space<semaphore_mem>>) src(%arg6 : memref<16x512xf32, #tpu.memory_space<vmem>>) dst(%dma_wait3A_1312 : memref<16x512xf32, #tpu.memory_space<hbm>>)
      tpu.yield
    }) : () -> ()
    return
  }
}

#map = affine_map<(d0, d1) -> (0, 0)>
#map1 = affine_map<(d0, d1) -> (0, 0, 0)>
module attributes {stable_mosaic.version = 14 : i64} {
  func.func @k(%arg0: i32, %arg1: i32, %arg2: memref<2x16384xi32, #tpu.memory_space<hbm>>, %arg3: memref<2x512x512xf32, #tpu.memory_space<hbm>>, %arg4: memref<512xi32, #tpu.memory_space<vmem>>, %arg5: memref<512xi32, #tpu.memory_space<vmem>>, %arg6: memref<4x128xi32, #tpu.memory_space<vmem>>, %arg7: memref<128xf32, #tpu.memory_space<vmem>>, %arg8: memref<2048xf32, #tpu.memory_space<vmem>>, %arg9: memref<32x512xf32, #tpu.memory_space<vmem>>, %arg10: memref<262144xf32, #tpu.memory_space<vmem_shared>>, %arg11: memref<!tpu.dma_semaphore, #tpu.memory_space<semaphore_mem>>, %arg12: memref<!tpu.dma_semaphore, #tpu.memory_space<semaphore_mem>>) attributes {dimension_semantics = [#tpu.dimension_semantics<core_parallel>, #tpu.dimension_semantics<subcore_parallel>], iteration_bounds = array<i64: 2, 16>, scalar_prefetch = 0 : i64, scratch_operands = 9 : i64, tpu.core_type = #tpu.core_type<sc_vector_subcore>, window_params = [{transform_indices = #map}, {transform_indices = #map1}]} {
    %mul3A = arith.constant 16 : i32
    %mul3A_0 = arith.muli %arg0, %mul3A : i32
    %add3A = arith.addi %mul3A_0, %arg1 : i32
    %mul3A_1 = arith.constant 512 : i32
    %mul3A_2 = arith.muli %add3A, %mul3A_1 : i32
    %dma_start3A = arith.constant 0 : i32
    %dma_start3A_3 = tpu.memref_slice %arg2[%dma_start3A, %mul3A_2] : memref<2x16384xi32, #tpu.memory_space<hbm>> -> memref<1x512xi32, #tpu.memory_space<hbm>>
    %dma_start3A_4 = tpu.memref_squeeze %dma_start3A_3 : memref<1x512xi32, #tpu.memory_space<hbm>> -> memref<512xi32, #tpu.memory_space<hbm>>
    %dma_start3A_5 = tpu.memref_slice %arg2[%dma_start3A, %mul3A_2] : memref<2x16384xi32, #tpu.memory_space<hbm>> -> memref<1x512xi32, #tpu.memory_space<hbm>>
    %dma_start3A_6 = tpu.memref_squeeze %dma_start3A_5 : memref<1x512xi32, #tpu.memory_space<hbm>> -> memref<512xi32, #tpu.memory_space<hbm>>
    tpu.enqueue_dma source(%dma_start3A_6 : memref<512xi32, #tpu.memory_space<hbm>>) target(%arg4 : memref<512xi32, #tpu.memory_space<vmem>>) target_semaphore(%arg12 : memref<!tpu.dma_semaphore, #tpu.memory_space<semaphore_mem>>)
    %dma_start3A_7 = arith.constant 1 : i32
    %dma_start3A_8 = tpu.memref_slice %arg2[%dma_start3A_7, %mul3A_2] : memref<2x16384xi32, #tpu.memory_space<hbm>> -> memref<1x512xi32, #tpu.memory_space<hbm>>
    %dma_start3A_9 = tpu.memref_squeeze %dma_start3A_8 : memref<1x512xi32, #tpu.memory_space<hbm>> -> memref<512xi32, #tpu.memory_space<hbm>>
    %dma_start3A_10 = tpu.memref_slice %arg2[%dma_start3A_7, %mul3A_2] : memref<2x16384xi32, #tpu.memory_space<hbm>> -> memref<1x512xi32, #tpu.memory_space<hbm>>
    %dma_start3A_11 = tpu.memref_squeeze %dma_start3A_10 : memref<1x512xi32, #tpu.memory_space<hbm>> -> memref<512xi32, #tpu.memory_space<hbm>>
    tpu.enqueue_dma source(%dma_start3A_11 : memref<512xi32, #tpu.memory_space<hbm>>) target(%arg5 : memref<512xi32, #tpu.memory_space<vmem>>) target_semaphore(%arg12 : memref<!tpu.dma_semaphore, #tpu.memory_space<semaphore_mem>>)
    %scan3A = arith.constant 0 : i32
    %scan3A_12 = arith.constant 0 : i32
    %scan3A_13 = arith.constant 128 : i32
    %scan3A_14 = arith.addi %scan3A_12, %scan3A_13 : i32
    %scan3A_15 = arith.constant 1 : i32
    scf.for %scan3A_1357 = %scan3A_12 to %scan3A_14 step %scan3A_15  : i32 {
      %broadcast_in_dim3A_1358 = arith.constant 0.000000e+00 : f32
      %broadcast_in_dim3A_1359 = vector.broadcast %broadcast_in_dim3A_1358 : f32 to vector<16xf32>
      %mul3A_1360 = arith.constant 16 : i32
      %mul3A_1361 = arith.muli %scan3A_1357, %mul3A_1360 : i32
      %swap3A_1362 = arith.index_cast %mul3A_1361 : i32 to index
      %swap3A_1363 = tpu.vector_load %arg8[%swap3A_1362] {strides = array<i32>} : memref<2048xf32, #tpu.memory_space<vmem>>, vector<16xf32>,
      %swap3A_1364 = vector.shape_cast %swap3A_1363 : vector<16xf32> to vector<16xf32>
      %swap3A_1365 = vector.shape_cast %broadcast_in_dim3A_1359 : vector<16xf32> to vector<16xf32>
      tpu.vector_store %arg8[%swap3A_1362], %swap3A_1365 {strides = array<i32>} : memref<2048xf32, #tpu.memory_space<vmem>>, vector<16xf32>,
    }
    %scan3A_16 = arith.constant 128 : i32
    %broadcast_in_dim3A = arith.constant 1.000000e+00 : f32
    %broadcast_in_dim3A_17 = vector.broadcast %broadcast_in_dim3A : f32 to vector<16xf32>
    %swap3A = arith.constant 0 : index
    %swap3A_18 = tpu.vector_load %arg7[%swap3A] {strides = array<i32>} : memref<128xf32, #tpu.memory_space<vmem>>, vector<16xf32>,
    %swap3A_19 = vector.shape_cast %swap3A_18 : vector<16xf32> to vector<16xf32>
    %swap3A_20 = vector.shape_cast %broadcast_in_dim3A_17 : vector<16xf32> to vector<16xf32>
    tpu.vector_store %arg7[%swap3A], %swap3A_20 {strides = array<i32>} : memref<128xf32, #tpu.memory_space<vmem>>, vector<16xf32>,
    %broadcast_in_dim3A_21 = arith.constant 1.000000e+00 : f32
    %broadcast_in_dim3A_22 = vector.broadcast %broadcast_in_dim3A_21 : f32 to vector<16xf32>
    %swap3A_23 = arith.constant 16 : index
    %swap3A_24 = tpu.vector_load %arg7[%swap3A_23] {strides = array<i32>} : memref<128xf32, #tpu.memory_space<vmem>>, vector<16xf32>,
    %swap3A_25 = vector.shape_cast %swap3A_24 : vector<16xf32> to vector<16xf32>
    %swap3A_26 = vector.shape_cast %broadcast_in_dim3A_22 : vector<16xf32> to vector<16xf32>
    tpu.vector_store %arg7[%swap3A_23], %swap3A_26 {strides = array<i32>} : memref<128xf32, #tpu.memory_space<vmem>>, vector<16xf32>,
    %broadcast_in_dim3A_27 = arith.constant 1.000000e+00 : f32
    %broadcast_in_dim3A_28 = vector.broadcast %broadcast_in_dim3A_27 : f32 to vector<16xf32>
    %swap3A_29 = arith.constant 32 : index
    %swap3A_30 = tpu.vector_load %arg7[%swap3A_29] {strides = array<i32>} : memref<128xf32, #tpu.memory_space<vmem>>, vector<16xf32>,
    %swap3A_31 = vector.shape_cast %swap3A_30 : vector<16xf32> to vector<16xf32>
    %swap3A_32 = vector.shape_cast %broadcast_in_dim3A_28 : vector<16xf32> to vector<16xf32>
    tpu.vector_store %arg7[%swap3A_29], %swap3A_32 {strides = array<i32>} : memref<128xf32, #tpu.memory_space<vmem>>, vector<16xf32>,
    %broadcast_in_dim3A_33 = arith.constant 1.000000e+00 : f32
    %broadcast_in_dim3A_34 = vector.broadcast %broadcast_in_dim3A_33 : f32 to vector<16xf32>
    %swap3A_35 = arith.constant 48 : index
    %swap3A_36 = tpu.vector_load %arg7[%swap3A_35] {strides = array<i32>} : memref<128xf32, #tpu.memory_space<vmem>>, vector<16xf32>,
    %swap3A_37 = vector.shape_cast %swap3A_36 : vector<16xf32> to vector<16xf32>
    %swap3A_38 = vector.shape_cast %broadcast_in_dim3A_34 : vector<16xf32> to vector<16xf32>
    tpu.vector_store %arg7[%swap3A_35], %swap3A_38 {strides = array<i32>} : memref<128xf32, #tpu.memory_space<vmem>>, vector<16xf32>,
    %broadcast_in_dim3A_39 = arith.constant 1.000000e+00 : f32
    %broadcast_in_dim3A_40 = vector.broadcast %broadcast_in_dim3A_39 : f32 to vector<16xf32>
    %swap3A_41 = arith.constant 64 : index
    %swap3A_42 = tpu.vector_load %arg7[%swap3A_41] {strides = array<i32>} : memref<128xf32, #tpu.memory_space<vmem>>, vector<16xf32>,
    %swap3A_43 = vector.shape_cast %swap3A_42 : vector<16xf32> to vector<16xf32>
    %swap3A_44 = vector.shape_cast %broadcast_in_dim3A_40 : vector<16xf32> to vector<16xf32>
    tpu.vector_store %arg7[%swap3A_41], %swap3A_44 {strides = array<i32>} : memref<128xf32, #tpu.memory_space<vmem>>, vector<16xf32>,
    %broadcast_in_dim3A_45 = arith.constant 1.000000e+00 : f32
    %broadcast_in_dim3A_46 = vector.broadcast %broadcast_in_dim3A_45 : f32 to vector<16xf32>
    %swap3A_47 = arith.constant 80 : index
    %swap3A_48 = tpu.vector_load %arg7[%swap3A_47] {strides = array<i32>} : memref<128xf32, #tpu.memory_space<vmem>>, vector<16xf32>,
    %swap3A_49 = vector.shape_cast %swap3A_48 : vector<16xf32> to vector<16xf32>
    %swap3A_50 = vector.shape_cast %broadcast_in_dim3A_46 : vector<16xf32> to vector<16xf32>
    tpu.vector_store %arg7[%swap3A_47], %swap3A_50 {strides = array<i32>} : memref<128xf32, #tpu.memory_space<vmem>>, vector<16xf32>,
    %broadcast_in_dim3A_51 = arith.constant 1.000000e+00 : f32
    %broadcast_in_dim3A_52 = vector.broadcast %broadcast_in_dim3A_51 : f32 to vector<16xf32>
    %swap3A_53 = arith.constant 96 : index
    %swap3A_54 = tpu.vector_load %arg7[%swap3A_53] {strides = array<i32>} : memref<128xf32, #tpu.memory_space<vmem>>, vector<16xf32>,
    %swap3A_55 = vector.shape_cast %swap3A_54 : vector<16xf32> to vector<16xf32>
    %swap3A_56 = vector.shape_cast %broadcast_in_dim3A_52 : vector<16xf32> to vector<16xf32>
    tpu.vector_store %arg7[%swap3A_53], %swap3A_56 {strides = array<i32>} : memref<128xf32, #tpu.memory_space<vmem>>, vector<16xf32>,
    %broadcast_in_dim3A_57 = arith.constant 1.000000e+00 : f32
    %broadcast_in_dim3A_58 = vector.broadcast %broadcast_in_dim3A_57 : f32 to vector<16xf32>
    %swap3A_59 = arith.constant 112 : index
    %swap3A_60 = tpu.vector_load %arg7[%swap3A_59] {strides = array<i32>} : memref<128xf32, #tpu.memory_space<vmem>>, vector<16xf32>,
    %swap3A_61 = vector.shape_cast %swap3A_60 : vector<16xf32> to vector<16xf32>
    %swap3A_62 = vector.shape_cast %broadcast_in_dim3A_58 : vector<16xf32> to vector<16xf32>
    tpu.vector_store %arg7[%swap3A_59], %swap3A_62 {strides = array<i32>} : memref<128xf32, #tpu.memory_space<vmem>>, vector<16xf32>,
    %mul3A_63 = arith.constant 16384 : i32
    %mul3A_64 = arith.muli %arg1, %mul3A_63 : i32
    %add3A_65 = arith.constant 0 : i32
    %add3A_66 = arith.addi %mul3A_64, %add3A_65 : i32
    %dma_start3A_67 = tpu.memref_slice %arg10[%add3A_66] : memref<262144xf32, #tpu.memory_space<vmem_shared>> -> memref<2048xf32, #tpu.memory_space<vmem_shared>>
    %dma_start3A_68 = tpu.memref_slice %arg10[%add3A_66] : memref<262144xf32, #tpu.memory_space<vmem_shared>> -> memref<2048xf32, #tpu.memory_space<vmem_shared>>
    tpu.enqueue_dma source(%arg8 : memref<2048xf32, #tpu.memory_space<vmem>>) target(%dma_start3A_68 : memref<2048xf32, #tpu.memory_space<vmem_shared>>) target_semaphore(%arg11 : memref<!tpu.dma_semaphore, #tpu.memory_space<semaphore_mem>>)
    %mul3A_69 = arith.constant 16384 : i32
    %mul3A_70 = arith.muli %arg1, %mul3A_69 : i32
    %add3A_71 = arith.constant 2048 : i32
    %add3A_72 = arith.addi %mul3A_70, %add3A_71 : i32
    %dma_start3A_73 = tpu.memref_slice %arg10[%add3A_72] : memref<262144xf32, #tpu.memory_space<vmem_shared>> -> memref<2048xf32, #tpu.memory_space<vmem_shared>>
    %dma_start3A_74 = tpu.memref_slice %arg10[%add3A_72] : memref<262144xf32, #tpu.memory_space<vmem_shared>> -> memref<2048xf32, #tpu.memory_space<vmem_shared>>
    tpu.enqueue_dma source(%arg8 : memref<2048xf32, #tpu.memory_space<vmem>>) target(%dma_start3A_74 : memref<2048xf32, #tpu.memory_space<vmem_shared>>) target_semaphore(%arg11 : memref<!tpu.dma_semaphore, #tpu.memory_space<semaphore_mem>>)
    %mul3A_75 = arith.constant 16384 : i32
    %mul3A_76 = arith.muli %arg1, %mul3A_75 : i32
    %add3A_77 = arith.constant 4096 : i32
    %add3A_78 = arith.addi %mul3A_76, %add3A_77 : i32
    %dma_start3A_79 = tpu.memref_slice %arg10[%add3A_78] : memref<262144xf32, #tpu.memory_space<vmem_shared>> -> memref<2048xf32, #tpu.memory_space<vmem_shared>>
    %dma_start3A_80 = tpu.memref_slice %arg10[%add3A_78] : memref<262144xf32, #tpu.memory_space<vmem_shared>> -> memref<2048xf32, #tpu.memory_space<vmem_shared>>
    tpu.enqueue_dma source(%arg8 : memref<2048xf32, #tpu.memory_space<vmem>>) target(%dma_start3A_80 : memref<2048xf32, #tpu.memory_space<vmem_shared>>) target_semaphore(%arg11 : memref<!tpu.dma_semaphore, #tpu.memory_space<semaphore_mem>>)
    %mul3A_81 = arith.constant 16384 : i32
    %mul3A_82 = arith.muli %arg1, %mul3A_81 : i32
    %add3A_83 = arith.constant 6144 : i32
    %add3A_84 = arith.addi %mul3A_82, %add3A_83 : i32
    %dma_start3A_85 = tpu.memref_slice %arg10[%add3A_84] : memref<262144xf32, #tpu.memory_space<vmem_shared>> -> memref<2048xf32, #tpu.memory_space<vmem_shared>>
    %dma_start3A_86 = tpu.memref_slice %arg10[%add3A_84] : memref<262144xf32, #tpu.memory_space<vmem_shared>> -> memref<2048xf32, #tpu.memory_space<vmem_shared>>
    tpu.enqueue_dma source(%arg8 : memref<2048xf32, #tpu.memory_space<vmem>>) target(%dma_start3A_86 : memref<2048xf32, #tpu.memory_space<vmem_shared>>) target_semaphore(%arg11 : memref<!tpu.dma_semaphore, #tpu.memory_space<semaphore_mem>>)
    %mul3A_87 = arith.constant 16384 : i32
    %mul3A_88 = arith.muli %arg1, %mul3A_87 : i32
    %add3A_89 = arith.constant 8192 : i32
    %add3A_90 = arith.addi %mul3A_88, %add3A_89 : i32
    %dma_start3A_91 = tpu.memref_slice %arg10[%add3A_90] : memref<262144xf32, #tpu.memory_space<vmem_shared>> -> memref<2048xf32, #tpu.memory_space<vmem_shared>>
    %dma_start3A_92 = tpu.memref_slice %arg10[%add3A_90] : memref<262144xf32, #tpu.memory_space<vmem_shared>> -> memref<2048xf32, #tpu.memory_space<vmem_shared>>
    tpu.enqueue_dma source(%arg8 : memref<2048xf32, #tpu.memory_space<vmem>>) target(%dma_start3A_92 : memref<2048xf32, #tpu.memory_space<vmem_shared>>) target_semaphore(%arg11 : memref<!tpu.dma_semaphore, #tpu.memory_space<semaphore_mem>>)
    %mul3A_93 = arith.constant 16384 : i32
    %mul3A_94 = arith.muli %arg1, %mul3A_93 : i32
    %add3A_95 = arith.constant 10240 : i32
    %add3A_96 = arith.addi %mul3A_94, %add3A_95 : i32
    %dma_start3A_97 = tpu.memref_slice %arg10[%add3A_96] : memref<262144xf32, #tpu.memory_space<vmem_shared>> -> memref<2048xf32, #tpu.memory_space<vmem_shared>>
    %dma_start3A_98 = tpu.memref_slice %arg10[%add3A_96] : memref<262144xf32, #tpu.memory_space<vmem_shared>> -> memref<2048xf32, #tpu.memory_space<vmem_shared>>
    tpu.enqueue_dma source(%arg8 : memref<2048xf32, #tpu.memory_space<vmem>>) target(%dma_start3A_98 : memref<2048xf32, #tpu.memory_space<vmem_shared>>) target_semaphore(%arg11 : memref<!tpu.dma_semaphore, #tpu.memory_space<semaphore_mem>>)
    %mul3A_99 = arith.constant 16384 : i32
    %mul3A_100 = arith.muli %arg1, %mul3A_99 : i32
    %add3A_101 = arith.constant 12288 : i32
    %add3A_102 = arith.addi %mul3A_100, %add3A_101 : i32
    %dma_start3A_103 = tpu.memref_slice %arg10[%add3A_102] : memref<262144xf32, #tpu.memory_space<vmem_shared>> -> memref<2048xf32, #tpu.memory_space<vmem_shared>>
    %dma_start3A_104 = tpu.memref_slice %arg10[%add3A_102] : memref<262144xf32, #tpu.memory_space<vmem_shared>> -> memref<2048xf32, #tpu.memory_space<vmem_shared>>
    tpu.enqueue_dma source(%arg8 : memref<2048xf32, #tpu.memory_space<vmem>>) target(%dma_start3A_104 : memref<2048xf32, #tpu.memory_space<vmem_shared>>) target_semaphore(%arg11 : memref<!tpu.dma_semaphore, #tpu.memory_space<semaphore_mem>>)
    %mul3A_105 = arith.constant 16384 : i32
    %mul3A_106 = arith.muli %arg1, %mul3A_105 : i32
    %add3A_107 = arith.constant 14336 : i32
    %add3A_108 = arith.addi %mul3A_106, %add3A_107 : i32
    %dma_start3A_109 = tpu.memref_slice %arg10[%add3A_108] : memref<262144xf32, #tpu.memory_space<vmem_shared>> -> memref<2048xf32, #tpu.memory_space<vmem_shared>>
    %dma_start3A_110 = tpu.memref_slice %arg10[%add3A_108] : memref<262144xf32, #tpu.memory_space<vmem_shared>> -> memref<2048xf32, #tpu.memory_space<vmem_shared>>
    tpu.enqueue_dma source(%arg8 : memref<2048xf32, #tpu.memory_space<vmem>>) target(%dma_start3A_110 : memref<2048xf32, #tpu.memory_space<vmem_shared>>) target_semaphore(%arg11 : memref<!tpu.dma_semaphore, #tpu.memory_space<semaphore_mem>>)
    %dma_wait3A = arith.constant 0 : i32
    %dma_wait3A_111 = tpu.memref_slice %arg2[%dma_wait3A, %mul3A_2] : memref<2x16384xi32, #tpu.memory_space<hbm>> -> memref<1x512xi32, #tpu.memory_space<hbm>>
    %dma_wait3A_112 = tpu.memref_squeeze %dma_wait3A_111 : memref<1x512xi32, #tpu.memory_space<hbm>> -> memref<512xi32, #tpu.memory_space<hbm>>
    %dma_wait3A_113 = tpu.memref_slice %arg2[%dma_wait3A, %mul3A_2] : memref<2x16384xi32, #tpu.memory_space<hbm>> -> memref<1x512xi32, #tpu.memory_space<hbm>>
    %dma_wait3A_114 = tpu.memref_squeeze %dma_wait3A_113 : memref<1x512xi32, #tpu.memory_space<hbm>> -> memref<512xi32, #tpu.memory_space<hbm>>
    tpu.wait_dma2 semaphore(%arg12 : memref<!tpu.dma_semaphore, #tpu.memory_space<semaphore_mem>>) src(%dma_wait3A_114 : memref<512xi32, #tpu.memory_space<hbm>>) dst(%arg4 : memref<512xi32, #tpu.memory_space<vmem>>)
    %dma_wait3A_115 = arith.constant 1 : i32
    %dma_wait3A_116 = tpu.memref_slice %arg2[%dma_wait3A_115, %mul3A_2] : memref<2x16384xi32, #tpu.memory_space<hbm>> -> memref<1x512xi32, #tpu.memory_space<hbm>>
    %dma_wait3A_117 = tpu.memref_squeeze %dma_wait3A_116 : memref<1x512xi32, #tpu.memory_space<hbm>> -> memref<512xi32, #tpu.memory_space<hbm>>
    %dma_wait3A_118 = tpu.memref_slice %arg2[%dma_wait3A_115, %mul3A_2] : memref<2x16384xi32, #tpu.memory_space<hbm>> -> memref<1x512xi32, #tpu.memory_space<hbm>>
    %dma_wait3A_119 = tpu.memref_squeeze %dma_wait3A_118 : memref<1x512xi32, #tpu.memory_space<hbm>> -> memref<512xi32, #tpu.memory_space<hbm>>
    tpu.wait_dma2 semaphore(%arg12 : memref<!tpu.dma_semaphore, #tpu.memory_space<semaphore_mem>>) src(%dma_wait3A_119 : memref<512xi32, #tpu.memory_space<hbm>>) dst(%arg5 : memref<512xi32, #tpu.memory_space<vmem>>)
    %get3A = arith.constant 0 : index
    %get3A_120 = tpu.vector_load %arg4[%get3A] {strides = array<i32>} : memref<512xi32, #tpu.memory_space<vmem>>, vector<16xi32>,
    %get3A_121 = vector.shape_cast %get3A_120 : vector<16xi32> to vector<16xi32>
    %get3A_122 = arith.constant 0 : index
    %get3A_123 = tpu.vector_load %arg5[%get3A_122] {strides = array<i32>} : memref<512xi32, #tpu.memory_space<vmem>>, vector<16xi32>,
    %get3A_124 = vector.shape_cast %get3A_123 : vector<16xi32> to vector<16xi32>
    %mul3A_125 = arith.constant 512 : i32
    %mul3A_126 = vector.broadcast %mul3A_125 : i32 to vector<16xi32>
    %mul3A_127 = arith.muli %get3A_124, %mul3A_126 : vector<16xi32>
    %add3A_128 = arith.addi %mul3A_127, %get3A_121 : vector<16xi32>
    %swap3A_129 = arith.constant 0 : i32
    %swap3A_130 = arith.index_cast %swap3A_129 : i32 to index
    %swap3A_131 = arith.constant 0 : index
    %swap3A_132 = tpu.vector_load %arg6[%swap3A_130, %swap3A_131] {strides = array<i32>} : memref<4x128xi32, #tpu.memory_space<vmem>>, vector<1x16xi32>,
    %swap3A_133 = vector.shape_cast %swap3A_132 : vector<1x16xi32> to vector<16xi32>
    %swap3A_134 = vector.shape_cast %add3A_128 : vector<16xi32> to vector<1x16xi32>
    tpu.vector_store %arg6[%swap3A_130, %swap3A_131], %swap3A_134 {strides = array<i32>} : memref<4x128xi32, #tpu.memory_space<vmem>>, vector<1x16xi32>,
    %get3A_135 = arith.constant 16 : index
    %get3A_136 = tpu.vector_load %arg4[%get3A_135] {strides = array<i32>} : memref<512xi32, #tpu.memory_space<vmem>>, vector<16xi32>,
    %get3A_137 = vector.shape_cast %get3A_136 : vector<16xi32> to vector<16xi32>
    %get3A_138 = arith.constant 16 : index
    %get3A_139 = tpu.vector_load %arg5[%get3A_138] {strides = array<i32>} : memref<512xi32, #tpu.memory_space<vmem>>, vector<16xi32>,
    %get3A_140 = vector.shape_cast %get3A_139 : vector<16xi32> to vector<16xi32>
    %mul3A_141 = arith.constant 512 : i32
    %mul3A_142 = vector.broadcast %mul3A_141 : i32 to vector<16xi32>
    %mul3A_143 = arith.muli %get3A_140, %mul3A_142 : vector<16xi32>
    %add3A_144 = arith.addi %mul3A_143, %get3A_137 : vector<16xi32>
    %swap3A_145 = arith.constant 0 : i32
    %swap3A_146 = arith.index_cast %swap3A_145 : i32 to index
    %swap3A_147 = arith.constant 16 : index
    %swap3A_148 = tpu.vector_load %arg6[%swap3A_146, %swap3A_147] {strides = array<i32>} : memref<4x128xi32, #tpu.memory_space<vmem>>, vector<1x16xi32>,
    %swap3A_149 = vector.shape_cast %swap3A_148 : vector<1x16xi32> to vector<16xi32>
    %swap3A_150 = vector.shape_cast %add3A_144 : vector<16xi32> to vector<1x16xi32>
    tpu.vector_store %arg6[%swap3A_146, %swap3A_147], %swap3A_150 {strides = array<i32>} : memref<4x128xi32, #tpu.memory_space<vmem>>, vector<1x16xi32>,
    %get3A_151 = arith.constant 32 : index
    %get3A_152 = tpu.vector_load %arg4[%get3A_151] {strides = array<i32>} : memref<512xi32, #tpu.memory_space<vmem>>, vector<16xi32>,
    %get3A_153 = vector.shape_cast %get3A_152 : vector<16xi32> to vector<16xi32>
    %get3A_154 = arith.constant 32 : index
    %get3A_155 = tpu.vector_load %arg5[%get3A_154] {strides = array<i32>} : memref<512xi32, #tpu.memory_space<vmem>>, vector<16xi32>,
    %get3A_156 = vector.shape_cast %get3A_155 : vector<16xi32> to vector<16xi32>
    %mul3A_157 = arith.constant 512 : i32
    %mul3A_158 = vector.broadcast %mul3A_157 : i32 to vector<16xi32>
    %mul3A_159 = arith.muli %get3A_156, %mul3A_158 : vector<16xi32>
    %add3A_160 = arith.addi %mul3A_159, %get3A_153 : vector<16xi32>
    %swap3A_161 = arith.constant 0 : i32
    %swap3A_162 = arith.index_cast %swap3A_161 : i32 to index
    %swap3A_163 = arith.constant 32 : index
    %swap3A_164 = tpu.vector_load %arg6[%swap3A_162, %swap3A_163] {strides = array<i32>} : memref<4x128xi32, #tpu.memory_space<vmem>>, vector<1x16xi32>,
    %swap3A_165 = vector.shape_cast %swap3A_164 : vector<1x16xi32> to vector<16xi32>
    %swap3A_166 = vector.shape_cast %add3A_160 : vector<16xi32> to vector<1x16xi32>
    tpu.vector_store %arg6[%swap3A_162, %swap3A_163], %swap3A_166 {strides = array<i32>} : memref<4x128xi32, #tpu.memory_space<vmem>>, vector<1x16xi32>,
    %get3A_167 = arith.constant 48 : index
    %get3A_168 = tpu.vector_load %arg4[%get3A_167] {strides = array<i32>} : memref<512xi32, #tpu.memory_space<vmem>>, vector<16xi32>,
    %get3A_169 = vector.shape_cast %get3A_168 : vector<16xi32> to vector<16xi32>
    %get3A_170 = arith.constant 48 : index
    %get3A_171 = tpu.vector_load %arg5[%get3A_170] {strides = array<i32>} : memref<512xi32, #tpu.memory_space<vmem>>, vector<16xi32>,
    %get3A_172 = vector.shape_cast %get3A_171 : vector<16xi32> to vector<16xi32>
    %mul3A_173 = arith.constant 512 : i32
    %mul3A_174 = vector.broadcast %mul3A_173 : i32 to vector<16xi32>
    %mul3A_175 = arith.muli %get3A_172, %mul3A_174 : vector<16xi32>
    %add3A_176 = arith.addi %mul3A_175, %get3A_169 : vector<16xi32>
    %swap3A_177 = arith.constant 0 : i32
    %swap3A_178 = arith.index_cast %swap3A_177 : i32 to index
    %swap3A_179 = arith.constant 48 : index
    %swap3A_180 = tpu.vector_load %arg6[%swap3A_178, %swap3A_179] {strides = array<i32>} : memref<4x128xi32, #tpu.memory_space<vmem>>, vector<1x16xi32>,
    %swap3A_181 = vector.shape_cast %swap3A_180 : vector<1x16xi32> to vector<16xi32>
    %swap3A_182 = vector.shape_cast %add3A_176 : vector<16xi32> to vector<1x16xi32>
    tpu.vector_store %arg6[%swap3A_178, %swap3A_179], %swap3A_182 {strides = array<i32>} : memref<4x128xi32, #tpu.memory_space<vmem>>, vector<1x16xi32>,
    %get3A_183 = arith.constant 64 : index
    %get3A_184 = tpu.vector_load %arg4[%get3A_183] {strides = array<i32>} : memref<512xi32, #tpu.memory_space<vmem>>, vector<16xi32>,
    %get3A_185 = vector.shape_cast %get3A_184 : vector<16xi32> to vector<16xi32>
    %get3A_186 = arith.constant 64 : index
    %get3A_187 = tpu.vector_load %arg5[%get3A_186] {strides = array<i32>} : memref<512xi32, #tpu.memory_space<vmem>>, vector<16xi32>,
    %get3A_188 = vector.shape_cast %get3A_187 : vector<16xi32> to vector<16xi32>
    %mul3A_189 = arith.constant 512 : i32
    %mul3A_190 = vector.broadcast %mul3A_189 : i32 to vector<16xi32>
    %mul3A_191 = arith.muli %get3A_188, %mul3A_190 : vector<16xi32>
    %add3A_192 = arith.addi %mul3A_191, %get3A_185 : vector<16xi32>
    %swap3A_193 = arith.constant 0 : i32
    %swap3A_194 = arith.index_cast %swap3A_193 : i32 to index
    %swap3A_195 = arith.constant 64 : index
    %swap3A_196 = tpu.vector_load %arg6[%swap3A_194, %swap3A_195] {strides = array<i32>} : memref<4x128xi32, #tpu.memory_space<vmem>>, vector<1x16xi32>,
    %swap3A_197 = vector.shape_cast %swap3A_196 : vector<1x16xi32> to vector<16xi32>
    %swap3A_198 = vector.shape_cast %add3A_192 : vector<16xi32> to vector<1x16xi32>
    tpu.vector_store %arg6[%swap3A_194, %swap3A_195], %swap3A_198 {strides = array<i32>} : memref<4x128xi32, #tpu.memory_space<vmem>>, vector<1x16xi32>,
    %get3A_199 = arith.constant 80 : index
    %get3A_200 = tpu.vector_load %arg4[%get3A_199] {strides = array<i32>} : memref<512xi32, #tpu.memory_space<vmem>>, vector<16xi32>,
    %get3A_201 = vector.shape_cast %get3A_200 : vector<16xi32> to vector<16xi32>
    %get3A_202 = arith.constant 80 : index
    %get3A_203 = tpu.vector_load %arg5[%get3A_202] {strides = array<i32>} : memref<512xi32, #tpu.memory_space<vmem>>, vector<16xi32>,
    %get3A_204 = vector.shape_cast %get3A_203 : vector<16xi32> to vector<16xi32>
    %mul3A_205 = arith.constant 512 : i32
    %mul3A_206 = vector.broadcast %mul3A_205 : i32 to vector<16xi32>
    %mul3A_207 = arith.muli %get3A_204, %mul3A_206 : vector<16xi32>
    %add3A_208 = arith.addi %mul3A_207, %get3A_201 : vector<16xi32>
    %swap3A_209 = arith.constant 0 : i32
    %swap3A_210 = arith.index_cast %swap3A_209 : i32 to index
    %swap3A_211 = arith.constant 80 : index
    %swap3A_212 = tpu.vector_load %arg6[%swap3A_210, %swap3A_211] {strides = array<i32>} : memref<4x128xi32, #tpu.memory_space<vmem>>, vector<1x16xi32>,
    %swap3A_213 = vector.shape_cast %swap3A_212 : vector<1x16xi32> to vector<16xi32>
    %swap3A_214 = vector.shape_cast %add3A_208 : vector<16xi32> to vector<1x16xi32>
    tpu.vector_store %arg6[%swap3A_210, %swap3A_211], %swap3A_214 {strides = array<i32>} : memref<4x128xi32, #tpu.memory_space<vmem>>, vector<1x16xi32>,
    %get3A_215 = arith.constant 96 : index
    %get3A_216 = tpu.vector_load %arg4[%get3A_215] {strides = array<i32>} : memref<512xi32, #tpu.memory_space<vmem>>, vector<16xi32>,
    %get3A_217 = vector.shape_cast %get3A_216 : vector<16xi32> to vector<16xi32>
    %get3A_218 = arith.constant 96 : index
    %get3A_219 = tpu.vector_load %arg5[%get3A_218] {strides = array<i32>} : memref<512xi32, #tpu.memory_space<vmem>>, vector<16xi32>,
    %get3A_220 = vector.shape_cast %get3A_219 : vector<16xi32> to vector<16xi32>
    %mul3A_221 = arith.constant 512 : i32
    %mul3A_222 = vector.broadcast %mul3A_221 : i32 to vector<16xi32>
    %mul3A_223 = arith.muli %get3A_220, %mul3A_222 : vector<16xi32>
    %add3A_224 = arith.addi %mul3A_223, %get3A_217 : vector<16xi32>
    %swap3A_225 = arith.constant 0 : i32
    %swap3A_226 = arith.index_cast %swap3A_225 : i32 to index
    %swap3A_227 = arith.constant 96 : index
    %swap3A_228 = tpu.vector_load %arg6[%swap3A_226, %swap3A_227] {strides = array<i32>} : memref<4x128xi32, #tpu.memory_space<vmem>>, vector<1x16xi32>,
    %swap3A_229 = vector.shape_cast %swap3A_228 : vector<1x16xi32> to vector<16xi32>
    %swap3A_230 = vector.shape_cast %add3A_224 : vector<16xi32> to vector<1x16xi32>
    tpu.vector_store %arg6[%swap3A_226, %swap3A_227], %swap3A_230 {strides = array<i32>} : memref<4x128xi32, #tpu.memory_space<vmem>>, vector<1x16xi32>,
    %get3A_231 = arith.constant 112 : index
    %get3A_232 = tpu.vector_load %arg4[%get3A_231] {strides = array<i32>} : memref<512xi32, #tpu.memory_space<vmem>>, vector<16xi32>,
    %get3A_233 = vector.shape_cast %get3A_232 : vector<16xi32> to vector<16xi32>
    %get3A_234 = arith.constant 112 : index
    %get3A_235 = tpu.vector_load %arg5[%get3A_234] {strides = array<i32>} : memref<512xi32, #tpu.memory_space<vmem>>, vector<16xi32>,
    %get3A_236 = vector.shape_cast %get3A_235 : vector<16xi32> to vector<16xi32>
    %mul3A_237 = arith.constant 512 : i32
    %mul3A_238 = vector.broadcast %mul3A_237 : i32 to vector<16xi32>
    %mul3A_239 = arith.muli %get3A_236, %mul3A_238 : vector<16xi32>
    %add3A_240 = arith.addi %mul3A_239, %get3A_233 : vector<16xi32>
    %swap3A_241 = arith.constant 0 : i32
    %swap3A_242 = arith.index_cast %swap3A_241 : i32 to index
    %swap3A_243 = arith.constant 112 : index
    %swap3A_244 = tpu.vector_load %arg6[%swap3A_242, %swap3A_243] {strides = array<i32>} : memref<4x128xi32, #tpu.memory_space<vmem>>, vector<1x16xi32>,
    %swap3A_245 = vector.shape_cast %swap3A_244 : vector<1x16xi32> to vector<16xi32>
    %swap3A_246 = vector.shape_cast %add3A_240 : vector<16xi32> to vector<1x16xi32>
    tpu.vector_store %arg6[%swap3A_242, %swap3A_243], %swap3A_246 {strides = array<i32>} : memref<4x128xi32, #tpu.memory_space<vmem>>, vector<1x16xi32>,
    %get3A_247 = arith.constant 128 : index
    %get3A_248 = tpu.vector_load %arg4[%get3A_247] {strides = array<i32>} : memref<512xi32, #tpu.memory_space<vmem>>, vector<16xi32>,
    %get3A_249 = vector.shape_cast %get3A_248 : vector<16xi32> to vector<16xi32>
    %get3A_250 = arith.constant 128 : index
    %get3A_251 = tpu.vector_load %arg5[%get3A_250] {strides = array<i32>} : memref<512xi32, #tpu.memory_space<vmem>>, vector<16xi32>,
    %get3A_252 = vector.shape_cast %get3A_251 : vector<16xi32> to vector<16xi32>
    %mul3A_253 = arith.constant 512 : i32
    %mul3A_254 = vector.broadcast %mul3A_253 : i32 to vector<16xi32>
    %mul3A_255 = arith.muli %get3A_252, %mul3A_254 : vector<16xi32>
    %add3A_256 = arith.addi %mul3A_255, %get3A_249 : vector<16xi32>
    %swap3A_257 = arith.constant 1 : i32
    %swap3A_258 = arith.index_cast %swap3A_257 : i32 to index
    %swap3A_259 = arith.constant 0 : index
    %swap3A_260 = tpu.vector_load %arg6[%swap3A_258, %swap3A_259] {strides = array<i32>} : memref<4x128xi32, #tpu.memory_space<vmem>>, vector<1x16xi32>,
    %swap3A_261 = vector.shape_cast %swap3A_260 : vector<1x16xi32> to vector<16xi32>
    %swap3A_262 = vector.shape_cast %add3A_256 : vector<16xi32> to vector<1x16xi32>
    tpu.vector_store %arg6[%swap3A_258, %swap3A_259], %swap3A_262 {strides = array<i32>} : memref<4x128xi32, #tpu.memory_space<vmem>>, vector<1x16xi32>,
    %get3A_263 = arith.constant 144 : index
    %get3A_264 = tpu.vector_load %arg4[%get3A_263] {strides = array<i32>} : memref<512xi32, #tpu.memory_space<vmem>>, vector<16xi32>,
    %get3A_265 = vector.shape_cast %get3A_264 : vector<16xi32> to vector<16xi32>
    %get3A_266 = arith.constant 144 : index
    %get3A_267 = tpu.vector_load %arg5[%get3A_266] {strides = array<i32>} : memref<512xi32, #tpu.memory_space<vmem>>, vector<16xi32>,
    %get3A_268 = vector.shape_cast %get3A_267 : vector<16xi32> to vector<16xi32>
    %mul3A_269 = arith.constant 512 : i32
    %mul3A_270 = vector.broadcast %mul3A_269 : i32 to vector<16xi32>
    %mul3A_271 = arith.muli %get3A_268, %mul3A_270 : vector<16xi32>
    %add3A_272 = arith.addi %mul3A_271, %get3A_265 : vector<16xi32>
    %swap3A_273 = arith.constant 1 : i32
    %swap3A_274 = arith.index_cast %swap3A_273 : i32 to index
    %swap3A_275 = arith.constant 16 : index
    %swap3A_276 = tpu.vector_load %arg6[%swap3A_274, %swap3A_275] {strides = array<i32>} : memref<4x128xi32, #tpu.memory_space<vmem>>, vector<1x16xi32>,
    %swap3A_277 = vector.shape_cast %swap3A_276 : vector<1x16xi32> to vector<16xi32>
    %swap3A_278 = vector.shape_cast %add3A_272 : vector<16xi32> to vector<1x16xi32>
    tpu.vector_store %arg6[%swap3A_274, %swap3A_275], %swap3A_278 {strides = array<i32>} : memref<4x128xi32, #tpu.memory_space<vmem>>, vector<1x16xi32>,
    %get3A_279 = arith.constant 160 : index
    %get3A_280 = tpu.vector_load %arg4[%get3A_279] {strides = array<i32>} : memref<512xi32, #tpu.memory_space<vmem>>, vector<16xi32>,
    %get3A_281 = vector.shape_cast %get3A_280 : vector<16xi32> to vector<16xi32>
    %get3A_282 = arith.constant 160 : index
    %get3A_283 = tpu.vector_load %arg5[%get3A_282] {strides = array<i32>} : memref<512xi32, #tpu.memory_space<vmem>>, vector<16xi32>,
    %get3A_284 = vector.shape_cast %get3A_283 : vector<16xi32> to vector<16xi32>
    %mul3A_285 = arith.constant 512 : i32
    %mul3A_286 = vector.broadcast %mul3A_285 : i32 to vector<16xi32>
    %mul3A_287 = arith.muli %get3A_284, %mul3A_286 : vector<16xi32>
    %add3A_288 = arith.addi %mul3A_287, %get3A_281 : vector<16xi32>
    %swap3A_289 = arith.constant 1 : i32
    %swap3A_290 = arith.index_cast %swap3A_289 : i32 to index
    %swap3A_291 = arith.constant 32 : index
    %swap3A_292 = tpu.vector_load %arg6[%swap3A_290, %swap3A_291] {strides = array<i32>} : memref<4x128xi32, #tpu.memory_space<vmem>>, vector<1x16xi32>,
    %swap3A_293 = vector.shape_cast %swap3A_292 : vector<1x16xi32> to vector<16xi32>
    %swap3A_294 = vector.shape_cast %add3A_288 : vector<16xi32> to vector<1x16xi32>
    tpu.vector_store %arg6[%swap3A_290, %swap3A_291], %swap3A_294 {strides = array<i32>} : memref<4x128xi32, #tpu.memory_space<vmem>>, vector<1x16xi32>,
    %get3A_295 = arith.constant 176 : index
    %get3A_296 = tpu.vector_load %arg4[%get3A_295] {strides = array<i32>} : memref<512xi32, #tpu.memory_space<vmem>>, vector<16xi32>,
    %get3A_297 = vector.shape_cast %get3A_296 : vector<16xi32> to vector<16xi32>
    %get3A_298 = arith.constant 176 : index
    %get3A_299 = tpu.vector_load %arg5[%get3A_298] {strides = array<i32>} : memref<512xi32, #tpu.memory_space<vmem>>, vector<16xi32>,
    %get3A_300 = vector.shape_cast %get3A_299 : vector<16xi32> to vector<16xi32>
    %mul3A_301 = arith.constant 512 : i32
    %mul3A_302 = vector.broadcast %mul3A_301 : i32 to vector<16xi32>
    %mul3A_303 = arith.muli %get3A_300, %mul3A_302 : vector<16xi32>
    %add3A_304 = arith.addi %mul3A_303, %get3A_297 : vector<16xi32>
    %swap3A_305 = arith.constant 1 : i32
    %swap3A_306 = arith.index_cast %swap3A_305 : i32 to index
    %swap3A_307 = arith.constant 48 : index
    %swap3A_308 = tpu.vector_load %arg6[%swap3A_306, %swap3A_307] {strides = array<i32>} : memref<4x128xi32, #tpu.memory_space<vmem>>, vector<1x16xi32>,
    %swap3A_309 = vector.shape_cast %swap3A_308 : vector<1x16xi32> to vector<16xi32>
    %swap3A_310 = vector.shape_cast %add3A_304 : vector<16xi32> to vector<1x16xi32>
    tpu.vector_store %arg6[%swap3A_306, %swap3A_307], %swap3A_310 {strides = array<i32>} : memref<4x128xi32, #tpu.memory_space<vmem>>, vector<1x16xi32>,
    %get3A_311 = arith.constant 192 : index
    %get3A_312 = tpu.vector_load %arg4[%get3A_311] {strides = array<i32>} : memref<512xi32, #tpu.memory_space<vmem>>, vector<16xi32>,
    %get3A_313 = vector.shape_cast %get3A_312 : vector<16xi32> to vector<16xi32>
    %get3A_314 = arith.constant 192 : index
    %get3A_315 = tpu.vector_load %arg5[%get3A_314] {strides = array<i32>} : memref<512xi32, #tpu.memory_space<vmem>>, vector<16xi32>,
    %get3A_316 = vector.shape_cast %get3A_315 : vector<16xi32> to vector<16xi32>
    %mul3A_317 = arith.constant 512 : i32
    %mul3A_318 = vector.broadcast %mul3A_317 : i32 to vector<16xi32>
    %mul3A_319 = arith.muli %get3A_316, %mul3A_318 : vector<16xi32>
    %add3A_320 = arith.addi %mul3A_319, %get3A_313 : vector<16xi32>
    %swap3A_321 = arith.constant 1 : i32
    %swap3A_322 = arith.index_cast %swap3A_321 : i32 to index
    %swap3A_323 = arith.constant 64 : index
    %swap3A_324 = tpu.vector_load %arg6[%swap3A_322, %swap3A_323] {strides = array<i32>} : memref<4x128xi32, #tpu.memory_space<vmem>>, vector<1x16xi32>,
    %swap3A_325 = vector.shape_cast %swap3A_324 : vector<1x16xi32> to vector<16xi32>
    %swap3A_326 = vector.shape_cast %add3A_320 : vector<16xi32> to vector<1x16xi32>
    tpu.vector_store %arg6[%swap3A_322, %swap3A_323], %swap3A_326 {strides = array<i32>} : memref<4x128xi32, #tpu.memory_space<vmem>>, vector<1x16xi32>,
    %get3A_327 = arith.constant 208 : index
    %get3A_328 = tpu.vector_load %arg4[%get3A_327] {strides = array<i32>} : memref<512xi32, #tpu.memory_space<vmem>>, vector<16xi32>,
    %get3A_329 = vector.shape_cast %get3A_328 : vector<16xi32> to vector<16xi32>
    %get3A_330 = arith.constant 208 : index
    %get3A_331 = tpu.vector_load %arg5[%get3A_330] {strides = array<i32>} : memref<512xi32, #tpu.memory_space<vmem>>, vector<16xi32>,
    %get3A_332 = vector.shape_cast %get3A_331 : vector<16xi32> to vector<16xi32>
    %mul3A_333 = arith.constant 512 : i32
    %mul3A_334 = vector.broadcast %mul3A_333 : i32 to vector<16xi32>
    %mul3A_335 = arith.muli %get3A_332, %mul3A_334 : vector<16xi32>
    %add3A_336 = arith.addi %mul3A_335, %get3A_329 : vector<16xi32>
    %swap3A_337 = arith.constant 1 : i32
    %swap3A_338 = arith.index_cast %swap3A_337 : i32 to index
    %swap3A_339 = arith.constant 80 : index
    %swap3A_340 = tpu.vector_load %arg6[%swap3A_338, %swap3A_339] {strides = array<i32>} : memref<4x128xi32, #tpu.memory_space<vmem>>, vector<1x16xi32>,
    %swap3A_341 = vector.shape_cast %swap3A_340 : vector<1x16xi32> to vector<16xi32>
    %swap3A_342 = vector.shape_cast %add3A_336 : vector<16xi32> to vector<1x16xi32>
    tpu.vector_store %arg6[%swap3A_338, %swap3A_339], %swap3A_342 {strides = array<i32>} : memref<4x128xi32, #tpu.memory_space<vmem>>, vector<1x16xi32>,
    %get3A_343 = arith.constant 224 : index
    %get3A_344 = tpu.vector_load %arg4[%get3A_343] {strides = array<i32>} : memref<512xi32, #tpu.memory_space<vmem>>, vector<16xi32>,
    %get3A_345 = vector.shape_cast %get3A_344 : vector<16xi32> to vector<16xi32>
    %get3A_346 = arith.constant 224 : index
    %get3A_347 = tpu.vector_load %arg5[%get3A_346] {strides = array<i32>} : memref<512xi32, #tpu.memory_space<vmem>>, vector<16xi32>,
    %get3A_348 = vector.shape_cast %get3A_347 : vector<16xi32> to vector<16xi32>
    %mul3A_349 = arith.constant 512 : i32
    %mul3A_350 = vector.broadcast %mul3A_349 : i32 to vector<16xi32>
    %mul3A_351 = arith.muli %get3A_348, %mul3A_350 : vector<16xi32>
    %add3A_352 = arith.addi %mul3A_351, %get3A_345 : vector<16xi32>
    %swap3A_353 = arith.constant 1 : i32
    %swap3A_354 = arith.index_cast %swap3A_353 : i32 to index
    %swap3A_355 = arith.constant 96 : index
    %swap3A_356 = tpu.vector_load %arg6[%swap3A_354, %swap3A_355] {strides = array<i32>} : memref<4x128xi32, #tpu.memory_space<vmem>>, vector<1x16xi32>,
    %swap3A_357 = vector.shape_cast %swap3A_356 : vector<1x16xi32> to vector<16xi32>
    %swap3A_358 = vector.shape_cast %add3A_352 : vector<16xi32> to vector<1x16xi32>
    tpu.vector_store %arg6[%swap3A_354, %swap3A_355], %swap3A_358 {strides = array<i32>} : memref<4x128xi32, #tpu.memory_space<vmem>>, vector<1x16xi32>,
    %get3A_359 = arith.constant 240 : index
    %get3A_360 = tpu.vector_load %arg4[%get3A_359] {strides = array<i32>} : memref<512xi32, #tpu.memory_space<vmem>>, vector<16xi32>,
    %get3A_361 = vector.shape_cast %get3A_360 : vector<16xi32> to vector<16xi32>
    %get3A_362 = arith.constant 240 : index
    %get3A_363 = tpu.vector_load %arg5[%get3A_362] {strides = array<i32>} : memref<512xi32, #tpu.memory_space<vmem>>, vector<16xi32>,
    %get3A_364 = vector.shape_cast %get3A_363 : vector<16xi32> to vector<16xi32>
    %mul3A_365 = arith.constant 512 : i32
    %mul3A_366 = vector.broadcast %mul3A_365 : i32 to vector<16xi32>
    %mul3A_367 = arith.muli %get3A_364, %mul3A_366 : vector<16xi32>
    %add3A_368 = arith.addi %mul3A_367, %get3A_361 : vector<16xi32>
    %swap3A_369 = arith.constant 1 : i32
    %swap3A_370 = arith.index_cast %swap3A_369 : i32 to index
    %swap3A_371 = arith.constant 112 : index
    %swap3A_372 = tpu.vector_load %arg6[%swap3A_370, %swap3A_371] {strides = array<i32>} : memref<4x128xi32, #tpu.memory_space<vmem>>, vector<1x16xi32>,
    %swap3A_373 = vector.shape_cast %swap3A_372 : vector<1x16xi32> to vector<16xi32>
    %swap3A_374 = vector.shape_cast %add3A_368 : vector<16xi32> to vector<1x16xi32>
    tpu.vector_store %arg6[%swap3A_370, %swap3A_371], %swap3A_374 {strides = array<i32>} : memref<4x128xi32, #tpu.memory_space<vmem>>, vector<1x16xi32>,
    %get3A_375 = arith.constant 256 : index
    %get3A_376 = tpu.vector_load %arg4[%get3A_375] {strides = array<i32>} : memref<512xi32, #tpu.memory_space<vmem>>, vector<16xi32>,
    %get3A_377 = vector.shape_cast %get3A_376 : vector<16xi32> to vector<16xi32>
    %get3A_378 = arith.constant 256 : index
    %get3A_379 = tpu.vector_load %arg5[%get3A_378] {strides = array<i32>} : memref<512xi32, #tpu.memory_space<vmem>>, vector<16xi32>,
    %get3A_380 = vector.shape_cast %get3A_379 : vector<16xi32> to vector<16xi32>
    %mul3A_381 = arith.constant 512 : i32
    %mul3A_382 = vector.broadcast %mul3A_381 : i32 to vector<16xi32>
    %mul3A_383 = arith.muli %get3A_380, %mul3A_382 : vector<16xi32>
    %add3A_384 = arith.addi %mul3A_383, %get3A_377 : vector<16xi32>
    %swap3A_385 = arith.constant 2 : i32
    %swap3A_386 = arith.index_cast %swap3A_385 : i32 to index
    %swap3A_387 = arith.constant 0 : index
    %swap3A_388 = tpu.vector_load %arg6[%swap3A_386, %swap3A_387] {strides = array<i32>} : memref<4x128xi32, #tpu.memory_space<vmem>>, vector<1x16xi32>,
    %swap3A_389 = vector.shape_cast %swap3A_388 : vector<1x16xi32> to vector<16xi32>
    %swap3A_390 = vector.shape_cast %add3A_384 : vector<16xi32> to vector<1x16xi32>
    tpu.vector_store %arg6[%swap3A_386, %swap3A_387], %swap3A_390 {strides = array<i32>} : memref<4x128xi32, #tpu.memory_space<vmem>>, vector<1x16xi32>,
    %get3A_391 = arith.constant 272 : index
    %get3A_392 = tpu.vector_load %arg4[%get3A_391] {strides = array<i32>} : memref<512xi32, #tpu.memory_space<vmem>>, vector<16xi32>,
    %get3A_393 = vector.shape_cast %get3A_392 : vector<16xi32> to vector<16xi32>
    %get3A_394 = arith.constant 272 : index
    %get3A_395 = tpu.vector_load %arg5[%get3A_394] {strides = array<i32>} : memref<512xi32, #tpu.memory_space<vmem>>, vector<16xi32>,
    %get3A_396 = vector.shape_cast %get3A_395 : vector<16xi32> to vector<16xi32>
    %mul3A_397 = arith.constant 512 : i32
    %mul3A_398 = vector.broadcast %mul3A_397 : i32 to vector<16xi32>
    %mul3A_399 = arith.muli %get3A_396, %mul3A_398 : vector<16xi32>
    %add3A_400 = arith.addi %mul3A_399, %get3A_393 : vector<16xi32>
    %swap3A_401 = arith.constant 2 : i32
    %swap3A_402 = arith.index_cast %swap3A_401 : i32 to index
    %swap3A_403 = arith.constant 16 : index
    %swap3A_404 = tpu.vector_load %arg6[%swap3A_402, %swap3A_403] {strides = array<i32>} : memref<4x128xi32, #tpu.memory_space<vmem>>, vector<1x16xi32>,
    %swap3A_405 = vector.shape_cast %swap3A_404 : vector<1x16xi32> to vector<16xi32>
    %swap3A_406 = vector.shape_cast %add3A_400 : vector<16xi32> to vector<1x16xi32>
    tpu.vector_store %arg6[%swap3A_402, %swap3A_403], %swap3A_406 {strides = array<i32>} : memref<4x128xi32, #tpu.memory_space<vmem>>, vector<1x16xi32>,
    %get3A_407 = arith.constant 288 : index
    %get3A_408 = tpu.vector_load %arg4[%get3A_407] {strides = array<i32>} : memref<512xi32, #tpu.memory_space<vmem>>, vector<16xi32>,
    %get3A_409 = vector.shape_cast %get3A_408 : vector<16xi32> to vector<16xi32>
    %get3A_410 = arith.constant 288 : index
    %get3A_411 = tpu.vector_load %arg5[%get3A_410] {strides = array<i32>} : memref<512xi32, #tpu.memory_space<vmem>>, vector<16xi32>,
    %get3A_412 = vector.shape_cast %get3A_411 : vector<16xi32> to vector<16xi32>
    %mul3A_413 = arith.constant 512 : i32
    %mul3A_414 = vector.broadcast %mul3A_413 : i32 to vector<16xi32>
    %mul3A_415 = arith.muli %get3A_412, %mul3A_414 : vector<16xi32>
    %add3A_416 = arith.addi %mul3A_415, %get3A_409 : vector<16xi32>
    %swap3A_417 = arith.constant 2 : i32
    %swap3A_418 = arith.index_cast %swap3A_417 : i32 to index
    %swap3A_419 = arith.constant 32 : index
    %swap3A_420 = tpu.vector_load %arg6[%swap3A_418, %swap3A_419] {strides = array<i32>} : memref<4x128xi32, #tpu.memory_space<vmem>>, vector<1x16xi32>,
    %swap3A_421 = vector.shape_cast %swap3A_420 : vector<1x16xi32> to vector<16xi32>
    %swap3A_422 = vector.shape_cast %add3A_416 : vector<16xi32> to vector<1x16xi32>
    tpu.vector_store %arg6[%swap3A_418, %swap3A_419], %swap3A_422 {strides = array<i32>} : memref<4x128xi32, #tpu.memory_space<vmem>>, vector<1x16xi32>,
    %get3A_423 = arith.constant 304 : index
    %get3A_424 = tpu.vector_load %arg4[%get3A_423] {strides = array<i32>} : memref<512xi32, #tpu.memory_space<vmem>>, vector<16xi32>,
    %get3A_425 = vector.shape_cast %get3A_424 : vector<16xi32> to vector<16xi32>
    %get3A_426 = arith.constant 304 : index
    %get3A_427 = tpu.vector_load %arg5[%get3A_426] {strides = array<i32>} : memref<512xi32, #tpu.memory_space<vmem>>, vector<16xi32>,
    %get3A_428 = vector.shape_cast %get3A_427 : vector<16xi32> to vector<16xi32>
    %mul3A_429 = arith.constant 512 : i32
    %mul3A_430 = vector.broadcast %mul3A_429 : i32 to vector<16xi32>
    %mul3A_431 = arith.muli %get3A_428, %mul3A_430 : vector<16xi32>
    %add3A_432 = arith.addi %mul3A_431, %get3A_425 : vector<16xi32>
    %swap3A_433 = arith.constant 2 : i32
    %swap3A_434 = arith.index_cast %swap3A_433 : i32 to index
    %swap3A_435 = arith.constant 48 : index
    %swap3A_436 = tpu.vector_load %arg6[%swap3A_434, %swap3A_435] {strides = array<i32>} : memref<4x128xi32, #tpu.memory_space<vmem>>, vector<1x16xi32>,
    %swap3A_437 = vector.shape_cast %swap3A_436 : vector<1x16xi32> to vector<16xi32>
    %swap3A_438 = vector.shape_cast %add3A_432 : vector<16xi32> to vector<1x16xi32>
    tpu.vector_store %arg6[%swap3A_434, %swap3A_435], %swap3A_438 {strides = array<i32>} : memref<4x128xi32, #tpu.memory_space<vmem>>, vector<1x16xi32>,
    %get3A_439 = arith.constant 320 : index
    %get3A_440 = tpu.vector_load %arg4[%get3A_439] {strides = array<i32>} : memref<512xi32, #tpu.memory_space<vmem>>, vector<16xi32>,
    %get3A_441 = vector.shape_cast %get3A_440 : vector<16xi32> to vector<16xi32>
    %get3A_442 = arith.constant 320 : index
    %get3A_443 = tpu.vector_load %arg5[%get3A_442] {strides = array<i32>} : memref<512xi32, #tpu.memory_space<vmem>>, vector<16xi32>,
    %get3A_444 = vector.shape_cast %get3A_443 : vector<16xi32> to vector<16xi32>
    %mul3A_445 = arith.constant 512 : i32
    %mul3A_446 = vector.broadcast %mul3A_445 : i32 to vector<16xi32>
    %mul3A_447 = arith.muli %get3A_444, %mul3A_446 : vector<16xi32>
    %add3A_448 = arith.addi %mul3A_447, %get3A_441 : vector<16xi32>
    %swap3A_449 = arith.constant 2 : i32
    %swap3A_450 = arith.index_cast %swap3A_449 : i32 to index
    %swap3A_451 = arith.constant 64 : index
    %swap3A_452 = tpu.vector_load %arg6[%swap3A_450, %swap3A_451] {strides = array<i32>} : memref<4x128xi32, #tpu.memory_space<vmem>>, vector<1x16xi32>,
    %swap3A_453 = vector.shape_cast %swap3A_452 : vector<1x16xi32> to vector<16xi32>
    %swap3A_454 = vector.shape_cast %add3A_448 : vector<16xi32> to vector<1x16xi32>
    tpu.vector_store %arg6[%swap3A_450, %swap3A_451], %swap3A_454 {strides = array<i32>} : memref<4x128xi32, #tpu.memory_space<vmem>>, vector<1x16xi32>,
    %get3A_455 = arith.constant 336 : index
    %get3A_456 = tpu.vector_load %arg4[%get3A_455] {strides = array<i32>} : memref<512xi32, #tpu.memory_space<vmem>>, vector<16xi32>,
    %get3A_457 = vector.shape_cast %get3A_456 : vector<16xi32> to vector<16xi32>
    %get3A_458 = arith.constant 336 : index
    %get3A_459 = tpu.vector_load %arg5[%get3A_458] {strides = array<i32>} : memref<512xi32, #tpu.memory_space<vmem>>, vector<16xi32>,
    %get3A_460 = vector.shape_cast %get3A_459 : vector<16xi32> to vector<16xi32>
    %mul3A_461 = arith.constant 512 : i32
    %mul3A_462 = vector.broadcast %mul3A_461 : i32 to vector<16xi32>
    %mul3A_463 = arith.muli %get3A_460, %mul3A_462 : vector<16xi32>
    %add3A_464 = arith.addi %mul3A_463, %get3A_457 : vector<16xi32>
    %swap3A_465 = arith.constant 2 : i32
    %swap3A_466 = arith.index_cast %swap3A_465 : i32 to index
    %swap3A_467 = arith.constant 80 : index
    %swap3A_468 = tpu.vector_load %arg6[%swap3A_466, %swap3A_467] {strides = array<i32>} : memref<4x128xi32, #tpu.memory_space<vmem>>, vector<1x16xi32>,
    %swap3A_469 = vector.shape_cast %swap3A_468 : vector<1x16xi32> to vector<16xi32>
    %swap3A_470 = vector.shape_cast %add3A_464 : vector<16xi32> to vector<1x16xi32>
    tpu.vector_store %arg6[%swap3A_466, %swap3A_467], %swap3A_470 {strides = array<i32>} : memref<4x128xi32, #tpu.memory_space<vmem>>, vector<1x16xi32>,
    %get3A_471 = arith.constant 352 : index
    %get3A_472 = tpu.vector_load %arg4[%get3A_471] {strides = array<i32>} : memref<512xi32, #tpu.memory_space<vmem>>, vector<16xi32>,
    %get3A_473 = vector.shape_cast %get3A_472 : vector<16xi32> to vector<16xi32>
    %get3A_474 = arith.constant 352 : index
    %get3A_475 = tpu.vector_load %arg5[%get3A_474] {strides = array<i32>} : memref<512xi32, #tpu.memory_space<vmem>>, vector<16xi32>,
    %get3A_476 = vector.shape_cast %get3A_475 : vector<16xi32> to vector<16xi32>
    %mul3A_477 = arith.constant 512 : i32
    %mul3A_478 = vector.broadcast %mul3A_477 : i32 to vector<16xi32>
    %mul3A_479 = arith.muli %get3A_476, %mul3A_478 : vector<16xi32>
    %add3A_480 = arith.addi %mul3A_479, %get3A_473 : vector<16xi32>
    %swap3A_481 = arith.constant 2 : i32
    %swap3A_482 = arith.index_cast %swap3A_481 : i32 to index
    %swap3A_483 = arith.constant 96 : index
    %swap3A_484 = tpu.vector_load %arg6[%swap3A_482, %swap3A_483] {strides = array<i32>} : memref<4x128xi32, #tpu.memory_space<vmem>>, vector<1x16xi32>,
    %swap3A_485 = vector.shape_cast %swap3A_484 : vector<1x16xi32> to vector<16xi32>
    %swap3A_486 = vector.shape_cast %add3A_480 : vector<16xi32> to vector<1x16xi32>
    tpu.vector_store %arg6[%swap3A_482, %swap3A_483], %swap3A_486 {strides = array<i32>} : memref<4x128xi32, #tpu.memory_space<vmem>>, vector<1x16xi32>,
    %get3A_487 = arith.constant 368 : index
    %get3A_488 = tpu.vector_load %arg4[%get3A_487] {strides = array<i32>} : memref<512xi32, #tpu.memory_space<vmem>>, vector<16xi32>,
    %get3A_489 = vector.shape_cast %get3A_488 : vector<16xi32> to vector<16xi32>
    %get3A_490 = arith.constant 368 : index
    %get3A_491 = tpu.vector_load %arg5[%get3A_490] {strides = array<i32>} : memref<512xi32, #tpu.memory_space<vmem>>, vector<16xi32>,
    %get3A_492 = vector.shape_cast %get3A_491 : vector<16xi32> to vector<16xi32>
    %mul3A_493 = arith.constant 512 : i32
    %mul3A_494 = vector.broadcast %mul3A_493 : i32 to vector<16xi32>
    %mul3A_495 = arith.muli %get3A_492, %mul3A_494 : vector<16xi32>
    %add3A_496 = arith.addi %mul3A_495, %get3A_489 : vector<16xi32>
    %swap3A_497 = arith.constant 2 : i32
    %swap3A_498 = arith.index_cast %swap3A_497 : i32 to index
    %swap3A_499 = arith.constant 112 : index
    %swap3A_500 = tpu.vector_load %arg6[%swap3A_498, %swap3A_499] {strides = array<i32>} : memref<4x128xi32, #tpu.memory_space<vmem>>, vector<1x16xi32>,
    %swap3A_501 = vector.shape_cast %swap3A_500 : vector<1x16xi32> to vector<16xi32>
    %swap3A_502 = vector.shape_cast %add3A_496 : vector<16xi32> to vector<1x16xi32>
    tpu.vector_store %arg6[%swap3A_498, %swap3A_499], %swap3A_502 {strides = array<i32>} : memref<4x128xi32, #tpu.memory_space<vmem>>, vector<1x16xi32>,
    %get3A_503 = arith.constant 384 : index
    %get3A_504 = tpu.vector_load %arg4[%get3A_503] {strides = array<i32>} : memref<512xi32, #tpu.memory_space<vmem>>, vector<16xi32>,
    %get3A_505 = vector.shape_cast %get3A_504 : vector<16xi32> to vector<16xi32>
    %get3A_506 = arith.constant 384 : index
    %get3A_507 = tpu.vector_load %arg5[%get3A_506] {strides = array<i32>} : memref<512xi32, #tpu.memory_space<vmem>>, vector<16xi32>,
    %get3A_508 = vector.shape_cast %get3A_507 : vector<16xi32> to vector<16xi32>
    %mul3A_509 = arith.constant 512 : i32
    %mul3A_510 = vector.broadcast %mul3A_509 : i32 to vector<16xi32>
    %mul3A_511 = arith.muli %get3A_508, %mul3A_510 : vector<16xi32>
    %add3A_512 = arith.addi %mul3A_511, %get3A_505 : vector<16xi32>
    %swap3A_513 = arith.constant 3 : i32
    %swap3A_514 = arith.index_cast %swap3A_513 : i32 to index
    %swap3A_515 = arith.constant 0 : index
    %swap3A_516 = tpu.vector_load %arg6[%swap3A_514, %swap3A_515] {strides = array<i32>} : memref<4x128xi32, #tpu.memory_space<vmem>>, vector<1x16xi32>,
    %swap3A_517 = vector.shape_cast %swap3A_516 : vector<1x16xi32> to vector<16xi32>
    %swap3A_518 = vector.shape_cast %add3A_512 : vector<16xi32> to vector<1x16xi32>
    tpu.vector_store %arg6[%swap3A_514, %swap3A_515], %swap3A_518 {strides = array<i32>} : memref<4x128xi32, #tpu.memory_space<vmem>>, vector<1x16xi32>,
    %get3A_519 = arith.constant 400 : index
    %get3A_520 = tpu.vector_load %arg4[%get3A_519] {strides = array<i32>} : memref<512xi32, #tpu.memory_space<vmem>>, vector<16xi32>,
    %get3A_521 = vector.shape_cast %get3A_520 : vector<16xi32> to vector<16xi32>
    %get3A_522 = arith.constant 400 : index
    %get3A_523 = tpu.vector_load %arg5[%get3A_522] {strides = array<i32>} : memref<512xi32, #tpu.memory_space<vmem>>, vector<16xi32>,
    %get3A_524 = vector.shape_cast %get3A_523 : vector<16xi32> to vector<16xi32>
    %mul3A_525 = arith.constant 512 : i32
    %mul3A_526 = vector.broadcast %mul3A_525 : i32 to vector<16xi32>
    %mul3A_527 = arith.muli %get3A_524, %mul3A_526 : vector<16xi32>
    %add3A_528 = arith.addi %mul3A_527, %get3A_521 : vector<16xi32>
    %swap3A_529 = arith.constant 3 : i32
    %swap3A_530 = arith.index_cast %swap3A_529 : i32 to index
    %swap3A_531 = arith.constant 16 : index
    %swap3A_532 = tpu.vector_load %arg6[%swap3A_530, %swap3A_531] {strides = array<i32>} : memref<4x128xi32, #tpu.memory_space<vmem>>, vector<1x16xi32>,
    %swap3A_533 = vector.shape_cast %swap3A_532 : vector<1x16xi32> to vector<16xi32>
    %swap3A_534 = vector.shape_cast %add3A_528 : vector<16xi32> to vector<1x16xi32>
    tpu.vector_store %arg6[%swap3A_530, %swap3A_531], %swap3A_534 {strides = array<i32>} : memref<4x128xi32, #tpu.memory_space<vmem>>, vector<1x16xi32>,
    %get3A_535 = arith.constant 416 : index
    %get3A_536 = tpu.vector_load %arg4[%get3A_535] {strides = array<i32>} : memref<512xi32, #tpu.memory_space<vmem>>, vector<16xi32>,
    %get3A_537 = vector.shape_cast %get3A_536 : vector<16xi32> to vector<16xi32>
    %get3A_538 = arith.constant 416 : index
    %get3A_539 = tpu.vector_load %arg5[%get3A_538] {strides = array<i32>} : memref<512xi32, #tpu.memory_space<vmem>>, vector<16xi32>,
    %get3A_540 = vector.shape_cast %get3A_539 : vector<16xi32> to vector<16xi32>
    %mul3A_541 = arith.constant 512 : i32
    %mul3A_542 = vector.broadcast %mul3A_541 : i32 to vector<16xi32>
    %mul3A_543 = arith.muli %get3A_540, %mul3A_542 : vector<16xi32>
    %add3A_544 = arith.addi %mul3A_543, %get3A_537 : vector<16xi32>
    %swap3A_545 = arith.constant 3 : i32
    %swap3A_546 = arith.index_cast %swap3A_545 : i32 to index
    %swap3A_547 = arith.constant 32 : index
    %swap3A_548 = tpu.vector_load %arg6[%swap3A_546, %swap3A_547] {strides = array<i32>} : memref<4x128xi32, #tpu.memory_space<vmem>>, vector<1x16xi32>,
    %swap3A_549 = vector.shape_cast %swap3A_548 : vector<1x16xi32> to vector<16xi32>
    %swap3A_550 = vector.shape_cast %add3A_544 : vector<16xi32> to vector<1x16xi32>
    tpu.vector_store %arg6[%swap3A_546, %swap3A_547], %swap3A_550 {strides = array<i32>} : memref<4x128xi32, #tpu.memory_space<vmem>>, vector<1x16xi32>,
    %get3A_551 = arith.constant 432 : index
    %get3A_552 = tpu.vector_load %arg4[%get3A_551] {strides = array<i32>} : memref<512xi32, #tpu.memory_space<vmem>>, vector<16xi32>,
    %get3A_553 = vector.shape_cast %get3A_552 : vector<16xi32> to vector<16xi32>
    %get3A_554 = arith.constant 432 : index
    %get3A_555 = tpu.vector_load %arg5[%get3A_554] {strides = array<i32>} : memref<512xi32, #tpu.memory_space<vmem>>, vector<16xi32>,
    %get3A_556 = vector.shape_cast %get3A_555 : vector<16xi32> to vector<16xi32>
    %mul3A_557 = arith.constant 512 : i32
    %mul3A_558 = vector.broadcast %mul3A_557 : i32 to vector<16xi32>
    %mul3A_559 = arith.muli %get3A_556, %mul3A_558 : vector<16xi32>
    %add3A_560 = arith.addi %mul3A_559, %get3A_553 : vector<16xi32>
    %swap3A_561 = arith.constant 3 : i32
    %swap3A_562 = arith.index_cast %swap3A_561 : i32 to index
    %swap3A_563 = arith.constant 48 : index
    %swap3A_564 = tpu.vector_load %arg6[%swap3A_562, %swap3A_563] {strides = array<i32>} : memref<4x128xi32, #tpu.memory_space<vmem>>, vector<1x16xi32>,
    %swap3A_565 = vector.shape_cast %swap3A_564 : vector<1x16xi32> to vector<16xi32>
    %swap3A_566 = vector.shape_cast %add3A_560 : vector<16xi32> to vector<1x16xi32>
    tpu.vector_store %arg6[%swap3A_562, %swap3A_563], %swap3A_566 {strides = array<i32>} : memref<4x128xi32, #tpu.memory_space<vmem>>, vector<1x16xi32>,
    %get3A_567 = arith.constant 448 : index
    %get3A_568 = tpu.vector_load %arg4[%get3A_567] {strides = array<i32>} : memref<512xi32, #tpu.memory_space<vmem>>, vector<16xi32>,
    %get3A_569 = vector.shape_cast %get3A_568 : vector<16xi32> to vector<16xi32>
    %get3A_570 = arith.constant 448 : index
    %get3A_571 = tpu.vector_load %arg5[%get3A_570] {strides = array<i32>} : memref<512xi32, #tpu.memory_space<vmem>>, vector<16xi32>,
    %get3A_572 = vector.shape_cast %get3A_571 : vector<16xi32> to vector<16xi32>
    %mul3A_573 = arith.constant 512 : i32
    %mul3A_574 = vector.broadcast %mul3A_573 : i32 to vector<16xi32>
    %mul3A_575 = arith.muli %get3A_572, %mul3A_574 : vector<16xi32>
    %add3A_576 = arith.addi %mul3A_575, %get3A_569 : vector<16xi32>
    %swap3A_577 = arith.constant 3 : i32
    %swap3A_578 = arith.index_cast %swap3A_577 : i32 to index
    %swap3A_579 = arith.constant 64 : index
    %swap3A_580 = tpu.vector_load %arg6[%swap3A_578, %swap3A_579] {strides = array<i32>} : memref<4x128xi32, #tpu.memory_space<vmem>>, vector<1x16xi32>,
    %swap3A_581 = vector.shape_cast %swap3A_580 : vector<1x16xi32> to vector<16xi32>
    %swap3A_582 = vector.shape_cast %add3A_576 : vector<16xi32> to vector<1x16xi32>
    tpu.vector_store %arg6[%swap3A_578, %swap3A_579], %swap3A_582 {strides = array<i32>} : memref<4x128xi32, #tpu.memory_space<vmem>>, vector<1x16xi32>,
    %get3A_583 = arith.constant 464 : index
    %get3A_584 = tpu.vector_load %arg4[%get3A_583] {strides = array<i32>} : memref<512xi32, #tpu.memory_space<vmem>>, vector<16xi32>,
    %get3A_585 = vector.shape_cast %get3A_584 : vector<16xi32> to vector<16xi32>
    %get3A_586 = arith.constant 464 : index
    %get3A_587 = tpu.vector_load %arg5[%get3A_586] {strides = array<i32>} : memref<512xi32, #tpu.memory_space<vmem>>, vector<16xi32>,
    %get3A_588 = vector.shape_cast %get3A_587 : vector<16xi32> to vector<16xi32>
    %mul3A_589 = arith.constant 512 : i32
    %mul3A_590 = vector.broadcast %mul3A_589 : i32 to vector<16xi32>
    %mul3A_591 = arith.muli %get3A_588, %mul3A_590 : vector<16xi32>
    %add3A_592 = arith.addi %mul3A_591, %get3A_585 : vector<16xi32>
    %swap3A_593 = arith.constant 3 : i32
    %swap3A_594 = arith.index_cast %swap3A_593 : i32 to index
    %swap3A_595 = arith.constant 80 : index
    %swap3A_596 = tpu.vector_load %arg6[%swap3A_594, %swap3A_595] {strides = array<i32>} : memref<4x128xi32, #tpu.memory_space<vmem>>, vector<1x16xi32>,
    %swap3A_597 = vector.shape_cast %swap3A_596 : vector<1x16xi32> to vector<16xi32>
    %swap3A_598 = vector.shape_cast %add3A_592 : vector<16xi32> to vector<1x16xi32>
    tpu.vector_store %arg6[%swap3A_594, %swap3A_595], %swap3A_598 {strides = array<i32>} : memref<4x128xi32, #tpu.memory_space<vmem>>, vector<1x16xi32>,
    %get3A_599 = arith.constant 480 : index
    %get3A_600 = tpu.vector_load %arg4[%get3A_599] {strides = array<i32>} : memref<512xi32, #tpu.memory_space<vmem>>, vector<16xi32>,
    %get3A_601 = vector.shape_cast %get3A_600 : vector<16xi32> to vector<16xi32>
    %get3A_602 = arith.constant 480 : index
    %get3A_603 = tpu.vector_load %arg5[%get3A_602] {strides = array<i32>} : memref<512xi32, #tpu.memory_space<vmem>>, vector<16xi32>,
    %get3A_604 = vector.shape_cast %get3A_603 : vector<16xi32> to vector<16xi32>
    %mul3A_605 = arith.constant 512 : i32
    %mul3A_606 = vector.broadcast %mul3A_605 : i32 to vector<16xi32>
    %mul3A_607 = arith.muli %get3A_604, %mul3A_606 : vector<16xi32>
    %add3A_608 = arith.addi %mul3A_607, %get3A_601 : vector<16xi32>
    %swap3A_609 = arith.constant 3 : i32
    %swap3A_610 = arith.index_cast %swap3A_609 : i32 to index
    %swap3A_611 = arith.constant 96 : index
    %swap3A_612 = tpu.vector_load %arg6[%swap3A_610, %swap3A_611] {strides = array<i32>} : memref<4x128xi32, #tpu.memory_space<vmem>>, vector<1x16xi32>,
    %swap3A_613 = vector.shape_cast %swap3A_612 : vector<1x16xi32> to vector<16xi32>
    %swap3A_614 = vector.shape_cast %add3A_608 : vector<16xi32> to vector<1x16xi32>
    tpu.vector_store %arg6[%swap3A_610, %swap3A_611], %swap3A_614 {strides = array<i32>} : memref<4x128xi32, #tpu.memory_space<vmem>>, vector<1x16xi32>,
    %get3A_615 = arith.constant 496 : index
    %get3A_616 = tpu.vector_load %arg4[%get3A_615] {strides = array<i32>} : memref<512xi32, #tpu.memory_space<vmem>>, vector<16xi32>,
    %get3A_617 = vector.shape_cast %get3A_616 : vector<16xi32> to vector<16xi32>
    %get3A_618 = arith.constant 496 : index
    %get3A_619 = tpu.vector_load %arg5[%get3A_618] {strides = array<i32>} : memref<512xi32, #tpu.memory_space<vmem>>, vector<16xi32>,
    %get3A_620 = vector.shape_cast %get3A_619 : vector<16xi32> to vector<16xi32>
    %mul3A_621 = arith.constant 512 : i32
    %mul3A_622 = vector.broadcast %mul3A_621 : i32 to vector<16xi32>
    %mul3A_623 = arith.muli %get3A_620, %mul3A_622 : vector<16xi32>
    %add3A_624 = arith.addi %mul3A_623, %get3A_617 : vector<16xi32>
    %swap3A_625 = arith.constant 3 : i32
    %swap3A_626 = arith.index_cast %swap3A_625 : i32 to index
    %swap3A_627 = arith.constant 112 : index
    %swap3A_628 = tpu.vector_load %arg6[%swap3A_626, %swap3A_627] {strides = array<i32>} : memref<4x128xi32, #tpu.memory_space<vmem>>, vector<1x16xi32>,
    %swap3A_629 = vector.shape_cast %swap3A_628 : vector<1x16xi32> to vector<16xi32>
    %swap3A_630 = vector.shape_cast %add3A_624 : vector<16xi32> to vector<1x16xi32>
    tpu.vector_store %arg6[%swap3A_626, %swap3A_627], %swap3A_630 {strides = array<i32>} : memref<4x128xi32, #tpu.memory_space<vmem>>, vector<1x16xi32>,
    %dma_wait3A_631 = tpu.memref_slice %arg10[%add3A_66] : memref<262144xf32, #tpu.memory_space<vmem_shared>> -> memref<2048xf32, #tpu.memory_space<vmem_shared>>
    %dma_wait3A_632 = tpu.memref_slice %arg10[%add3A_66] : memref<262144xf32, #tpu.memory_space<vmem_shared>> -> memref<2048xf32, #tpu.memory_space<vmem_shared>>
    tpu.wait_dma2 semaphore(%arg11 : memref<!tpu.dma_semaphore, #tpu.memory_space<semaphore_mem>>) src(%arg8 : memref<2048xf32, #tpu.memory_space<vmem>>) dst(%dma_wait3A_632 : memref<2048xf32, #tpu.memory_space<vmem_shared>>)
    %dma_wait3A_633 = tpu.memref_slice %arg10[%add3A_72] : memref<262144xf32, #tpu.memory_space<vmem_shared>> -> memref<2048xf32, #tpu.memory_space<vmem_shared>>
    %dma_wait3A_634 = tpu.memref_slice %arg10[%add3A_72] : memref<262144xf32, #tpu.memory_space<vmem_shared>> -> memref<2048xf32, #tpu.memory_space<vmem_shared>>
    tpu.wait_dma2 semaphore(%arg11 : memref<!tpu.dma_semaphore, #tpu.memory_space<semaphore_mem>>) src(%arg8 : memref<2048xf32, #tpu.memory_space<vmem>>) dst(%dma_wait3A_634 : memref<2048xf32, #tpu.memory_space<vmem_shared>>)
    %dma_wait3A_635 = tpu.memref_slice %arg10[%add3A_78] : memref<262144xf32, #tpu.memory_space<vmem_shared>> -> memref<2048xf32, #tpu.memory_space<vmem_shared>>
    %dma_wait3A_636 = tpu.memref_slice %arg10[%add3A_78] : memref<262144xf32, #tpu.memory_space<vmem_shared>> -> memref<2048xf32, #tpu.memory_space<vmem_shared>>
    tpu.wait_dma2 semaphore(%arg11 : memref<!tpu.dma_semaphore, #tpu.memory_space<semaphore_mem>>) src(%arg8 : memref<2048xf32, #tpu.memory_space<vmem>>) dst(%dma_wait3A_636 : memref<2048xf32, #tpu.memory_space<vmem_shared>>)
    %dma_wait3A_637 = tpu.memref_slice %arg10[%add3A_84] : memref<262144xf32, #tpu.memory_space<vmem_shared>> -> memref<2048xf32, #tpu.memory_space<vmem_shared>>
    %dma_wait3A_638 = tpu.memref_slice %arg10[%add3A_84] : memref<262144xf32, #tpu.memory_space<vmem_shared>> -> memref<2048xf32, #tpu.memory_space<vmem_shared>>
    tpu.wait_dma2 semaphore(%arg11 : memref<!tpu.dma_semaphore, #tpu.memory_space<semaphore_mem>>) src(%arg8 : memref<2048xf32, #tpu.memory_space<vmem>>) dst(%dma_wait3A_638 : memref<2048xf32, #tpu.memory_space<vmem_shared>>)
    %dma_wait3A_639 = tpu.memref_slice %arg10[%add3A_90] : memref<262144xf32, #tpu.memory_space<vmem_shared>> -> memref<2048xf32, #tpu.memory_space<vmem_shared>>
    %dma_wait3A_640 = tpu.memref_slice %arg10[%add3A_90] : memref<262144xf32, #tpu.memory_space<vmem_shared>> -> memref<2048xf32, #tpu.memory_space<vmem_shared>>
    tpu.wait_dma2 semaphore(%arg11 : memref<!tpu.dma_semaphore, #tpu.memory_space<semaphore_mem>>) src(%arg8 : memref<2048xf32, #tpu.memory_space<vmem>>) dst(%dma_wait3A_640 : memref<2048xf32, #tpu.memory_space<vmem_shared>>)
    %dma_wait3A_641 = tpu.memref_slice %arg10[%add3A_96] : memref<262144xf32, #tpu.memory_space<vmem_shared>> -> memref<2048xf32, #tpu.memory_space<vmem_shared>>
    %dma_wait3A_642 = tpu.memref_slice %arg10[%add3A_96] : memref<262144xf32, #tpu.memory_space<vmem_shared>> -> memref<2048xf32, #tpu.memory_space<vmem_shared>>
    tpu.wait_dma2 semaphore(%arg11 : memref<!tpu.dma_semaphore, #tpu.memory_space<semaphore_mem>>) src(%arg8 : memref<2048xf32, #tpu.memory_space<vmem>>) dst(%dma_wait3A_642 : memref<2048xf32, #tpu.memory_space<vmem_shared>>)
    %dma_wait3A_643 = tpu.memref_slice %arg10[%add3A_102] : memref<262144xf32, #tpu.memory_space<vmem_shared>> -> memref<2048xf32, #tpu.memory_space<vmem_shared>>
    %dma_wait3A_644 = tpu.memref_slice %arg10[%add3A_102] : memref<262144xf32, #tpu.memory_space<vmem_shared>> -> memref<2048xf32, #tpu.memory_space<vmem_shared>>
    tpu.wait_dma2 semaphore(%arg11 : memref<!tpu.dma_semaphore, #tpu.memory_space<semaphore_mem>>) src(%arg8 : memref<2048xf32, #tpu.memory_space<vmem>>) dst(%dma_wait3A_644 : memref<2048xf32, #tpu.memory_space<vmem_shared>>)
    %dma_wait3A_645 = tpu.memref_slice %arg10[%add3A_108] : memref<262144xf32, #tpu.memory_space<vmem_shared>> -> memref<2048xf32, #tpu.memory_space<vmem_shared>>
    %dma_wait3A_646 = tpu.memref_slice %arg10[%add3A_108] : memref<262144xf32, #tpu.memory_space<vmem_shared>> -> memref<2048xf32, #tpu.memory_space<vmem_shared>>
    tpu.wait_dma2 semaphore(%arg11 : memref<!tpu.dma_semaphore, #tpu.memory_space<semaphore_mem>>) src(%arg8 : memref<2048xf32, #tpu.memory_space<vmem>>) dst(%dma_wait3A_646 : memref<2048xf32, #tpu.memory_space<vmem_shared>>)
    %barrier3A = arith.constant 0 : index
    tpu.barrier barrier_id(%barrier3A)
    %run_scoped3A = arith.constant 0 : i32
    "tpu.region"() ({
      %run_scoped3A_1357 = tpu.sem_alloc : memref<!tpu.dma_semaphore, #tpu.memory_space<semaphore_mem>>
      %dma_start3A_1358 = arith.constant 0 : i32
      %dma_start3A_1359 = tpu.memref_slice %arg6[%run_scoped3A, %dma_start3A_1358] : memref<4x128xi32, #tpu.memory_space<vmem>> -> memref<1x128xi32, #tpu.memory_space<vmem>>
      %dma_start3A_1360 = tpu.memref_squeeze %dma_start3A_1359 : memref<1x128xi32, #tpu.memory_space<vmem>> -> memref<128xi32, #tpu.memory_space<vmem>>
      %dma_start3A_1361 = arith.constant 0 : i32
      %dma_start3A_1362 = tpu.memref_slice %arg10[%dma_start3A_1361] : memref<262144xf32, #tpu.memory_space<vmem_shared>> -> memref<262144xf32, #tpu.memory_space<vmem_shared>>
      tpu.enqueue_indirect_dma source(%arg7 : memref<128xf32, #tpu.memory_space<vmem>>) target(%dma_start3A_1362 : memref<262144xf32, #tpu.memory_space<vmem_shared>>) offsets(%dma_start3A_1360 : memref<128xi32, #tpu.memory_space<vmem>>) semaphore(%run_scoped3A_1357 : memref<!tpu.dma_semaphore, #tpu.memory_space<semaphore_mem>>) {add = true}
      %dma_wait3A_1363 = arith.constant 0 : i32
      %dma_wait3A_1364 = tpu.memref_slice %arg6[%run_scoped3A, %dma_wait3A_1363] : memref<4x128xi32, #tpu.memory_space<vmem>> -> memref<1x128xi32, #tpu.memory_space<vmem>>
      %dma_wait3A_1365 = tpu.memref_squeeze %dma_wait3A_1364 : memref<1x128xi32, #tpu.memory_space<vmem>> -> memref<128xi32, #tpu.memory_space<vmem>>
      %dma_wait3A_1366 = arith.constant 0 : i32
      %dma_wait3A_1367 = tpu.memref_slice %arg10[%dma_wait3A_1366] : memref<262144xf32, #tpu.memory_space<vmem_shared>> -> memref<262144xf32, #tpu.memory_space<vmem_shared>>
      tpu.wait_indirect_dma semaphore(%run_scoped3A_1357 : memref<!tpu.dma_semaphore, #tpu.memory_space<semaphore_mem>>) src(%arg7 : memref<128xf32, #tpu.memory_space<vmem>>) dst(%dma_wait3A_1367 : memref<262144xf32, #tpu.memory_space<vmem_shared>>)
      tpu.yield
    }) : () -> ()
    %run_scoped3A_647 = arith.constant 1 : i32
    "tpu.region"() ({
      %run_scoped3A_1357 = tpu.sem_alloc : memref<!tpu.dma_semaphore, #tpu.memory_space<semaphore_mem>>
      %dma_start3A_1358 = arith.constant 0 : i32
      %dma_start3A_1359 = tpu.memref_slice %arg6[%run_scoped3A_647, %dma_start3A_1358] : memref<4x128xi32, #tpu.memory_space<vmem>> -> memref<1x128xi32, #tpu.memory_space<vmem>>
      %dma_start3A_1360 = tpu.memref_squeeze %dma_start3A_1359 : memref<1x128xi32, #tpu.memory_space<vmem>> -> memref<128xi32, #tpu.memory_space<vmem>>
      %dma_start3A_1361 = arith.constant 0 : i32
      %dma_start3A_1362 = tpu.memref_slice %arg10[%dma_start3A_1361] : memref<262144xf32, #tpu.memory_space<vmem_shared>> -> memref<262144xf32, #tpu.memory_space<vmem_shared>>
      tpu.enqueue_indirect_dma source(%arg7 : memref<128xf32, #tpu.memory_space<vmem>>) target(%dma_start3A_1362 : memref<262144xf32, #tpu.memory_space<vmem_shared>>) offsets(%dma_start3A_1360 : memref<128xi32, #tpu.memory_space<vmem>>) semaphore(%run_scoped3A_1357 : memref<!tpu.dma_semaphore, #tpu.memory_space<semaphore_mem>>) {add = true}
      %dma_wait3A_1363 = arith.constant 0 : i32
      %dma_wait3A_1364 = tpu.memref_slice %arg6[%run_scoped3A_647, %dma_wait3A_1363] : memref<4x128xi32, #tpu.memory_space<vmem>> -> memref<1x128xi32, #tpu.memory_space<vmem>>
      %dma_wait3A_1365 = tpu.memref_squeeze %dma_wait3A_1364 : memref<1x128xi32, #tpu.memory_space<vmem>> -> memref<128xi32, #tpu.memory_space<vmem>>
      %dma_wait3A_1366 = arith.constant 0 : i32
      %dma_wait3A_1367 = tpu.memref_slice %arg10[%dma_wait3A_1366] : memref<262144xf32, #tpu.memory_space<vmem_shared>> -> memref<262144xf32, #tpu.memory_space<vmem_shared>>
      tpu.wait_indirect_dma semaphore(%run_scoped3A_1357 : memref<!tpu.dma_semaphore, #tpu.memory_space<semaphore_mem>>) src(%arg7 : memref<128xf32, #tpu.memory_space<vmem>>) dst(%dma_wait3A_1367 : memref<262144xf32, #tpu.memory_space<vmem_shared>>)
      tpu.yield
    }) : () -> ()
    %run_scoped3A_648 = arith.constant 2 : i32
    "tpu.region"() ({
      %run_scoped3A_1357 = tpu.sem_alloc : memref<!tpu.dma_semaphore, #tpu.memory_space<semaphore_mem>>
      %dma_start3A_1358 = arith.constant 0 : i32
      %dma_start3A_1359 = tpu.memref_slice %arg6[%run_scoped3A_648, %dma_start3A_1358] : memref<4x128xi32, #tpu.memory_space<vmem>> -> memref<1x128xi32, #tpu.memory_space<vmem>>
      %dma_start3A_1360 = tpu.memref_squeeze %dma_start3A_1359 : memref<1x128xi32, #tpu.memory_space<vmem>> -> memref<128xi32, #tpu.memory_space<vmem>>
      %dma_start3A_1361 = arith.constant 0 : i32
      %dma_start3A_1362 = tpu.memref_slice %arg10[%dma_start3A_1361] : memref<262144xf32, #tpu.memory_space<vmem_shared>> -> memref<262144xf32, #tpu.memory_space<vmem_shared>>
      tpu.enqueue_indirect_dma source(%arg7 : memref<128xf32, #tpu.memory_space<vmem>>) target(%dma_start3A_1362 : memref<262144xf32, #tpu.memory_space<vmem_shared>>) offsets(%dma_start3A_1360 : memref<128xi32, #tpu.memory_space<vmem>>) semaphore(%run_scoped3A_1357 : memref<!tpu.dma_semaphore, #tpu.memory_space<semaphore_mem>>) {add = true}
      %dma_wait3A_1363 = arith.constant 0 : i32
      %dma_wait3A_1364 = tpu.memref_slice %arg6[%run_scoped3A_648, %dma_wait3A_1363] : memref<4x128xi32, #tpu.memory_space<vmem>> -> memref<1x128xi32, #tpu.memory_space<vmem>>
      %dma_wait3A_1365 = tpu.memref_squeeze %dma_wait3A_1364 : memref<1x128xi32, #tpu.memory_space<vmem>> -> memref<128xi32, #tpu.memory_space<vmem>>
      %dma_wait3A_1366 = arith.constant 0 : i32
      %dma_wait3A_1367 = tpu.memref_slice %arg10[%dma_wait3A_1366] : memref<262144xf32, #tpu.memory_space<vmem_shared>> -> memref<262144xf32, #tpu.memory_space<vmem_shared>>
      tpu.wait_indirect_dma semaphore(%run_scoped3A_1357 : memref<!tpu.dma_semaphore, #tpu.memory_space<semaphore_mem>>) src(%arg7 : memref<128xf32, #tpu.memory_space<vmem>>) dst(%dma_wait3A_1367 : memref<262144xf32, #tpu.memory_space<vmem_shared>>)
      tpu.yield
    }) : () -> ()
    %run_scoped3A_649 = arith.constant 3 : i32
    "tpu.region"() ({
      %run_scoped3A_1357 = tpu.sem_alloc : memref<!tpu.dma_semaphore, #tpu.memory_space<semaphore_mem>>
      %dma_start3A_1358 = arith.constant 0 : i32
      %dma_start3A_1359 = tpu.memref_slice %arg6[%run_scoped3A_649, %dma_start3A_1358] : memref<4x128xi32, #tpu.memory_space<vmem>> -> memref<1x128xi32, #tpu.memory_space<vmem>>
      %dma_start3A_1360 = tpu.memref_squeeze %dma_start3A_1359 : memref<1x128xi32, #tpu.memory_space<vmem>> -> memref<128xi32, #tpu.memory_space<vmem>>
      %dma_start3A_1361 = arith.constant 0 : i32
      %dma_start3A_1362 = tpu.memref_slice %arg10[%dma_start3A_1361] : memref<262144xf32, #tpu.memory_space<vmem_shared>> -> memref<262144xf32, #tpu.memory_space<vmem_shared>>
      tpu.enqueue_indirect_dma source(%arg7 : memref<128xf32, #tpu.memory_space<vmem>>) target(%dma_start3A_1362 : memref<262144xf32, #tpu.memory_space<vmem_shared>>) offsets(%dma_start3A_1360 : memref<128xi32, #tpu.memory_space<vmem>>) semaphore(%run_scoped3A_1357 : memref<!tpu.dma_semaphore, #tpu.memory_space<semaphore_mem>>) {add = true}
      %dma_wait3A_1363 = arith.constant 0 : i32
      %dma_wait3A_1364 = tpu.memref_slice %arg6[%run_scoped3A_649, %dma_wait3A_1363] : memref<4x128xi32, #tpu.memory_space<vmem>> -> memref<1x128xi32, #tpu.memory_space<vmem>>
      %dma_wait3A_1365 = tpu.memref_squeeze %dma_wait3A_1364 : memref<1x128xi32, #tpu.memory_space<vmem>> -> memref<128xi32, #tpu.memory_space<vmem>>
      %dma_wait3A_1366 = arith.constant 0 : i32
      %dma_wait3A_1367 = tpu.memref_slice %arg10[%dma_wait3A_1366] : memref<262144xf32, #tpu.memory_space<vmem_shared>> -> memref<262144xf32, #tpu.memory_space<vmem_shared>>
      tpu.wait_indirect_dma semaphore(%run_scoped3A_1357 : memref<!tpu.dma_semaphore, #tpu.memory_space<semaphore_mem>>) src(%arg7 : memref<128xf32, #tpu.memory_space<vmem>>) dst(%dma_wait3A_1367 : memref<262144xf32, #tpu.memory_space<vmem_shared>>)
      tpu.yield
    }) : () -> ()
    %barrier3A_650 = arith.constant 0 : index
    tpu.barrier barrier_id(%barrier3A_650)
    %mul3A_651 = arith.constant 16384 : i32
    %mul3A_652 = arith.muli %arg1, %mul3A_651 : i32
    %add3A_653 = arith.constant 0 : i32
    %add3A_654 = arith.addi %mul3A_652, %add3A_653 : i32
    %dma_start3A_655 = arith.constant 0 : i32
    %dma_start3A_656 = arith.constant 0 : i32
    %dma_start3A_657 = tpu.memref_slice %arg9[%dma_start3A_655, %dma_start3A_656] : memref<32x512xf32, #tpu.memory_space<vmem>> -> memref<1x512xf32, #tpu.memory_space<vmem>>
    %dma_start3A_658 = tpu.memref_squeeze %dma_start3A_657 : memref<1x512xf32, #tpu.memory_space<vmem>> -> memref<512xf32, #tpu.memory_space<vmem>>
    %dma_start3A_659 = tpu.memref_slice %arg10[%add3A_654] : memref<262144xf32, #tpu.memory_space<vmem_shared>> -> memref<512xf32, #tpu.memory_space<vmem_shared>>
    %dma_start3A_660 = arith.constant 0 : i32
    %dma_start3A_661 = tpu.memref_slice %arg9[%dma_start3A_655, %dma_start3A_660] : memref<32x512xf32, #tpu.memory_space<vmem>> -> memref<1x512xf32, #tpu.memory_space<vmem>>
    %dma_start3A_662 = tpu.memref_squeeze %dma_start3A_661 : memref<1x512xf32, #tpu.memory_space<vmem>> -> memref<512xf32, #tpu.memory_space<vmem>>
    %dma_start3A_663 = tpu.memref_slice %arg10[%add3A_654] : memref<262144xf32, #tpu.memory_space<vmem_shared>> -> memref<512xf32, #tpu.memory_space<vmem_shared>>
    tpu.enqueue_dma source(%dma_start3A_663 : memref<512xf32, #tpu.memory_space<vmem_shared>>) target(%dma_start3A_662 : memref<512xf32, #tpu.memory_space<vmem>>) target_semaphore(%arg11 : memref<!tpu.dma_semaphore, #tpu.memory_space<semaphore_mem>>)
    %mul3A_664 = arith.constant 16384 : i32
    %mul3A_665 = arith.muli %arg1, %mul3A_664 : i32
    %add3A_666 = arith.constant 512 : i32
    %add3A_667 = arith.addi %mul3A_665, %add3A_666 : i32
    %dma_start3A_668 = arith.constant 1 : i32
    %dma_start3A_669 = arith.constant 0 : i32
    %dma_start3A_670 = tpu.memref_slice %arg9[%dma_start3A_668, %dma_start3A_669] : memref<32x512xf32, #tpu.memory_space<vmem>> -> memref<1x512xf32, #tpu.memory_space<vmem>>
    %dma_start3A_671 = tpu.memref_squeeze %dma_start3A_670 : memref<1x512xf32, #tpu.memory_space<vmem>> -> memref<512xf32, #tpu.memory_space<vmem>>
    %dma_start3A_672 = tpu.memref_slice %arg10[%add3A_667] : memref<262144xf32, #tpu.memory_space<vmem_shared>> -> memref<512xf32, #tpu.memory_space<vmem_shared>>
    %dma_start3A_673 = arith.constant 0 : i32
    %dma_start3A_674 = tpu.memref_slice %arg9[%dma_start3A_668, %dma_start3A_673] : memref<32x512xf32, #tpu.memory_space<vmem>> -> memref<1x512xf32, #tpu.memory_space<vmem>>
    %dma_start3A_675 = tpu.memref_squeeze %dma_start3A_674 : memref<1x512xf32, #tpu.memory_space<vmem>> -> memref<512xf32, #tpu.memory_space<vmem>>
    %dma_start3A_676 = tpu.memref_slice %arg10[%add3A_667] : memref<262144xf32, #tpu.memory_space<vmem_shared>> -> memref<512xf32, #tpu.memory_space<vmem_shared>>
    tpu.enqueue_dma source(%dma_start3A_676 : memref<512xf32, #tpu.memory_space<vmem_shared>>) target(%dma_start3A_675 : memref<512xf32, #tpu.memory_space<vmem>>) target_semaphore(%arg11 : memref<!tpu.dma_semaphore, #tpu.memory_space<semaphore_mem>>)
    %mul3A_677 = arith.constant 16384 : i32
    %mul3A_678 = arith.muli %arg1, %mul3A_677 : i32
    %add3A_679 = arith.constant 1024 : i32
    %add3A_680 = arith.addi %mul3A_678, %add3A_679 : i32
    %dma_start3A_681 = arith.constant 2 : i32
    %dma_start3A_682 = arith.constant 0 : i32
    %dma_start3A_683 = tpu.memref_slice %arg9[%dma_start3A_681, %dma_start3A_682] : memref<32x512xf32, #tpu.memory_space<vmem>> -> memref<1x512xf32, #tpu.memory_space<vmem>>
    %dma_start3A_684 = tpu.memref_squeeze %dma_start3A_683 : memref<1x512xf32, #tpu.memory_space<vmem>> -> memref<512xf32, #tpu.memory_space<vmem>>
    %dma_start3A_685 = tpu.memref_slice %arg10[%add3A_680] : memref<262144xf32, #tpu.memory_space<vmem_shared>> -> memref<512xf32, #tpu.memory_space<vmem_shared>>
    %dma_start3A_686 = arith.constant 0 : i32
    %dma_start3A_687 = tpu.memref_slice %arg9[%dma_start3A_681, %dma_start3A_686] : memref<32x512xf32, #tpu.memory_space<vmem>> -> memref<1x512xf32, #tpu.memory_space<vmem>>
    %dma_start3A_688 = tpu.memref_squeeze %dma_start3A_687 : memref<1x512xf32, #tpu.memory_space<vmem>> -> memref<512xf32, #tpu.memory_space<vmem>>
    %dma_start3A_689 = tpu.memref_slice %arg10[%add3A_680] : memref<262144xf32, #tpu.memory_space<vmem_shared>> -> memref<512xf32, #tpu.memory_space<vmem_shared>>
    tpu.enqueue_dma source(%dma_start3A_689 : memref<512xf32, #tpu.memory_space<vmem_shared>>) target(%dma_start3A_688 : memref<512xf32, #tpu.memory_space<vmem>>) target_semaphore(%arg11 : memref<!tpu.dma_semaphore, #tpu.memory_space<semaphore_mem>>)
    %mul3A_690 = arith.constant 16384 : i32
    %mul3A_691 = arith.muli %arg1, %mul3A_690 : i32
    %add3A_692 = arith.constant 1536 : i32
    %add3A_693 = arith.addi %mul3A_691, %add3A_692 : i32
    %dma_start3A_694 = arith.constant 3 : i32
    %dma_start3A_695 = arith.constant 0 : i32
    %dma_start3A_696 = tpu.memref_slice %arg9[%dma_start3A_694, %dma_start3A_695] : memref<32x512xf32, #tpu.memory_space<vmem>> -> memref<1x512xf32, #tpu.memory_space<vmem>>
    %dma_start3A_697 = tpu.memref_squeeze %dma_start3A_696 : memref<1x512xf32, #tpu.memory_space<vmem>> -> memref<512xf32, #tpu.memory_space<vmem>>
    %dma_start3A_698 = tpu.memref_slice %arg10[%add3A_693] : memref<262144xf32, #tpu.memory_space<vmem_shared>> -> memref<512xf32, #tpu.memory_space<vmem_shared>>
    %dma_start3A_699 = arith.constant 0 : i32
    %dma_start3A_700 = tpu.memref_slice %arg9[%dma_start3A_694, %dma_start3A_699] : memref<32x512xf32, #tpu.memory_space<vmem>> -> memref<1x512xf32, #tpu.memory_space<vmem>>
    %dma_start3A_701 = tpu.memref_squeeze %dma_start3A_700 : memref<1x512xf32, #tpu.memory_space<vmem>> -> memref<512xf32, #tpu.memory_space<vmem>>
    %dma_start3A_702 = tpu.memref_slice %arg10[%add3A_693] : memref<262144xf32, #tpu.memory_space<vmem_shared>> -> memref<512xf32, #tpu.memory_space<vmem_shared>>
    tpu.enqueue_dma source(%dma_start3A_702 : memref<512xf32, #tpu.memory_space<vmem_shared>>) target(%dma_start3A_701 : memref<512xf32, #tpu.memory_space<vmem>>) target_semaphore(%arg11 : memref<!tpu.dma_semaphore, #tpu.memory_space<semaphore_mem>>)
    %mul3A_703 = arith.constant 16384 : i32
    %mul3A_704 = arith.muli %arg1, %mul3A_703 : i32
    %add3A_705 = arith.constant 2048 : i32
    %add3A_706 = arith.addi %mul3A_704, %add3A_705 : i32
    %dma_start3A_707 = arith.constant 4 : i32
    %dma_start3A_708 = arith.constant 0 : i32
    %dma_start3A_709 = tpu.memref_slice %arg9[%dma_start3A_707, %dma_start3A_708] : memref<32x512xf32, #tpu.memory_space<vmem>> -> memref<1x512xf32, #tpu.memory_space<vmem>>
    %dma_start3A_710 = tpu.memref_squeeze %dma_start3A_709 : memref<1x512xf32, #tpu.memory_space<vmem>> -> memref<512xf32, #tpu.memory_space<vmem>>
    %dma_start3A_711 = tpu.memref_slice %arg10[%add3A_706] : memref<262144xf32, #tpu.memory_space<vmem_shared>> -> memref<512xf32, #tpu.memory_space<vmem_shared>>
    %dma_start3A_712 = arith.constant 0 : i32
    %dma_start3A_713 = tpu.memref_slice %arg9[%dma_start3A_707, %dma_start3A_712] : memref<32x512xf32, #tpu.memory_space<vmem>> -> memref<1x512xf32, #tpu.memory_space<vmem>>
    %dma_start3A_714 = tpu.memref_squeeze %dma_start3A_713 : memref<1x512xf32, #tpu.memory_space<vmem>> -> memref<512xf32, #tpu.memory_space<vmem>>
    %dma_start3A_715 = tpu.memref_slice %arg10[%add3A_706] : memref<262144xf32, #tpu.memory_space<vmem_shared>> -> memref<512xf32, #tpu.memory_space<vmem_shared>>
    tpu.enqueue_dma source(%dma_start3A_715 : memref<512xf32, #tpu.memory_space<vmem_shared>>) target(%dma_start3A_714 : memref<512xf32, #tpu.memory_space<vmem>>) target_semaphore(%arg11 : memref<!tpu.dma_semaphore, #tpu.memory_space<semaphore_mem>>)
    %mul3A_716 = arith.constant 16384 : i32
    %mul3A_717 = arith.muli %arg1, %mul3A_716 : i32
    %add3A_718 = arith.constant 2560 : i32
    %add3A_719 = arith.addi %mul3A_717, %add3A_718 : i32
    %dma_start3A_720 = arith.constant 5 : i32
    %dma_start3A_721 = arith.constant 0 : i32
    %dma_start3A_722 = tpu.memref_slice %arg9[%dma_start3A_720, %dma_start3A_721] : memref<32x512xf32, #tpu.memory_space<vmem>> -> memref<1x512xf32, #tpu.memory_space<vmem>>
    %dma_start3A_723 = tpu.memref_squeeze %dma_start3A_722 : memref<1x512xf32, #tpu.memory_space<vmem>> -> memref<512xf32, #tpu.memory_space<vmem>>
    %dma_start3A_724 = tpu.memref_slice %arg10[%add3A_719] : memref<262144xf32, #tpu.memory_space<vmem_shared>> -> memref<512xf32, #tpu.memory_space<vmem_shared>>
    %dma_start3A_725 = arith.constant 0 : i32
    %dma_start3A_726 = tpu.memref_slice %arg9[%dma_start3A_720, %dma_start3A_725] : memref<32x512xf32, #tpu.memory_space<vmem>> -> memref<1x512xf32, #tpu.memory_space<vmem>>
    %dma_start3A_727 = tpu.memref_squeeze %dma_start3A_726 : memref<1x512xf32, #tpu.memory_space<vmem>> -> memref<512xf32, #tpu.memory_space<vmem>>
    %dma_start3A_728 = tpu.memref_slice %arg10[%add3A_719] : memref<262144xf32, #tpu.memory_space<vmem_shared>> -> memref<512xf32, #tpu.memory_space<vmem_shared>>
    tpu.enqueue_dma source(%dma_start3A_728 : memref<512xf32, #tpu.memory_space<vmem_shared>>) target(%dma_start3A_727 : memref<512xf32, #tpu.memory_space<vmem>>) target_semaphore(%arg11 : memref<!tpu.dma_semaphore, #tpu.memory_space<semaphore_mem>>)
    %mul3A_729 = arith.constant 16384 : i32
    %mul3A_730 = arith.muli %arg1, %mul3A_729 : i32
    %add3A_731 = arith.constant 3072 : i32
    %add3A_732 = arith.addi %mul3A_730, %add3A_731 : i32
    %dma_start3A_733 = arith.constant 6 : i32
    %dma_start3A_734 = arith.constant 0 : i32
    %dma_start3A_735 = tpu.memref_slice %arg9[%dma_start3A_733, %dma_start3A_734] : memref<32x512xf32, #tpu.memory_space<vmem>> -> memref<1x512xf32, #tpu.memory_space<vmem>>
    %dma_start3A_736 = tpu.memref_squeeze %dma_start3A_735 : memref<1x512xf32, #tpu.memory_space<vmem>> -> memref<512xf32, #tpu.memory_space<vmem>>
    %dma_start3A_737 = tpu.memref_slice %arg10[%add3A_732] : memref<262144xf32, #tpu.memory_space<vmem_shared>> -> memref<512xf32, #tpu.memory_space<vmem_shared>>
    %dma_start3A_738 = arith.constant 0 : i32
    %dma_start3A_739 = tpu.memref_slice %arg9[%dma_start3A_733, %dma_start3A_738] : memref<32x512xf32, #tpu.memory_space<vmem>> -> memref<1x512xf32, #tpu.memory_space<vmem>>
    %dma_start3A_740 = tpu.memref_squeeze %dma_start3A_739 : memref<1x512xf32, #tpu.memory_space<vmem>> -> memref<512xf32, #tpu.memory_space<vmem>>
    %dma_start3A_741 = tpu.memref_slice %arg10[%add3A_732] : memref<262144xf32, #tpu.memory_space<vmem_shared>> -> memref<512xf32, #tpu.memory_space<vmem_shared>>
    tpu.enqueue_dma source(%dma_start3A_741 : memref<512xf32, #tpu.memory_space<vmem_shared>>) target(%dma_start3A_740 : memref<512xf32, #tpu.memory_space<vmem>>) target_semaphore(%arg11 : memref<!tpu.dma_semaphore, #tpu.memory_space<semaphore_mem>>)
    %mul3A_742 = arith.constant 16384 : i32
    %mul3A_743 = arith.muli %arg1, %mul3A_742 : i32
    %add3A_744 = arith.constant 3584 : i32
    %add3A_745 = arith.addi %mul3A_743, %add3A_744 : i32
    %dma_start3A_746 = arith.constant 7 : i32
    %dma_start3A_747 = arith.constant 0 : i32
    %dma_start3A_748 = tpu.memref_slice %arg9[%dma_start3A_746, %dma_start3A_747] : memref<32x512xf32, #tpu.memory_space<vmem>> -> memref<1x512xf32, #tpu.memory_space<vmem>>
    %dma_start3A_749 = tpu.memref_squeeze %dma_start3A_748 : memref<1x512xf32, #tpu.memory_space<vmem>> -> memref<512xf32, #tpu.memory_space<vmem>>
    %dma_start3A_750 = tpu.memref_slice %arg10[%add3A_745] : memref<262144xf32, #tpu.memory_space<vmem_shared>> -> memref<512xf32, #tpu.memory_space<vmem_shared>>
    %dma_start3A_751 = arith.constant 0 : i32
    %dma_start3A_752 = tpu.memref_slice %arg9[%dma_start3A_746, %dma_start3A_751] : memref<32x512xf32, #tpu.memory_space<vmem>> -> memref<1x512xf32, #tpu.memory_space<vmem>>
    %dma_start3A_753 = tpu.memref_squeeze %dma_start3A_752 : memref<1x512xf32, #tpu.memory_space<vmem>> -> memref<512xf32, #tpu.memory_space<vmem>>
    %dma_start3A_754 = tpu.memref_slice %arg10[%add3A_745] : memref<262144xf32, #tpu.memory_space<vmem_shared>> -> memref<512xf32, #tpu.memory_space<vmem_shared>>
    tpu.enqueue_dma source(%dma_start3A_754 : memref<512xf32, #tpu.memory_space<vmem_shared>>) target(%dma_start3A_753 : memref<512xf32, #tpu.memory_space<vmem>>) target_semaphore(%arg11 : memref<!tpu.dma_semaphore, #tpu.memory_space<semaphore_mem>>)
    %mul3A_755 = arith.constant 16384 : i32
    %mul3A_756 = arith.muli %arg1, %mul3A_755 : i32
    %add3A_757 = arith.constant 4096 : i32
    %add3A_758 = arith.addi %mul3A_756, %add3A_757 : i32
    %dma_start3A_759 = arith.constant 8 : i32
    %dma_start3A_760 = arith.constant 0 : i32
    %dma_start3A_761 = tpu.memref_slice %arg9[%dma_start3A_759, %dma_start3A_760] : memref<32x512xf32, #tpu.memory_space<vmem>> -> memref<1x512xf32, #tpu.memory_space<vmem>>
    %dma_start3A_762 = tpu.memref_squeeze %dma_start3A_761 : memref<1x512xf32, #tpu.memory_space<vmem>> -> memref<512xf32, #tpu.memory_space<vmem>>
    %dma_start3A_763 = tpu.memref_slice %arg10[%add3A_758] : memref<262144xf32, #tpu.memory_space<vmem_shared>> -> memref<512xf32, #tpu.memory_space<vmem_shared>>
    %dma_start3A_764 = arith.constant 0 : i32
    %dma_start3A_765 = tpu.memref_slice %arg9[%dma_start3A_759, %dma_start3A_764] : memref<32x512xf32, #tpu.memory_space<vmem>> -> memref<1x512xf32, #tpu.memory_space<vmem>>
    %dma_start3A_766 = tpu.memref_squeeze %dma_start3A_765 : memref<1x512xf32, #tpu.memory_space<vmem>> -> memref<512xf32, #tpu.memory_space<vmem>>
    %dma_start3A_767 = tpu.memref_slice %arg10[%add3A_758] : memref<262144xf32, #tpu.memory_space<vmem_shared>> -> memref<512xf32, #tpu.memory_space<vmem_shared>>
    tpu.enqueue_dma source(%dma_start3A_767 : memref<512xf32, #tpu.memory_space<vmem_shared>>) target(%dma_start3A_766 : memref<512xf32, #tpu.memory_space<vmem>>) target_semaphore(%arg11 : memref<!tpu.dma_semaphore, #tpu.memory_space<semaphore_mem>>)
    %mul3A_768 = arith.constant 16384 : i32
    %mul3A_769 = arith.muli %arg1, %mul3A_768 : i32
    %add3A_770 = arith.constant 4608 : i32
    %add3A_771 = arith.addi %mul3A_769, %add3A_770 : i32
    %dma_start3A_772 = arith.constant 9 : i32
    %dma_start3A_773 = arith.constant 0 : i32
    %dma_start3A_774 = tpu.memref_slice %arg9[%dma_start3A_772, %dma_start3A_773] : memref<32x512xf32, #tpu.memory_space<vmem>> -> memref<1x512xf32, #tpu.memory_space<vmem>>
    %dma_start3A_775 = tpu.memref_squeeze %dma_start3A_774 : memref<1x512xf32, #tpu.memory_space<vmem>> -> memref<512xf32, #tpu.memory_space<vmem>>
    %dma_start3A_776 = tpu.memref_slice %arg10[%add3A_771] : memref<262144xf32, #tpu.memory_space<vmem_shared>> -> memref<512xf32, #tpu.memory_space<vmem_shared>>
    %dma_start3A_777 = arith.constant 0 : i32
    %dma_start3A_778 = tpu.memref_slice %arg9[%dma_start3A_772, %dma_start3A_777] : memref<32x512xf32, #tpu.memory_space<vmem>> -> memref<1x512xf32, #tpu.memory_space<vmem>>
    %dma_start3A_779 = tpu.memref_squeeze %dma_start3A_778 : memref<1x512xf32, #tpu.memory_space<vmem>> -> memref<512xf32, #tpu.memory_space<vmem>>
    %dma_start3A_780 = tpu.memref_slice %arg10[%add3A_771] : memref<262144xf32, #tpu.memory_space<vmem_shared>> -> memref<512xf32, #tpu.memory_space<vmem_shared>>
    tpu.enqueue_dma source(%dma_start3A_780 : memref<512xf32, #tpu.memory_space<vmem_shared>>) target(%dma_start3A_779 : memref<512xf32, #tpu.memory_space<vmem>>) target_semaphore(%arg11 : memref<!tpu.dma_semaphore, #tpu.memory_space<semaphore_mem>>)
    %mul3A_781 = arith.constant 16384 : i32
    %mul3A_782 = arith.muli %arg1, %mul3A_781 : i32
    %add3A_783 = arith.constant 5120 : i32
    %add3A_784 = arith.addi %mul3A_782, %add3A_783 : i32
    %dma_start3A_785 = arith.constant 10 : i32
    %dma_start3A_786 = arith.constant 0 : i32
    %dma_start3A_787 = tpu.memref_slice %arg9[%dma_start3A_785, %dma_start3A_786] : memref<32x512xf32, #tpu.memory_space<vmem>> -> memref<1x512xf32, #tpu.memory_space<vmem>>
    %dma_start3A_788 = tpu.memref_squeeze %dma_start3A_787 : memref<1x512xf32, #tpu.memory_space<vmem>> -> memref<512xf32, #tpu.memory_space<vmem>>
    %dma_start3A_789 = tpu.memref_slice %arg10[%add3A_784] : memref<262144xf32, #tpu.memory_space<vmem_shared>> -> memref<512xf32, #tpu.memory_space<vmem_shared>>
    %dma_start3A_790 = arith.constant 0 : i32
    %dma_start3A_791 = tpu.memref_slice %arg9[%dma_start3A_785, %dma_start3A_790] : memref<32x512xf32, #tpu.memory_space<vmem>> -> memref<1x512xf32, #tpu.memory_space<vmem>>
    %dma_start3A_792 = tpu.memref_squeeze %dma_start3A_791 : memref<1x512xf32, #tpu.memory_space<vmem>> -> memref<512xf32, #tpu.memory_space<vmem>>
    %dma_start3A_793 = tpu.memref_slice %arg10[%add3A_784] : memref<262144xf32, #tpu.memory_space<vmem_shared>> -> memref<512xf32, #tpu.memory_space<vmem_shared>>
    tpu.enqueue_dma source(%dma_start3A_793 : memref<512xf32, #tpu.memory_space<vmem_shared>>) target(%dma_start3A_792 : memref<512xf32, #tpu.memory_space<vmem>>) target_semaphore(%arg11 : memref<!tpu.dma_semaphore, #tpu.memory_space<semaphore_mem>>)
    %mul3A_794 = arith.constant 16384 : i32
    %mul3A_795 = arith.muli %arg1, %mul3A_794 : i32
    %add3A_796 = arith.constant 5632 : i32
    %add3A_797 = arith.addi %mul3A_795, %add3A_796 : i32
    %dma_start3A_798 = arith.constant 11 : i32
    %dma_start3A_799 = arith.constant 0 : i32
    %dma_start3A_800 = tpu.memref_slice %arg9[%dma_start3A_798, %dma_start3A_799] : memref<32x512xf32, #tpu.memory_space<vmem>> -> memref<1x512xf32, #tpu.memory_space<vmem>>
    %dma_start3A_801 = tpu.memref_squeeze %dma_start3A_800 : memref<1x512xf32, #tpu.memory_space<vmem>> -> memref<512xf32, #tpu.memory_space<vmem>>
    %dma_start3A_802 = tpu.memref_slice %arg10[%add3A_797] : memref<262144xf32, #tpu.memory_space<vmem_shared>> -> memref<512xf32, #tpu.memory_space<vmem_shared>>
    %dma_start3A_803 = arith.constant 0 : i32
    %dma_start3A_804 = tpu.memref_slice %arg9[%dma_start3A_798, %dma_start3A_803] : memref<32x512xf32, #tpu.memory_space<vmem>> -> memref<1x512xf32, #tpu.memory_space<vmem>>
    %dma_start3A_805 = tpu.memref_squeeze %dma_start3A_804 : memref<1x512xf32, #tpu.memory_space<vmem>> -> memref<512xf32, #tpu.memory_space<vmem>>
    %dma_start3A_806 = tpu.memref_slice %arg10[%add3A_797] : memref<262144xf32, #tpu.memory_space<vmem_shared>> -> memref<512xf32, #tpu.memory_space<vmem_shared>>
    tpu.enqueue_dma source(%dma_start3A_806 : memref<512xf32, #tpu.memory_space<vmem_shared>>) target(%dma_start3A_805 : memref<512xf32, #tpu.memory_space<vmem>>) target_semaphore(%arg11 : memref<!tpu.dma_semaphore, #tpu.memory_space<semaphore_mem>>)
    %mul3A_807 = arith.constant 16384 : i32
    %mul3A_808 = arith.muli %arg1, %mul3A_807 : i32
    %add3A_809 = arith.constant 6144 : i32
    %add3A_810 = arith.addi %mul3A_808, %add3A_809 : i32
    %dma_start3A_811 = arith.constant 12 : i32
    %dma_start3A_812 = arith.constant 0 : i32
    %dma_start3A_813 = tpu.memref_slice %arg9[%dma_start3A_811, %dma_start3A_812] : memref<32x512xf32, #tpu.memory_space<vmem>> -> memref<1x512xf32, #tpu.memory_space<vmem>>
    %dma_start3A_814 = tpu.memref_squeeze %dma_start3A_813 : memref<1x512xf32, #tpu.memory_space<vmem>> -> memref<512xf32, #tpu.memory_space<vmem>>
    %dma_start3A_815 = tpu.memref_slice %arg10[%add3A_810] : memref<262144xf32, #tpu.memory_space<vmem_shared>> -> memref<512xf32, #tpu.memory_space<vmem_shared>>
    %dma_start3A_816 = arith.constant 0 : i32
    %dma_start3A_817 = tpu.memref_slice %arg9[%dma_start3A_811, %dma_start3A_816] : memref<32x512xf32, #tpu.memory_space<vmem>> -> memref<1x512xf32, #tpu.memory_space<vmem>>
    %dma_start3A_818 = tpu.memref_squeeze %dma_start3A_817 : memref<1x512xf32, #tpu.memory_space<vmem>> -> memref<512xf32, #tpu.memory_space<vmem>>
    %dma_start3A_819 = tpu.memref_slice %arg10[%add3A_810] : memref<262144xf32, #tpu.memory_space<vmem_shared>> -> memref<512xf32, #tpu.memory_space<vmem_shared>>
    tpu.enqueue_dma source(%dma_start3A_819 : memref<512xf32, #tpu.memory_space<vmem_shared>>) target(%dma_start3A_818 : memref<512xf32, #tpu.memory_space<vmem>>) target_semaphore(%arg11 : memref<!tpu.dma_semaphore, #tpu.memory_space<semaphore_mem>>)
    %mul3A_820 = arith.constant 16384 : i32
    %mul3A_821 = arith.muli %arg1, %mul3A_820 : i32
    %add3A_822 = arith.constant 6656 : i32
    %add3A_823 = arith.addi %mul3A_821, %add3A_822 : i32
    %dma_start3A_824 = arith.constant 13 : i32
    %dma_start3A_825 = arith.constant 0 : i32
    %dma_start3A_826 = tpu.memref_slice %arg9[%dma_start3A_824, %dma_start3A_825] : memref<32x512xf32, #tpu.memory_space<vmem>> -> memref<1x512xf32, #tpu.memory_space<vmem>>
    %dma_start3A_827 = tpu.memref_squeeze %dma_start3A_826 : memref<1x512xf32, #tpu.memory_space<vmem>> -> memref<512xf32, #tpu.memory_space<vmem>>
    %dma_start3A_828 = tpu.memref_slice %arg10[%add3A_823] : memref<262144xf32, #tpu.memory_space<vmem_shared>> -> memref<512xf32, #tpu.memory_space<vmem_shared>>
    %dma_start3A_829 = arith.constant 0 : i32
    %dma_start3A_830 = tpu.memref_slice %arg9[%dma_start3A_824, %dma_start3A_829] : memref<32x512xf32, #tpu.memory_space<vmem>> -> memref<1x512xf32, #tpu.memory_space<vmem>>
    %dma_start3A_831 = tpu.memref_squeeze %dma_start3A_830 : memref<1x512xf32, #tpu.memory_space<vmem>> -> memref<512xf32, #tpu.memory_space<vmem>>
    %dma_start3A_832 = tpu.memref_slice %arg10[%add3A_823] : memref<262144xf32, #tpu.memory_space<vmem_shared>> -> memref<512xf32, #tpu.memory_space<vmem_shared>>
    tpu.enqueue_dma source(%dma_start3A_832 : memref<512xf32, #tpu.memory_space<vmem_shared>>) target(%dma_start3A_831 : memref<512xf32, #tpu.memory_space<vmem>>) target_semaphore(%arg11 : memref<!tpu.dma_semaphore, #tpu.memory_space<semaphore_mem>>)
    %mul3A_833 = arith.constant 16384 : i32
    %mul3A_834 = arith.muli %arg1, %mul3A_833 : i32
    %add3A_835 = arith.constant 7168 : i32
    %add3A_836 = arith.addi %mul3A_834, %add3A_835 : i32
    %dma_start3A_837 = arith.constant 14 : i32
    %dma_start3A_838 = arith.constant 0 : i32
    %dma_start3A_839 = tpu.memref_slice %arg9[%dma_start3A_837, %dma_start3A_838] : memref<32x512xf32, #tpu.memory_space<vmem>> -> memref<1x512xf32, #tpu.memory_space<vmem>>
    %dma_start3A_840 = tpu.memref_squeeze %dma_start3A_839 : memref<1x512xf32, #tpu.memory_space<vmem>> -> memref<512xf32, #tpu.memory_space<vmem>>
    %dma_start3A_841 = tpu.memref_slice %arg10[%add3A_836] : memref<262144xf32, #tpu.memory_space<vmem_shared>> -> memref<512xf32, #tpu.memory_space<vmem_shared>>
    %dma_start3A_842 = arith.constant 0 : i32
    %dma_start3A_843 = tpu.memref_slice %arg9[%dma_start3A_837, %dma_start3A_842] : memref<32x512xf32, #tpu.memory_space<vmem>> -> memref<1x512xf32, #tpu.memory_space<vmem>>
    %dma_start3A_844 = tpu.memref_squeeze %dma_start3A_843 : memref<1x512xf32, #tpu.memory_space<vmem>> -> memref<512xf32, #tpu.memory_space<vmem>>
    %dma_start3A_845 = tpu.memref_slice %arg10[%add3A_836] : memref<262144xf32, #tpu.memory_space<vmem_shared>> -> memref<512xf32, #tpu.memory_space<vmem_shared>>
    tpu.enqueue_dma source(%dma_start3A_845 : memref<512xf32, #tpu.memory_space<vmem_shared>>) target(%dma_start3A_844 : memref<512xf32, #tpu.memory_space<vmem>>) target_semaphore(%arg11 : memref<!tpu.dma_semaphore, #tpu.memory_space<semaphore_mem>>)
    %mul3A_846 = arith.constant 16384 : i32
    %mul3A_847 = arith.muli %arg1, %mul3A_846 : i32
    %add3A_848 = arith.constant 7680 : i32
    %add3A_849 = arith.addi %mul3A_847, %add3A_848 : i32
    %dma_start3A_850 = arith.constant 15 : i32
    %dma_start3A_851 = arith.constant 0 : i32
    %dma_start3A_852 = tpu.memref_slice %arg9[%dma_start3A_850, %dma_start3A_851] : memref<32x512xf32, #tpu.memory_space<vmem>> -> memref<1x512xf32, #tpu.memory_space<vmem>>
    %dma_start3A_853 = tpu.memref_squeeze %dma_start3A_852 : memref<1x512xf32, #tpu.memory_space<vmem>> -> memref<512xf32, #tpu.memory_space<vmem>>
    %dma_start3A_854 = tpu.memref_slice %arg10[%add3A_849] : memref<262144xf32, #tpu.memory_space<vmem_shared>> -> memref<512xf32, #tpu.memory_space<vmem_shared>>
    %dma_start3A_855 = arith.constant 0 : i32
    %dma_start3A_856 = tpu.memref_slice %arg9[%dma_start3A_850, %dma_start3A_855] : memref<32x512xf32, #tpu.memory_space<vmem>> -> memref<1x512xf32, #tpu.memory_space<vmem>>
    %dma_start3A_857 = tpu.memref_squeeze %dma_start3A_856 : memref<1x512xf32, #tpu.memory_space<vmem>> -> memref<512xf32, #tpu.memory_space<vmem>>
    %dma_start3A_858 = tpu.memref_slice %arg10[%add3A_849] : memref<262144xf32, #tpu.memory_space<vmem_shared>> -> memref<512xf32, #tpu.memory_space<vmem_shared>>
    tpu.enqueue_dma source(%dma_start3A_858 : memref<512xf32, #tpu.memory_space<vmem_shared>>) target(%dma_start3A_857 : memref<512xf32, #tpu.memory_space<vmem>>) target_semaphore(%arg11 : memref<!tpu.dma_semaphore, #tpu.memory_space<semaphore_mem>>)
    %mul3A_859 = arith.constant 16384 : i32
    %mul3A_860 = arith.muli %arg1, %mul3A_859 : i32
    %add3A_861 = arith.constant 8192 : i32
    %add3A_862 = arith.addi %mul3A_860, %add3A_861 : i32
    %dma_start3A_863 = arith.constant 16 : i32
    %dma_start3A_864 = arith.constant 0 : i32
    %dma_start3A_865 = tpu.memref_slice %arg9[%dma_start3A_863, %dma_start3A_864] : memref<32x512xf32, #tpu.memory_space<vmem>> -> memref<1x512xf32, #tpu.memory_space<vmem>>
    %dma_start3A_866 = tpu.memref_squeeze %dma_start3A_865 : memref<1x512xf32, #tpu.memory_space<vmem>> -> memref<512xf32, #tpu.memory_space<vmem>>
    %dma_start3A_867 = tpu.memref_slice %arg10[%add3A_862] : memref<262144xf32, #tpu.memory_space<vmem_shared>> -> memref<512xf32, #tpu.memory_space<vmem_shared>>
    %dma_start3A_868 = arith.constant 0 : i32
    %dma_start3A_869 = tpu.memref_slice %arg9[%dma_start3A_863, %dma_start3A_868] : memref<32x512xf32, #tpu.memory_space<vmem>> -> memref<1x512xf32, #tpu.memory_space<vmem>>
    %dma_start3A_870 = tpu.memref_squeeze %dma_start3A_869 : memref<1x512xf32, #tpu.memory_space<vmem>> -> memref<512xf32, #tpu.memory_space<vmem>>
    %dma_start3A_871 = tpu.memref_slice %arg10[%add3A_862] : memref<262144xf32, #tpu.memory_space<vmem_shared>> -> memref<512xf32, #tpu.memory_space<vmem_shared>>
    tpu.enqueue_dma source(%dma_start3A_871 : memref<512xf32, #tpu.memory_space<vmem_shared>>) target(%dma_start3A_870 : memref<512xf32, #tpu.memory_space<vmem>>) target_semaphore(%arg11 : memref<!tpu.dma_semaphore, #tpu.memory_space<semaphore_mem>>)
    %mul3A_872 = arith.constant 16384 : i32
    %mul3A_873 = arith.muli %arg1, %mul3A_872 : i32
    %add3A_874 = arith.constant 8704 : i32
    %add3A_875 = arith.addi %mul3A_873, %add3A_874 : i32
    %dma_start3A_876 = arith.constant 17 : i32
    %dma_start3A_877 = arith.constant 0 : i32
    %dma_start3A_878 = tpu.memref_slice %arg9[%dma_start3A_876, %dma_start3A_877] : memref<32x512xf32, #tpu.memory_space<vmem>> -> memref<1x512xf32, #tpu.memory_space<vmem>>
    %dma_start3A_879 = tpu.memref_squeeze %dma_start3A_878 : memref<1x512xf32, #tpu.memory_space<vmem>> -> memref<512xf32, #tpu.memory_space<vmem>>
    %dma_start3A_880 = tpu.memref_slice %arg10[%add3A_875] : memref<262144xf32, #tpu.memory_space<vmem_shared>> -> memref<512xf32, #tpu.memory_space<vmem_shared>>
    %dma_start3A_881 = arith.constant 0 : i32
    %dma_start3A_882 = tpu.memref_slice %arg9[%dma_start3A_876, %dma_start3A_881] : memref<32x512xf32, #tpu.memory_space<vmem>> -> memref<1x512xf32, #tpu.memory_space<vmem>>
    %dma_start3A_883 = tpu.memref_squeeze %dma_start3A_882 : memref<1x512xf32, #tpu.memory_space<vmem>> -> memref<512xf32, #tpu.memory_space<vmem>>
    %dma_start3A_884 = tpu.memref_slice %arg10[%add3A_875] : memref<262144xf32, #tpu.memory_space<vmem_shared>> -> memref<512xf32, #tpu.memory_space<vmem_shared>>
    tpu.enqueue_dma source(%dma_start3A_884 : memref<512xf32, #tpu.memory_space<vmem_shared>>) target(%dma_start3A_883 : memref<512xf32, #tpu.memory_space<vmem>>) target_semaphore(%arg11 : memref<!tpu.dma_semaphore, #tpu.memory_space<semaphore_mem>>)
    %mul3A_885 = arith.constant 16384 : i32
    %mul3A_886 = arith.muli %arg1, %mul3A_885 : i32
    %add3A_887 = arith.constant 9216 : i32
    %add3A_888 = arith.addi %mul3A_886, %add3A_887 : i32
    %dma_start3A_889 = arith.constant 18 : i32
    %dma_start3A_890 = arith.constant 0 : i32
    %dma_start3A_891 = tpu.memref_slice %arg9[%dma_start3A_889, %dma_start3A_890] : memref<32x512xf32, #tpu.memory_space<vmem>> -> memref<1x512xf32, #tpu.memory_space<vmem>>
    %dma_start3A_892 = tpu.memref_squeeze %dma_start3A_891 : memref<1x512xf32, #tpu.memory_space<vmem>> -> memref<512xf32, #tpu.memory_space<vmem>>
    %dma_start3A_893 = tpu.memref_slice %arg10[%add3A_888] : memref<262144xf32, #tpu.memory_space<vmem_shared>> -> memref<512xf32, #tpu.memory_space<vmem_shared>>
    %dma_start3A_894 = arith.constant 0 : i32
    %dma_start3A_895 = tpu.memref_slice %arg9[%dma_start3A_889, %dma_start3A_894] : memref<32x512xf32, #tpu.memory_space<vmem>> -> memref<1x512xf32, #tpu.memory_space<vmem>>
    %dma_start3A_896 = tpu.memref_squeeze %dma_start3A_895 : memref<1x512xf32, #tpu.memory_space<vmem>> -> memref<512xf32, #tpu.memory_space<vmem>>
    %dma_start3A_897 = tpu.memref_slice %arg10[%add3A_888] : memref<262144xf32, #tpu.memory_space<vmem_shared>> -> memref<512xf32, #tpu.memory_space<vmem_shared>>
    tpu.enqueue_dma source(%dma_start3A_897 : memref<512xf32, #tpu.memory_space<vmem_shared>>) target(%dma_start3A_896 : memref<512xf32, #tpu.memory_space<vmem>>) target_semaphore(%arg11 : memref<!tpu.dma_semaphore, #tpu.memory_space<semaphore_mem>>)
    %mul3A_898 = arith.constant 16384 : i32
    %mul3A_899 = arith.muli %arg1, %mul3A_898 : i32
    %add3A_900 = arith.constant 9728 : i32
    %add3A_901 = arith.addi %mul3A_899, %add3A_900 : i32
    %dma_start3A_902 = arith.constant 19 : i32
    %dma_start3A_903 = arith.constant 0 : i32
    %dma_start3A_904 = tpu.memref_slice %arg9[%dma_start3A_902, %dma_start3A_903] : memref<32x512xf32, #tpu.memory_space<vmem>> -> memref<1x512xf32, #tpu.memory_space<vmem>>
    %dma_start3A_905 = tpu.memref_squeeze %dma_start3A_904 : memref<1x512xf32, #tpu.memory_space<vmem>> -> memref<512xf32, #tpu.memory_space<vmem>>
    %dma_start3A_906 = tpu.memref_slice %arg10[%add3A_901] : memref<262144xf32, #tpu.memory_space<vmem_shared>> -> memref<512xf32, #tpu.memory_space<vmem_shared>>
    %dma_start3A_907 = arith.constant 0 : i32
    %dma_start3A_908 = tpu.memref_slice %arg9[%dma_start3A_902, %dma_start3A_907] : memref<32x512xf32, #tpu.memory_space<vmem>> -> memref<1x512xf32, #tpu.memory_space<vmem>>
    %dma_start3A_909 = tpu.memref_squeeze %dma_start3A_908 : memref<1x512xf32, #tpu.memory_space<vmem>> -> memref<512xf32, #tpu.memory_space<vmem>>
    %dma_start3A_910 = tpu.memref_slice %arg10[%add3A_901] : memref<262144xf32, #tpu.memory_space<vmem_shared>> -> memref<512xf32, #tpu.memory_space<vmem_shared>>
    tpu.enqueue_dma source(%dma_start3A_910 : memref<512xf32, #tpu.memory_space<vmem_shared>>) target(%dma_start3A_909 : memref<512xf32, #tpu.memory_space<vmem>>) target_semaphore(%arg11 : memref<!tpu.dma_semaphore, #tpu.memory_space<semaphore_mem>>)
    %mul3A_911 = arith.constant 16384 : i32
    %mul3A_912 = arith.muli %arg1, %mul3A_911 : i32
    %add3A_913 = arith.constant 10240 : i32
    %add3A_914 = arith.addi %mul3A_912, %add3A_913 : i32
    %dma_start3A_915 = arith.constant 20 : i32
    %dma_start3A_916 = arith.constant 0 : i32
    %dma_start3A_917 = tpu.memref_slice %arg9[%dma_start3A_915, %dma_start3A_916] : memref<32x512xf32, #tpu.memory_space<vmem>> -> memref<1x512xf32, #tpu.memory_space<vmem>>
    %dma_start3A_918 = tpu.memref_squeeze %dma_start3A_917 : memref<1x512xf32, #tpu.memory_space<vmem>> -> memref<512xf32, #tpu.memory_space<vmem>>
    %dma_start3A_919 = tpu.memref_slice %arg10[%add3A_914] : memref<262144xf32, #tpu.memory_space<vmem_shared>> -> memref<512xf32, #tpu.memory_space<vmem_shared>>
    %dma_start3A_920 = arith.constant 0 : i32
    %dma_start3A_921 = tpu.memref_slice %arg9[%dma_start3A_915, %dma_start3A_920] : memref<32x512xf32, #tpu.memory_space<vmem>> -> memref<1x512xf32, #tpu.memory_space<vmem>>
    %dma_start3A_922 = tpu.memref_squeeze %dma_start3A_921 : memref<1x512xf32, #tpu.memory_space<vmem>> -> memref<512xf32, #tpu.memory_space<vmem>>
    %dma_start3A_923 = tpu.memref_slice %arg10[%add3A_914] : memref<262144xf32, #tpu.memory_space<vmem_shared>> -> memref<512xf32, #tpu.memory_space<vmem_shared>>
    tpu.enqueue_dma source(%dma_start3A_923 : memref<512xf32, #tpu.memory_space<vmem_shared>>) target(%dma_start3A_922 : memref<512xf32, #tpu.memory_space<vmem>>) target_semaphore(%arg11 : memref<!tpu.dma_semaphore, #tpu.memory_space<semaphore_mem>>)
    %mul3A_924 = arith.constant 16384 : i32
    %mul3A_925 = arith.muli %arg1, %mul3A_924 : i32
    %add3A_926 = arith.constant 10752 : i32
    %add3A_927 = arith.addi %mul3A_925, %add3A_926 : i32
    %dma_start3A_928 = arith.constant 21 : i32
    %dma_start3A_929 = arith.constant 0 : i32
    %dma_start3A_930 = tpu.memref_slice %arg9[%dma_start3A_928, %dma_start3A_929] : memref<32x512xf32, #tpu.memory_space<vmem>> -> memref<1x512xf32, #tpu.memory_space<vmem>>
    %dma_start3A_931 = tpu.memref_squeeze %dma_start3A_930 : memref<1x512xf32, #tpu.memory_space<vmem>> -> memref<512xf32, #tpu.memory_space<vmem>>
    %dma_start3A_932 = tpu.memref_slice %arg10[%add3A_927] : memref<262144xf32, #tpu.memory_space<vmem_shared>> -> memref<512xf32, #tpu.memory_space<vmem_shared>>
    %dma_start3A_933 = arith.constant 0 : i32
    %dma_start3A_934 = tpu.memref_slice %arg9[%dma_start3A_928, %dma_start3A_933] : memref<32x512xf32, #tpu.memory_space<vmem>> -> memref<1x512xf32, #tpu.memory_space<vmem>>
    %dma_start3A_935 = tpu.memref_squeeze %dma_start3A_934 : memref<1x512xf32, #tpu.memory_space<vmem>> -> memref<512xf32, #tpu.memory_space<vmem>>
    %dma_start3A_936 = tpu.memref_slice %arg10[%add3A_927] : memref<262144xf32, #tpu.memory_space<vmem_shared>> -> memref<512xf32, #tpu.memory_space<vmem_shared>>
    tpu.enqueue_dma source(%dma_start3A_936 : memref<512xf32, #tpu.memory_space<vmem_shared>>) target(%dma_start3A_935 : memref<512xf32, #tpu.memory_space<vmem>>) target_semaphore(%arg11 : memref<!tpu.dma_semaphore, #tpu.memory_space<semaphore_mem>>)
    %mul3A_937 = arith.constant 16384 : i32
    %mul3A_938 = arith.muli %arg1, %mul3A_937 : i32
    %add3A_939 = arith.constant 11264 : i32
    %add3A_940 = arith.addi %mul3A_938, %add3A_939 : i32
    %dma_start3A_941 = arith.constant 22 : i32
    %dma_start3A_942 = arith.constant 0 : i32
    %dma_start3A_943 = tpu.memref_slice %arg9[%dma_start3A_941, %dma_start3A_942] : memref<32x512xf32, #tpu.memory_space<vmem>> -> memref<1x512xf32, #tpu.memory_space<vmem>>
    %dma_start3A_944 = tpu.memref_squeeze %dma_start3A_943 : memref<1x512xf32, #tpu.memory_space<vmem>> -> memref<512xf32, #tpu.memory_space<vmem>>
    %dma_start3A_945 = tpu.memref_slice %arg10[%add3A_940] : memref<262144xf32, #tpu.memory_space<vmem_shared>> -> memref<512xf32, #tpu.memory_space<vmem_shared>>
    %dma_start3A_946 = arith.constant 0 : i32
    %dma_start3A_947 = tpu.memref_slice %arg9[%dma_start3A_941, %dma_start3A_946] : memref<32x512xf32, #tpu.memory_space<vmem>> -> memref<1x512xf32, #tpu.memory_space<vmem>>
    %dma_start3A_948 = tpu.memref_squeeze %dma_start3A_947 : memref<1x512xf32, #tpu.memory_space<vmem>> -> memref<512xf32, #tpu.memory_space<vmem>>
    %dma_start3A_949 = tpu.memref_slice %arg10[%add3A_940] : memref<262144xf32, #tpu.memory_space<vmem_shared>> -> memref<512xf32, #tpu.memory_space<vmem_shared>>
    tpu.enqueue_dma source(%dma_start3A_949 : memref<512xf32, #tpu.memory_space<vmem_shared>>) target(%dma_start3A_948 : memref<512xf32, #tpu.memory_space<vmem>>) target_semaphore(%arg11 : memref<!tpu.dma_semaphore, #tpu.memory_space<semaphore_mem>>)
    %mul3A_950 = arith.constant 16384 : i32
    %mul3A_951 = arith.muli %arg1, %mul3A_950 : i32
    %add3A_952 = arith.constant 11776 : i32
    %add3A_953 = arith.addi %mul3A_951, %add3A_952 : i32
    %dma_start3A_954 = arith.constant 23 : i32
    %dma_start3A_955 = arith.constant 0 : i32
    %dma_start3A_956 = tpu.memref_slice %arg9[%dma_start3A_954, %dma_start3A_955] : memref<32x512xf32, #tpu.memory_space<vmem>> -> memref<1x512xf32, #tpu.memory_space<vmem>>
    %dma_start3A_957 = tpu.memref_squeeze %dma_start3A_956 : memref<1x512xf32, #tpu.memory_space<vmem>> -> memref<512xf32, #tpu.memory_space<vmem>>
    %dma_start3A_958 = tpu.memref_slice %arg10[%add3A_953] : memref<262144xf32, #tpu.memory_space<vmem_shared>> -> memref<512xf32, #tpu.memory_space<vmem_shared>>
    %dma_start3A_959 = arith.constant 0 : i32
    %dma_start3A_960 = tpu.memref_slice %arg9[%dma_start3A_954, %dma_start3A_959] : memref<32x512xf32, #tpu.memory_space<vmem>> -> memref<1x512xf32, #tpu.memory_space<vmem>>
    %dma_start3A_961 = tpu.memref_squeeze %dma_start3A_960 : memref<1x512xf32, #tpu.memory_space<vmem>> -> memref<512xf32, #tpu.memory_space<vmem>>
    %dma_start3A_962 = tpu.memref_slice %arg10[%add3A_953] : memref<262144xf32, #tpu.memory_space<vmem_shared>> -> memref<512xf32, #tpu.memory_space<vmem_shared>>
    tpu.enqueue_dma source(%dma_start3A_962 : memref<512xf32, #tpu.memory_space<vmem_shared>>) target(%dma_start3A_961 : memref<512xf32, #tpu.memory_space<vmem>>) target_semaphore(%arg11 : memref<!tpu.dma_semaphore, #tpu.memory_space<semaphore_mem>>)
    %mul3A_963 = arith.constant 16384 : i32
    %mul3A_964 = arith.muli %arg1, %mul3A_963 : i32
    %add3A_965 = arith.constant 12288 : i32
    %add3A_966 = arith.addi %mul3A_964, %add3A_965 : i32
    %dma_start3A_967 = arith.constant 24 : i32
    %dma_start3A_968 = arith.constant 0 : i32
    %dma_start3A_969 = tpu.memref_slice %arg9[%dma_start3A_967, %dma_start3A_968] : memref<32x512xf32, #tpu.memory_space<vmem>> -> memref<1x512xf32, #tpu.memory_space<vmem>>
    %dma_start3A_970 = tpu.memref_squeeze %dma_start3A_969 : memref<1x512xf32, #tpu.memory_space<vmem>> -> memref<512xf32, #tpu.memory_space<vmem>>
    %dma_start3A_971 = tpu.memref_slice %arg10[%add3A_966] : memref<262144xf32, #tpu.memory_space<vmem_shared>> -> memref<512xf32, #tpu.memory_space<vmem_shared>>
    %dma_start3A_972 = arith.constant 0 : i32
    %dma_start3A_973 = tpu.memref_slice %arg9[%dma_start3A_967, %dma_start3A_972] : memref<32x512xf32, #tpu.memory_space<vmem>> -> memref<1x512xf32, #tpu.memory_space<vmem>>
    %dma_start3A_974 = tpu.memref_squeeze %dma_start3A_973 : memref<1x512xf32, #tpu.memory_space<vmem>> -> memref<512xf32, #tpu.memory_space<vmem>>
    %dma_start3A_975 = tpu.memref_slice %arg10[%add3A_966] : memref<262144xf32, #tpu.memory_space<vmem_shared>> -> memref<512xf32, #tpu.memory_space<vmem_shared>>
    tpu.enqueue_dma source(%dma_start3A_975 : memref<512xf32, #tpu.memory_space<vmem_shared>>) target(%dma_start3A_974 : memref<512xf32, #tpu.memory_space<vmem>>) target_semaphore(%arg11 : memref<!tpu.dma_semaphore, #tpu.memory_space<semaphore_mem>>)
    %mul3A_976 = arith.constant 16384 : i32
    %mul3A_977 = arith.muli %arg1, %mul3A_976 : i32
    %add3A_978 = arith.constant 12800 : i32
    %add3A_979 = arith.addi %mul3A_977, %add3A_978 : i32
    %dma_start3A_980 = arith.constant 25 : i32
    %dma_start3A_981 = arith.constant 0 : i32
    %dma_start3A_982 = tpu.memref_slice %arg9[%dma_start3A_980, %dma_start3A_981] : memref<32x512xf32, #tpu.memory_space<vmem>> -> memref<1x512xf32, #tpu.memory_space<vmem>>
    %dma_start3A_983 = tpu.memref_squeeze %dma_start3A_982 : memref<1x512xf32, #tpu.memory_space<vmem>> -> memref<512xf32, #tpu.memory_space<vmem>>
    %dma_start3A_984 = tpu.memref_slice %arg10[%add3A_979] : memref<262144xf32, #tpu.memory_space<vmem_shared>> -> memref<512xf32, #tpu.memory_space<vmem_shared>>
    %dma_start3A_985 = arith.constant 0 : i32
    %dma_start3A_986 = tpu.memref_slice %arg9[%dma_start3A_980, %dma_start3A_985] : memref<32x512xf32, #tpu.memory_space<vmem>> -> memref<1x512xf32, #tpu.memory_space<vmem>>
    %dma_start3A_987 = tpu.memref_squeeze %dma_start3A_986 : memref<1x512xf32, #tpu.memory_space<vmem>> -> memref<512xf32, #tpu.memory_space<vmem>>
    %dma_start3A_988 = tpu.memref_slice %arg10[%add3A_979] : memref<262144xf32, #tpu.memory_space<vmem_shared>> -> memref<512xf32, #tpu.memory_space<vmem_shared>>
    tpu.enqueue_dma source(%dma_start3A_988 : memref<512xf32, #tpu.memory_space<vmem_shared>>) target(%dma_start3A_987 : memref<512xf32, #tpu.memory_space<vmem>>) target_semaphore(%arg11 : memref<!tpu.dma_semaphore, #tpu.memory_space<semaphore_mem>>)
    %mul3A_989 = arith.constant 16384 : i32
    %mul3A_990 = arith.muli %arg1, %mul3A_989 : i32
    %add3A_991 = arith.constant 13312 : i32
    %add3A_992 = arith.addi %mul3A_990, %add3A_991 : i32
    %dma_start3A_993 = arith.constant 26 : i32
    %dma_start3A_994 = arith.constant 0 : i32
    %dma_start3A_995 = tpu.memref_slice %arg9[%dma_start3A_993, %dma_start3A_994] : memref<32x512xf32, #tpu.memory_space<vmem>> -> memref<1x512xf32, #tpu.memory_space<vmem>>
    %dma_start3A_996 = tpu.memref_squeeze %dma_start3A_995 : memref<1x512xf32, #tpu.memory_space<vmem>> -> memref<512xf32, #tpu.memory_space<vmem>>
    %dma_start3A_997 = tpu.memref_slice %arg10[%add3A_992] : memref<262144xf32, #tpu.memory_space<vmem_shared>> -> memref<512xf32, #tpu.memory_space<vmem_shared>>
    %dma_start3A_998 = arith.constant 0 : i32
    %dma_start3A_999 = tpu.memref_slice %arg9[%dma_start3A_993, %dma_start3A_998] : memref<32x512xf32, #tpu.memory_space<vmem>> -> memref<1x512xf32, #tpu.memory_space<vmem>>
    %dma_start3A_1000 = tpu.memref_squeeze %dma_start3A_999 : memref<1x512xf32, #tpu.memory_space<vmem>> -> memref<512xf32, #tpu.memory_space<vmem>>
    %dma_start3A_1001 = tpu.memref_slice %arg10[%add3A_992] : memref<262144xf32, #tpu.memory_space<vmem_shared>> -> memref<512xf32, #tpu.memory_space<vmem_shared>>
    tpu.enqueue_dma source(%dma_start3A_1001 : memref<512xf32, #tpu.memory_space<vmem_shared>>) target(%dma_start3A_1000 : memref<512xf32, #tpu.memory_space<vmem>>) target_semaphore(%arg11 : memref<!tpu.dma_semaphore, #tpu.memory_space<semaphore_mem>>)
    %mul3A_1002 = arith.constant 16384 : i32
    %mul3A_1003 = arith.muli %arg1, %mul3A_1002 : i32
    %add3A_1004 = arith.constant 13824 : i32
    %add3A_1005 = arith.addi %mul3A_1003, %add3A_1004 : i32
    %dma_start3A_1006 = arith.constant 27 : i32
    %dma_start3A_1007 = arith.constant 0 : i32
    %dma_start3A_1008 = tpu.memref_slice %arg9[%dma_start3A_1006, %dma_start3A_1007] : memref<32x512xf32, #tpu.memory_space<vmem>> -> memref<1x512xf32, #tpu.memory_space<vmem>>
    %dma_start3A_1009 = tpu.memref_squeeze %dma_start3A_1008 : memref<1x512xf32, #tpu.memory_space<vmem>> -> memref<512xf32, #tpu.memory_space<vmem>>
    %dma_start3A_1010 = tpu.memref_slice %arg10[%add3A_1005] : memref<262144xf32, #tpu.memory_space<vmem_shared>> -> memref<512xf32, #tpu.memory_space<vmem_shared>>
    %dma_start3A_1011 = arith.constant 0 : i32
    %dma_start3A_1012 = tpu.memref_slice %arg9[%dma_start3A_1006, %dma_start3A_1011] : memref<32x512xf32, #tpu.memory_space<vmem>> -> memref<1x512xf32, #tpu.memory_space<vmem>>
    %dma_start3A_1013 = tpu.memref_squeeze %dma_start3A_1012 : memref<1x512xf32, #tpu.memory_space<vmem>> -> memref<512xf32, #tpu.memory_space<vmem>>
    %dma_start3A_1014 = tpu.memref_slice %arg10[%add3A_1005] : memref<262144xf32, #tpu.memory_space<vmem_shared>> -> memref<512xf32, #tpu.memory_space<vmem_shared>>
    tpu.enqueue_dma source(%dma_start3A_1014 : memref<512xf32, #tpu.memory_space<vmem_shared>>) target(%dma_start3A_1013 : memref<512xf32, #tpu.memory_space<vmem>>) target_semaphore(%arg11 : memref<!tpu.dma_semaphore, #tpu.memory_space<semaphore_mem>>)
    %mul3A_1015 = arith.constant 16384 : i32
    %mul3A_1016 = arith.muli %arg1, %mul3A_1015 : i32
    %add3A_1017 = arith.constant 14336 : i32
    %add3A_1018 = arith.addi %mul3A_1016, %add3A_1017 : i32
    %dma_start3A_1019 = arith.constant 28 : i32
    %dma_start3A_1020 = arith.constant 0 : i32
    %dma_start3A_1021 = tpu.memref_slice %arg9[%dma_start3A_1019, %dma_start3A_1020] : memref<32x512xf32, #tpu.memory_space<vmem>> -> memref<1x512xf32, #tpu.memory_space<vmem>>
    %dma_start3A_1022 = tpu.memref_squeeze %dma_start3A_1021 : memref<1x512xf32, #tpu.memory_space<vmem>> -> memref<512xf32, #tpu.memory_space<vmem>>
    %dma_start3A_1023 = tpu.memref_slice %arg10[%add3A_1018] : memref<262144xf32, #tpu.memory_space<vmem_shared>> -> memref<512xf32, #tpu.memory_space<vmem_shared>>
    %dma_start3A_1024 = arith.constant 0 : i32
    %dma_start3A_1025 = tpu.memref_slice %arg9[%dma_start3A_1019, %dma_start3A_1024] : memref<32x512xf32, #tpu.memory_space<vmem>> -> memref<1x512xf32, #tpu.memory_space<vmem>>
    %dma_start3A_1026 = tpu.memref_squeeze %dma_start3A_1025 : memref<1x512xf32, #tpu.memory_space<vmem>> -> memref<512xf32, #tpu.memory_space<vmem>>
    %dma_start3A_1027 = tpu.memref_slice %arg10[%add3A_1018] : memref<262144xf32, #tpu.memory_space<vmem_shared>> -> memref<512xf32, #tpu.memory_space<vmem_shared>>
    tpu.enqueue_dma source(%dma_start3A_1027 : memref<512xf32, #tpu.memory_space<vmem_shared>>) target(%dma_start3A_1026 : memref<512xf32, #tpu.memory_space<vmem>>) target_semaphore(%arg11 : memref<!tpu.dma_semaphore, #tpu.memory_space<semaphore_mem>>)
    %mul3A_1028 = arith.constant 16384 : i32
    %mul3A_1029 = arith.muli %arg1, %mul3A_1028 : i32
    %add3A_1030 = arith.constant 14848 : i32
    %add3A_1031 = arith.addi %mul3A_1029, %add3A_1030 : i32
    %dma_start3A_1032 = arith.constant 29 : i32
    %dma_start3A_1033 = arith.constant 0 : i32
    %dma_start3A_1034 = tpu.memref_slice %arg9[%dma_start3A_1032, %dma_start3A_1033] : memref<32x512xf32, #tpu.memory_space<vmem>> -> memref<1x512xf32, #tpu.memory_space<vmem>>
    %dma_start3A_1035 = tpu.memref_squeeze %dma_start3A_1034 : memref<1x512xf32, #tpu.memory_space<vmem>> -> memref<512xf32, #tpu.memory_space<vmem>>
    %dma_start3A_1036 = tpu.memref_slice %arg10[%add3A_1031] : memref<262144xf32, #tpu.memory_space<vmem_shared>> -> memref<512xf32, #tpu.memory_space<vmem_shared>>
    %dma_start3A_1037 = arith.constant 0 : i32
    %dma_start3A_1038 = tpu.memref_slice %arg9[%dma_start3A_1032, %dma_start3A_1037] : memref<32x512xf32, #tpu.memory_space<vmem>> -> memref<1x512xf32, #tpu.memory_space<vmem>>
    %dma_start3A_1039 = tpu.memref_squeeze %dma_start3A_1038 : memref<1x512xf32, #tpu.memory_space<vmem>> -> memref<512xf32, #tpu.memory_space<vmem>>
    %dma_start3A_1040 = tpu.memref_slice %arg10[%add3A_1031] : memref<262144xf32, #tpu.memory_space<vmem_shared>> -> memref<512xf32, #tpu.memory_space<vmem_shared>>
    tpu.enqueue_dma source(%dma_start3A_1040 : memref<512xf32, #tpu.memory_space<vmem_shared>>) target(%dma_start3A_1039 : memref<512xf32, #tpu.memory_space<vmem>>) target_semaphore(%arg11 : memref<!tpu.dma_semaphore, #tpu.memory_space<semaphore_mem>>)
    %mul3A_1041 = arith.constant 16384 : i32
    %mul3A_1042 = arith.muli %arg1, %mul3A_1041 : i32
    %add3A_1043 = arith.constant 15360 : i32
    %add3A_1044 = arith.addi %mul3A_1042, %add3A_1043 : i32
    %dma_start3A_1045 = arith.constant 30 : i32
    %dma_start3A_1046 = arith.constant 0 : i32
    %dma_start3A_1047 = tpu.memref_slice %arg9[%dma_start3A_1045, %dma_start3A_1046] : memref<32x512xf32, #tpu.memory_space<vmem>> -> memref<1x512xf32, #tpu.memory_space<vmem>>
    %dma_start3A_1048 = tpu.memref_squeeze %dma_start3A_1047 : memref<1x512xf32, #tpu.memory_space<vmem>> -> memref<512xf32, #tpu.memory_space<vmem>>
    %dma_start3A_1049 = tpu.memref_slice %arg10[%add3A_1044] : memref<262144xf32, #tpu.memory_space<vmem_shared>> -> memref<512xf32, #tpu.memory_space<vmem_shared>>
    %dma_start3A_1050 = arith.constant 0 : i32
    %dma_start3A_1051 = tpu.memref_slice %arg9[%dma_start3A_1045, %dma_start3A_1050] : memref<32x512xf32, #tpu.memory_space<vmem>> -> memref<1x512xf32, #tpu.memory_space<vmem>>
    %dma_start3A_1052 = tpu.memref_squeeze %dma_start3A_1051 : memref<1x512xf32, #tpu.memory_space<vmem>> -> memref<512xf32, #tpu.memory_space<vmem>>
    %dma_start3A_1053 = tpu.memref_slice %arg10[%add3A_1044] : memref<262144xf32, #tpu.memory_space<vmem_shared>> -> memref<512xf32, #tpu.memory_space<vmem_shared>>
    tpu.enqueue_dma source(%dma_start3A_1053 : memref<512xf32, #tpu.memory_space<vmem_shared>>) target(%dma_start3A_1052 : memref<512xf32, #tpu.memory_space<vmem>>) target_semaphore(%arg11 : memref<!tpu.dma_semaphore, #tpu.memory_space<semaphore_mem>>)
    %mul3A_1054 = arith.constant 16384 : i32
    %mul3A_1055 = arith.muli %arg1, %mul3A_1054 : i32
    %add3A_1056 = arith.constant 15872 : i32
    %add3A_1057 = arith.addi %mul3A_1055, %add3A_1056 : i32
    %dma_start3A_1058 = arith.constant 31 : i32
    %dma_start3A_1059 = arith.constant 0 : i32
    %dma_start3A_1060 = tpu.memref_slice %arg9[%dma_start3A_1058, %dma_start3A_1059] : memref<32x512xf32, #tpu.memory_space<vmem>> -> memref<1x512xf32, #tpu.memory_space<vmem>>
    %dma_start3A_1061 = tpu.memref_squeeze %dma_start3A_1060 : memref<1x512xf32, #tpu.memory_space<vmem>> -> memref<512xf32, #tpu.memory_space<vmem>>
    %dma_start3A_1062 = tpu.memref_slice %arg10[%add3A_1057] : memref<262144xf32, #tpu.memory_space<vmem_shared>> -> memref<512xf32, #tpu.memory_space<vmem_shared>>
    %dma_start3A_1063 = arith.constant 0 : i32
    %dma_start3A_1064 = tpu.memref_slice %arg9[%dma_start3A_1058, %dma_start3A_1063] : memref<32x512xf32, #tpu.memory_space<vmem>> -> memref<1x512xf32, #tpu.memory_space<vmem>>
    %dma_start3A_1065 = tpu.memref_squeeze %dma_start3A_1064 : memref<1x512xf32, #tpu.memory_space<vmem>> -> memref<512xf32, #tpu.memory_space<vmem>>
    %dma_start3A_1066 = tpu.memref_slice %arg10[%add3A_1057] : memref<262144xf32, #tpu.memory_space<vmem_shared>> -> memref<512xf32, #tpu.memory_space<vmem_shared>>
    tpu.enqueue_dma source(%dma_start3A_1066 : memref<512xf32, #tpu.memory_space<vmem_shared>>) target(%dma_start3A_1065 : memref<512xf32, #tpu.memory_space<vmem>>) target_semaphore(%arg11 : memref<!tpu.dma_semaphore, #tpu.memory_space<semaphore_mem>>)
    %dma_wait3A_1067 = arith.constant 0 : i32
    %dma_wait3A_1068 = arith.constant 0 : i32
    %dma_wait3A_1069 = tpu.memref_slice %arg9[%dma_wait3A_1067, %dma_wait3A_1068] : memref<32x512xf32, #tpu.memory_space<vmem>> -> memref<1x512xf32, #tpu.memory_space<vmem>>
    %dma_wait3A_1070 = tpu.memref_squeeze %dma_wait3A_1069 : memref<1x512xf32, #tpu.memory_space<vmem>> -> memref<512xf32, #tpu.memory_space<vmem>>
    %dma_wait3A_1071 = tpu.memref_slice %arg10[%add3A_654] : memref<262144xf32, #tpu.memory_space<vmem_shared>> -> memref<512xf32, #tpu.memory_space<vmem_shared>>
    %dma_wait3A_1072 = arith.constant 0 : i32
    %dma_wait3A_1073 = tpu.memref_slice %arg9[%dma_wait3A_1067, %dma_wait3A_1072] : memref<32x512xf32, #tpu.memory_space<vmem>> -> memref<1x512xf32, #tpu.memory_space<vmem>>
    %dma_wait3A_1074 = tpu.memref_squeeze %dma_wait3A_1073 : memref<1x512xf32, #tpu.memory_space<vmem>> -> memref<512xf32, #tpu.memory_space<vmem>>
    %dma_wait3A_1075 = tpu.memref_slice %arg10[%add3A_654] : memref<262144xf32, #tpu.memory_space<vmem_shared>> -> memref<512xf32, #tpu.memory_space<vmem_shared>>
    tpu.wait_dma2 semaphore(%arg11 : memref<!tpu.dma_semaphore, #tpu.memory_space<semaphore_mem>>) src(%dma_wait3A_1075 : memref<512xf32, #tpu.memory_space<vmem_shared>>) dst(%dma_wait3A_1074 : memref<512xf32, #tpu.memory_space<vmem>>)
    %dma_wait3A_1076 = arith.constant 1 : i32
    %dma_wait3A_1077 = arith.constant 0 : i32
    %dma_wait3A_1078 = tpu.memref_slice %arg9[%dma_wait3A_1076, %dma_wait3A_1077] : memref<32x512xf32, #tpu.memory_space<vmem>> -> memref<1x512xf32, #tpu.memory_space<vmem>>
    %dma_wait3A_1079 = tpu.memref_squeeze %dma_wait3A_1078 : memref<1x512xf32, #tpu.memory_space<vmem>> -> memref<512xf32, #tpu.memory_space<vmem>>
    %dma_wait3A_1080 = tpu.memref_slice %arg10[%add3A_667] : memref<262144xf32, #tpu.memory_space<vmem_shared>> -> memref<512xf32, #tpu.memory_space<vmem_shared>>
    %dma_wait3A_1081 = arith.constant 0 : i32
    %dma_wait3A_1082 = tpu.memref_slice %arg9[%dma_wait3A_1076, %dma_wait3A_1081] : memref<32x512xf32, #tpu.memory_space<vmem>> -> memref<1x512xf32, #tpu.memory_space<vmem>>
    %dma_wait3A_1083 = tpu.memref_squeeze %dma_wait3A_1082 : memref<1x512xf32, #tpu.memory_space<vmem>> -> memref<512xf32, #tpu.memory_space<vmem>>
    %dma_wait3A_1084 = tpu.memref_slice %arg10[%add3A_667] : memref<262144xf32, #tpu.memory_space<vmem_shared>> -> memref<512xf32, #tpu.memory_space<vmem_shared>>
    tpu.wait_dma2 semaphore(%arg11 : memref<!tpu.dma_semaphore, #tpu.memory_space<semaphore_mem>>) src(%dma_wait3A_1084 : memref<512xf32, #tpu.memory_space<vmem_shared>>) dst(%dma_wait3A_1083 : memref<512xf32, #tpu.memory_space<vmem>>)
    %dma_wait3A_1085 = arith.constant 2 : i32
    %dma_wait3A_1086 = arith.constant 0 : i32
    %dma_wait3A_1087 = tpu.memref_slice %arg9[%dma_wait3A_1085, %dma_wait3A_1086] : memref<32x512xf32, #tpu.memory_space<vmem>> -> memref<1x512xf32, #tpu.memory_space<vmem>>
    %dma_wait3A_1088 = tpu.memref_squeeze %dma_wait3A_1087 : memref<1x512xf32, #tpu.memory_space<vmem>> -> memref<512xf32, #tpu.memory_space<vmem>>
    %dma_wait3A_1089 = tpu.memref_slice %arg10[%add3A_680] : memref<262144xf32, #tpu.memory_space<vmem_shared>> -> memref<512xf32, #tpu.memory_space<vmem_shared>>
    %dma_wait3A_1090 = arith.constant 0 : i32
    %dma_wait3A_1091 = tpu.memref_slice %arg9[%dma_wait3A_1085, %dma_wait3A_1090] : memref<32x512xf32, #tpu.memory_space<vmem>> -> memref<1x512xf32, #tpu.memory_space<vmem>>
    %dma_wait3A_1092 = tpu.memref_squeeze %dma_wait3A_1091 : memref<1x512xf32, #tpu.memory_space<vmem>> -> memref<512xf32, #tpu.memory_space<vmem>>
    %dma_wait3A_1093 = tpu.memref_slice %arg10[%add3A_680] : memref<262144xf32, #tpu.memory_space<vmem_shared>> -> memref<512xf32, #tpu.memory_space<vmem_shared>>
    tpu.wait_dma2 semaphore(%arg11 : memref<!tpu.dma_semaphore, #tpu.memory_space<semaphore_mem>>) src(%dma_wait3A_1093 : memref<512xf32, #tpu.memory_space<vmem_shared>>) dst(%dma_wait3A_1092 : memref<512xf32, #tpu.memory_space<vmem>>)
    %dma_wait3A_1094 = arith.constant 3 : i32
    %dma_wait3A_1095 = arith.constant 0 : i32
    %dma_wait3A_1096 = tpu.memref_slice %arg9[%dma_wait3A_1094, %dma_wait3A_1095] : memref<32x512xf32, #tpu.memory_space<vmem>> -> memref<1x512xf32, #tpu.memory_space<vmem>>
    %dma_wait3A_1097 = tpu.memref_squeeze %dma_wait3A_1096 : memref<1x512xf32, #tpu.memory_space<vmem>> -> memref<512xf32, #tpu.memory_space<vmem>>
    %dma_wait3A_1098 = tpu.memref_slice %arg10[%add3A_693] : memref<262144xf32, #tpu.memory_space<vmem_shared>> -> memref<512xf32, #tpu.memory_space<vmem_shared>>
    %dma_wait3A_1099 = arith.constant 0 : i32
    %dma_wait3A_1100 = tpu.memref_slice %arg9[%dma_wait3A_1094, %dma_wait3A_1099] : memref<32x512xf32, #tpu.memory_space<vmem>> -> memref<1x512xf32, #tpu.memory_space<vmem>>
    %dma_wait3A_1101 = tpu.memref_squeeze %dma_wait3A_1100 : memref<1x512xf32, #tpu.memory_space<vmem>> -> memref<512xf32, #tpu.memory_space<vmem>>
    %dma_wait3A_1102 = tpu.memref_slice %arg10[%add3A_693] : memref<262144xf32, #tpu.memory_space<vmem_shared>> -> memref<512xf32, #tpu.memory_space<vmem_shared>>
    tpu.wait_dma2 semaphore(%arg11 : memref<!tpu.dma_semaphore, #tpu.memory_space<semaphore_mem>>) src(%dma_wait3A_1102 : memref<512xf32, #tpu.memory_space<vmem_shared>>) dst(%dma_wait3A_1101 : memref<512xf32, #tpu.memory_space<vmem>>)
    %dma_wait3A_1103 = arith.constant 4 : i32
    %dma_wait3A_1104 = arith.constant 0 : i32
    %dma_wait3A_1105 = tpu.memref_slice %arg9[%dma_wait3A_1103, %dma_wait3A_1104] : memref<32x512xf32, #tpu.memory_space<vmem>> -> memref<1x512xf32, #tpu.memory_space<vmem>>
    %dma_wait3A_1106 = tpu.memref_squeeze %dma_wait3A_1105 : memref<1x512xf32, #tpu.memory_space<vmem>> -> memref<512xf32, #tpu.memory_space<vmem>>
    %dma_wait3A_1107 = tpu.memref_slice %arg10[%add3A_706] : memref<262144xf32, #tpu.memory_space<vmem_shared>> -> memref<512xf32, #tpu.memory_space<vmem_shared>>
    %dma_wait3A_1108 = arith.constant 0 : i32
    %dma_wait3A_1109 = tpu.memref_slice %arg9[%dma_wait3A_1103, %dma_wait3A_1108] : memref<32x512xf32, #tpu.memory_space<vmem>> -> memref<1x512xf32, #tpu.memory_space<vmem>>
    %dma_wait3A_1110 = tpu.memref_squeeze %dma_wait3A_1109 : memref<1x512xf32, #tpu.memory_space<vmem>> -> memref<512xf32, #tpu.memory_space<vmem>>
    %dma_wait3A_1111 = tpu.memref_slice %arg10[%add3A_706] : memref<262144xf32, #tpu.memory_space<vmem_shared>> -> memref<512xf32, #tpu.memory_space<vmem_shared>>
    tpu.wait_dma2 semaphore(%arg11 : memref<!tpu.dma_semaphore, #tpu.memory_space<semaphore_mem>>) src(%dma_wait3A_1111 : memref<512xf32, #tpu.memory_space<vmem_shared>>) dst(%dma_wait3A_1110 : memref<512xf32, #tpu.memory_space<vmem>>)
    %dma_wait3A_1112 = arith.constant 5 : i32
    %dma_wait3A_1113 = arith.constant 0 : i32
    %dma_wait3A_1114 = tpu.memref_slice %arg9[%dma_wait3A_1112, %dma_wait3A_1113] : memref<32x512xf32, #tpu.memory_space<vmem>> -> memref<1x512xf32, #tpu.memory_space<vmem>>
    %dma_wait3A_1115 = tpu.memref_squeeze %dma_wait3A_1114 : memref<1x512xf32, #tpu.memory_space<vmem>> -> memref<512xf32, #tpu.memory_space<vmem>>
    %dma_wait3A_1116 = tpu.memref_slice %arg10[%add3A_719] : memref<262144xf32, #tpu.memory_space<vmem_shared>> -> memref<512xf32, #tpu.memory_space<vmem_shared>>
    %dma_wait3A_1117 = arith.constant 0 : i32
    %dma_wait3A_1118 = tpu.memref_slice %arg9[%dma_wait3A_1112, %dma_wait3A_1117] : memref<32x512xf32, #tpu.memory_space<vmem>> -> memref<1x512xf32, #tpu.memory_space<vmem>>
    %dma_wait3A_1119 = tpu.memref_squeeze %dma_wait3A_1118 : memref<1x512xf32, #tpu.memory_space<vmem>> -> memref<512xf32, #tpu.memory_space<vmem>>
    %dma_wait3A_1120 = tpu.memref_slice %arg10[%add3A_719] : memref<262144xf32, #tpu.memory_space<vmem_shared>> -> memref<512xf32, #tpu.memory_space<vmem_shared>>
    tpu.wait_dma2 semaphore(%arg11 : memref<!tpu.dma_semaphore, #tpu.memory_space<semaphore_mem>>) src(%dma_wait3A_1120 : memref<512xf32, #tpu.memory_space<vmem_shared>>) dst(%dma_wait3A_1119 : memref<512xf32, #tpu.memory_space<vmem>>)
    %dma_wait3A_1121 = arith.constant 6 : i32
    %dma_wait3A_1122 = arith.constant 0 : i32
    %dma_wait3A_1123 = tpu.memref_slice %arg9[%dma_wait3A_1121, %dma_wait3A_1122] : memref<32x512xf32, #tpu.memory_space<vmem>> -> memref<1x512xf32, #tpu.memory_space<vmem>>
    %dma_wait3A_1124 = tpu.memref_squeeze %dma_wait3A_1123 : memref<1x512xf32, #tpu.memory_space<vmem>> -> memref<512xf32, #tpu.memory_space<vmem>>
    %dma_wait3A_1125 = tpu.memref_slice %arg10[%add3A_732] : memref<262144xf32, #tpu.memory_space<vmem_shared>> -> memref<512xf32, #tpu.memory_space<vmem_shared>>
    %dma_wait3A_1126 = arith.constant 0 : i32
    %dma_wait3A_1127 = tpu.memref_slice %arg9[%dma_wait3A_1121, %dma_wait3A_1126] : memref<32x512xf32, #tpu.memory_space<vmem>> -> memref<1x512xf32, #tpu.memory_space<vmem>>
    %dma_wait3A_1128 = tpu.memref_squeeze %dma_wait3A_1127 : memref<1x512xf32, #tpu.memory_space<vmem>> -> memref<512xf32, #tpu.memory_space<vmem>>
    %dma_wait3A_1129 = tpu.memref_slice %arg10[%add3A_732] : memref<262144xf32, #tpu.memory_space<vmem_shared>> -> memref<512xf32, #tpu.memory_space<vmem_shared>>
    tpu.wait_dma2 semaphore(%arg11 : memref<!tpu.dma_semaphore, #tpu.memory_space<semaphore_mem>>) src(%dma_wait3A_1129 : memref<512xf32, #tpu.memory_space<vmem_shared>>) dst(%dma_wait3A_1128 : memref<512xf32, #tpu.memory_space<vmem>>)
    %dma_wait3A_1130 = arith.constant 7 : i32
    %dma_wait3A_1131 = arith.constant 0 : i32
    %dma_wait3A_1132 = tpu.memref_slice %arg9[%dma_wait3A_1130, %dma_wait3A_1131] : memref<32x512xf32, #tpu.memory_space<vmem>> -> memref<1x512xf32, #tpu.memory_space<vmem>>
    %dma_wait3A_1133 = tpu.memref_squeeze %dma_wait3A_1132 : memref<1x512xf32, #tpu.memory_space<vmem>> -> memref<512xf32, #tpu.memory_space<vmem>>
    %dma_wait3A_1134 = tpu.memref_slice %arg10[%add3A_745] : memref<262144xf32, #tpu.memory_space<vmem_shared>> -> memref<512xf32, #tpu.memory_space<vmem_shared>>
    %dma_wait3A_1135 = arith.constant 0 : i32
    %dma_wait3A_1136 = tpu.memref_slice %arg9[%dma_wait3A_1130, %dma_wait3A_1135] : memref<32x512xf32, #tpu.memory_space<vmem>> -> memref<1x512xf32, #tpu.memory_space<vmem>>
    %dma_wait3A_1137 = tpu.memref_squeeze %dma_wait3A_1136 : memref<1x512xf32, #tpu.memory_space<vmem>> -> memref<512xf32, #tpu.memory_space<vmem>>
    %dma_wait3A_1138 = tpu.memref_slice %arg10[%add3A_745] : memref<262144xf32, #tpu.memory_space<vmem_shared>> -> memref<512xf32, #tpu.memory_space<vmem_shared>>
    tpu.wait_dma2 semaphore(%arg11 : memref<!tpu.dma_semaphore, #tpu.memory_space<semaphore_mem>>) src(%dma_wait3A_1138 : memref<512xf32, #tpu.memory_space<vmem_shared>>) dst(%dma_wait3A_1137 : memref<512xf32, #tpu.memory_space<vmem>>)
    %dma_wait3A_1139 = arith.constant 8 : i32
    %dma_wait3A_1140 = arith.constant 0 : i32
    %dma_wait3A_1141 = tpu.memref_slice %arg9[%dma_wait3A_1139, %dma_wait3A_1140] : memref<32x512xf32, #tpu.memory_space<vmem>> -> memref<1x512xf32, #tpu.memory_space<vmem>>
    %dma_wait3A_1142 = tpu.memref_squeeze %dma_wait3A_1141 : memref<1x512xf32, #tpu.memory_space<vmem>> -> memref<512xf32, #tpu.memory_space<vmem>>
    %dma_wait3A_1143 = tpu.memref_slice %arg10[%add3A_758] : memref<262144xf32, #tpu.memory_space<vmem_shared>> -> memref<512xf32, #tpu.memory_space<vmem_shared>>
    %dma_wait3A_1144 = arith.constant 0 : i32
    %dma_wait3A_1145 = tpu.memref_slice %arg9[%dma_wait3A_1139, %dma_wait3A_1144] : memref<32x512xf32, #tpu.memory_space<vmem>> -> memref<1x512xf32, #tpu.memory_space<vmem>>
    %dma_wait3A_1146 = tpu.memref_squeeze %dma_wait3A_1145 : memref<1x512xf32, #tpu.memory_space<vmem>> -> memref<512xf32, #tpu.memory_space<vmem>>
    %dma_wait3A_1147 = tpu.memref_slice %arg10[%add3A_758] : memref<262144xf32, #tpu.memory_space<vmem_shared>> -> memref<512xf32, #tpu.memory_space<vmem_shared>>
    tpu.wait_dma2 semaphore(%arg11 : memref<!tpu.dma_semaphore, #tpu.memory_space<semaphore_mem>>) src(%dma_wait3A_1147 : memref<512xf32, #tpu.memory_space<vmem_shared>>) dst(%dma_wait3A_1146 : memref<512xf32, #tpu.memory_space<vmem>>)
    %dma_wait3A_1148 = arith.constant 9 : i32
    %dma_wait3A_1149 = arith.constant 0 : i32
    %dma_wait3A_1150 = tpu.memref_slice %arg9[%dma_wait3A_1148, %dma_wait3A_1149] : memref<32x512xf32, #tpu.memory_space<vmem>> -> memref<1x512xf32, #tpu.memory_space<vmem>>
    %dma_wait3A_1151 = tpu.memref_squeeze %dma_wait3A_1150 : memref<1x512xf32, #tpu.memory_space<vmem>> -> memref<512xf32, #tpu.memory_space<vmem>>
    %dma_wait3A_1152 = tpu.memref_slice %arg10[%add3A_771] : memref<262144xf32, #tpu.memory_space<vmem_shared>> -> memref<512xf32, #tpu.memory_space<vmem_shared>>
    %dma_wait3A_1153 = arith.constant 0 : i32
    %dma_wait3A_1154 = tpu.memref_slice %arg9[%dma_wait3A_1148, %dma_wait3A_1153] : memref<32x512xf32, #tpu.memory_space<vmem>> -> memref<1x512xf32, #tpu.memory_space<vmem>>
    %dma_wait3A_1155 = tpu.memref_squeeze %dma_wait3A_1154 : memref<1x512xf32, #tpu.memory_space<vmem>> -> memref<512xf32, #tpu.memory_space<vmem>>
    %dma_wait3A_1156 = tpu.memref_slice %arg10[%add3A_771] : memref<262144xf32, #tpu.memory_space<vmem_shared>> -> memref<512xf32, #tpu.memory_space<vmem_shared>>
    tpu.wait_dma2 semaphore(%arg11 : memref<!tpu.dma_semaphore, #tpu.memory_space<semaphore_mem>>) src(%dma_wait3A_1156 : memref<512xf32, #tpu.memory_space<vmem_shared>>) dst(%dma_wait3A_1155 : memref<512xf32, #tpu.memory_space<vmem>>)
    %dma_wait3A_1157 = arith.constant 10 : i32
    %dma_wait3A_1158 = arith.constant 0 : i32
    %dma_wait3A_1159 = tpu.memref_slice %arg9[%dma_wait3A_1157, %dma_wait3A_1158] : memref<32x512xf32, #tpu.memory_space<vmem>> -> memref<1x512xf32, #tpu.memory_space<vmem>>
    %dma_wait3A_1160 = tpu.memref_squeeze %dma_wait3A_1159 : memref<1x512xf32, #tpu.memory_space<vmem>> -> memref<512xf32, #tpu.memory_space<vmem>>
    %dma_wait3A_1161 = tpu.memref_slice %arg10[%add3A_784] : memref<262144xf32, #tpu.memory_space<vmem_shared>> -> memref<512xf32, #tpu.memory_space<vmem_shared>>
    %dma_wait3A_1162 = arith.constant 0 : i32
    %dma_wait3A_1163 = tpu.memref_slice %arg9[%dma_wait3A_1157, %dma_wait3A_1162] : memref<32x512xf32, #tpu.memory_space<vmem>> -> memref<1x512xf32, #tpu.memory_space<vmem>>
    %dma_wait3A_1164 = tpu.memref_squeeze %dma_wait3A_1163 : memref<1x512xf32, #tpu.memory_space<vmem>> -> memref<512xf32, #tpu.memory_space<vmem>>
    %dma_wait3A_1165 = tpu.memref_slice %arg10[%add3A_784] : memref<262144xf32, #tpu.memory_space<vmem_shared>> -> memref<512xf32, #tpu.memory_space<vmem_shared>>
    tpu.wait_dma2 semaphore(%arg11 : memref<!tpu.dma_semaphore, #tpu.memory_space<semaphore_mem>>) src(%dma_wait3A_1165 : memref<512xf32, #tpu.memory_space<vmem_shared>>) dst(%dma_wait3A_1164 : memref<512xf32, #tpu.memory_space<vmem>>)
    %dma_wait3A_1166 = arith.constant 11 : i32
    %dma_wait3A_1167 = arith.constant 0 : i32
    %dma_wait3A_1168 = tpu.memref_slice %arg9[%dma_wait3A_1166, %dma_wait3A_1167] : memref<32x512xf32, #tpu.memory_space<vmem>> -> memref<1x512xf32, #tpu.memory_space<vmem>>
    %dma_wait3A_1169 = tpu.memref_squeeze %dma_wait3A_1168 : memref<1x512xf32, #tpu.memory_space<vmem>> -> memref<512xf32, #tpu.memory_space<vmem>>
    %dma_wait3A_1170 = tpu.memref_slice %arg10[%add3A_797] : memref<262144xf32, #tpu.memory_space<vmem_shared>> -> memref<512xf32, #tpu.memory_space<vmem_shared>>
    %dma_wait3A_1171 = arith.constant 0 : i32
    %dma_wait3A_1172 = tpu.memref_slice %arg9[%dma_wait3A_1166, %dma_wait3A_1171] : memref<32x512xf32, #tpu.memory_space<vmem>> -> memref<1x512xf32, #tpu.memory_space<vmem>>
    %dma_wait3A_1173 = tpu.memref_squeeze %dma_wait3A_1172 : memref<1x512xf32, #tpu.memory_space<vmem>> -> memref<512xf32, #tpu.memory_space<vmem>>
    %dma_wait3A_1174 = tpu.memref_slice %arg10[%add3A_797] : memref<262144xf32, #tpu.memory_space<vmem_shared>> -> memref<512xf32, #tpu.memory_space<vmem_shared>>
    tpu.wait_dma2 semaphore(%arg11 : memref<!tpu.dma_semaphore, #tpu.memory_space<semaphore_mem>>) src(%dma_wait3A_1174 : memref<512xf32, #tpu.memory_space<vmem_shared>>) dst(%dma_wait3A_1173 : memref<512xf32, #tpu.memory_space<vmem>>)
    %dma_wait3A_1175 = arith.constant 12 : i32
    %dma_wait3A_1176 = arith.constant 0 : i32
    %dma_wait3A_1177 = tpu.memref_slice %arg9[%dma_wait3A_1175, %dma_wait3A_1176] : memref<32x512xf32, #tpu.memory_space<vmem>> -> memref<1x512xf32, #tpu.memory_space<vmem>>
    %dma_wait3A_1178 = tpu.memref_squeeze %dma_wait3A_1177 : memref<1x512xf32, #tpu.memory_space<vmem>> -> memref<512xf32, #tpu.memory_space<vmem>>
    %dma_wait3A_1179 = tpu.memref_slice %arg10[%add3A_810] : memref<262144xf32, #tpu.memory_space<vmem_shared>> -> memref<512xf32, #tpu.memory_space<vmem_shared>>
    %dma_wait3A_1180 = arith.constant 0 : i32
    %dma_wait3A_1181 = tpu.memref_slice %arg9[%dma_wait3A_1175, %dma_wait3A_1180] : memref<32x512xf32, #tpu.memory_space<vmem>> -> memref<1x512xf32, #tpu.memory_space<vmem>>
    %dma_wait3A_1182 = tpu.memref_squeeze %dma_wait3A_1181 : memref<1x512xf32, #tpu.memory_space<vmem>> -> memref<512xf32, #tpu.memory_space<vmem>>
    %dma_wait3A_1183 = tpu.memref_slice %arg10[%add3A_810] : memref<262144xf32, #tpu.memory_space<vmem_shared>> -> memref<512xf32, #tpu.memory_space<vmem_shared>>
    tpu.wait_dma2 semaphore(%arg11 : memref<!tpu.dma_semaphore, #tpu.memory_space<semaphore_mem>>) src(%dma_wait3A_1183 : memref<512xf32, #tpu.memory_space<vmem_shared>>) dst(%dma_wait3A_1182 : memref<512xf32, #tpu.memory_space<vmem>>)
    %dma_wait3A_1184 = arith.constant 13 : i32
    %dma_wait3A_1185 = arith.constant 0 : i32
    %dma_wait3A_1186 = tpu.memref_slice %arg9[%dma_wait3A_1184, %dma_wait3A_1185] : memref<32x512xf32, #tpu.memory_space<vmem>> -> memref<1x512xf32, #tpu.memory_space<vmem>>
    %dma_wait3A_1187 = tpu.memref_squeeze %dma_wait3A_1186 : memref<1x512xf32, #tpu.memory_space<vmem>> -> memref<512xf32, #tpu.memory_space<vmem>>
    %dma_wait3A_1188 = tpu.memref_slice %arg10[%add3A_823] : memref<262144xf32, #tpu.memory_space<vmem_shared>> -> memref<512xf32, #tpu.memory_space<vmem_shared>>
    %dma_wait3A_1189 = arith.constant 0 : i32
    %dma_wait3A_1190 = tpu.memref_slice %arg9[%dma_wait3A_1184, %dma_wait3A_1189] : memref<32x512xf32, #tpu.memory_space<vmem>> -> memref<1x512xf32, #tpu.memory_space<vmem>>
    %dma_wait3A_1191 = tpu.memref_squeeze %dma_wait3A_1190 : memref<1x512xf32, #tpu.memory_space<vmem>> -> memref<512xf32, #tpu.memory_space<vmem>>
    %dma_wait3A_1192 = tpu.memref_slice %arg10[%add3A_823] : memref<262144xf32, #tpu.memory_space<vmem_shared>> -> memref<512xf32, #tpu.memory_space<vmem_shared>>
    tpu.wait_dma2 semaphore(%arg11 : memref<!tpu.dma_semaphore, #tpu.memory_space<semaphore_mem>>) src(%dma_wait3A_1192 : memref<512xf32, #tpu.memory_space<vmem_shared>>) dst(%dma_wait3A_1191 : memref<512xf32, #tpu.memory_space<vmem>>)
    %dma_wait3A_1193 = arith.constant 14 : i32
    %dma_wait3A_1194 = arith.constant 0 : i32
    %dma_wait3A_1195 = tpu.memref_slice %arg9[%dma_wait3A_1193, %dma_wait3A_1194] : memref<32x512xf32, #tpu.memory_space<vmem>> -> memref<1x512xf32, #tpu.memory_space<vmem>>
    %dma_wait3A_1196 = tpu.memref_squeeze %dma_wait3A_1195 : memref<1x512xf32, #tpu.memory_space<vmem>> -> memref<512xf32, #tpu.memory_space<vmem>>
    %dma_wait3A_1197 = tpu.memref_slice %arg10[%add3A_836] : memref<262144xf32, #tpu.memory_space<vmem_shared>> -> memref<512xf32, #tpu.memory_space<vmem_shared>>
    %dma_wait3A_1198 = arith.constant 0 : i32
    %dma_wait3A_1199 = tpu.memref_slice %arg9[%dma_wait3A_1193, %dma_wait3A_1198] : memref<32x512xf32, #tpu.memory_space<vmem>> -> memref<1x512xf32, #tpu.memory_space<vmem>>
    %dma_wait3A_1200 = tpu.memref_squeeze %dma_wait3A_1199 : memref<1x512xf32, #tpu.memory_space<vmem>> -> memref<512xf32, #tpu.memory_space<vmem>>
    %dma_wait3A_1201 = tpu.memref_slice %arg10[%add3A_836] : memref<262144xf32, #tpu.memory_space<vmem_shared>> -> memref<512xf32, #tpu.memory_space<vmem_shared>>
    tpu.wait_dma2 semaphore(%arg11 : memref<!tpu.dma_semaphore, #tpu.memory_space<semaphore_mem>>) src(%dma_wait3A_1201 : memref<512xf32, #tpu.memory_space<vmem_shared>>) dst(%dma_wait3A_1200 : memref<512xf32, #tpu.memory_space<vmem>>)
    %dma_wait3A_1202 = arith.constant 15 : i32
    %dma_wait3A_1203 = arith.constant 0 : i32
    %dma_wait3A_1204 = tpu.memref_slice %arg9[%dma_wait3A_1202, %dma_wait3A_1203] : memref<32x512xf32, #tpu.memory_space<vmem>> -> memref<1x512xf32, #tpu.memory_space<vmem>>
    %dma_wait3A_1205 = tpu.memref_squeeze %dma_wait3A_1204 : memref<1x512xf32, #tpu.memory_space<vmem>> -> memref<512xf32, #tpu.memory_space<vmem>>
    %dma_wait3A_1206 = tpu.memref_slice %arg10[%add3A_849] : memref<262144xf32, #tpu.memory_space<vmem_shared>> -> memref<512xf32, #tpu.memory_space<vmem_shared>>
    %dma_wait3A_1207 = arith.constant 0 : i32
    %dma_wait3A_1208 = tpu.memref_slice %arg9[%dma_wait3A_1202, %dma_wait3A_1207] : memref<32x512xf32, #tpu.memory_space<vmem>> -> memref<1x512xf32, #tpu.memory_space<vmem>>
    %dma_wait3A_1209 = tpu.memref_squeeze %dma_wait3A_1208 : memref<1x512xf32, #tpu.memory_space<vmem>> -> memref<512xf32, #tpu.memory_space<vmem>>
    %dma_wait3A_1210 = tpu.memref_slice %arg10[%add3A_849] : memref<262144xf32, #tpu.memory_space<vmem_shared>> -> memref<512xf32, #tpu.memory_space<vmem_shared>>
    tpu.wait_dma2 semaphore(%arg11 : memref<!tpu.dma_semaphore, #tpu.memory_space<semaphore_mem>>) src(%dma_wait3A_1210 : memref<512xf32, #tpu.memory_space<vmem_shared>>) dst(%dma_wait3A_1209 : memref<512xf32, #tpu.memory_space<vmem>>)
    %dma_wait3A_1211 = arith.constant 16 : i32
    %dma_wait3A_1212 = arith.constant 0 : i32
    %dma_wait3A_1213 = tpu.memref_slice %arg9[%dma_wait3A_1211, %dma_wait3A_1212] : memref<32x512xf32, #tpu.memory_space<vmem>> -> memref<1x512xf32, #tpu.memory_space<vmem>>
    %dma_wait3A_1214 = tpu.memref_squeeze %dma_wait3A_1213 : memref<1x512xf32, #tpu.memory_space<vmem>> -> memref<512xf32, #tpu.memory_space<vmem>>
    %dma_wait3A_1215 = tpu.memref_slice %arg10[%add3A_862] : memref<262144xf32, #tpu.memory_space<vmem_shared>> -> memref<512xf32, #tpu.memory_space<vmem_shared>>
    %dma_wait3A_1216 = arith.constant 0 : i32
    %dma_wait3A_1217 = tpu.memref_slice %arg9[%dma_wait3A_1211, %dma_wait3A_1216] : memref<32x512xf32, #tpu.memory_space<vmem>> -> memref<1x512xf32, #tpu.memory_space<vmem>>
    %dma_wait3A_1218 = tpu.memref_squeeze %dma_wait3A_1217 : memref<1x512xf32, #tpu.memory_space<vmem>> -> memref<512xf32, #tpu.memory_space<vmem>>
    %dma_wait3A_1219 = tpu.memref_slice %arg10[%add3A_862] : memref<262144xf32, #tpu.memory_space<vmem_shared>> -> memref<512xf32, #tpu.memory_space<vmem_shared>>
    tpu.wait_dma2 semaphore(%arg11 : memref<!tpu.dma_semaphore, #tpu.memory_space<semaphore_mem>>) src(%dma_wait3A_1219 : memref<512xf32, #tpu.memory_space<vmem_shared>>) dst(%dma_wait3A_1218 : memref<512xf32, #tpu.memory_space<vmem>>)
    %dma_wait3A_1220 = arith.constant 17 : i32
    %dma_wait3A_1221 = arith.constant 0 : i32
    %dma_wait3A_1222 = tpu.memref_slice %arg9[%dma_wait3A_1220, %dma_wait3A_1221] : memref<32x512xf32, #tpu.memory_space<vmem>> -> memref<1x512xf32, #tpu.memory_space<vmem>>
    %dma_wait3A_1223 = tpu.memref_squeeze %dma_wait3A_1222 : memref<1x512xf32, #tpu.memory_space<vmem>> -> memref<512xf32, #tpu.memory_space<vmem>>
    %dma_wait3A_1224 = tpu.memref_slice %arg10[%add3A_875] : memref<262144xf32, #tpu.memory_space<vmem_shared>> -> memref<512xf32, #tpu.memory_space<vmem_shared>>
    %dma_wait3A_1225 = arith.constant 0 : i32
    %dma_wait3A_1226 = tpu.memref_slice %arg9[%dma_wait3A_1220, %dma_wait3A_1225] : memref<32x512xf32, #tpu.memory_space<vmem>> -> memref<1x512xf32, #tpu.memory_space<vmem>>
    %dma_wait3A_1227 = tpu.memref_squeeze %dma_wait3A_1226 : memref<1x512xf32, #tpu.memory_space<vmem>> -> memref<512xf32, #tpu.memory_space<vmem>>
    %dma_wait3A_1228 = tpu.memref_slice %arg10[%add3A_875] : memref<262144xf32, #tpu.memory_space<vmem_shared>> -> memref<512xf32, #tpu.memory_space<vmem_shared>>
    tpu.wait_dma2 semaphore(%arg11 : memref<!tpu.dma_semaphore, #tpu.memory_space<semaphore_mem>>) src(%dma_wait3A_1228 : memref<512xf32, #tpu.memory_space<vmem_shared>>) dst(%dma_wait3A_1227 : memref<512xf32, #tpu.memory_space<vmem>>)
    %dma_wait3A_1229 = arith.constant 18 : i32
    %dma_wait3A_1230 = arith.constant 0 : i32
    %dma_wait3A_1231 = tpu.memref_slice %arg9[%dma_wait3A_1229, %dma_wait3A_1230] : memref<32x512xf32, #tpu.memory_space<vmem>> -> memref<1x512xf32, #tpu.memory_space<vmem>>
    %dma_wait3A_1232 = tpu.memref_squeeze %dma_wait3A_1231 : memref<1x512xf32, #tpu.memory_space<vmem>> -> memref<512xf32, #tpu.memory_space<vmem>>
    %dma_wait3A_1233 = tpu.memref_slice %arg10[%add3A_888] : memref<262144xf32, #tpu.memory_space<vmem_shared>> -> memref<512xf32, #tpu.memory_space<vmem_shared>>
    %dma_wait3A_1234 = arith.constant 0 : i32
    %dma_wait3A_1235 = tpu.memref_slice %arg9[%dma_wait3A_1229, %dma_wait3A_1234] : memref<32x512xf32, #tpu.memory_space<vmem>> -> memref<1x512xf32, #tpu.memory_space<vmem>>
    %dma_wait3A_1236 = tpu.memref_squeeze %dma_wait3A_1235 : memref<1x512xf32, #tpu.memory_space<vmem>> -> memref<512xf32, #tpu.memory_space<vmem>>
    %dma_wait3A_1237 = tpu.memref_slice %arg10[%add3A_888] : memref<262144xf32, #tpu.memory_space<vmem_shared>> -> memref<512xf32, #tpu.memory_space<vmem_shared>>
    tpu.wait_dma2 semaphore(%arg11 : memref<!tpu.dma_semaphore, #tpu.memory_space<semaphore_mem>>) src(%dma_wait3A_1237 : memref<512xf32, #tpu.memory_space<vmem_shared>>) dst(%dma_wait3A_1236 : memref<512xf32, #tpu.memory_space<vmem>>)
    %dma_wait3A_1238 = arith.constant 19 : i32
    %dma_wait3A_1239 = arith.constant 0 : i32
    %dma_wait3A_1240 = tpu.memref_slice %arg9[%dma_wait3A_1238, %dma_wait3A_1239] : memref<32x512xf32, #tpu.memory_space<vmem>> -> memref<1x512xf32, #tpu.memory_space<vmem>>
    %dma_wait3A_1241 = tpu.memref_squeeze %dma_wait3A_1240 : memref<1x512xf32, #tpu.memory_space<vmem>> -> memref<512xf32, #tpu.memory_space<vmem>>
    %dma_wait3A_1242 = tpu.memref_slice %arg10[%add3A_901] : memref<262144xf32, #tpu.memory_space<vmem_shared>> -> memref<512xf32, #tpu.memory_space<vmem_shared>>
    %dma_wait3A_1243 = arith.constant 0 : i32
    %dma_wait3A_1244 = tpu.memref_slice %arg9[%dma_wait3A_1238, %dma_wait3A_1243] : memref<32x512xf32, #tpu.memory_space<vmem>> -> memref<1x512xf32, #tpu.memory_space<vmem>>
    %dma_wait3A_1245 = tpu.memref_squeeze %dma_wait3A_1244 : memref<1x512xf32, #tpu.memory_space<vmem>> -> memref<512xf32, #tpu.memory_space<vmem>>
    %dma_wait3A_1246 = tpu.memref_slice %arg10[%add3A_901] : memref<262144xf32, #tpu.memory_space<vmem_shared>> -> memref<512xf32, #tpu.memory_space<vmem_shared>>
    tpu.wait_dma2 semaphore(%arg11 : memref<!tpu.dma_semaphore, #tpu.memory_space<semaphore_mem>>) src(%dma_wait3A_1246 : memref<512xf32, #tpu.memory_space<vmem_shared>>) dst(%dma_wait3A_1245 : memref<512xf32, #tpu.memory_space<vmem>>)
    %dma_wait3A_1247 = arith.constant 20 : i32
    %dma_wait3A_1248 = arith.constant 0 : i32
    %dma_wait3A_1249 = tpu.memref_slice %arg9[%dma_wait3A_1247, %dma_wait3A_1248] : memref<32x512xf32, #tpu.memory_space<vmem>> -> memref<1x512xf32, #tpu.memory_space<vmem>>
    %dma_wait3A_1250 = tpu.memref_squeeze %dma_wait3A_1249 : memref<1x512xf32, #tpu.memory_space<vmem>> -> memref<512xf32, #tpu.memory_space<vmem>>
    %dma_wait3A_1251 = tpu.memref_slice %arg10[%add3A_914] : memref<262144xf32, #tpu.memory_space<vmem_shared>> -> memref<512xf32, #tpu.memory_space<vmem_shared>>
    %dma_wait3A_1252 = arith.constant 0 : i32
    %dma_wait3A_1253 = tpu.memref_slice %arg9[%dma_wait3A_1247, %dma_wait3A_1252] : memref<32x512xf32, #tpu.memory_space<vmem>> -> memref<1x512xf32, #tpu.memory_space<vmem>>
    %dma_wait3A_1254 = tpu.memref_squeeze %dma_wait3A_1253 : memref<1x512xf32, #tpu.memory_space<vmem>> -> memref<512xf32, #tpu.memory_space<vmem>>
    %dma_wait3A_1255 = tpu.memref_slice %arg10[%add3A_914] : memref<262144xf32, #tpu.memory_space<vmem_shared>> -> memref<512xf32, #tpu.memory_space<vmem_shared>>
    tpu.wait_dma2 semaphore(%arg11 : memref<!tpu.dma_semaphore, #tpu.memory_space<semaphore_mem>>) src(%dma_wait3A_1255 : memref<512xf32, #tpu.memory_space<vmem_shared>>) dst(%dma_wait3A_1254 : memref<512xf32, #tpu.memory_space<vmem>>)
    %dma_wait3A_1256 = arith.constant 21 : i32
    %dma_wait3A_1257 = arith.constant 0 : i32
    %dma_wait3A_1258 = tpu.memref_slice %arg9[%dma_wait3A_1256, %dma_wait3A_1257] : memref<32x512xf32, #tpu.memory_space<vmem>> -> memref<1x512xf32, #tpu.memory_space<vmem>>
    %dma_wait3A_1259 = tpu.memref_squeeze %dma_wait3A_1258 : memref<1x512xf32, #tpu.memory_space<vmem>> -> memref<512xf32, #tpu.memory_space<vmem>>
    %dma_wait3A_1260 = tpu.memref_slice %arg10[%add3A_927] : memref<262144xf32, #tpu.memory_space<vmem_shared>> -> memref<512xf32, #tpu.memory_space<vmem_shared>>
    %dma_wait3A_1261 = arith.constant 0 : i32
    %dma_wait3A_1262 = tpu.memref_slice %arg9[%dma_wait3A_1256, %dma_wait3A_1261] : memref<32x512xf32, #tpu.memory_space<vmem>> -> memref<1x512xf32, #tpu.memory_space<vmem>>
    %dma_wait3A_1263 = tpu.memref_squeeze %dma_wait3A_1262 : memref<1x512xf32, #tpu.memory_space<vmem>> -> memref<512xf32, #tpu.memory_space<vmem>>
    %dma_wait3A_1264 = tpu.memref_slice %arg10[%add3A_927] : memref<262144xf32, #tpu.memory_space<vmem_shared>> -> memref<512xf32, #tpu.memory_space<vmem_shared>>
    tpu.wait_dma2 semaphore(%arg11 : memref<!tpu.dma_semaphore, #tpu.memory_space<semaphore_mem>>) src(%dma_wait3A_1264 : memref<512xf32, #tpu.memory_space<vmem_shared>>) dst(%dma_wait3A_1263 : memref<512xf32, #tpu.memory_space<vmem>>)
    %dma_wait3A_1265 = arith.constant 22 : i32
    %dma_wait3A_1266 = arith.constant 0 : i32
    %dma_wait3A_1267 = tpu.memref_slice %arg9[%dma_wait3A_1265, %dma_wait3A_1266] : memref<32x512xf32, #tpu.memory_space<vmem>> -> memref<1x512xf32, #tpu.memory_space<vmem>>
    %dma_wait3A_1268 = tpu.memref_squeeze %dma_wait3A_1267 : memref<1x512xf32, #tpu.memory_space<vmem>> -> memref<512xf32, #tpu.memory_space<vmem>>
    %dma_wait3A_1269 = tpu.memref_slice %arg10[%add3A_940] : memref<262144xf32, #tpu.memory_space<vmem_shared>> -> memref<512xf32, #tpu.memory_space<vmem_shared>>
    %dma_wait3A_1270 = arith.constant 0 : i32
    %dma_wait3A_1271 = tpu.memref_slice %arg9[%dma_wait3A_1265, %dma_wait3A_1270] : memref<32x512xf32, #tpu.memory_space<vmem>> -> memref<1x512xf32, #tpu.memory_space<vmem>>
    %dma_wait3A_1272 = tpu.memref_squeeze %dma_wait3A_1271 : memref<1x512xf32, #tpu.memory_space<vmem>> -> memref<512xf32, #tpu.memory_space<vmem>>
    %dma_wait3A_1273 = tpu.memref_slice %arg10[%add3A_940] : memref<262144xf32, #tpu.memory_space<vmem_shared>> -> memref<512xf32, #tpu.memory_space<vmem_shared>>
    tpu.wait_dma2 semaphore(%arg11 : memref<!tpu.dma_semaphore, #tpu.memory_space<semaphore_mem>>) src(%dma_wait3A_1273 : memref<512xf32, #tpu.memory_space<vmem_shared>>) dst(%dma_wait3A_1272 : memref<512xf32, #tpu.memory_space<vmem>>)
    %dma_wait3A_1274 = arith.constant 23 : i32
    %dma_wait3A_1275 = arith.constant 0 : i32
    %dma_wait3A_1276 = tpu.memref_slice %arg9[%dma_wait3A_1274, %dma_wait3A_1275] : memref<32x512xf32, #tpu.memory_space<vmem>> -> memref<1x512xf32, #tpu.memory_space<vmem>>
    %dma_wait3A_1277 = tpu.memref_squeeze %dma_wait3A_1276 : memref<1x512xf32, #tpu.memory_space<vmem>> -> memref<512xf32, #tpu.memory_space<vmem>>
    %dma_wait3A_1278 = tpu.memref_slice %arg10[%add3A_953] : memref<262144xf32, #tpu.memory_space<vmem_shared>> -> memref<512xf32, #tpu.memory_space<vmem_shared>>
    %dma_wait3A_1279 = arith.constant 0 : i32
    %dma_wait3A_1280 = tpu.memref_slice %arg9[%dma_wait3A_1274, %dma_wait3A_1279] : memref<32x512xf32, #tpu.memory_space<vmem>> -> memref<1x512xf32, #tpu.memory_space<vmem>>
    %dma_wait3A_1281 = tpu.memref_squeeze %dma_wait3A_1280 : memref<1x512xf32, #tpu.memory_space<vmem>> -> memref<512xf32, #tpu.memory_space<vmem>>
    %dma_wait3A_1282 = tpu.memref_slice %arg10[%add3A_953] : memref<262144xf32, #tpu.memory_space<vmem_shared>> -> memref<512xf32, #tpu.memory_space<vmem_shared>>
    tpu.wait_dma2 semaphore(%arg11 : memref<!tpu.dma_semaphore, #tpu.memory_space<semaphore_mem>>) src(%dma_wait3A_1282 : memref<512xf32, #tpu.memory_space<vmem_shared>>) dst(%dma_wait3A_1281 : memref<512xf32, #tpu.memory_space<vmem>>)
    %dma_wait3A_1283 = arith.constant 24 : i32
    %dma_wait3A_1284 = arith.constant 0 : i32
    %dma_wait3A_1285 = tpu.memref_slice %arg9[%dma_wait3A_1283, %dma_wait3A_1284] : memref<32x512xf32, #tpu.memory_space<vmem>> -> memref<1x512xf32, #tpu.memory_space<vmem>>
    %dma_wait3A_1286 = tpu.memref_squeeze %dma_wait3A_1285 : memref<1x512xf32, #tpu.memory_space<vmem>> -> memref<512xf32, #tpu.memory_space<vmem>>
    %dma_wait3A_1287 = tpu.memref_slice %arg10[%add3A_966] : memref<262144xf32, #tpu.memory_space<vmem_shared>> -> memref<512xf32, #tpu.memory_space<vmem_shared>>
    %dma_wait3A_1288 = arith.constant 0 : i32
    %dma_wait3A_1289 = tpu.memref_slice %arg9[%dma_wait3A_1283, %dma_wait3A_1288] : memref<32x512xf32, #tpu.memory_space<vmem>> -> memref<1x512xf32, #tpu.memory_space<vmem>>
    %dma_wait3A_1290 = tpu.memref_squeeze %dma_wait3A_1289 : memref<1x512xf32, #tpu.memory_space<vmem>> -> memref<512xf32, #tpu.memory_space<vmem>>
    %dma_wait3A_1291 = tpu.memref_slice %arg10[%add3A_966] : memref<262144xf32, #tpu.memory_space<vmem_shared>> -> memref<512xf32, #tpu.memory_space<vmem_shared>>
    tpu.wait_dma2 semaphore(%arg11 : memref<!tpu.dma_semaphore, #tpu.memory_space<semaphore_mem>>) src(%dma_wait3A_1291 : memref<512xf32, #tpu.memory_space<vmem_shared>>) dst(%dma_wait3A_1290 : memref<512xf32, #tpu.memory_space<vmem>>)
    %dma_wait3A_1292 = arith.constant 25 : i32
    %dma_wait3A_1293 = arith.constant 0 : i32
    %dma_wait3A_1294 = tpu.memref_slice %arg9[%dma_wait3A_1292, %dma_wait3A_1293] : memref<32x512xf32, #tpu.memory_space<vmem>> -> memref<1x512xf32, #tpu.memory_space<vmem>>
    %dma_wait3A_1295 = tpu.memref_squeeze %dma_wait3A_1294 : memref<1x512xf32, #tpu.memory_space<vmem>> -> memref<512xf32, #tpu.memory_space<vmem>>
    %dma_wait3A_1296 = tpu.memref_slice %arg10[%add3A_979] : memref<262144xf32, #tpu.memory_space<vmem_shared>> -> memref<512xf32, #tpu.memory_space<vmem_shared>>
    %dma_wait3A_1297 = arith.constant 0 : i32
    %dma_wait3A_1298 = tpu.memref_slice %arg9[%dma_wait3A_1292, %dma_wait3A_1297] : memref<32x512xf32, #tpu.memory_space<vmem>> -> memref<1x512xf32, #tpu.memory_space<vmem>>
    %dma_wait3A_1299 = tpu.memref_squeeze %dma_wait3A_1298 : memref<1x512xf32, #tpu.memory_space<vmem>> -> memref<512xf32, #tpu.memory_space<vmem>>
    %dma_wait3A_1300 = tpu.memref_slice %arg10[%add3A_979] : memref<262144xf32, #tpu.memory_space<vmem_shared>> -> memref<512xf32, #tpu.memory_space<vmem_shared>>
    tpu.wait_dma2 semaphore(%arg11 : memref<!tpu.dma_semaphore, #tpu.memory_space<semaphore_mem>>) src(%dma_wait3A_1300 : memref<512xf32, #tpu.memory_space<vmem_shared>>) dst(%dma_wait3A_1299 : memref<512xf32, #tpu.memory_space<vmem>>)
    %dma_wait3A_1301 = arith.constant 26 : i32
    %dma_wait3A_1302 = arith.constant 0 : i32
    %dma_wait3A_1303 = tpu.memref_slice %arg9[%dma_wait3A_1301, %dma_wait3A_1302] : memref<32x512xf32, #tpu.memory_space<vmem>> -> memref<1x512xf32, #tpu.memory_space<vmem>>
    %dma_wait3A_1304 = tpu.memref_squeeze %dma_wait3A_1303 : memref<1x512xf32, #tpu.memory_space<vmem>> -> memref<512xf32, #tpu.memory_space<vmem>>
    %dma_wait3A_1305 = tpu.memref_slice %arg10[%add3A_992] : memref<262144xf32, #tpu.memory_space<vmem_shared>> -> memref<512xf32, #tpu.memory_space<vmem_shared>>
    %dma_wait3A_1306 = arith.constant 0 : i32
    %dma_wait3A_1307 = tpu.memref_slice %arg9[%dma_wait3A_1301, %dma_wait3A_1306] : memref<32x512xf32, #tpu.memory_space<vmem>> -> memref<1x512xf32, #tpu.memory_space<vmem>>
    %dma_wait3A_1308 = tpu.memref_squeeze %dma_wait3A_1307 : memref<1x512xf32, #tpu.memory_space<vmem>> -> memref<512xf32, #tpu.memory_space<vmem>>
    %dma_wait3A_1309 = tpu.memref_slice %arg10[%add3A_992] : memref<262144xf32, #tpu.memory_space<vmem_shared>> -> memref<512xf32, #tpu.memory_space<vmem_shared>>
    tpu.wait_dma2 semaphore(%arg11 : memref<!tpu.dma_semaphore, #tpu.memory_space<semaphore_mem>>) src(%dma_wait3A_1309 : memref<512xf32, #tpu.memory_space<vmem_shared>>) dst(%dma_wait3A_1308 : memref<512xf32, #tpu.memory_space<vmem>>)
    %dma_wait3A_1310 = arith.constant 27 : i32
    %dma_wait3A_1311 = arith.constant 0 : i32
    %dma_wait3A_1312 = tpu.memref_slice %arg9[%dma_wait3A_1310, %dma_wait3A_1311] : memref<32x512xf32, #tpu.memory_space<vmem>> -> memref<1x512xf32, #tpu.memory_space<vmem>>
    %dma_wait3A_1313 = tpu.memref_squeeze %dma_wait3A_1312 : memref<1x512xf32, #tpu.memory_space<vmem>> -> memref<512xf32, #tpu.memory_space<vmem>>
    %dma_wait3A_1314 = tpu.memref_slice %arg10[%add3A_1005] : memref<262144xf32, #tpu.memory_space<vmem_shared>> -> memref<512xf32, #tpu.memory_space<vmem_shared>>
    %dma_wait3A_1315 = arith.constant 0 : i32
    %dma_wait3A_1316 = tpu.memref_slice %arg9[%dma_wait3A_1310, %dma_wait3A_1315] : memref<32x512xf32, #tpu.memory_space<vmem>> -> memref<1x512xf32, #tpu.memory_space<vmem>>
    %dma_wait3A_1317 = tpu.memref_squeeze %dma_wait3A_1316 : memref<1x512xf32, #tpu.memory_space<vmem>> -> memref<512xf32, #tpu.memory_space<vmem>>
    %dma_wait3A_1318 = tpu.memref_slice %arg10[%add3A_1005] : memref<262144xf32, #tpu.memory_space<vmem_shared>> -> memref<512xf32, #tpu.memory_space<vmem_shared>>
    tpu.wait_dma2 semaphore(%arg11 : memref<!tpu.dma_semaphore, #tpu.memory_space<semaphore_mem>>) src(%dma_wait3A_1318 : memref<512xf32, #tpu.memory_space<vmem_shared>>) dst(%dma_wait3A_1317 : memref<512xf32, #tpu.memory_space<vmem>>)
    %dma_wait3A_1319 = arith.constant 28 : i32
    %dma_wait3A_1320 = arith.constant 0 : i32
    %dma_wait3A_1321 = tpu.memref_slice %arg9[%dma_wait3A_1319, %dma_wait3A_1320] : memref<32x512xf32, #tpu.memory_space<vmem>> -> memref<1x512xf32, #tpu.memory_space<vmem>>
    %dma_wait3A_1322 = tpu.memref_squeeze %dma_wait3A_1321 : memref<1x512xf32, #tpu.memory_space<vmem>> -> memref<512xf32, #tpu.memory_space<vmem>>
    %dma_wait3A_1323 = tpu.memref_slice %arg10[%add3A_1018] : memref<262144xf32, #tpu.memory_space<vmem_shared>> -> memref<512xf32, #tpu.memory_space<vmem_shared>>
    %dma_wait3A_1324 = arith.constant 0 : i32
    %dma_wait3A_1325 = tpu.memref_slice %arg9[%dma_wait3A_1319, %dma_wait3A_1324] : memref<32x512xf32, #tpu.memory_space<vmem>> -> memref<1x512xf32, #tpu.memory_space<vmem>>
    %dma_wait3A_1326 = tpu.memref_squeeze %dma_wait3A_1325 : memref<1x512xf32, #tpu.memory_space<vmem>> -> memref<512xf32, #tpu.memory_space<vmem>>
    %dma_wait3A_1327 = tpu.memref_slice %arg10[%add3A_1018] : memref<262144xf32, #tpu.memory_space<vmem_shared>> -> memref<512xf32, #tpu.memory_space<vmem_shared>>
    tpu.wait_dma2 semaphore(%arg11 : memref<!tpu.dma_semaphore, #tpu.memory_space<semaphore_mem>>) src(%dma_wait3A_1327 : memref<512xf32, #tpu.memory_space<vmem_shared>>) dst(%dma_wait3A_1326 : memref<512xf32, #tpu.memory_space<vmem>>)
    %dma_wait3A_1328 = arith.constant 29 : i32
    %dma_wait3A_1329 = arith.constant 0 : i32
    %dma_wait3A_1330 = tpu.memref_slice %arg9[%dma_wait3A_1328, %dma_wait3A_1329] : memref<32x512xf32, #tpu.memory_space<vmem>> -> memref<1x512xf32, #tpu.memory_space<vmem>>
    %dma_wait3A_1331 = tpu.memref_squeeze %dma_wait3A_1330 : memref<1x512xf32, #tpu.memory_space<vmem>> -> memref<512xf32, #tpu.memory_space<vmem>>
    %dma_wait3A_1332 = tpu.memref_slice %arg10[%add3A_1031] : memref<262144xf32, #tpu.memory_space<vmem_shared>> -> memref<512xf32, #tpu.memory_space<vmem_shared>>
    %dma_wait3A_1333 = arith.constant 0 : i32
    %dma_wait3A_1334 = tpu.memref_slice %arg9[%dma_wait3A_1328, %dma_wait3A_1333] : memref<32x512xf32, #tpu.memory_space<vmem>> -> memref<1x512xf32, #tpu.memory_space<vmem>>
    %dma_wait3A_1335 = tpu.memref_squeeze %dma_wait3A_1334 : memref<1x512xf32, #tpu.memory_space<vmem>> -> memref<512xf32, #tpu.memory_space<vmem>>
    %dma_wait3A_1336 = tpu.memref_slice %arg10[%add3A_1031] : memref<262144xf32, #tpu.memory_space<vmem_shared>> -> memref<512xf32, #tpu.memory_space<vmem_shared>>
    tpu.wait_dma2 semaphore(%arg11 : memref<!tpu.dma_semaphore, #tpu.memory_space<semaphore_mem>>) src(%dma_wait3A_1336 : memref<512xf32, #tpu.memory_space<vmem_shared>>) dst(%dma_wait3A_1335 : memref<512xf32, #tpu.memory_space<vmem>>)
    %dma_wait3A_1337 = arith.constant 30 : i32
    %dma_wait3A_1338 = arith.constant 0 : i32
    %dma_wait3A_1339 = tpu.memref_slice %arg9[%dma_wait3A_1337, %dma_wait3A_1338] : memref<32x512xf32, #tpu.memory_space<vmem>> -> memref<1x512xf32, #tpu.memory_space<vmem>>
    %dma_wait3A_1340 = tpu.memref_squeeze %dma_wait3A_1339 : memref<1x512xf32, #tpu.memory_space<vmem>> -> memref<512xf32, #tpu.memory_space<vmem>>
    %dma_wait3A_1341 = tpu.memref_slice %arg10[%add3A_1044] : memref<262144xf32, #tpu.memory_space<vmem_shared>> -> memref<512xf32, #tpu.memory_space<vmem_shared>>
    %dma_wait3A_1342 = arith.constant 0 : i32
    %dma_wait3A_1343 = tpu.memref_slice %arg9[%dma_wait3A_1337, %dma_wait3A_1342] : memref<32x512xf32, #tpu.memory_space<vmem>> -> memref<1x512xf32, #tpu.memory_space<vmem>>
    %dma_wait3A_1344 = tpu.memref_squeeze %dma_wait3A_1343 : memref<1x512xf32, #tpu.memory_space<vmem>> -> memref<512xf32, #tpu.memory_space<vmem>>
    %dma_wait3A_1345 = tpu.memref_slice %arg10[%add3A_1044] : memref<262144xf32, #tpu.memory_space<vmem_shared>> -> memref<512xf32, #tpu.memory_space<vmem_shared>>
    tpu.wait_dma2 semaphore(%arg11 : memref<!tpu.dma_semaphore, #tpu.memory_space<semaphore_mem>>) src(%dma_wait3A_1345 : memref<512xf32, #tpu.memory_space<vmem_shared>>) dst(%dma_wait3A_1344 : memref<512xf32, #tpu.memory_space<vmem>>)
    %dma_wait3A_1346 = arith.constant 31 : i32
    %dma_wait3A_1347 = arith.constant 0 : i32
    %dma_wait3A_1348 = tpu.memref_slice %arg9[%dma_wait3A_1346, %dma_wait3A_1347] : memref<32x512xf32, #tpu.memory_space<vmem>> -> memref<1x512xf32, #tpu.memory_space<vmem>>
    %dma_wait3A_1349 = tpu.memref_squeeze %dma_wait3A_1348 : memref<1x512xf32, #tpu.memory_space<vmem>> -> memref<512xf32, #tpu.memory_space<vmem>>
    %dma_wait3A_1350 = tpu.memref_slice %arg10[%add3A_1057] : memref<262144xf32, #tpu.memory_space<vmem_shared>> -> memref<512xf32, #tpu.memory_space<vmem_shared>>
    %dma_wait3A_1351 = arith.constant 0 : i32
    %dma_wait3A_1352 = tpu.memref_slice %arg9[%dma_wait3A_1346, %dma_wait3A_1351] : memref<32x512xf32, #tpu.memory_space<vmem>> -> memref<1x512xf32, #tpu.memory_space<vmem>>
    %dma_wait3A_1353 = tpu.memref_squeeze %dma_wait3A_1352 : memref<1x512xf32, #tpu.memory_space<vmem>> -> memref<512xf32, #tpu.memory_space<vmem>>
    %dma_wait3A_1354 = tpu.memref_slice %arg10[%add3A_1057] : memref<262144xf32, #tpu.memory_space<vmem_shared>> -> memref<512xf32, #tpu.memory_space<vmem_shared>>
    tpu.wait_dma2 semaphore(%arg11 : memref<!tpu.dma_semaphore, #tpu.memory_space<semaphore_mem>>) src(%dma_wait3A_1354 : memref<512xf32, #tpu.memory_space<vmem_shared>>) dst(%dma_wait3A_1353 : memref<512xf32, #tpu.memory_space<vmem>>)
    %mul3A_1355 = arith.constant 32 : i32
    %mul3A_1356 = arith.muli %arg1, %mul3A_1355 : i32
    "tpu.region"() ({
      %run_scoped3A_1357 = tpu.sem_alloc : memref<!tpu.dma_semaphore, #tpu.memory_space<semaphore_mem>>
      %dma_start3A_1358 = arith.constant 0 : i32
      %dma_start3A_1359 = tpu.memref_slice %arg3[%arg0, %mul3A_1356, %dma_start3A_1358] : memref<2x512x512xf32, #tpu.memory_space<hbm>> -> memref<1x32x512xf32, #tpu.memory_space<hbm>>
      %dma_start3A_1360 = tpu.memref_squeeze %dma_start3A_1359 : memref<1x32x512xf32, #tpu.memory_space<hbm>> -> memref<32x512xf32, #tpu.memory_space<hbm>>
      %dma_start3A_1361 = arith.constant 0 : i32
      %dma_start3A_1362 = tpu.memref_slice %arg3[%arg0, %mul3A_1356, %dma_start3A_1361] : memref<2x512x512xf32, #tpu.memory_space<hbm>> -> memref<1x32x512xf32, #tpu.memory_space<hbm>>
      %dma_start3A_1363 = tpu.memref_squeeze %dma_start3A_1362 : memref<1x32x512xf32, #tpu.memory_space<hbm>> -> memref<32x512xf32, #tpu.memory_space<hbm>>
      tpu.enqueue_dma source(%arg9 : memref<32x512xf32, #tpu.memory_space<vmem>>) target(%dma_start3A_1363 : memref<32x512xf32, #tpu.memory_space<hbm>>) target_semaphore(%run_scoped3A_1357 : memref<!tpu.dma_semaphore, #tpu.memory_space<semaphore_mem>>)
      %dma_wait3A_1364 = arith.constant 0 : i32
      %dma_wait3A_1365 = tpu.memref_slice %arg3[%arg0, %mul3A_1356, %dma_wait3A_1364] : memref<2x512x512xf32, #tpu.memory_space<hbm>> -> memref<1x32x512xf32, #tpu.memory_space<hbm>>
      %dma_wait3A_1366 = tpu.memref_squeeze %dma_wait3A_1365 : memref<1x32x512xf32, #tpu.memory_space<hbm>> -> memref<32x512xf32, #tpu.memory_space<hbm>>
      %dma_wait3A_1367 = arith.constant 0 : i32
      %dma_wait3A_1368 = tpu.memref_slice %arg3[%arg0, %mul3A_1356, %dma_wait3A_1367] : memref<2x512x512xf32, #tpu.memory_space<hbm>> -> memref<1x32x512xf32, #tpu.memory_space<hbm>>
      %dma_wait3A_1369 = tpu.memref_squeeze %dma_wait3A_1368 : memref<1x32x512xf32, #tpu.memory_space<hbm>> -> memref<32x512xf32, #tpu.memory_space<hbm>>
      tpu.wait_dma2 semaphore(%run_scoped3A_1357 : memref<!tpu.dma_semaphore, #tpu.memory_space<semaphore_mem>>) src(%arg9 : memref<32x512xf32, #tpu.memory_space<vmem>>) dst(%dma_wait3A_1369 : memref<32x512xf32, #tpu.memory_space<hbm>>)
      tpu.yield
    }) : () -> ()
    return
  }
}

module attributes {stable_mosaic.version = 14 : i64} {
  func.func @body(%arg0: i32, %arg1: memref<2x512x512xf32, #tpu.memory_space<vmem>>, %arg2: memref<512x128xf32, #tpu.memory_space<vmem>>, %arg3: memref<128x256xf32, #tpu.memory_space<vmem>>, %arg4: memref<1x256xf32, #tpu.memory_space<vmem>>, %arg5: memref<1x256xf32, #tpu.memory_space<vmem>>, %arg6: memref<1x256xf32, #tpu.memory_space<vmem>>, %arg7: memref<256x256xf32, #tpu.memory_space<vmem>>, %arg8: memref<1x256xf32, #tpu.memory_space<vmem>>, %arg9: memref<1x256xf32, #tpu.memory_space<vmem>>, %arg10: memref<1x256xf32, #tpu.memory_space<vmem>>, %arg11: memref<256x64xf32, #tpu.memory_space<vmem>>, %arg12: memref<1x64xf32, #tpu.memory_space<vmem>>, %arg13: memref<256x64xf32, #tpu.memory_space<vmem>>, %arg14: memref<1x64xf32, #tpu.memory_space<vmem>>, %arg15: memref<64x256xf32, #tpu.memory_space<vmem>>, %arg16: memref<1x256xf32, #tpu.memory_space<vmem>>, %arg17: memref<1x64xf32, #tpu.memory_space<vmem>>, %arg18: memref<64x12288xf32, #tpu.memory_space<vmem>>, %arg19: memref<64x12288xf32, #tpu.memory_space<vmem>>, %arg20: memref<64x12288xf32, #tpu.memory_space<vmem>>, %arg21: memref<64x12288xf32, #tpu.memory_space<vmem>>, %arg22: memref<12288xf32, #tpu.memory_space<vmem>>, %arg23: memref<12288xf32, #tpu.memory_space<vmem>>, %arg24: memref<1x256xf32, #tpu.memory_space<vmem>>) attributes {dimension_semantics = [#tpu.dimension_semantics<arbitrary>], iteration_bounds = array<i64: 11>, scalar_prefetch = 0 : i64, scratch_operands = 1 : i64, tpu.core_type = #tpu.core_type<tc>, window_params = [{pipeline_mode = #tpu.pipeline_mode<synchronous>, transform_indices = @transform_0, window_bounds = array<i64: 2, 512, 512>}, {pipeline_mode = #tpu.pipeline_mode<synchronous>, transform_indices = @transform_1, window_bounds = array<i64: 512, 128>}, {pipeline_mode = #tpu.pipeline_mode<synchronous>, transform_indices = @transform_2, window_bounds = array<i64: 128, 256>}, {pipeline_mode = #tpu.pipeline_mode<synchronous>, transform_indices = @transform_3, window_bounds = array<i64: 1, 256>}, {pipeline_mode = #tpu.pipeline_mode<synchronous>, transform_indices = @transform_4, window_bounds = array<i64: 1, 256>}, {pipeline_mode = #tpu.pipeline_mode<synchronous>, transform_indices = @transform_5, window_bounds = array<i64: 1, 256>}, {pipeline_mode = #tpu.pipeline_mode<synchronous>, transform_indices = @transform_6, window_bounds = array<i64: 256, 256>}, {pipeline_mode = #tpu.pipeline_mode<synchronous>, transform_indices = @transform_7, window_bounds = array<i64: 1, 256>}, {pipeline_mode = #tpu.pipeline_mode<synchronous>, transform_indices = @transform_8, window_bounds = array<i64: 1, 256>}, {pipeline_mode = #tpu.pipeline_mode<synchronous>, transform_indices = @transform_9, window_bounds = array<i64: 1, 256>}, {pipeline_mode = #tpu.pipeline_mode<synchronous>, transform_indices = @transform_10, window_bounds = array<i64: 256, 64>}, {pipeline_mode = #tpu.pipeline_mode<synchronous>, transform_indices = @transform_11, window_bounds = array<i64: 1, 64>}, {pipeline_mode = #tpu.pipeline_mode<synchronous>, transform_indices = @transform_12, window_bounds = array<i64: 256, 64>}, {pipeline_mode = #tpu.pipeline_mode<synchronous>, transform_indices = @transform_13, window_bounds = array<i64: 1, 64>}, {pipeline_mode = #tpu.pipeline_mode<synchronous>, transform_indices = @transform_14, window_bounds = array<i64: 64, 256>}, {pipeline_mode = #tpu.pipeline_mode<synchronous>, transform_indices = @transform_15, window_bounds = array<i64: 1, 256>}, {pipeline_mode = #tpu.pipeline_mode<synchronous>, transform_indices = @transform_16, window_bounds = array<i64: 1, 64>}, {transform_indices = @transform_17, window_bounds = array<i64: 64, 12288>}, {transform_indices = @transform_18, window_bounds = array<i64: 64, 12288>}, {transform_indices = @transform_19, window_bounds = array<i64: 64, 12288>}, {transform_indices = @transform_20, window_bounds = array<i64: 64, 12288>}, {transform_indices = @transform_21, window_bounds = array<i64: 12288>}, {transform_indices = @transform_22, window_bounds = array<i64: 12288>}]} {
    %eq3A = arith.constant 0 : i32
    %eq3A_0 = arith.cmpi eq, %arg0, %eq3A : i32
    %convert_element_type3A = arith.extui %eq3A_0 : i1 to i32
    %cond3A = arith.constant 0 : i32
    %cond3A_1 = arith.cmpi ne, %convert_element_type3A, %cond3A : i32
    scf.if %cond3A_1 {
      %get3A_38 = arith.constant 0 : index
      %get3A_39 = arith.constant 0 : index
      %get3A_40 = arith.constant 0 : index
      %get3A_41 = vector.load %arg1[%get3A_38, %get3A_39, %get3A_40] : memref<2x512x512xf32, #tpu.memory_space<vmem>>, vector<1x512x512xf32>
      %get3A_42 = vector.shape_cast %get3A_41 : vector<1x512x512xf32> to vector<512x512xf32>
      %get3A_43 = arith.constant 1 : index
      %get3A_44 = arith.constant 0 : index
      %get3A_45 = arith.constant 0 : index
      %get3A_46 = vector.load %arg1[%get3A_43, %get3A_44, %get3A_45] : memref<2x512x512xf32, #tpu.memory_space<vmem>>, vector<1x512x512xf32>
      %get3A_47 = vector.shape_cast %get3A_46 : vector<1x512x512xf32> to vector<512x512xf32>
      %add3A_48 = arith.addf %get3A_42, %get3A_47 : vector<512x512xf32>
      %reduce_sum3A = arith.constant dense<0.000000e+00> : vector<512xf32>
      %reduce_sum3A_49 = vector.multi_reduction <add>, %add3A_48, %reduce_sum3A [1] : vector<512x512xf32> to vector<512xf32>
      %broadcast_in_dim3A_50 = vector.shape_cast %reduce_sum3A_49 : vector<512xf32> to vector<512x1xf32>
      %add3A_51 = arith.constant 1.000000e+00 : f32
      %add3A_52 = vector.broadcast %add3A_51 : f32 to vector<512x1xf32>
      %add3A_53 = arith.addf %broadcast_in_dim3A_50, %add3A_52 : vector<512x1xf32>
      %rsqrt3A = math.rsqrt %add3A_53 : vector<512x1xf32>
      %get3A_54 = arith.constant 0 : index
      %get3A_55 = arith.constant 0 : index
      %get3A_56 = vector.load %arg2[%get3A_54, %get3A_55] : memref<512x128xf32, #tpu.memory_space<vmem>>, vector<512x128xf32>
      %get3A_57 = arith.constant 0 : index
      %get3A_58 = arith.constant 0 : index
      %get3A_59 = vector.load %arg3[%get3A_57, %get3A_58] : memref<128x256xf32, #tpu.memory_space<vmem>>, vector<128x256xf32>
      %get3A_60 = arith.constant 0 : index
      %get3A_61 = arith.constant 0 : index
      %get3A_62 = vector.load %arg4[%get3A_60, %get3A_61] : memref<1x256xf32, #tpu.memory_space<vmem>>, vector<1x256xf32>
      %get3A_63 = arith.constant 0 : index
      %get3A_64 = arith.constant 0 : index
      %get3A_65 = vector.load %arg5[%get3A_63, %get3A_64] : memref<1x256xf32, #tpu.memory_space<vmem>>, vector<1x256xf32>
      %get3A_66 = arith.constant 0 : index
      %get3A_67 = arith.constant 0 : index
      %get3A_68 = vector.load %arg6[%get3A_66, %get3A_67] : memref<1x256xf32, #tpu.memory_space<vmem>>, vector<1x256xf32>
      %dot_general3A_69 = arith.constant dense<0.000000e+00> : vector<512x256xf32>
      %dot_general3A_70 = tpu.matmul %get3A_56, %get3A_59, %dot_general3A_69 {dimension_numbers = #tpu.dot_dimension_numbers<[1], [0], [0], [1], [0, 0, 1, 1], [], []>, transpose_lhs_hint = false} : vector<512x128xf32>, vector<128x256xf32>, vector<512x256xf32> -> vector<512x256xf32>
      %mul3A = vector.broadcast %rsqrt3A : vector<512x1xf32> to vector<512x256xf32>
      %mul3A_71 = arith.mulf %dot_general3A_70, %mul3A : vector<512x256xf32>
      %dot_general3A_72 = arith.constant dense<0.000000e+00> : vector<512x256xf32>
      %dot_general3A_73 = tpu.matmul %add3A_48, %mul3A_71, %dot_general3A_72 {dimension_numbers = #tpu.dot_dimension_numbers<[1], [0], [0], [1], [0, 0, 1, 1], [], []>, transpose_lhs_hint = false} : vector<512x512xf32>, vector<512x256xf32>, vector<512x256xf32> -> vector<512x256xf32>
      %add3A_74 = arith.addf %dot_general3A_73, %mul3A_71 : vector<512x256xf32>
      %mul3A_75 = vector.broadcast %rsqrt3A : vector<512x1xf32> to vector<512x256xf32>
      %mul3A_76 = arith.mulf %add3A_74, %mul3A_75 : vector<512x256xf32>
      %add3A_77 = vector.broadcast %get3A_62 : vector<1x256xf32> to vector<512x256xf32>
      %add3A_78 = arith.addf %mul3A_76, %add3A_77 : vector<512x256xf32>
      %reduce_sum3A_79 = arith.constant dense<0.000000e+00> : vector<256xf32>
      %reduce_sum3A_80 = vector.multi_reduction <add>, %add3A_78, %reduce_sum3A_79 [0] : vector<512x256xf32> to vector<256xf32>
      %broadcast_in_dim3A_81 = vector.shape_cast %reduce_sum3A_80 : vector<256xf32> to vector<1x256xf32>
      %mul3A_82 = arith.constant 0.001953125 : f32
      %mul3A_83 = vector.broadcast %mul3A_82 : f32 to vector<1x256xf32>
      %mul3A_84 = arith.mulf %broadcast_in_dim3A_81, %mul3A_83 : vector<1x256xf32>
      %sub3A = vector.broadcast %mul3A_84 : vector<1x256xf32> to vector<512x256xf32>
      %sub3A_85 = arith.subf %add3A_78, %sub3A : vector<512x256xf32>
      %integer_pow3A = arith.mulf %sub3A_85, %sub3A_85 : vector<512x256xf32>
      %reduce_sum3A_86 = arith.constant dense<0.000000e+00> : vector<256xf32>
      %reduce_sum3A_87 = vector.multi_reduction <add>, %integer_pow3A, %reduce_sum3A_86 [0] : vector<512x256xf32> to vector<256xf32>
      %broadcast_in_dim3A_88 = vector.shape_cast %reduce_sum3A_87 : vector<256xf32> to vector<1x256xf32>
      %mul3A_89 = arith.constant 0.001953125 : f32
      %mul3A_90 = vector.broadcast %mul3A_89 : f32 to vector<1x256xf32>
      %mul3A_91 = arith.mulf %broadcast_in_dim3A_88, %mul3A_90 : vector<1x256xf32>
      %sub3A_92 = vector.broadcast %mul3A_84 : vector<1x256xf32> to vector<512x256xf32>
      %sub3A_93 = arith.subf %add3A_78, %sub3A_92 : vector<512x256xf32>
      %add3A_94 = arith.constant 9.99999974E-6 : f32
      %add3A_95 = vector.broadcast %add3A_94 : f32 to vector<1x256xf32>
      %add3A_96 = arith.addf %mul3A_91, %add3A_95 : vector<1x256xf32>
      %rsqrt3A_97 = math.rsqrt %add3A_96 : vector<1x256xf32>
      %mul3A_98 = vector.broadcast %rsqrt3A_97 : vector<1x256xf32> to vector<512x256xf32>
      %mul3A_99 = arith.mulf %sub3A_93, %mul3A_98 : vector<512x256xf32>
      %mul3A_100 = vector.broadcast %get3A_65 : vector<1x256xf32> to vector<512x256xf32>
      %mul3A_101 = arith.mulf %mul3A_99, %mul3A_100 : vector<512x256xf32>
      %add3A_102 = vector.broadcast %get3A_68 : vector<1x256xf32> to vector<512x256xf32>
      %add3A_103 = arith.addf %mul3A_101, %add3A_102 : vector<512x256xf32>
      %max3A = arith.constant 0.000000e+00 : f32
      %max3A_104 = vector.broadcast %max3A : f32 to vector<512x256xf32>
      %max3A_105 = arith.maximumf %add3A_103, %max3A_104 : vector<512x256xf32>
      %get3A_106 = arith.constant 0 : index
      %get3A_107 = arith.constant 0 : index
      %get3A_108 = vector.load %arg7[%get3A_106, %get3A_107] : memref<256x256xf32, #tpu.memory_space<vmem>>, vector<256x256xf32>
      %get3A_109 = arith.constant 0 : index
      %get3A_110 = arith.constant 0 : index
      %get3A_111 = vector.load %arg8[%get3A_109, %get3A_110] : memref<1x256xf32, #tpu.memory_space<vmem>>, vector<1x256xf32>
      %get3A_112 = arith.constant 0 : index
      %get3A_113 = arith.constant 0 : index
      %get3A_114 = vector.load %arg9[%get3A_112, %get3A_113] : memref<1x256xf32, #tpu.memory_space<vmem>>, vector<1x256xf32>
      %get3A_115 = arith.constant 0 : index
      %get3A_116 = arith.constant 0 : index
      %get3A_117 = vector.load %arg10[%get3A_115, %get3A_116] : memref<1x256xf32, #tpu.memory_space<vmem>>, vector<1x256xf32>
      %dot_general3A_118 = arith.constant dense<0.000000e+00> : vector<512x256xf32>
      %dot_general3A_119 = tpu.matmul %max3A_105, %get3A_108, %dot_general3A_118 {dimension_numbers = #tpu.dot_dimension_numbers<[1], [0], [0], [1], [0, 0, 1, 1], [], []>, transpose_lhs_hint = false} : vector<512x256xf32>, vector<256x256xf32>, vector<512x256xf32> -> vector<512x256xf32>
      %mul3A_120 = vector.broadcast %rsqrt3A : vector<512x1xf32> to vector<512x256xf32>
      %mul3A_121 = arith.mulf %dot_general3A_119, %mul3A_120 : vector<512x256xf32>
      %dot_general3A_122 = arith.constant dense<0.000000e+00> : vector<512x256xf32>
      %dot_general3A_123 = tpu.matmul %add3A_48, %mul3A_121, %dot_general3A_122 {dimension_numbers = #tpu.dot_dimension_numbers<[1], [0], [0], [1], [0, 0, 1, 1], [], []>, transpose_lhs_hint = false} : vector<512x512xf32>, vector<512x256xf32>, vector<512x256xf32> -> vector<512x256xf32>
      %add3A_124 = arith.addf %dot_general3A_123, %mul3A_121 : vector<512x256xf32>
      %mul3A_125 = vector.broadcast %rsqrt3A : vector<512x1xf32> to vector<512x256xf32>
      %mul3A_126 = arith.mulf %add3A_124, %mul3A_125 : vector<512x256xf32>
      %add3A_127 = vector.broadcast %get3A_111 : vector<1x256xf32> to vector<512x256xf32>
      %add3A_128 = arith.addf %mul3A_126, %add3A_127 : vector<512x256xf32>
      %reduce_sum3A_129 = arith.constant dense<0.000000e+00> : vector<256xf32>
      %reduce_sum3A_130 = vector.multi_reduction <add>, %add3A_128, %reduce_sum3A_129 [0] : vector<512x256xf32> to vector<256xf32>
      %broadcast_in_dim3A_131 = vector.shape_cast %reduce_sum3A_130 : vector<256xf32> to vector<1x256xf32>
      %mul3A_132 = arith.constant 0.001953125 : f32
      %mul3A_133 = vector.broadcast %mul3A_132 : f32 to vector<1x256xf32>
      %mul3A_134 = arith.mulf %broadcast_in_dim3A_131, %mul3A_133 : vector<1x256xf32>
      %sub3A_135 = vector.broadcast %mul3A_134 : vector<1x256xf32> to vector<512x256xf32>
      %sub3A_136 = arith.subf %add3A_128, %sub3A_135 : vector<512x256xf32>
      %integer_pow3A_137 = arith.mulf %sub3A_136, %sub3A_136 : vector<512x256xf32>
      %reduce_sum3A_138 = arith.constant dense<0.000000e+00> : vector<256xf32>
      %reduce_sum3A_139 = vector.multi_reduction <add>, %integer_pow3A_137, %reduce_sum3A_138 [0] : vector<512x256xf32> to vector<256xf32>
      %broadcast_in_dim3A_140 = vector.shape_cast %reduce_sum3A_139 : vector<256xf32> to vector<1x256xf32>
      %mul3A_141 = arith.constant 0.001953125 : f32
      %mul3A_142 = vector.broadcast %mul3A_141 : f32 to vector<1x256xf32>
      %mul3A_143 = arith.mulf %broadcast_in_dim3A_140, %mul3A_142 : vector<1x256xf32>
      %sub3A_144 = vector.broadcast %mul3A_134 : vector<1x256xf32> to vector<512x256xf32>
      %sub3A_145 = arith.subf %add3A_128, %sub3A_144 : vector<512x256xf32>
      %add3A_146 = arith.constant 9.99999974E-6 : f32
      %add3A_147 = vector.broadcast %add3A_146 : f32 to vector<1x256xf32>
      %add3A_148 = arith.addf %mul3A_143, %add3A_147 : vector<1x256xf32>
      %rsqrt3A_149 = math.rsqrt %add3A_148 : vector<1x256xf32>
      %mul3A_150 = vector.broadcast %rsqrt3A_149 : vector<1x256xf32> to vector<512x256xf32>
      %mul3A_151 = arith.mulf %sub3A_145, %mul3A_150 : vector<512x256xf32>
      %mul3A_152 = vector.broadcast %get3A_114 : vector<1x256xf32> to vector<512x256xf32>
      %mul3A_153 = arith.mulf %mul3A_151, %mul3A_152 : vector<512x256xf32>
      %add3A_154 = vector.broadcast %get3A_117 : vector<1x256xf32> to vector<512x256xf32>
      %add3A_155 = arith.addf %mul3A_153, %add3A_154 : vector<512x256xf32>
      %max3A_156 = arith.constant 0.000000e+00 : f32
      %max3A_157 = vector.broadcast %max3A_156 : f32 to vector<512x256xf32>
      %max3A_158 = arith.maximumf %add3A_155, %max3A_157 : vector<512x256xf32>
      %reduce_sum3A_159 = arith.constant dense<0.000000e+00> : vector<256xf32>
      %reduce_sum3A_160 = vector.multi_reduction <add>, %max3A_158, %reduce_sum3A_159 [0] : vector<512x256xf32> to vector<256xf32>
      %broadcast_in_dim3A_161 = vector.shape_cast %reduce_sum3A_160 : vector<256xf32> to vector<1x256xf32>
      %mul3A_162 = arith.constant 0.001953125 : f32
      %mul3A_163 = vector.broadcast %mul3A_162 : f32 to vector<1x256xf32>
      %mul3A_164 = arith.mulf %broadcast_in_dim3A_161, %mul3A_163 : vector<1x256xf32>
      %get3A_165 = arith.constant 0 : index
      %get3A_166 = arith.constant 0 : index
      %get3A_167 = vector.load %arg11[%get3A_165, %get3A_166] : memref<256x64xf32, #tpu.memory_space<vmem>>, vector<256x64xf32>
      %dot_general3A_168 = arith.constant dense<0.000000e+00> : vector<1x64xf32>
      %dot_general3A_169 = tpu.matmul %mul3A_164, %get3A_167, %dot_general3A_168 {dimension_numbers = #tpu.dot_dimension_numbers<[1], [0], [0], [1], [0, 0, 1, 1], [], []>, transpose_lhs_hint = false} : vector<1x256xf32>, vector<256x64xf32>, vector<1x64xf32> -> vector<1x64xf32>
      %get3A_170 = arith.constant 0 : index
      %get3A_171 = arith.constant 0 : index
      %get3A_172 = vector.load %arg12[%get3A_170, %get3A_171] : memref<1x64xf32, #tpu.memory_space<vmem>>, vector<1x64xf32>
      %add3A_173 = arith.addf %dot_general3A_169, %get3A_172 : vector<1x64xf32>
      %get3A_174 = arith.constant 0 : index
      %get3A_175 = arith.constant 0 : index
      %get3A_176 = vector.load %arg13[%get3A_174, %get3A_175] : memref<256x64xf32, #tpu.memory_space<vmem>>, vector<256x64xf32>
      %dot_general3A_177 = arith.constant dense<0.000000e+00> : vector<1x64xf32>
      %dot_general3A_178 = tpu.matmul %mul3A_164, %get3A_176, %dot_general3A_177 {dimension_numbers = #tpu.dot_dimension_numbers<[1], [0], [0], [1], [0, 0, 1, 1], [], []>, transpose_lhs_hint = false} : vector<1x256xf32>, vector<256x64xf32>, vector<1x64xf32> -> vector<1x64xf32>
      %get3A_179 = arith.constant 0 : index
      %get3A_180 = arith.constant 0 : index
      %get3A_181 = vector.load %arg14[%get3A_179, %get3A_180] : memref<1x64xf32, #tpu.memory_space<vmem>>, vector<1x64xf32>
      %add3A_182 = arith.addf %dot_general3A_178, %get3A_181 : vector<1x64xf32>
      %get3A_183 = arith.constant 0 : index
      %get3A_184 = arith.constant 0 : index
      %get3A_185 = vector.load %arg17[%get3A_183, %get3A_184] : memref<1x64xf32, #tpu.memory_space<vmem>>, vector<1x64xf32>
      %mul3A_186 = arith.constant 5.000000e-01 : f32
      %mul3A_187 = vector.broadcast %mul3A_186 : f32 to vector<1x64xf32>
      %mul3A_188 = arith.mulf %mul3A_187, %add3A_182 : vector<1x64xf32>
      %exp3A = math.exp %mul3A_188 : vector<1x64xf32>
      %mul3A_189 = arith.mulf %get3A_185, %exp3A : vector<1x64xf32>
      %add3A_190 = arith.addf %add3A_173, %mul3A_189 : vector<1x64xf32>
      %get3A_191 = arith.constant 0 : index
      %get3A_192 = arith.constant 0 : index
      %get3A_193 = vector.load %arg15[%get3A_191, %get3A_192] : memref<64x256xf32, #tpu.memory_space<vmem>>, vector<64x256xf32>
      %dot_general3A_194 = arith.constant dense<0.000000e+00> : vector<1x256xf32>
      %dot_general3A_195 = tpu.matmul %add3A_190, %get3A_193, %dot_general3A_194 {dimension_numbers = #tpu.dot_dimension_numbers<[1], [0], [0], [1], [0, 0, 1, 1], [], []>, transpose_lhs_hint = false} : vector<1x64xf32>, vector<64x256xf32>, vector<1x256xf32> -> vector<1x256xf32>
      %get3A_196 = arith.constant 0 : index
      %get3A_197 = arith.constant 0 : index
      %get3A_198 = vector.load %arg16[%get3A_196, %get3A_197] : memref<1x256xf32, #tpu.memory_space<vmem>>, vector<1x256xf32>
      %add3A_199 = arith.addf %dot_general3A_195, %get3A_198 : vector<1x256xf32>
      %max3A_200 = arith.constant 0.000000e+00 : f32
      %max3A_201 = vector.broadcast %max3A_200 : f32 to vector<1x256xf32>
      %max3A_202 = arith.maximumf %add3A_199, %max3A_201 : vector<1x256xf32>
      %swap3A_203 = arith.constant 0 : index
      %swap3A_204 = arith.constant 0 : index
      %swap3A_205 = vector.load %arg24[%swap3A_203, %swap3A_204] : memref<1x256xf32, #tpu.memory_space<vmem>>, vector<1x256xf32>
      tpu.vector_store %arg24[%swap3A_203, %swap3A_204], %max3A_202 {strides = array<i32>} : memref<1x256xf32, #tpu.memory_space<vmem>>, vector<1x256xf32>,
    } else {
    }
    %get3A = arith.constant 0 : index
    %get3A_2 = vector.load %arg22[%get3A] : memref<12288xf32, #tpu.memory_space<vmem>>, vector<12288xf32>
    %broadcast_in_dim3A = vector.shape_cast %get3A_2 : vector<12288xf32> to vector<1x12288xf32>
    %get3A_3 = arith.constant 0 : index
    %get3A_4 = arith.constant 0 : index
    %get3A_5 = vector.load %arg24[%get3A_3, %get3A_4] : memref<1x256xf32, #tpu.memory_space<vmem>>, vector<1x64xf32>
    %get3A_6 = arith.constant 0 : index
    %get3A_7 = arith.constant 0 : index
    %get3A_8 = vector.load %arg18[%get3A_6, %get3A_7] : memref<64x12288xf32, #tpu.memory_space<vmem>>, vector<64x12288xf32>
    %dot_general3A = arith.constant dense<0.000000e+00> : vector<1x12288xf32>
    %dot_general3A_9 = tpu.matmul %get3A_5, %get3A_8, %dot_general3A {dimension_numbers = #tpu.dot_dimension_numbers<[1], [0], [0], [1], [0, 0, 1, 1], [], []>, transpose_lhs_hint = false} : vector<1x64xf32>, vector<64x12288xf32>, vector<1x12288xf32> -> vector<1x12288xf32>
    %add3A = arith.addf %broadcast_in_dim3A, %dot_general3A_9 : vector<1x12288xf32>
    %get3A_10 = arith.constant 0 : index
    %get3A_11 = arith.constant 64 : index
    %get3A_12 = vector.load %arg24[%get3A_10, %get3A_11] : memref<1x256xf32, #tpu.memory_space<vmem>>, vector<1x64xf32>
    %get3A_13 = arith.constant 0 : index
    %get3A_14 = arith.constant 0 : index
    %get3A_15 = vector.load %arg19[%get3A_13, %get3A_14] : memref<64x12288xf32, #tpu.memory_space<vmem>>, vector<64x12288xf32>
    %dot_general3A_16 = arith.constant dense<0.000000e+00> : vector<1x12288xf32>
    %dot_general3A_17 = tpu.matmul %get3A_12, %get3A_15, %dot_general3A_16 {dimension_numbers = #tpu.dot_dimension_numbers<[1], [0], [0], [1], [0, 0, 1, 1], [], []>, transpose_lhs_hint = false} : vector<1x64xf32>, vector<64x12288xf32>, vector<1x12288xf32> -> vector<1x12288xf32>
    %add3A_18 = arith.addf %add3A, %dot_general3A_17 : vector<1x12288xf32>
    %get3A_19 = arith.constant 0 : index
    %get3A_20 = arith.constant 128 : index
    %get3A_21 = vector.load %arg24[%get3A_19, %get3A_20] : memref<1x256xf32, #tpu.memory_space<vmem>>, vector<1x64xf32>
    %get3A_22 = arith.constant 0 : index
    %get3A_23 = arith.constant 0 : index
    %get3A_24 = vector.load %arg20[%get3A_22, %get3A_23] : memref<64x12288xf32, #tpu.memory_space<vmem>>, vector<64x12288xf32>
    %dot_general3A_25 = arith.constant dense<0.000000e+00> : vector<1x12288xf32>
    %dot_general3A_26 = tpu.matmul %get3A_21, %get3A_24, %dot_general3A_25 {dimension_numbers = #tpu.dot_dimension_numbers<[1], [0], [0], [1], [0, 0, 1, 1], [], []>, transpose_lhs_hint = false} : vector<1x64xf32>, vector<64x12288xf32>, vector<1x12288xf32> -> vector<1x12288xf32>
    %add3A_27 = arith.addf %add3A_18, %dot_general3A_26 : vector<1x12288xf32>
    %get3A_28 = arith.constant 0 : index
    %get3A_29 = arith.constant 192 : index
    %get3A_30 = vector.load %arg24[%get3A_28, %get3A_29] : memref<1x256xf32, #tpu.memory_space<vmem>>, vector<1x64xf32>
    %get3A_31 = arith.constant 0 : index
    %get3A_32 = arith.constant 0 : index
    %get3A_33 = vector.load %arg21[%get3A_31, %get3A_32] : memref<64x12288xf32, #tpu.memory_space<vmem>>, vector<64x12288xf32>
    %dot_general3A_34 = arith.constant dense<0.000000e+00> : vector<1x12288xf32>
    %dot_general3A_35 = tpu.matmul %get3A_30, %get3A_33, %dot_general3A_34 {dimension_numbers = #tpu.dot_dimension_numbers<[1], [0], [0], [1], [0, 0, 1, 1], [], []>, transpose_lhs_hint = false} : vector<1x64xf32>, vector<64x12288xf32>, vector<1x12288xf32> -> vector<1x12288xf32>
    %add3A_36 = arith.addf %add3A_27, %dot_general3A_35 : vector<1x12288xf32>
    %tanh3A = math.tanh %add3A_36 : vector<1x12288xf32>
    %reshape3A = vector.shape_cast %tanh3A : vector<1x12288xf32> to vector<12288xf32>
    %swap3A = arith.constant 0 : index
    %swap3A_37 = vector.load %arg23[%swap3A] : memref<12288xf32, #tpu.memory_space<vmem>>, vector<12288xf32>
    tpu.vector_store %arg23[%swap3A], %reshape3A {strides = array<i32>} : memref<12288xf32, #tpu.memory_space<vmem>>, vector<12288xf32>,
    return
  }
  func.func @transform_0(%arg0: i32) -> (i32, i32, i32) {
    %c0_i32 = arith.constant 0 : i32
    %c0_i32_0 = arith.constant 0 : i32
    %c0_i32_1 = arith.constant 0 : i32
    %c0_i32_2 = arith.constant 0 : i32
    return %c0_i32, %c0_i32_0, %c0_i32_1 : i32, i32, i32
  }
  func.func @transform_1(%arg0: i32) -> (i32, i32) {
    %c0_i32 = arith.constant 0 : i32
    %c0_i32_0 = arith.constant 0 : i32
    %c0_i32_1 = arith.constant 0 : i32
    return %c0_i32, %c0_i32_0 : i32, i32
  }
  func.func @transform_2(%arg0: i32) -> (i32, i32) {
    %c0_i32 = arith.constant 0 : i32
    %c0_i32_0 = arith.constant 0 : i32
    %c0_i32_1 = arith.constant 0 : i32
    return %c0_i32, %c0_i32_0 : i32, i32
  }
  func.func @transform_3(%arg0: i32) -> (i32, i32) {
    %c0_i32 = arith.constant 0 : i32
    %c0_i32_0 = arith.constant 0 : i32
    %c0_i32_1 = arith.constant 0 : i32
    return %c0_i32, %c0_i32_0 : i32, i32
  }
  func.func @transform_4(%arg0: i32) -> (i32, i32) {
    %c0_i32 = arith.constant 0 : i32
    %c0_i32_0 = arith.constant 0 : i32
    %c0_i32_1 = arith.constant 0 : i32
    return %c0_i32, %c0_i32_0 : i32, i32
  }
  func.func @transform_5(%arg0: i32) -> (i32, i32) {
    %c0_i32 = arith.constant 0 : i32
    %c0_i32_0 = arith.constant 0 : i32
    %c0_i32_1 = arith.constant 0 : i32
    return %c0_i32, %c0_i32_0 : i32, i32
  }
  func.func @transform_6(%arg0: i32) -> (i32, i32) {
    %c0_i32 = arith.constant 0 : i32
    %c0_i32_0 = arith.constant 0 : i32
    %c0_i32_1 = arith.constant 0 : i32
    return %c0_i32, %c0_i32_0 : i32, i32
  }
  func.func @transform_7(%arg0: i32) -> (i32, i32) {
    %c0_i32 = arith.constant 0 : i32
    %c0_i32_0 = arith.constant 0 : i32
    %c0_i32_1 = arith.constant 0 : i32
    return %c0_i32, %c0_i32_0 : i32, i32
  }
  func.func @transform_8(%arg0: i32) -> (i32, i32) {
    %c0_i32 = arith.constant 0 : i32
    %c0_i32_0 = arith.constant 0 : i32
    %c0_i32_1 = arith.constant 0 : i32
    return %c0_i32, %c0_i32_0 : i32, i32
  }
  func.func @transform_9(%arg0: i32) -> (i32, i32) {
    %c0_i32 = arith.constant 0 : i32
    %c0_i32_0 = arith.constant 0 : i32
    %c0_i32_1 = arith.constant 0 : i32
    return %c0_i32, %c0_i32_0 : i32, i32
  }
  func.func @transform_10(%arg0: i32) -> (i32, i32) {
    %c0_i32 = arith.constant 0 : i32
    %c0_i32_0 = arith.constant 0 : i32
    %c0_i32_1 = arith.constant 0 : i32
    return %c0_i32, %c0_i32_0 : i32, i32
  }
  func.func @transform_11(%arg0: i32) -> (i32, i32) {
    %c0_i32 = arith.constant 0 : i32
    %c0_i32_0 = arith.constant 0 : i32
    %c0_i32_1 = arith.constant 0 : i32
    return %c0_i32, %c0_i32_0 : i32, i32
  }
  func.func @transform_12(%arg0: i32) -> (i32, i32) {
    %c0_i32 = arith.constant 0 : i32
    %c0_i32_0 = arith.constant 0 : i32
    %c0_i32_1 = arith.constant 0 : i32
    return %c0_i32, %c0_i32_0 : i32, i32
  }
  func.func @transform_13(%arg0: i32) -> (i32, i32) {
    %c0_i32 = arith.constant 0 : i32
    %c0_i32_0 = arith.constant 0 : i32
    %c0_i32_1 = arith.constant 0 : i32
    return %c0_i32, %c0_i32_0 : i32, i32
  }
  func.func @transform_14(%arg0: i32) -> (i32, i32) {
    %c0_i32 = arith.constant 0 : i32
    %c0_i32_0 = arith.constant 0 : i32
    %c0_i32_1 = arith.constant 0 : i32
    return %c0_i32, %c0_i32_0 : i32, i32
  }
  func.func @transform_15(%arg0: i32) -> (i32, i32) {
    %c0_i32 = arith.constant 0 : i32
    %c0_i32_0 = arith.constant 0 : i32
    %c0_i32_1 = arith.constant 0 : i32
    return %c0_i32, %c0_i32_0 : i32, i32
  }
  func.func @transform_16(%arg0: i32) -> (i32, i32) {
    %c0_i32 = arith.constant 0 : i32
    %c0_i32_0 = arith.constant 0 : i32
    %c0_i32_1 = arith.constant 0 : i32
    return %c0_i32, %c0_i32_0 : i32, i32
  }
  func.func @transform_17(%arg0: i32) -> (i32, i32) {
    %c0_i32 = arith.constant 0 : i32
    %c0_i32_0 = arith.constant 0 : i32
    return %c0_i32, %arg0 : i32, i32
  }
  func.func @transform_18(%arg0: i32) -> (i32, i32) {
    %c1_i32 = arith.constant 1 : i32
    %c0_i32 = arith.constant 0 : i32
    return %c1_i32, %arg0 : i32, i32
  }
  func.func @transform_19(%arg0: i32) -> (i32, i32) {
    %c2_i32 = arith.constant 2 : i32
    %c0_i32 = arith.constant 0 : i32
    return %c2_i32, %arg0 : i32, i32
  }
  func.func @transform_20(%arg0: i32) -> (i32, i32) {
    %c3_i32 = arith.constant 3 : i32
    %c0_i32 = arith.constant 0 : i32
    return %c3_i32, %arg0 : i32, i32
  }
  func.func @transform_21(%arg0: i32) -> i32 {
    %c0_i32 = arith.constant 0 : i32
    return %arg0 : i32
  }
  func.func @transform_22(%arg0: i32) -> i32 {
    %c0_i32 = arith.constant 0 : i32
    return %arg0 : i32
  }
}

</mosaic_0001>

<sc_bundles>
// kernel: kernel.5.cloned.1.call-start
scs
__scs_entry_jumppad:
0x0: {  	(pc) =	sbr.rel $0x88, $3  }
0x1: {  	(tag) =	ssettag $0x0;
	lr =	simm.s32 $0x1  }
0x2: {  	[smem:$0x3F8E] =	sst lr;
	_ =	strace $0xD0000000  }
0x3: {  	_ = 	snop  }
0x4: {  	_ = 	snop  }
0x5: {  	_ = 	snop  }
0x6: {  	_ = 	snop  }
0x7: {  	_ = 	snop  }
__scs_overlays_trampoline_lowered:
0x8: {  	[smem:$0x3F9D] =	sst s0  }
0x9: {  	[smem:$0x3F9E] =	sst s1  }
0xa: {  	[smem:$0x3F9F] =	sst s2  }
0xb: {  	[smem:$0x3FA0] =	sst s3  }
0xc: {  	[smem:$0x3FA1] =	sst s4  }
0xd: {  	[smem:$0x3FA2] =	sst s5  }
0xe: {  	[smem:$0x3FA3] =	sst s6  }
0xf: {  	[smem:$0x3FA4] =	sst s7  }
0x10: {  	[smem:$0x3FA5] =	sst s8  }
0x11: {  	[smem:$0x3FA6] =	sst s9;
	s0 =	simm.s32 @!p0 $0x0  }
0x12: {  	s1 =	sld [smem:$0x3F8C];
	s0 =	simm.s32 @p0 $0x1  }
0x13: {  	[smem:$0x3FA7] =	sst s0;
	s0 =	simm.s32 @!p1 $0x0  }
0x14: {  	s2 =	sld [smem:$0x3F8B];
	s0 =	simm.s32 @p1 $0x1  }
0x15: {  	[smem:$0x3FA8] =	sst s0;
	s0 =	simm.s32 @!p2 $0x0  }
0x16: {  	s3 =	sld [smem:$0x3FDB];
	s0 =	simm.s32 @p2 $0x1  }
0x17: {  	s4 =	simm.s32 $0x1BF5;
	[smem:$0x3FAA] =	sst s0  }
0x18: {  	s0 =	sld [smem:$0x3F8D];
	_ =	swait.ge [sflag:s4], $0x0  }
0x19: {  	s7 =	sld [smem:$0x3F8E]  }
0x1a: {  	s8 =	sadd.s32 $0xFFFFE003, lr  }
0x1b: {  	s9 =	sadd.s32 $0xFFFFFEF7, lr;
	s5 =	simm.s32 $0xFFFFFFFF;
	p2 =	slt.u32 s8, $0xFFFFF086  }
0x1c: {  	p1 =	slt.u32 s9, $0xF7A;
	s5 =	simm.s32 @!p2 $0x0  }
0x1d: {  	s5 =	simm.s32 @p1 $0x1;
	p0 =	seq.s32 s7, s2  }
0x1e: {  	s7 =	smul.u32 @!p0 $0xF7A, s2;
	p2 =	seq.s32 @!p0 s5, $0x0  }
0x1f: {  	s9 =	smul.u32 $0xF7A, s1;
	s8 =	simm.s32 @!p0 $0x1BF5;
	p2 =	por !p2, p0  }
0x20: {  	[sflag:s8] =	ssyncset.s32 @!p0 $0xFFFFF086;
	s6 =	sadd.s32 @!p0 s3, s7;
	s7 =	simm.s32 @!p0 $0x108  }
0x21: {  	s3 =	sadd.s32 s3, s9;
	s6 =	sadd.s32 @!p0 $0x88, s6;
	s7 =	simm.s32 @p2 $0x1082  }
0x22: {  	[simem:s7], [sflag:s8] =	dma.local @!p0 [hbm:s6], $0xF7A  }
0x23: {  	s9 =	sor.u32 $0xD0000000, s2;
	s6 =	simm.s32 $0x108;
	_ =	swait.ge @!p0 [sflag:s8], $0x0  }
0x24: {  	s3 =	sadd.s32 $0x88, s3;
	s6 =	simm.s32 @!p1 $0x1082;
	[sflag:s4] =	ssyncset.s32 $0xFFFFF086  }
0x25: {  	[simem:s6], [sflag:s4] =	dma.local [hbm:s3], $0xF7A  }
0x26: {  	[smem:$0x3F8E] =	sst s1;
	(tag) =	ssettag s2;
	_ =	strace s9  }
0x27: {  	s1 =	sld [smem:$0x3F9E]  }
0x28: {  	s2 =	sld [smem:$0x3F9F]  }
0x29: {  	s4 =	sld [smem:$0x3FA1]  }
0x2a: {  	p0 =	seq.s32 s5, $0x0;
	s5 =	sld [smem:$0x3FA2]  }
0x2b: {  	s6 =	sld [smem:$0x3FA3]  }
0x2c: {  	s7 =	sld [smem:$0x3FA4]  }
0x2d: {  	s3 =	simm.s32 $0x108;
	s8 =	sld [smem:$0x3FA5]  }
0x2e: {  	s3 =	simm.s32 @!p0 $0x1082;
	s9 =	sld [smem:$0x3FA6]  }
0x2f: {  	lr =	sadd.s32 s0, s3;
	s0 =	sld [smem:$0x3F9D]  }
0x30: {  	s3 =	sld [smem:$0x3FA0]  }
0x31: {  	[smem:$0x3FA9] =	sst s10  }
0x32: {  	s10 =	sld [smem:$0x3FA7];
	_ =	sdelay $0x3  }
0x33: {  	p0 =	seq.s32 s10, $0x1;
	s10 =	sld [smem:$0x3FA9];
	_ =	sdelay $0x3  }
0x34: {  	[smem:$0x3FA9] =	sst s10  }
0x35: {  	s10 =	sld [smem:$0x3FA8];
	_ =	sdelay $0x3  }
0x36: {  	p1 =	seq.s32 s10, $0x1;
	s10 =	sld [smem:$0x3FA9];
	_ =	sdelay $0x3  }
0x37: {  	[smem:$0x3FA9] =	sst s10  }
0x38: {  	s10 =	sld [smem:$0x3FAA]  }
0x39: {  	_ = 	snop;
	(pc) =	sbr.ind lr, $3  }
0x3a: {  	_ = 	snop  }
0x3b: {  	_ = 	snop  }
0x3c: {  	p2 =	seq.s32 s10, $0x1;
	s10 =	sld [smem:$0x3FA9]  }
0x3d: {  	_ =	shalt  }
0x3e: {  	_ =	shalt  }
0x3f: {  	_ =	shalt  }
0x40: {  	_ =	shalt  }
0x41: {  	_ =	shalt  }
0x42: {  	_ =	shalt  }
0x43: {  	_ =	shalt  }
0x44: {  	_ =	shalt  }
0x45: {  	_ =	shalt  }
0x46: {  	_ =	shalt  }
0x47: {  	_ =	shalt  }
0x48: {  	_ =	shalt  }
0x49: {  	_ =	shalt  }
0x4a: {  	_ =	shalt  }
0x4b: {  	_ =	shalt  }
0x4c: {  	_ =	shalt  }
0x4d: {  	_ =	shalt  }
0x4e: {  	_ =	shalt  }
0x4f: {  	_ =	shalt  }
0x50: {  	_ =	shalt  }
0x51: {  	_ =	shalt  }
0x52: {  	_ =	shalt  }
0x53: {  	_ =	shalt  }
0x54: {  	_ =	shalt  }
0x55: {  	_ =	shalt  }
0x56: {  	_ =	shalt  }
0x57: {  	_ =	shalt  }
0x58: {  	_ =	shalt  }
0x59: {  	_ =	shalt  }
0x5a: {  	_ =	shalt  }
0x5b: {  	_ =	shalt  }
0x5c: {  	_ =	shalt  }
0x5d: {  	_ =	shalt  }
0x5e: {  	_ =	shalt  }
0x5f: {  	_ =	shalt  }
0x60: {  	_ =	shalt  }
0x61: {  	_ =	shalt  }
0x62: {  	_ =	shalt  }
0x63: {  	_ =	shalt  }
0x64: {  	_ =	shalt  }
0x65: {  	_ =	shalt  }
0x66: {  	_ =	shalt  }
0x67: {  	_ =	shalt  }
0x68: {  	_ =	shalt  }
0x69: {  	_ =	shalt  }
0x6a: {  	_ =	shalt  }
0x6b: {  	_ =	shalt  }
0x6c: {  	_ =	shalt  }
0x6d: {  	_ =	shalt  }
0x6e: {  	_ =	shalt  }
0x6f: {  	_ =	shalt  }
0x70: {  	_ =	shalt  }
0x71: {  	_ =	shalt  }
0x72: {  	_ =	shalt  }
0x73: {  	_ =	shalt  }
0x74: {  	_ =	shalt  }
0x75: {  	_ =	shalt  }
0x76: {  	_ =	shalt  }
0x77: {  	_ =	shalt  }
0x78: {  	_ =	shalt  }
0x79: {  	_ =	shalt  }
0x7a: {  	_ =	shalt  }
0x7b: {  	_ =	shalt  }
0x7c: {  	_ =	shalt  }
0x7d: {  	_ =	shalt  }
0x7e: {  	_ =	shalt  }
0x7f: {  	_ =	shalt  }
0x80: {  	_ =	shalt  }
0x81: {  	_ =	shalt  }
0x82: {  	_ =	shalt  }
0x83: {  	_ =	shalt  }
0x84: {  	_ =	shalt  }
0x85: {  	_ =	shalt  }
0x86: {  	_ =	shalt  }
0x87: {  	_ =	shalt  }
.Lfunc_end0:
.L_simem_size_0:
called_computation_lowered:
.L_overlay_start_0:
0x88: {  	s2 =	sld [smem:$0x3FD9]  }
0x89: {  	s3 =	sld [smem:$0x3FFE];
	_ =	sdelay $0x1  }
0x8a: {  	s1 =	srdreg.scid  }
0x8b: {  	s0 =	sand.u32 $0x1, s1  }
0x8c: {  	s17 =	sshll.u32 s0, $0xA;
	s2 =	sadd.s32 s3, s2  }
0x8d: {  	s2 =	sadd.s32 s2, s17  }
0x8e: {  	[smem:$0x3FB5] =	sst s2  }
0x8f: {  	_ = 	snop  }
0x90: {  	s2 =	sld [smem:$0x3FC8];
	(tm) =	ssettm $0x1  }
0x91: {  	s18 =	sld [smem:$0x3FFB];
	_ =	sdelay $0x3  }
0x92: {  	_ =	strace s18  }
0x93: {  	s3 =	sld [smem:$0x3FFC];
	_ =	sdelay $0x3  }
0x94: {  	_ =	strace s3  }
0x95: {  	s3 =	sld [smem:$0x3FFD];
	_ =	sdelay $0x3  }
0x96: {  	_ =	strace s3  }
0x97: {  	_ =	strace $0x8FFFFFFF  }
0x98: {  	s19 =	sld [smem:$0x3FDB];
	_ =	sdelay $0x1  }
0x99: {  	s4 =	simm.s32 $_scs_section_size  }
0x9a: {  	s5 =	simm.s32 $_size__tile_overlayer_lowered;
	s6 =	simm.s32 $_tile_overlayer_lowered  }
0x9b: {  	s22 =	simm.s32 $0x1BFF;
	s21 =	sshll.u32 s6, $0x1;
	s3 =	sadd.s32 s4, s19  }
0x9c: {  	s7 =	simm.s32 $0x0;
	s20 =	sshll.u32 s5, $0x1;
	s5 =	sadd.s32 s21, s3  }
0x9d: {  	[timem:s7], [sflag:s22] =	dma.local [hbm:s5], s20  }
0x9e: {  	_ =	swait.ge [sflag:s22], s20  }
0x9f: {  	s4 =	ssub.s32 $0x0, s20;
	[sflag:s22] =	ssyncset.done $0x0  }
0xa0: {  	[sflag:s22] =	ssyncadd.s32 s4;
	_ =	sdelay $0x1  }
0xa1: {  	s23 =	simm.s32 $0x1B8B  }
0xa2: {  	_ =	swait.ge [sflag:s23], $0x1  }
0xa3: {  	[sflag:s23] =	ssyncset.done $0x0  }
0xa4: {  	s25 =	simm.s32 $0x1B8E;
	s24 =	sld [smem:$0x3FFE];
	[sflag:s23] =	ssyncadd.s32 $0xFFFFFFFF  }
0xa5: {  	s26 =	simm.s32 $execute0_lowered;
	[smem:$0x3FD2] =	sst s25  }
0xa6: {  	s5 =	sshll.u32 s26, $0x1;
	_ =	strace $0x80000046;
	[dreg:$0x1] =	wrdreg $0xFFFFFFFF  }
0xa7: {  	s28 =	simm.s32 $_size_execute0_lowered;
	s3 =	sadd.s32 s3, s5;
	[dreg:$0x0] =	wrdreg $0x0  }
0xa8: {  	s5 =	sshll.u32 s28, $0x1;
	[dreg:$0x2] =	wrdreg s3  }
0xa9: {  	[dreg:$0x3] =	wrdreg s5  }
0xaa: {  	[dreg:$0x4] =	wrdreg $0xC0  }
0xab: {  	_ =	task [dreg:s7], $0x5FFFF  }
0xac: {  	[dreg:$0x1] =	wrdreg $0xFFFFFFFF  }
0xad: {  	[dreg:$0x0] =	wrdreg $0x60  }
0xae: {  	[dreg:$0x2] =	wrdreg s2  }
0xaf: {  	[dreg:$0x3] =	wrdreg s24  }
0xb0: {  	[dreg:$0x4] =	wrdreg $0x4E800  }
0xb1: {  	[dreg:$0x5] =	wrdreg $0x9  }
0xb2: {  	_ =	task.clear_ibuf [dreg:s7], $0x6FFFF;
	_ =	strace $0x90000046  }
0xb3: {  	s29 =	simm.s32 $0x9;
	_ =	strace $0x80000048  }
0xb4: {  	_ =	swait.ge [sflag:s29], $0x1  }
0xb5: {  	[sflag:s29] =	ssyncadd.s32 $0xFFFFFFFF  }
0xb6: {  	_ =	strace $0x90000048  }
0xb7: {  	_ =	sfence  }
0xb8: {  	s30 =	sld [smem:$0x0];
	_ =	sdelay $0x2  }
0xb9: {  	s31 =	sshll.u32 s1, $0xD;
	s1 =	sshrl.u32 s1, $0x2  }
0xba: {  	s3 =	sand.u32 $0x4000, s31;
	s1 =	sadd.s32 s1, s30  }
0xbb: {  	s0 =	sor.u32 s3, s0;
	s1 =	sshll.u32 s1, $0x11  }
0xbc: {  	s0 =	sor.u32 s1, s0  }
0xbd: {  	s0 =	sadd.s32 $0x8F2B, s0  }
0xbe: {  	[sflag:s0] =	ssyncadd.remote.s32 $0x1  }
0xbf: {  	_ =	sfence.sel $0xFFFF  }
0xc0: {  	[dreg:$0x0] =	wrdreg $0xFFFFFFFF;
	(pc) =	sbr.abs _section_cstart, $3  }
0xc1: {  	[dreg:$0x1] =	wrdreg $0xFFFFFFFF  }
0xc2: {  	_ =	task.clear_ibuf [dreg:s7], $0x2FFFF;
	_ =	strace $0x9FFFFFFF  }
0xc3: {  	(tm) =	ssettm $0x7FFFFFFF  }
tec
execute0_lowered:
.L_overlay_start_1:
0x0: {  	(tag) =	ssettag $0x1  }
0x1: {  	s0 =	rddreg [dreg:$0x0]  }
0x2: {  	s2 =	rddreg [dreg:$0x1]  }
0x3: {  	s1 =	rddreg [dreg:$0x2];
	s14 =	simm.s32 $0x0;
	s3 =	srdreg.scid  }
0x4: {  	s7 =	stileid.u32;
	[smem:$0x7FF] =	sst s14  }
0x5: {  	s3 =	sand.u32 $0x1, s3;
	s4 =	sshll.u32 s7, $0xE;
	s7 =	sshll.u32 s7, $0x7  }
0x6: {  	_ =	strace $0x80000047;
	s5 =	sshll.u32 s3, $0x12;
	s6 =	sshll.u32 s3, $0xB  }
0x7: {  	s3 =	ssub.s32 $0x2, s3;
	s5 =	sor.u32 s4, s5;
	s6 =	sor.u32 s7, s6  }
0x8: {  	s24 =	sshrl.u32 s3, $0x1;
	s5 =	sshrl.u32 s5, $0x3;
	s6 =	sadd.s32 s0, s6  }
0x9: {  	s25 =	ssub.s32 s3, s24;
	[dreg:$0x4] =	wrdreg s6;
	s26 =	sadd.s32 $0x10, s6  }
0xa: {  	s6 =	sadd.s32 s4, s1;
	s0 =	smax.u32 s25, $0x1;
	[dreg:$0x5] =	wrdreg s26  }
0xb: {  	s2 =	sadd.s32 s5, s2;
	s5 =	sadd.s32 $0x200, s6;
	[dreg:$0x11] =	wrdreg s0  }
0xc: {  	s15 =	sadd.s32 $0x400, s6;
	[dreg:$0x6] =	wrdreg s5  }
0xd: {  	s16 =	sadd.s32 $0x600, s6;
	[dreg:$0x7] =	wrdreg s15  }
0xe: {  	s17 =	sadd.s32 $0xA00, s6;
	[dreg:$0x8] =	wrdreg s16  }
0xf: {  	s18 =	sadd.s32 $0xC00, s6;
	[dreg:$0x9] =	wrdreg s17  }
0x10: {  	s19 =	sadd.s32 $0xE00, s6;
	[dreg:$0xa] =	wrdreg s18  }
0x11: {  	s20 =	sadd.s32 $0x1200, s6;
	[dreg:$0xb] =	wrdreg s19  }
0x12: {  	s21 =	sadd.s32 $0x1400, s6;
	[dreg:$0xc] =	wrdreg s20  }
0x13: {  	s22 =	sadd.s32 $0x1600, s6;
	[dreg:$0xd] =	wrdreg s21  }
0x14: {  	s23 =	sadd.s32 $0x1A00, s6;
	[dreg:$0xe] =	wrdreg s22  }
0x15: {  	s2 =	sadd.s32 $0x2C00, s2;
	[dreg:$0xf] =	wrdreg s23  }
0x16: {  	s24 =	sadd.s32 $0x1C00, s6;
	[dreg:$0x10] =	wrdreg s2  }
0x17: {  	s25 =	sadd.s32 $0x1E00, s6;
	[dreg:$0x12] =	wrdreg s24  }
0x18: {  	s26 =	sadd.s32 $0x2200, s6;
	[dreg:$0x13] =	wrdreg s25  }
0x19: {  	s3 =	sadd.s32 $0x2600, s6;
	[dreg:$0x14] =	wrdreg s26  }
0x1a: {  	s4 =	sadd.s32 $0x2A00, s6;
	[dreg:$0x16] =	wrdreg s3  }
0x1b: {  	s2 =	sadd.s32 $0x2400, s6;
	[dreg:$0x17] =	wrdreg s4  }
0x1c: {  	s5 =	sadd.s32 $0x2C00, s6;
	[dreg:$0x15] =	wrdreg s2  }
0x1d: {  	s15 =	sadd.s32 $0x2E00, s6;
	[dreg:$0x18] =	wrdreg s5  }
0x1e: {  	s16 =	sadd.s32 $0x3200, s6;
	[dreg:$0x19] =	wrdreg s15  }
0x1f: {  	s17 =	sadd.s32 $0x3400, s6;
	[dreg:$0x1a] =	wrdreg s16  }
0x20: {  	s18 =	sadd.s32 $0x3600, s6;
	[dreg:$0x1b] =	wrdreg s17  }
0x21: {  	s19 =	sadd.s32 $0x3A00, s6;
	[dreg:$0x1c] =	wrdreg s18  }
0x22: {  	s20 =	sadd.s32 $0x3C00, s6;
	[dreg:$0x1d] =	wrdreg s19  }
0x23: {  	s21 =	sadd.s32 $0x3E00, s6;
	[dreg:$0x1e] =	wrdreg s20  }
0x24: {  	s22 =	sadd.s32 $0x80, s6;
	[dreg:$0x1f] =	wrdreg s21  }
0x25: {  	s23 =	sadd.s32 $0x100, s6;
	[smem:$0x7A9] =	sst s22  }
0x26: {  	s24 =	sadd.s32 $0x180, s6;
	[smem:$0x7AA] =	sst s23  }
0x27: {  	s25 =	sadd.s32 $0x280, s6;
	[smem:$0x7AB] =	sst s24  }
0x28: {  	s26 =	sadd.s32 $0x300, s6;
	[smem:$0x7AC] =	sst s25  }
0x29: {  	s3 =	sadd.s32 $0x480, s6;
	[smem:$0x7AD] =	sst s26  }
0x2a: {  	s4 =	sadd.s32 $0x500, s6;
	[smem:$0x7AF] =	sst s3  }
0x2b: {  	s2 =	sadd.s32 $0x380, s6;
	[smem:$0x7B0] =	sst s4  }
0x2c: {  	s5 =	sadd.s32 $0x580, s6;
	[smem:$0x7AE] =	sst s2  }
0x2d: {  	s15 =	sadd.s32 $0x680, s6;
	[smem:$0x7B1] =	sst s5  }
0x2e: {  	s16 =	sadd.s32 $0x700, s6;
	[smem:$0x7B2] =	sst s15  }
0x2f: {  	s17 =	sadd.s32 $0x780, s6;
	[smem:$0x7B3] =	sst s16  }
0x30: {  	s18 =	sadd.s32 $0x880, s6;
	[smem:$0x7B4] =	sst s17  }
0x31: {  	s19 =	sadd.s32 $0x900, s6;
	[smem:$0x7B5] =	sst s18  }
0x32: {  	s20 =	sadd.s32 $0x980, s6;
	[smem:$0x7B6] =	sst s19  }
0x33: {  	s21 =	sadd.s32 $0xA80, s6;
	[smem:$0x7B7] =	sst s20  }
0x34: {  	s22 =	sadd.s32 $0xB00, s6;
	[smem:$0x7B8] =	sst s21  }
0x35: {  	s23 =	sadd.s32 $0xB80, s6;
	[smem:$0x7B9] =	sst s22  }
0x36: {  	s24 =	sadd.s32 $0xC80, s6;
	[smem:$0x7BA] =	sst s23  }
0x37: {  	s25 =	sadd.s32 $0xD00, s6;
	[smem:$0x7BB] =	sst s24  }
0x38: {  	s26 =	sadd.s32 $0xD80, s6;
	[smem:$0x7BC] =	sst s25  }
0x39: {  	s3 =	sadd.s32 $0xF00, s6;
	[smem:$0x7BD] =	sst s26  }
0x3a: {  	s4 =	sadd.s32 $0xF80, s6;
	[smem:$0x7BF] =	sst s3  }
0x3b: {  	s2 =	sadd.s32 $0xE80, s6;
	[smem:$0x7C0] =	sst s4  }
0x3c: {  	s5 =	sadd.s32 $0x1080, s6;
	[smem:$0x7BE] =	sst s2  }
0x3d: {  	s15 =	sadd.s32 $0x1100, s6;
	[smem:$0x7C1] =	sst s5  }
0x3e: {  	s16 =	sadd.s32 $0x1180, s6;
	[smem:$0x7C2] =	sst s15  }
0x3f: {  	s17 =	sadd.s32 $0x1280, s6;
	[smem:$0x7C3] =	sst s16  }
0x40: {  	s18 =	sadd.s32 $0x1300, s6;
	[smem:$0x7C4] =	sst s17  }
0x41: {  	s19 =	sadd.s32 $0x1380, s6;
	[smem:$0x7C5] =	sst s18  }
0x42: {  	s20 =	sadd.s32 $0x1480, s6;
	[smem:$0x7C6] =	sst s19  }
0x43: {  	s21 =	sadd.s32 $0x1500, s6;
	[smem:$0x7C7] =	sst s20  }
0x44: {  	s22 =	sadd.s32 $0x1580, s6;
	[smem:$0x7C8] =	sst s21  }
0x45: {  	s23 =	sadd.s32 $0x1680, s6;
	[smem:$0x7C9] =	sst s22  }
0x46: {  	s24 =	sadd.s32 $0x1700, s6;
	[smem:$0x7CA] =	sst s23  }
0x47: {  	s25 =	sadd.s32 $0x1780, s6;
	[smem:$0x7CB] =	sst s24  }
0x48: {  	s26 =	sadd.s32 $0x1880, s6;
	[smem:$0x7CC] =	sst s25  }
0x49: {  	s3 =	sadd.s32 $0x1980, s6;
	[smem:$0x7CD] =	sst s26  }
0x4a: {  	s4 =	sadd.s32 $0x1A80, s6;
	[smem:$0x7CF] =	sst s3  }
0x4b: {  	s2 =	sadd.s32 $0x1900, s6;
	[smem:$0x7D0] =	sst s4  }
0x4c: {  	s5 =	sadd.s32 $0x1B00, s6;
	[smem:$0x7CE] =	sst s2  }
0x4d: {  	s15 =	sadd.s32 $0x1B80, s6;
	[smem:$0x7D1] =	sst s5  }
0x4e: {  	s16 =	sadd.s32 $0x1C80, s6;
	[smem:$0x7D2] =	sst s15  }
0x4f: {  	s17 =	sadd.s32 $0x1D00, s6;
	[smem:$0x7D3] =	sst s16  }
0x50: {  	s18 =	sadd.s32 $0x1D80, s6;
	[smem:$0x7D4] =	sst s17  }
0x51: {  	s19 =	sadd.s32 $0x1E80, s6;
	[smem:$0x7D5] =	sst s18  }
0x52: {  	s20 =	sadd.s32 $0x1F00, s6;
	[smem:$0x7D6] =	sst s19  }
0x53: {  	s21 =	sadd.s32 $0x1F80, s6;
	[smem:$0x7D7] =	sst s20  }
0x54: {  	s22 =	sadd.s32 $0x2080, s6;
	[smem:$0x7D8] =	sst s21  }
0x55: {  	s23 =	sadd.s32 $0x2100, s6;
	[smem:$0x7D9] =	sst s22  }
0x56: {  	s24 =	sadd.s32 $0x2180, s6;
	[smem:$0x7DA] =	sst s23  }
0x57: {  	s25 =	sadd.s32 $0x2280, s6;
	[smem:$0x7DB] =	sst s24  }
0x58: {  	s26 =	sadd.s32 $0x2300, s6;
	[smem:$0x7DC] =	sst s25  }
0x59: {  	s3 =	sadd.s32 $0x2480, s6;
	[smem:$0x7DD] =	sst s26  }
0x5a: {  	s4 =	sadd.s32 $0x2500, s6;
	[smem:$0x7DF] =	sst s3  }
0x5b: {  	s2 =	sadd.s32 $0x2380, s6;
	[smem:$0x7E0] =	sst s4  }
0x5c: {  	s5 =	sadd.s32 $0x2580, s6;
	[smem:$0x7DE] =	sst s2  }
0x5d: {  	s15 =	sadd.s32 $0x2680, s6;
	[smem:$0x7E1] =	sst s5  }
0x5e: {  	s16 =	sadd.s32 $0x2700, s6;
	[smem:$0x7E2] =	sst s15  }
0x5f: {  	s17 =	sadd.s32 $0x2780, s6;
	[smem:$0x7E3] =	sst s16  }
0x60: {  	s18 =	sadd.s32 $0x2880, s6;
	[smem:$0x7E4] =	sst s17  }
0x61: {  	s19 =	sadd.s32 $0x2900, s6;
	[smem:$0x7E5] =	sst s18  }
0x62: {  	s20 =	sadd.s32 $0x2980, s6;
	[smem:$0x7E6] =	sst s19  }
0x63: {  	s21 =	sadd.s32 $0x2A80, s6;
	[smem:$0x7E7] =	sst s20  }
0x64: {  	s22 =	sadd.s32 $0x2B00, s6;
	[smem:$0x7E8] =	sst s21  }
0x65: {  	s23 =	sadd.s32 $0x2B80, s6;
	[smem:$0x7E9] =	sst s22  }
0x66: {  	s24 =	sadd.s32 $0x2C80, s6;
	[smem:$0x7EA] =	sst s23  }
0x67: {  	s25 =	sadd.s32 $0x2D00, s6;
	[smem:$0x7EB] =	sst s24  }
0x68: {  	s26 =	sadd.s32 $0x2D80, s6;
	[smem:$0x7EC] =	sst s25  }
0x69: {  	s3 =	sadd.s32 $0x2F00, s6;
	[smem:$0x7ED] =	sst s26  }
0x6a: {  	s4 =	sadd.s32 $0x2F80, s6;
	[smem:$0x7EF] =	sst s3  }
0x6b: {  	s2 =	sadd.s32 $0x2E80, s6;
	[smem:$0x7F0] =	sst s4  }
0x6c: {  	s28 =	simm.s32 $0x100;
	s5 =	sadd.s32 $0x3080, s6;
	[smem:$0x7EE] =	sst s2  }
0x6d: {  	s29 =	simm.s32 $0x680;
	s15 =	sadd.s32 $0x3100, s6;
	[smem:$0x7F1] =	sst s5  }
0x6e: {  	s30 =	simm.s32 $0x2;
	s16 =	sadd.s32 $0x3180, s6;
	[smem:$0x7F2] =	sst s15  }
0x6f: {  	s31 =	simm.s32 $0x1;
	s17 =	sadd.s32 $0x3280, s6;
	[smem:$0x7F3] =	sst s16  }
0x70: {  	s7 =	sadd.s32 $0x800, s6;
	s18 =	sadd.s32 $0x3300, s6;
	[smem:$0x7F4] =	sst s17  }
0x71: {  	s8 =	sadd.s32 $0x1000, s6;
	s19 =	sadd.s32 $0x3380, s6;
	[smem:$0x7F5] =	sst s18  }
0x72: {  	s9 =	sadd.s32 $0x1800, s6;
	s20 =	sadd.s32 $0x3480, s6;
	[smem:$0x7F6] =	sst s19  }
0x73: {  	s10 =	sadd.s32 $0x2000, s6;
	s21 =	sadd.s32 $0x3500, s6;
	[smem:$0x7F7] =	sst s20  }
0x74: {  	s11 =	sadd.s32 $0x2800, s6;
	s22 =	sadd.s32 $0x3580, s6;
	[smem:$0x7F8] =	sst s21  }
0x75: {  	s12 =	sadd.s32 $0x3000, s6;
	s23 =	sadd.s32 $0x3680, s6;
	[smem:$0x7F9] =	sst s22  }
0x76: {  	s13 =	sadd.s32 $0x3800, s6;
	s24 =	sadd.s32 $0x3700, s6;
	[smem:$0x7FA] =	sst s23  }
0x77: {  	s0 =	simm.s32 $0x600;
	s25 =	sadd.s32 $0x3780, s6;
	[smem:$0x7FB] =	sst s24  }
0x78: {  	s26 =	sadd.s32 $0x3880, s6;
	s4 =	sadd.s32 $0x3F80, s6;
	[smem:$0x7FC] =	sst s25  }
0x79: {  	s3 =	simm.s32 $0xE80;
	[smem:$0x7FD] =	sst s26;
	s16 =	sadd.s32 $0x3900, s6  }
0x7a: {  	s17 =	sadd.s32 $0x3980, s6;
	s18 =	sadd.s32 $0x3A80, s6;
	s19 =	sadd.s32 $0x3B00, s6  }
0x7b: {  	s20 =	sadd.s32 $0x3B80, s6;
	s21 =	sadd.s32 $0x3C80, s6;
	s22 =	sadd.s32 $0x3D00, s6  }
0x7c: {  	s23 =	sadd.s32 $0x3D80, s6;
	s24 =	sadd.s32 $0x3E80, s6;
	s25 =	sadd.s32 $0x3F00, s6  }
0x7d: {  	v0 =	vimm.f32 $0.0e+00;
	v1 =	vimm.f32 $1.000000000e+00;
	s26 =	simm.s32 $0x80;
	s2 =	simm.s32 $0x3;
	s5 =	simm.s32 $0x0  }
.LBB2_1:
0x7e: {  	s15 =	rddreg [dreg:$0x4]  }
0x7f: {  	[tilespmem:s14], [sflag:$0x2] =	stream.strided.gather [hbm4b:s15+s26], $0x200, s28, s26, $0x38;
	[tilespmem:$0x8E80] =	vst v63  }
0x80: {  	s14 =	rddreg [dreg:$0x5];
	s15 =	simm.s32 $0x200  }
0x81: {  	[tilespmem:s15], [sflag:$0x2] =	stream.strided.gather [hbm4b:s14+s26], $0x200, s28, s26, $0x38;
	[tilespmem:$0x8E80] =	vst v63  }
0x82: {  	s14 =	simm.s32 $0x40;
	s15 =	simm.s32 $0x0  }
.LBB2_2:
0x83: {  	p0 =	sne.s32 s14, $0x1FC0;
	[tilespmem:s15+$0x680] =	vst v0;
	s15 =	smov.u32 s14;
	s14 =	sadd.s32 $0x40, s14  }
.Ltmp0:
0x84: {  	(pc) =	sbr.rel @p0 .LBB2_2-.Ltmp0, $2  }
0x85: {  	_ =	sdelay $0x2  }
0x86: {  	s15 =	sshra.s32 s15, $0x2  }
0x87: {  	[tilespmem:s15+$0x680] =	vst v0  }
0x88: {  	[tilespmem:$0x600] =	vst v1  }
0x89: {  	[tilespmem:$0x610] =	vst v1  }
0x8a: {  	[tilespmem:$0x620] =	vst v1  }
0x8b: {  	[tilespmem:$0x630] =	vst v1  }
0x8c: {  	[tilespmem:$0x640] =	vst v1  }
0x8d: {  	[tilespmem:$0x650] =	vst v1  }
0x8e: {  	[tilespmem:$0x660] =	vst v1  }
0x8f: {  	[tilespmem:$0x670] =	vst v1  }
0x90: {  	[spmem:s6] =	stream.linear.scatter [tilespmem:s29], [sflag:$0x1], $0x800, $0x38;
	[tilespmem:$0x8E80] =	vst v63  }
0x91: {  	_ = 	snop  }
0x92: {  	[spmem:s7] =	stream.linear.scatter [tilespmem:s29], [sflag:$0x1], $0x800, $0x38;
	[tilespmem:$0x8E80] =	vst v63  }
0x93: {  	_ = 	snop  }
0x94: {  	[spmem:s8] =	stream.linear.scatter [tilespmem:s29], [sflag:$0x1], $0x800, $0x38;
	[tilespmem:$0x8E80] =	vst v63  }
0x95: {  	_ = 	snop  }
0x96: {  	[spmem:s9] =	stream.linear.scatter [tilespmem:s29], [sflag:$0x1], $0x800, $0x38;
	[tilespmem:$0x8E80] =	vst v63  }
0x97: {  	_ = 	snop  }
0x98: {  	[spmem:s10] =	stream.linear.scatter [tilespmem:s29], [sflag:$0x1], $0x800, $0x38;
	[tilespmem:$0x8E80] =	vst v63  }
0x99: {  	_ = 	snop  }
0x9a: {  	[spmem:s11] =	stream.linear.scatter [tilespmem:s29], [sflag:$0x1], $0x800, $0x38;
	[tilespmem:$0x8E80] =	vst v63  }
0x9b: {  	_ = 	snop  }
0x9c: {  	[spmem:s12] =	stream.linear.scatter [tilespmem:s29], [sflag:$0x1], $0x800, $0x38;
	[tilespmem:$0x8E80] =	vst v63  }
0x9d: {  	_ = 	snop  }
0x9e: {  	[spmem:s13] =	stream.linear.scatter [tilespmem:s29], [sflag:$0x1], $0x800, $0x38;
	[tilespmem:$0x8E80] =	vst v63  }
0x9f: {  	_ =	swait.ge [sflag:s30], $0x200  }
0xa0: {  	[sflag:s30] =	ssyncset.done $0x0  }
0xa1: {  	[sflag:s30] =	ssyncadd.s32 $0xFFFFFE00  }
0xa2: {  	_ =	swait.ge [sflag:s30], $0x200  }
0xa3: {  	[sflag:s30] =	ssyncset.done $0x0  }
0xa4: {  	[sflag:s30] =	ssyncadd.s32 $0xFFFFFE00  }
0xa5: {  	v2 =	vld [tilespmem:$0x0]  }
0xa6: {  	v3 =	vld [tilespmem:$0x200]  }
0xa7: {  	v4 =	vld [tilespmem:$0x10]  }
0xa8: {  	v5 =	vld [tilespmem:$0x210]  }
0xa9: {  	v6 =	vld [tilespmem:$0x20]  }
0xaa: {  	v7 =	vld [tilespmem:$0x220]  }
0xab: {  	v8 =	vld [tilespmem:$0x30]  }
0xac: {  	v9 =	vld [tilespmem:$0x230]  }
0xad: {  	v10 =	vld [tilespmem:$0x40]  }
0xae: {  	v11 =	vld [tilespmem:$0x240]  }
0xaf: {  	v12 =	vld [tilespmem:$0x50]  }
0xb0: {  	v13 =	vld [tilespmem:$0x250]  }
0xb1: {  	v14 =	vld [tilespmem:$0x60]  }
0xb2: {  	v15 =	vld [tilespmem:$0x260]  }
0xb3: {  	v16 =	vld [tilespmem:$0x70]  }
0xb4: {  	v17 =	vld [tilespmem:$0x270]  }
0xb5: {  	v18 =	vld [tilespmem:$0x80]  }
0xb6: {  	v19 =	vld [tilespmem:$0x280]  }
0xb7: {  	v20 =	vld [tilespmem:$0x90]  }
0xb8: {  	v21 =	vld [tilespmem:$0x290]  }
0xb9: {  	v22 =	vld [tilespmem:$0xA0]  }
0xba: {  	v23 =	vld [tilespmem:$0x2A0]  }
0xbb: {  	v24 =	vld [tilespmem:$0xB0]  }
0xbc: {  	v25 =	vld [tilespmem:$0x2B0]  }
0xbd: {  	v26 =	vld [tilespmem:$0xC0]  }
0xbe: {  	v27 =	vld [tilespmem:$0x2C0]  }
0xbf: {  	v28 =	vld [tilespmem:$0xD0]  }
0xc0: {  	v29 =	vld [tilespmem:$0x2D0]  }
0xc1: {  	v30 =	vld [tilespmem:$0xE0]  }
0xc2: {  	v31 =	vld [tilespmem:$0x2E0]  }
0xc3: {  	v32 =	vld [tilespmem:$0xF0]  }
0xc4: {  	v33 =	vld [tilespmem:$0x2F0]  }
0xc5: {  	v34 =	vld [tilespmem:$0x100]  }
0xc6: {  	v35 =	vld [tilespmem:$0x300]  }
0xc7: {  	v36 =	vld [tilespmem:$0x110]  }
0xc8: {  	v37 =	vld [tilespmem:$0x310]  }
0xc9: {  	v38 =	vld [tilespmem:$0x120];
	v3 =	vshll.u32 v3, $0x9  }
0xca: {  	v62 =	vld [tilespmem:$0x320];
	v2 =	vadd.s32 v2, v3;
	v3 =	vshll.u32 v5, $0x9  }
0xcb: {  	v63 =	vld [tilespmem:$0x130];
	[tilespmem:$0x400] =	vst v2;
	v2 =	vadd.s32 v4, v3;
	v3 =	vshll.u32 v7, $0x9  }
0xcc: {  	v39 =	vld [tilespmem:$0x330];
	[tilespmem:$0x410] =	vst v2;
	v2 =	vadd.s32 v6, v3;
	v3 =	vshll.u32 v9, $0x9  }
0xcd: {  	v40 =	vld [tilespmem:$0x140];
	[tilespmem:$0x420] =	vst v2;
	v2 =	vadd.s32 v8, v3;
	v3 =	vshll.u32 v11, $0x9  }
0xce: {  	v41 =	vld [tilespmem:$0x340];
	[tilespmem:$0x430] =	vst v2;
	v2 =	vadd.s32 v10, v3;
	v3 =	vshll.u32 v13, $0x9  }
0xcf: {  	v42 =	vld [tilespmem:$0x150];
	[tilespmem:$0x440] =	vst v2;
	v2 =	vadd.s32 v12, v3;
	v3 =	vshll.u32 v15, $0x9  }
0xd0: {  	v43 =	vld [tilespmem:$0x350];
	[tilespmem:$0x450] =	vst v2;
	v2 =	vadd.s32 v14, v3;
	v3 =	vshll.u32 v17, $0x9  }
0xd1: {  	v44 =	vld [tilespmem:$0x160];
	[tilespmem:$0x460] =	vst v2;
	v2 =	vadd.s32 v16, v3;
	v3 =	vshll.u32 v19, $0x9  }
0xd2: {  	v45 =	vld [tilespmem:$0x360];
	[tilespmem:$0x470] =	vst v2;
	v2 =	vadd.s32 v18, v3;
	v3 =	vshll.u32 v21, $0x9  }
0xd3: {  	v46 =	vld [tilespmem:$0x170];
	[tilespmem:$0x480] =	vst v2;
	v2 =	vadd.s32 v20, v3;
	v3 =	vshll.u32 v23, $0x9  }
0xd4: {  	v47 =	vld [tilespmem:$0x370];
	[tilespmem:$0x490] =	vst v2;
	v2 =	vadd.s32 v22, v3;
	v3 =	vshll.u32 v25, $0x9  }
0xd5: {  	v48 =	vld [tilespmem:$0x180];
	[tilespmem:$0x4A0] =	vst v2;
	v2 =	vadd.s32 v24, v3;
	v3 =	vshll.u32 v27, $0x9  }
0xd6: {  	v49 =	vld [tilespmem:$0x380];
	[tilespmem:$0x4B0] =	vst v2;
	v2 =	vadd.s32 v26, v3;
	v3 =	vshll.u32 v29, $0x9  }
0xd7: {  	v50 =	vld [tilespmem:$0x190];
	[tilespmem:$0x4C0] =	vst v2;
	v2 =	vadd.s32 v28, v3;
	v3 =	vshll.u32 v31, $0x9  }
0xd8: {  	v51 =	vld [tilespmem:$0x390];
	[tilespmem:$0x4D0] =	vst v2;
	v2 =	vadd.s32 v30, v3;
	v3 =	vshll.u32 v33, $0x9  }
0xd9: {  	v52 =	vld [tilespmem:$0x1A0];
	[tilespmem:$0x4E0] =	vst v2;
	v2 =	vadd.s32 v32, v3;
	v3 =	vshll.u32 v35, $0x9  }
0xda: {  	v53 =	vld [tilespmem:$0x3A0];
	[tilespmem:$0x4F0] =	vst v2;
	v2 =	vadd.s32 v34, v3;
	v3 =	vshll.u32 v37, $0x9  }
0xdb: {  	v54 =	vld [tilespmem:$0x1B0];
	[tilespmem:$0x500] =	vst v2;
	v2 =	vadd.s32 v36, v3;
	v3 =	vshll.u32 v62, $0x9  }
0xdc: {  	v55 =	vld [tilespmem:$0x3B0];
	[tilespmem:$0x510] =	vst v2;
	v2 =	vadd.s32 v38, v3;
	v3 =	vshll.u32 v39, $0x9  }
0xdd: {  	v56 =	vld [tilespmem:$0x1C0];
	[tilespmem:$0x520] =	vst v2;
	v2 =	vadd.s32 v63, v3;
	v3 =	vshll.u32 v41, $0x9  }
0xde: {  	v57 =	vld [tilespmem:$0x3C0];
	[tilespmem:$0x530] =	vst v2;
	v2 =	vadd.s32 v40, v3;
	v3 =	vshll.u32 v43, $0x9  }
0xdf: {  	v58 =	vld [tilespmem:$0x1D0];
	[tilespmem:$0x540] =	vst v2;
	v2 =	vadd.s32 v42, v3;
	v3 =	vshll.u32 v45, $0x9  }
0xe0: {  	v59 =	vld [tilespmem:$0x3D0];
	[tilespmem:$0x550] =	vst v2;
	v2 =	vadd.s32 v44, v3;
	v3 =	vshll.u32 v47, $0x9  }
0xe1: {  	v60 =	vld [tilespmem:$0x1E0];
	[tilespmem:$0x560] =	vst v2;
	v2 =	vadd.s32 v46, v3;
	v3 =	vshll.u32 v49, $0x9  }
0xe2: {  	v61 =	vld [tilespmem:$0x3E0];
	[tilespmem:$0x570] =	vst v2;
	v2 =	vadd.s32 v48, v3;
	v3 =	vshll.u32 v51, $0x9  }
0xe3: {  	v62 =	vld [tilespmem:$0x3F0];
	[tilespmem:$0x580] =	vst v2;
	v2 =	vadd.s32 v50, v3;
	v3 =	vshll.u32 v53, $0x9  }
0xe4: {  	v63 =	vld [tilespmem:$0x1F0];
	[tilespmem:$0x590] =	vst v2;
	v2 =	vadd.s32 v52, v3;
	v3 =	vshll.u32 v55, $0x9  }
0xe5: {  	[tilespmem:$0x5A0] =	vst v2;
	v2 =	vadd.s32 v54, v3;
	v3 =	vshll.u32 v57, $0x9  }
0xe6: {  	[tilespmem:$0x5B0] =	vst v2;
	v2 =	vadd.s32 v56, v3;
	v3 =	vshll.u32 v59, $0x9  }
0xe7: {  	[tilespmem:$0x5C0] =	vst v2;
	v2 =	vadd.s32 v58, v3;
	v3 =	vshll.u32 v61, $0x9  }
0xe8: {  	[tilespmem:$0x5D0] =	vst v2;
	v2 =	vadd.s32 v60, v3;
	v3 =	vshll.u32 v62, $0x9  }
0xe9: {  	[tilespmem:$0x5E0] =	vst v2;
	v2 =	vadd.s32 v63, v3  }
0xea: {  	[tilespmem:$0x5F0] =	vst v2  }
0xeb: {  	_ =	swait.ge [sflag:s31], $0x800  }
0xec: {  	[sflag:s31] =	ssyncset.done $0x0  }
0xed: {  	[sflag:s31] =	ssyncadd.s32 $0xFFFFF800  }
0xee: {  	_ =	swait.ge [sflag:s31], $0x800  }
0xef: {  	[sflag:s31] =	ssyncset.done $0x0  }
0xf0: {  	[sflag:s31] =	ssyncadd.s32 $0xFFFFF800  }
0xf1: {  	_ =	swait.ge [sflag:s31], $0x800  }
0xf2: {  	[sflag:s31] =	ssyncset.done $0x0  }
0xf3: {  	[sflag:s31] =	ssyncadd.s32 $0xFFFFF800  }
0xf4: {  	_ =	swait.ge [sflag:s31], $0x800  }
0xf5: {  	[sflag:s31] =	ssyncset.done $0x0  }
0xf6: {  	[sflag:s31] =	ssyncadd.s32 $0xFFFFF800  }
0xf7: {  	_ =	swait.ge [sflag:s31], $0x800  }
0xf8: {  	[sflag:s31] =	ssyncset.done $0x0  }
0xf9: {  	[sflag:s31] =	ssyncadd.s32 $0xFFFFF800  }
0xfa: {  	_ =	swait.ge [sflag:s31], $0x800  }
0xfb: {  	[sflag:s31] =	ssyncset.done $0x0  }
0xfc: {  	[sflag:s31] =	ssyncadd.s32 $0xFFFFF800  }
0xfd: {  	_ =	swait.ge [sflag:s31], $0x800  }
0xfe: {  	[sflag:s31] =	ssyncset.done $0x0  }
0xff: {  	[sflag:s31] =	ssyncadd.s32 $0xFFFFF800  }
0x100: {  	_ =	swait.ge [sflag:s31], $0x800  }
0x101: {  	[sflag:s31] =	ssyncset.done $0x0  }
0x102: {  	[sflag:s31] =	ssyncadd.s32 $0xFFFFF800  }
0x103: {  	s14 =	simm.s32 $0x400;
	[bflag:$0x0] =	sbarrier.arrive $0xFFFF  }
0x104: {  	[spmem:s1] =	stream.indirect.scatter.add.f32 [tilespmem:s0], [sflag:$0x3], $0x1, s14, s26, $0xb8;
	[tilespmem:$0x8E80] =	vst v63  }
0x105: {  	_ =	swait.ge [sflag:s2], $0x80  }
0x106: {  	[sflag:s2] =	ssyncset.done $0x0  }
0x107: {  	s15 =	simm.s32 $0x480;
	[sflag:s2] =	ssyncadd.s32 $0xFFFFFF80  }
0x108: {  	[spmem:s1] =	stream.indirect.scatter.add.f32 [tilespmem:s0], [sflag:$0x3], $0x1, s15, s26, $0xb8;
	[tilespmem:$0x8E80] =	vst v63  }
0x109: {  	_ =	swait.ge [sflag:s2], $0x80  }
0x10a: {  	[sflag:s2] =	ssyncset.done $0x0  }
0x10b: {  	s15 =	simm.s32 $0x500;
	[sflag:s2] =	ssyncadd.s32 $0xFFFFFF80  }
0x10c: {  	[spmem:s1] =	stream.indirect.scatter.add.f32 [tilespmem:s0], [sflag:$0x3], $0x1, s15, s26, $0xb8;
	[tilespmem:$0x8E80] =	vst v63  }
0x10d: {  	_ =	swait.ge [sflag:s2], $0x80  }
0x10e: {  	[sflag:s2] =	ssyncset.done $0x0  }
0x10f: {  	s15 =	simm.s32 $0x580;
	[sflag:s2] =	ssyncadd.s32 $0xFFFFFF80  }
0x110: {  	[spmem:s1] =	stream.indirect.scatter.add.f32 [tilespmem:s0], [sflag:$0x3], $0x1, s15, s26, $0xb8;
	[tilespmem:$0x8E80] =	vst v63  }
0x111: {  	_ =	swait.ge [sflag:s2], $0x80  }
0x112: {  	[sflag:s2] =	ssyncset.done $0x0  }
0x113: {  	[sflag:s2] =	ssyncadd.s32 $0xFFFFFF80  }
0x114: {  	[bflag:$0x0] =	sbarrier.arrive $0xFFFF  }
0x115: {  	s14 =	sld [smem:$0x7A9]  }
0x116: {  	[tilespmem:s3], [sflag:$0x1] =	stream.linear.gather [spmem:s6], $0x80, $0x38;
	[tilespmem:$0x8E80] =	vst v63  }
0x117: {  	s15 =	simm.s32 $0x1280  }
0x118: {  	[tilespmem:s15], [sflag:$0x1] =	stream.linear.gather [spmem:s14], $0x80, $0x38;
	[tilespmem:$0x8E80] =	vst v63  }
0x119: {  	s14 =	sld [smem:$0x7AA];
	_ =	sdelay $0x1  }
0x11a: {  	s15 =	simm.s32 $0x1680  }
0x11b: {  	[tilespmem:s15], [sflag:$0x1] =	stream.linear.gather [spmem:s14], $0x80, $0x38;
	[tilespmem:$0x8E80] =	vst v63  }
0x11c: {  	s14 =	sld [smem:$0x7AB];
	_ =	sdelay $0x1  }
0x11d: {  	s15 =	simm.s32 $0x1A80  }
0x11e: {  	[tilespmem:s15], [sflag:$0x1] =	stream.linear.gather [spmem:s14], $0x80, $0x38;
	[tilespmem:$0x8E80] =	vst v63  }
0x11f: {  	s14 =	rddreg [dreg:$0x6];
	s15 =	simm.s32 $0xF00  }
0x120: {  	[tilespmem:s15], [sflag:$0x1] =	stream.linear.gather [spmem:s14], $0x80, $0x38;
	[tilespmem:$0x8E80] =	vst v63  }
0x121: {  	s14 =	sld [smem:$0x7AC];
	_ =	sdelay $0x1  }
0x122: {  	s15 =	simm.s32 $0x1300  }
0x123: {  	[tilespmem:s15], [sflag:$0x1] =	stream.linear.gather [spmem:s14], $0x80, $0x38;
	[tilespmem:$0x8E80] =	vst v63  }
0x124: {  	s14 =	sld [smem:$0x7AD];
	_ =	sdelay $0x1  }
0x125: {  	s15 =	simm.s32 $0x1700  }
0x126: {  	[tilespmem:s15], [sflag:$0x1] =	stream.linear.gather [spmem:s14], $0x80, $0x38;
	[tilespmem:$0x8E80] =	vst v63  }
0x127: {  	s14 =	sld [smem:$0x7AE];
	_ =	sdelay $0x1  }
0x128: {  	s15 =	simm.s32 $0x1B00  }
0x129: {  	[tilespmem:s15], [sflag:$0x1] =	stream.linear.gather [spmem:s14], $0x80, $0x38;
	[tilespmem:$0x8E80] =	vst v63  }
0x12a: {  	s14 =	rddreg [dreg:$0x7];
	s15 =	simm.s32 $0xF80  }
0x12b: {  	[tilespmem:s15], [sflag:$0x1] =	stream.linear.gather [spmem:s14], $0x80, $0x38;
	[tilespmem:$0x8E80] =	vst v63  }
0x12c: {  	s14 =	sld [smem:$0x7AF];
	_ =	sdelay $0x1  }
0x12d: {  	s15 =	simm.s32 $0x1380  }
0x12e: {  	[tilespmem:s15], [sflag:$0x1] =	stream.linear.gather [spmem:s14], $0x80, $0x38;
	[tilespmem:$0x8E80] =	vst v63  }
0x12f: {  	s14 =	sld [smem:$0x7B0];
	_ =	sdelay $0x1  }
0x130: {  	s15 =	simm.s32 $0x1780  }
0x131: {  	[tilespmem:s15], [sflag:$0x1] =	stream.linear.gather [spmem:s14], $0x80, $0x38;
	[tilespmem:$0x8E80] =	vst v63  }
0x132: {  	s14 =	sld [smem:$0x7B1];
	_ =	sdelay $0x1  }
0x133: {  	s15 =	simm.s32 $0x1B80  }
0x134: {  	[tilespmem:s15], [sflag:$0x1] =	stream.linear.gather [spmem:s14], $0x80, $0x38;
	[tilespmem:$0x8E80] =	vst v63  }
0x135: {  	s14 =	rddreg [dreg:$0x8];
	s15 =	simm.s32 $0x1000  }
0x136: {  	[tilespmem:s15], [sflag:$0x1] =	stream.linear.gather [spmem:s14], $0x80, $0x38;
	[tilespmem:$0x8E80] =	vst v63  }
0x137: {  	s14 =	sld [smem:$0x7B2];
	_ =	sdelay $0x1  }
0x138: {  	s15 =	simm.s32 $0x1400  }
0x139: {  	[tilespmem:s15], [sflag:$0x1] =	stream.linear.gather [spmem:s14], $0x80, $0x38;
	[tilespmem:$0x8E80] =	vst v63  }
0x13a: {  	s14 =	sld [smem:$0x7B3];
	_ =	sdelay $0x1  }
0x13b: {  	s15 =	simm.s32 $0x1800  }
0x13c: {  	[tilespmem:s15], [sflag:$0x1] =	stream.linear.gather [spmem:s14], $0x80, $0x38;
	[tilespmem:$0x8E80] =	vst v63  }
0x13d: {  	s14 =	sld [smem:$0x7B4];
	_ =	sdelay $0x1  }
0x13e: {  	s15 =	simm.s32 $0x1C00  }
0x13f: {  	[tilespmem:s15], [sflag:$0x1] =	stream.linear.gather [spmem:s14], $0x80, $0x38;
	[tilespmem:$0x8E80] =	vst v63  }
0x140: {  	s15 =	simm.s32 $0x1080;
	s14 =	sld [smem:$0x7B5]  }
0x141: {  	[tilespmem:s15], [sflag:$0x1] =	stream.linear.gather [spmem:s7], $0x80, $0x38;
	[tilespmem:$0x8E80] =	vst v63  }
0x142: {  	s15 =	simm.s32 $0x1480  }
0x143: {  	[tilespmem:s15], [sflag:$0x1] =	stream.linear.gather [spmem:s14], $0x80, $0x38;
	[tilespmem:$0x8E80] =	vst v63  }
0x144: {  	s14 =	sld [smem:$0x7B6];
	_ =	sdelay $0x1  }
0x145: {  	s15 =	simm.s32 $0x1880  }
0x146: {  	[tilespmem:s15], [sflag:$0x1] =	stream.linear.gather [spmem:s14], $0x80, $0x38;
	[tilespmem:$0x8E80] =	vst v63  }
0x147: {  	s14 =	sld [smem:$0x7B7];
	_ =	sdelay $0x1  }
0x148: {  	s15 =	simm.s32 $0x1C80  }
0x149: {  	[tilespmem:s15], [sflag:$0x1] =	stream.linear.gather [spmem:s14], $0x80, $0x38;
	[tilespmem:$0x8E80] =	vst v63  }
0x14a: {  	s14 =	rddreg [dreg:$0x9];
	s15 =	simm.s32 $0x1100  }
0x14b: {  	[tilespmem:s15], [sflag:$0x1] =	stream.linear.gather [spmem:s14], $0x80, $0x38;
	[tilespmem:$0x8E80] =	vst v63  }
0x14c: {  	s14 =	sld [smem:$0x7B8];
	_ =	sdelay $0x1  }
0x14d: {  	s15 =	simm.s32 $0x1500  }
0x14e: {  	[tilespmem:s15], [sflag:$0x1] =	stream.linear.gather [spmem:s14], $0x80, $0x38;
	[tilespmem:$0x8E80] =	vst v63  }
0x14f: {  	s14 =	sld [smem:$0x7B9];
	_ =	sdelay $0x1  }
0x150: {  	s15 =	simm.s32 $0x1900  }
0x151: {  	[tilespmem:s15], [sflag:$0x1] =	stream.linear.gather [spmem:s14], $0x80, $0x38;
	[tilespmem:$0x8E80] =	vst v63  }
0x152: {  	s14 =	sld [smem:$0x7BA];
	_ =	sdelay $0x1  }
0x153: {  	s15 =	simm.s32 $0x1D00  }
0x154: {  	[tilespmem:s15], [sflag:$0x1] =	stream.linear.gather [spmem:s14], $0x80, $0x38;
	[tilespmem:$0x8E80] =	vst v63  }
0x155: {  	s14 =	rddreg [dreg:$0xa];
	s15 =	simm.s32 $0x1180  }
0x156: {  	[tilespmem:s15], [sflag:$0x1] =	stream.linear.gather [spmem:s14], $0x80, $0x38;
	[tilespmem:$0x8E80] =	vst v63  }
0x157: {  	s14 =	sld [smem:$0x7BB];
	_ =	sdelay $0x1  }
0x158: {  	s15 =	simm.s32 $0x1580  }
0x159: {  	[tilespmem:s15], [sflag:$0x1] =	stream.linear.gather [spmem:s14], $0x80, $0x38;
	[tilespmem:$0x8E80] =	vst v63  }
0x15a: {  	s14 =	sld [smem:$0x7BC];
	_ =	sdelay $0x1  }
0x15b: {  	s15 =	simm.s32 $0x1980  }
0x15c: {  	[tilespmem:s15], [sflag:$0x1] =	stream.linear.gather [spmem:s14], $0x80, $0x38;
	[tilespmem:$0x8E80] =	vst v63  }
0x15d: {  	s14 =	sld [smem:$0x7BD];
	_ =	sdelay $0x1  }
0x15e: {  	s15 =	simm.s32 $0x1D80  }
0x15f: {  	[tilespmem:s15], [sflag:$0x1] =	stream.linear.gather [spmem:s14], $0x80, $0x38;
	[tilespmem:$0x8E80] =	vst v63  }
0x160: {  	s14 =	rddreg [dreg:$0xb];
	s15 =	simm.s32 $0x1200  }
0x161: {  	[tilespmem:s15], [sflag:$0x1] =	stream.linear.gather [spmem:s14], $0x80, $0x38;
	[tilespmem:$0x8E80] =	vst v63  }
0x162: {  	s14 =	sld [smem:$0x7BE];
	_ =	sdelay $0x1  }
0x163: {  	s15 =	simm.s32 $0x1600  }
0x164: {  	[tilespmem:s15], [sflag:$0x1] =	stream.linear.gather [spmem:s14], $0x80, $0x38;
	[tilespmem:$0x8E80] =	vst v63  }
0x165: {  	s14 =	sld [smem:$0x7BF];
	_ =	sdelay $0x1  }
0x166: {  	s15 =	simm.s32 $0x1A00  }
0x167: {  	[tilespmem:s15], [sflag:$0x1] =	stream.linear.gather [spmem:s14], $0x80, $0x38;
	[tilespmem:$0x8E80] =	vst v63  }
0x168: {  	s14 =	sld [smem:$0x7C0];
	_ =	sdelay $0x1  }
0x169: {  	s15 =	simm.s32 $0x1E00  }
0x16a: {  	[tilespmem:s15], [sflag:$0x1] =	stream.linear.gather [spmem:s14], $0x80, $0x38;
	[tilespmem:$0x8E80] =	vst v63  }
0x16b: {  	s15 =	simm.s32 $0x1E80;
	s14 =	sld [smem:$0x7C1]  }
0x16c: {  	[tilespmem:s15], [sflag:$0x1] =	stream.linear.gather [spmem:s8], $0x80, $0x38;
	[tilespmem:$0x8E80] =	vst v63  }
0x16d: {  	s15 =	simm.s32 $0x2280  }
0x16e: {  	[tilespmem:s15], [sflag:$0x1] =	stream.linear.gather [spmem:s14], $0x80, $0x38;
	[tilespmem:$0x8E80] =	vst v63  }
0x16f: {  	s14 =	sld [smem:$0x7C2];
	_ =	sdelay $0x1  }
0x170: {  	s15 =	simm.s32 $0x2680  }
0x171: {  	[tilespmem:s15], [sflag:$0x1] =	stream.linear.gather [spmem:s14], $0x80, $0x38;
	[tilespmem:$0x8E80] =	vst v63  }
0x172: {  	s14 =	sld [smem:$0x7C3];
	_ =	sdelay $0x1  }
0x173: {  	s15 =	simm.s32 $0x2A80  }
0x174: {  	[tilespmem:s15], [sflag:$0x1] =	stream.linear.gather [spmem:s14], $0x80, $0x38;
	[tilespmem:$0x8E80] =	vst v63  }
0x175: {  	s14 =	rddreg [dreg:$0xc];
	s15 =	simm.s32 $0x1F00  }
0x176: {  	[tilespmem:s15], [sflag:$0x1] =	stream.linear.gather [spmem:s14], $0x80, $0x38;
	[tilespmem:$0x8E80] =	vst v63  }
0x177: {  	s14 =	sld [smem:$0x7C4];
	_ =	sdelay $0x1  }
0x178: {  	s15 =	simm.s32 $0x2300  }
0x179: {  	[tilespmem:s15], [sflag:$0x1] =	stream.linear.gather [spmem:s14], $0x80, $0x38;
	[tilespmem:$0x8E80] =	vst v63  }
0x17a: {  	s14 =	sld [smem:$0x7C5];
	_ =	sdelay $0x1  }
0x17b: {  	s15 =	simm.s32 $0x2700  }
0x17c: {  	[tilespmem:s15], [sflag:$0x1] =	stream.linear.gather [spmem:s14], $0x80, $0x38;
	[tilespmem:$0x8E80] =	vst v63  }
0x17d: {  	s14 =	sld [smem:$0x7C6];
	_ =	sdelay $0x1  }
0x17e: {  	s15 =	simm.s32 $0x2B00  }
0x17f: {  	[tilespmem:s15], [sflag:$0x1] =	stream.linear.gather [spmem:s14], $0x80, $0x38;
	[tilespmem:$0x8E80] =	vst v63  }
0x180: {  	s14 =	rddreg [dreg:$0xd];
	s15 =	simm.s32 $0x1F80  }
0x181: {  	[tilespmem:s15], [sflag:$0x1] =	stream.linear.gather [spmem:s14], $0x80, $0x38;
	[tilespmem:$0x8E80] =	vst v63  }
0x182: {  	s14 =	sld [smem:$0x7C7];
	_ =	sdelay $0x1  }
0x183: {  	s15 =	simm.s32 $0x2380  }
0x184: {  	[tilespmem:s15], [sflag:$0x1] =	stream.linear.gather [spmem:s14], $0x80, $0x38;
	[tilespmem:$0x8E80] =	vst v63  }
0x185: {  	s14 =	sld [smem:$0x7C8];
	_ =	sdelay $0x1  }
0x186: {  	s15 =	simm.s32 $0x2780  }
0x187: {  	[tilespmem:s15], [sflag:$0x1] =	stream.linear.gather [spmem:s14], $0x80, $0x38;
	[tilespmem:$0x8E80] =	vst v63  }
0x188: {  	s14 =	sld [smem:$0x7C9];
	_ =	sdelay $0x1  }
0x189: {  	s15 =	simm.s32 $0x2B80  }
0x18a: {  	[tilespmem:s15], [sflag:$0x1] =	stream.linear.gather [spmem:s14], $0x80, $0x38;
	[tilespmem:$0x8E80] =	vst v63  }
0x18b: {  	s14 =	rddreg [dreg:$0xe];
	s15 =	simm.s32 $0x2000  }
0x18c: {  	[tilespmem:s15], [sflag:$0x1] =	stream.linear.gather [spmem:s14], $0x80, $0x38;
	[tilespmem:$0x8E80] =	vst v63  }
0x18d: {  	s14 =	sld [smem:$0x7CA];
	_ =	sdelay $0x1  }
0x18e: {  	s15 =	simm.s32 $0x2400  }
0x18f: {  	[tilespmem:s15], [sflag:$0x1] =	stream.linear.gather [spmem:s14], $0x80, $0x38;
	[tilespmem:$0x8E80] =	vst v63  }
0x190: {  	s14 =	sld [smem:$0x7CB];
	_ =	sdelay $0x1  }
0x191: {  	s15 =	simm.s32 $0x2800  }
0x192: {  	[tilespmem:s15], [sflag:$0x1] =	stream.linear.gather [spmem:s14], $0x80, $0x38;
	[tilespmem:$0x8E80] =	vst v63  }
0x193: {  	s14 =	sld [smem:$0x7CC];
	_ =	sdelay $0x1  }
0x194: {  	s15 =	simm.s32 $0x2C00  }
0x195: {  	[tilespmem:s15], [sflag:$0x1] =	stream.linear.gather [spmem:s14], $0x80, $0x38;
	[tilespmem:$0x8E80] =	vst v63  }
0x196: {  	s15 =	simm.s32 $0x2080;
	s14 =	sld [smem:$0x7CD]  }
0x197: {  	[tilespmem:s15], [sflag:$0x1] =	stream.linear.gather [spmem:s9], $0x80, $0x38;
	[tilespmem:$0x8E80] =	vst v63  }
0x198: {  	s15 =	simm.s32 $0x2480  }
0x199: {  	[tilespmem:s15], [sflag:$0x1] =	stream.linear.gather [spmem:s14], $0x80, $0x38;
	[tilespmem:$0x8E80] =	vst v63  }
0x19a: {  	s14 =	sld [smem:$0x7CE];
	_ =	sdelay $0x1  }
0x19b: {  	s15 =	simm.s32 $0x2880  }
0x19c: {  	[tilespmem:s15], [sflag:$0x1] =	stream.linear.gather [spmem:s14], $0x80, $0x38;
	[tilespmem:$0x8E80] =	vst v63  }
0x19d: {  	s14 =	sld [smem:$0x7CF];
	_ =	sdelay $0x1  }
0x19e: {  	s15 =	simm.s32 $0x2C80  }
0x19f: {  	[tilespmem:s15], [sflag:$0x1] =	stream.linear.gather [spmem:s14], $0x80, $0x38;
	[tilespmem:$0x8E80] =	vst v63  }
0x1a0: {  	s14 =	rddreg [dreg:$0xf];
	s15 =	simm.s32 $0x2100  }
0x1a1: {  	[tilespmem:s15], [sflag:$0x1] =	stream.linear.gather [spmem:s14], $0x80, $0x38;
	[tilespmem:$0x8E80] =	vst v63  }
0x1a2: {  	s14 =	sld [smem:$0x7D0];
	_ =	sdelay $0x1  }
0x1a3: {  	s15 =	simm.s32 $0x2500  }
0x1a4: {  	[tilespmem:s15], [sflag:$0x1] =	stream.linear.gather [spmem:s14], $0x80, $0x38;
	[tilespmem:$0x8E80] =	vst v63  }
0x1a5: {  	s14 =	sld [smem:$0x7D1];
	_ =	sdelay $0x1  }
0x1a6: {  	s15 =	simm.s32 $0x2900  }
0x1a7: {  	[tilespmem:s15], [sflag:$0x1] =	stream.linear.gather [spmem:s14], $0x80, $0x38;
	[tilespmem:$0x8E80] =	vst v63  }
0x1a8: {  	s14 =	sld [smem:$0x7D2];
	_ =	sdelay $0x1  }
0x1a9: {  	s15 =	simm.s32 $0x2D00  }
0x1aa: {  	[tilespmem:s15], [sflag:$0x1] =	stream.linear.gather [spmem:s14], $0x80, $0x38;
	[tilespmem:$0x8E80] =	vst v63  }
0x1ab: {  	s14 =	rddreg [dreg:$0x12];
	s15 =	simm.s32 $0x2180  }
0x1ac: {  	[tilespmem:s15], [sflag:$0x1] =	stream.linear.gather [spmem:s14], $0x80, $0x38;
	[tilespmem:$0x8E80] =	vst v63  }
0x1ad: {  	s14 =	sld [smem:$0x7D3];
	_ =	sdelay $0x1  }
0x1ae: {  	s15 =	simm.s32 $0x2580  }
0x1af: {  	[tilespmem:s15], [sflag:$0x1] =	stream.linear.gather [spmem:s14], $0x80, $0x38;
	[tilespmem:$0x8E80] =	vst v63  }
0x1b0: {  	s14 =	sld [smem:$0x7D4];
	_ =	sdelay $0x1  }
0x1b1: {  	s15 =	simm.s32 $0x2980  }
0x1b2: {  	[tilespmem:s15], [sflag:$0x1] =	stream.linear.gather [spmem:s14], $0x80, $0x38;
	[tilespmem:$0x8E80] =	vst v63  }
0x1b3: {  	s14 =	sld [smem:$0x7D5];
	_ =	sdelay $0x1  }
0x1b4: {  	s15 =	simm.s32 $0x2D80  }
0x1b5: {  	[tilespmem:s15], [sflag:$0x1] =	stream.linear.gather [spmem:s14], $0x80, $0x38;
	[tilespmem:$0x8E80] =	vst v63  }
0x1b6: {  	s14 =	rddreg [dreg:$0x13];
	s15 =	simm.s32 $0x2200  }
0x1b7: {  	[tilespmem:s15], [sflag:$0x1] =	stream.linear.gather [spmem:s14], $0x80, $0x38;
	[tilespmem:$0x8E80] =	vst v63  }
0x1b8: {  	s14 =	sld [smem:$0x7D6];
	_ =	sdelay $0x1  }
0x1b9: {  	s15 =	simm.s32 $0x2600  }
0x1ba: {  	[tilespmem:s15], [sflag:$0x1] =	stream.linear.gather [spmem:s14], $0x80, $0x38;
	[tilespmem:$0x8E80] =	vst v63  }
0x1bb: {  	s14 =	sld [smem:$0x7D7];
	_ =	sdelay $0x1  }
0x1bc: {  	s15 =	simm.s32 $0x2A00  }
0x1bd: {  	[tilespmem:s15], [sflag:$0x1] =	stream.linear.gather [spmem:s14], $0x80, $0x38;
	[tilespmem:$0x8E80] =	vst v63  }
0x1be: {  	s14 =	sld [smem:$0x7D8];
	_ =	sdelay $0x1  }
0x1bf: {  	s15 =	simm.s32 $0x2E00  }
0x1c0: {  	[tilespmem:s15], [sflag:$0x1] =	stream.linear.gather [spmem:s14], $0x80, $0x38;
	[tilespmem:$0x8E80] =	vst v63  }
0x1c1: {  	s15 =	simm.s32 $0x2E80;
	s14 =	sld [smem:$0x7D9]  }
0x1c2: {  	[tilespmem:s15], [sflag:$0x1] =	stream.linear.gather [spmem:s10], $0x80, $0x38;
	[tilespmem:$0x8E80] =	vst v63  }
0x1c3: {  	s15 =	simm.s32 $0x3280  }
0x1c4: {  	[tilespmem:s15], [sflag:$0x1] =	stream.linear.gather [spmem:s14], $0x80, $0x38;
	[tilespmem:$0x8E80] =	vst v63  }
0x1c5: {  	s14 =	sld [smem:$0x7DA];
	_ =	sdelay $0x1  }
0x1c6: {  	s15 =	simm.s32 $0x3680  }
0x1c7: {  	[tilespmem:s15], [sflag:$0x1] =	stream.linear.gather [spmem:s14], $0x80, $0x38;
	[tilespmem:$0x8E80] =	vst v63  }
0x1c8: {  	s14 =	sld [smem:$0x7DB];
	_ =	sdelay $0x1  }
0x1c9: {  	s15 =	simm.s32 $0x3A80  }
0x1ca: {  	[tilespmem:s15], [sflag:$0x1] =	stream.linear.gather [spmem:s14], $0x80, $0x38;
	[tilespmem:$0x8E80] =	vst v63  }
0x1cb: {  	s14 =	rddreg [dreg:$0x14];
	s15 =	simm.s32 $0x2F00  }
0x1cc: {  	[tilespmem:s15], [sflag:$0x1] =	stream.linear.gather [spmem:s14], $0x80, $0x38;
	[tilespmem:$0x8E80] =	vst v63  }
0x1cd: {  	s14 =	sld [smem:$0x7DC];
	_ =	sdelay $0x1  }
0x1ce: {  	s15 =	simm.s32 $0x3300  }
0x1cf: {  	[tilespmem:s15], [sflag:$0x1] =	stream.linear.gather [spmem:s14], $0x80, $0x38;
	[tilespmem:$0x8E80] =	vst v63  }
0x1d0: {  	s14 =	sld [smem:$0x7DD];
	_ =	sdelay $0x1  }
0x1d1: {  	s15 =	simm.s32 $0x3700  }
0x1d2: {  	[tilespmem:s15], [sflag:$0x1] =	stream.linear.gather [spmem:s14], $0x80, $0x38;
	[tilespmem:$0x8E80] =	vst v63  }
0x1d3: {  	s14 =	sld [smem:$0x7DE];
	_ =	sdelay $0x1  }
0x1d4: {  	s15 =	simm.s32 $0x3B00  }
0x1d5: {  	[tilespmem:s15], [sflag:$0x1] =	stream.linear.gather [spmem:s14], $0x80, $0x38;
	[tilespmem:$0x8E80] =	vst v63  }
0x1d6: {  	s14 =	rddreg [dreg:$0x15];
	s15 =	simm.s32 $0x2F80  }
0x1d7: {  	[tilespmem:s15], [sflag:$0x1] =	stream.linear.gather [spmem:s14], $0x80, $0x38;
	[tilespmem:$0x8E80] =	vst v63  }
0x1d8: {  	s14 =	sld [smem:$0x7DF];
	_ =	sdelay $0x1  }
0x1d9: {  	s15 =	simm.s32 $0x3380  }
0x1da: {  	[tilespmem:s15], [sflag:$0x1] =	stream.linear.gather [spmem:s14], $0x80, $0x38;
	[tilespmem:$0x8E80] =	vst v63  }
0x1db: {  	s14 =	sld [smem:$0x7E0];
	_ =	sdelay $0x1  }
0x1dc: {  	s15 =	simm.s32 $0x3780  }
0x1dd: {  	[tilespmem:s15], [sflag:$0x1] =	stream.linear.gather [spmem:s14], $0x80, $0x38;
	[tilespmem:$0x8E80] =	vst v63  }
0x1de: {  	s14 =	sld [smem:$0x7E1];
	_ =	sdelay $0x1  }
0x1df: {  	s15 =	simm.s32 $0x3B80  }
0x1e0: {  	[tilespmem:s15], [sflag:$0x1] =	stream.linear.gather [spmem:s14], $0x80, $0x38;
	[tilespmem:$0x8E80] =	vst v63  }
0x1e1: {  	s14 =	rddreg [dreg:$0x16];
	s15 =	simm.s32 $0x3000  }
0x1e2: {  	[tilespmem:s15], [sflag:$0x1] =	stream.linear.gather [spmem:s14], $0x80, $0x38;
	[tilespmem:$0x8E80] =	vst v63  }
0x1e3: {  	s14 =	sld [smem:$0x7E2];
	_ =	sdelay $0x1  }
0x1e4: {  	s15 =	simm.s32 $0x3400  }
0x1e5: {  	[tilespmem:s15], [sflag:$0x1] =	stream.linear.gather [spmem:s14], $0x80, $0x38;
	[tilespmem:$0x8E80] =	vst v63  }
0x1e6: {  	s14 =	sld [smem:$0x7E3];
	_ =	sdelay $0x1  }
0x1e7: {  	s15 =	simm.s32 $0x3800  }
0x1e8: {  	[tilespmem:s15], [sflag:$0x1] =	stream.linear.gather [spmem:s14], $0x80, $0x38;
	[tilespmem:$0x8E80] =	vst v63  }
0x1e9: {  	s14 =	sld [smem:$0x7E4];
	_ =	sdelay $0x1  }
0x1ea: {  	s15 =	simm.s32 $0x3C00  }
0x1eb: {  	[tilespmem:s15], [sflag:$0x1] =	stream.linear.gather [spmem:s14], $0x80, $0x38;
	[tilespmem:$0x8E80] =	vst v63  }
0x1ec: {  	s15 =	simm.s32 $0x3080;
	s14 =	sld [smem:$0x7E5]  }
0x1ed: {  	[tilespmem:s15], [sflag:$0x1] =	stream.linear.gather [spmem:s11], $0x80, $0x38;
	[tilespmem:$0x8E80] =	vst v63  }
0x1ee: {  	s15 =	simm.s32 $0x3480  }
0x1ef: {  	[tilespmem:s15], [sflag:$0x1] =	stream.linear.gather [spmem:s14], $0x80, $0x38;
	[tilespmem:$0x8E80] =	vst v63  }
0x1f0: {  	s14 =	sld [smem:$0x7E6];
	_ =	sdelay $0x1  }
0x1f1: {  	s15 =	simm.s32 $0x3880  }
0x1f2: {  	[tilespmem:s15], [sflag:$0x1] =	stream.linear.gather [spmem:s14], $0x80, $0x38;
	[tilespmem:$0x8E80] =	vst v63  }
0x1f3: {  	s14 =	sld [smem:$0x7E7];
	_ =	sdelay $0x1  }
0x1f4: {  	s15 =	simm.s32 $0x3C80  }
0x1f5: {  	[tilespmem:s15], [sflag:$0x1] =	stream.linear.gather [spmem:s14], $0x80, $0x38;
	[tilespmem:$0x8E80] =	vst v63  }
0x1f6: {  	s14 =	rddreg [dreg:$0x17];
	s15 =	simm.s32 $0x3100  }
0x1f7: {  	[tilespmem:s15], [sflag:$0x1] =	stream.linear.gather [spmem:s14], $0x80, $0x38;
	[tilespmem:$0x8E80] =	vst v63  }
0x1f8: {  	s14 =	sld [smem:$0x7E8];
	_ =	sdelay $0x1  }
0x1f9: {  	s15 =	simm.s32 $0x3500  }
0x1fa: {  	[tilespmem:s15], [sflag:$0x1] =	stream.linear.gather [spmem:s14], $0x80, $0x38;
	[tilespmem:$0x8E80] =	vst v63  }
0x1fb: {  	s14 =	sld [smem:$0x7E9];
	_ =	sdelay $0x1  }
0x1fc: {  	s15 =	simm.s32 $0x3900  }
0x1fd: {  	[tilespmem:s15], [sflag:$0x1] =	stream.linear.gather [spmem:s14], $0x80, $0x38;
	[tilespmem:$0x8E80] =	vst v63  }
0x1fe: {  	s14 =	sld [smem:$0x7EA];
	_ =	sdelay $0x1  }
0x1ff: {  	s15 =	simm.s32 $0x3D00  }
0x200: {  	[tilespmem:s15], [sflag:$0x1] =	stream.linear.gather [spmem:s14], $0x80, $0x38;
	[tilespmem:$0x8E80] =	vst v63  }
0x201: {  	s14 =	rddreg [dreg:$0x18];
	s15 =	simm.s32 $0x3180  }
0x202: {  	[tilespmem:s15], [sflag:$0x1] =	stream.linear.gather [spmem:s14], $0x80, $0x38;
	[tilespmem:$0x8E80] =	vst v63  }
0x203: {  	s14 =	sld [smem:$0x7EB];
	_ =	sdelay $0x1  }
0x204: {  	s15 =	simm.s32 $0x3580  }
0x205: {  	[tilespmem:s15], [sflag:$0x1] =	stream.linear.gather [spmem:s14], $0x80, $0x38;
	[tilespmem:$0x8E80] =	vst v63  }
0x206: {  	s14 =	sld [smem:$0x7EC];
	_ =	sdelay $0x1  }
0x207: {  	s15 =	simm.s32 $0x3980  }
0x208: {  	[tilespmem:s15], [sflag:$0x1] =	stream.linear.gather [spmem:s14], $0x80, $0x38;
	[tilespmem:$0x8E80] =	vst v63  }
0x209: {  	s14 =	sld [smem:$0x7ED];
	_ =	sdelay $0x1  }
0x20a: {  	s15 =	simm.s32 $0x3D80  }
0x20b: {  	[tilespmem:s15], [sflag:$0x1] =	stream.linear.gather [spmem:s14], $0x80, $0x38;
	[tilespmem:$0x8E80] =	vst v63  }
0x20c: {  	s14 =	rddreg [dreg:$0x19];
	s15 =	simm.s32 $0x3200  }
0x20d: {  	[tilespmem:s15], [sflag:$0x1] =	stream.linear.gather [spmem:s14], $0x80, $0x38;
	[tilespmem:$0x8E80] =	vst v63  }
0x20e: {  	s14 =	sld [smem:$0x7EE];
	_ =	sdelay $0x1  }
0x20f: {  	s15 =	simm.s32 $0x3600  }
0x210: {  	[tilespmem:s15], [sflag:$0x1] =	stream.linear.gather [spmem:s14], $0x80, $0x38;
	[tilespmem:$0x8E80] =	vst v63  }
0x211: {  	s14 =	sld [smem:$0x7EF];
	_ =	sdelay $0x1  }
0x212: {  	s15 =	simm.s32 $0x3A00  }
0x213: {  	[tilespmem:s15], [sflag:$0x1] =	stream.linear.gather [spmem:s14], $0x80, $0x38;
	[tilespmem:$0x8E80] =	vst v63  }
0x214: {  	s14 =	sld [smem:$0x7F0];
	_ =	sdelay $0x1  }
0x215: {  	s15 =	simm.s32 $0x3E00  }
0x216: {  	[tilespmem:s15], [sflag:$0x1] =	stream.linear.gather [spmem:s14], $0x80, $0x38;
	[tilespmem:$0x8E80] =	vst v63  }
0x217: {  	s15 =	simm.s32 $0x3E80;
	s14 =	sld [smem:$0x7F1]  }
0x218: {  	[tilespmem:s15], [sflag:$0x1] =	stream.linear.gather [spmem:s12], $0x80, $0x38;
	[tilespmem:$0x8E80] =	vst v63  }
0x219: {  	s15 =	simm.s32 $0x4280  }
0x21a: {  	[tilespmem:s15], [sflag:$0x1] =	stream.linear.gather [spmem:s14], $0x80, $0x38;
	[tilespmem:$0x8E80] =	vst v63  }
0x21b: {  	s14 =	sld [smem:$0x7F2];
	_ =	sdelay $0x1  }
0x21c: {  	s15 =	simm.s32 $0x4680  }
0x21d: {  	[tilespmem:s15], [sflag:$0x1] =	stream.linear.gather [spmem:s14], $0x80, $0x38;
	[tilespmem:$0x8E80] =	vst v63  }
0x21e: {  	s14 =	sld [smem:$0x7F3];
	_ =	sdelay $0x1  }
0x21f: {  	s15 =	simm.s32 $0x4A80  }
0x220: {  	[tilespmem:s15], [sflag:$0x1] =	stream.linear.gather [spmem:s14], $0x80, $0x38;
	[tilespmem:$0x8E80] =	vst v63  }
0x221: {  	s14 =	rddreg [dreg:$0x1a];
	s15 =	simm.s32 $0x3F00  }
0x222: {  	[tilespmem:s15], [sflag:$0x1] =	stream.linear.gather [spmem:s14], $0x80, $0x38;
	[tilespmem:$0x8E80] =	vst v63  }
0x223: {  	s14 =	sld [smem:$0x7F4];
	_ =	sdelay $0x1  }
0x224: {  	s15 =	simm.s32 $0x4300  }
0x225: {  	[tilespmem:s15], [sflag:$0x1] =	stream.linear.gather [spmem:s14], $0x80, $0x38;
	[tilespmem:$0x8E80] =	vst v63  }
0x226: {  	s14 =	sld [smem:$0x7F5];
	_ =	sdelay $0x1  }
0x227: {  	s15 =	simm.s32 $0x4700  }
0x228: {  	[tilespmem:s15], [sflag:$0x1] =	stream.linear.gather [spmem:s14], $0x80, $0x38;
	[tilespmem:$0x8E80] =	vst v63  }
0x229: {  	s14 =	sld [smem:$0x7F6];
	_ =	sdelay $0x1  }
0x22a: {  	s15 =	simm.s32 $0x4B00  }
0x22b: {  	[tilespmem:s15], [sflag:$0x1] =	stream.linear.gather [spmem:s14], $0x80, $0x38;
	[tilespmem:$0x8E80] =	vst v63  }
0x22c: {  	s14 =	rddreg [dreg:$0x1b];
	s15 =	simm.s32 $0x3F80  }
0x22d: {  	[tilespmem:s15], [sflag:$0x1] =	stream.linear.gather [spmem:s14], $0x80, $0x38;
	[tilespmem:$0x8E80] =	vst v63  }
0x22e: {  	s14 =	sld [smem:$0x7F7];
	_ =	sdelay $0x1  }
0x22f: {  	s15 =	simm.s32 $0x4380  }
0x230: {  	[tilespmem:s15], [sflag:$0x1] =	stream.linear.gather [spmem:s14], $0x80, $0x38;
	[tilespmem:$0x8E80] =	vst v63  }
0x231: {  	s14 =	sld [smem:$0x7F8];
	_ =	sdelay $0x1  }
0x232: {  	s15 =	simm.s32 $0x4780  }
0x233: {  	[tilespmem:s15], [sflag:$0x1] =	stream.linear.gather [spmem:s14], $0x80, $0x38;
	[tilespmem:$0x8E80] =	vst v63  }
0x234: {  	s14 =	sld [smem:$0x7F9];
	_ =	sdelay $0x1  }
0x235: {  	s15 =	simm.s32 $0x4B80  }
0x236: {  	[tilespmem:s15], [sflag:$0x1] =	stream.linear.gather [spmem:s14], $0x80, $0x38;
	[tilespmem:$0x8E80] =	vst v63  }
0x237: {  	s14 =	rddreg [dreg:$0x1c];
	s15 =	simm.s32 $0x4000  }
0x238: {  	[tilespmem:s15], [sflag:$0x1] =	stream.linear.gather [spmem:s14], $0x80, $0x38;
	[tilespmem:$0x8E80] =	vst v63  }
0x239: {  	s14 =	sld [smem:$0x7FA];
	_ =	sdelay $0x1  }
0x23a: {  	s15 =	simm.s32 $0x4400  }
0x23b: {  	[tilespmem:s15], [sflag:$0x1] =	stream.linear.gather [spmem:s14], $0x80, $0x38;
	[tilespmem:$0x8E80] =	vst v63  }
0x23c: {  	s14 =	sld [smem:$0x7FB];
	_ =	sdelay $0x1  }
0x23d: {  	s15 =	simm.s32 $0x4800  }
0x23e: {  	[tilespmem:s15], [sflag:$0x1] =	stream.linear.gather [spmem:s14], $0x80, $0x38;
	[tilespmem:$0x8E80] =	vst v63  }
0x23f: {  	s14 =	sld [smem:$0x7FC];
	_ =	sdelay $0x1  }
0x240: {  	s15 =	simm.s32 $0x4C00  }
0x241: {  	[tilespmem:s15], [sflag:$0x1] =	stream.linear.gather [spmem:s14], $0x80, $0x38;
	[tilespmem:$0x8E80] =	vst v63  }
0x242: {  	s15 =	simm.s32 $0x4080;
	s14 =	sld [smem:$0x7FD]  }
0x243: {  	[tilespmem:s15], [sflag:$0x1] =	stream.linear.gather [spmem:s13], $0x80, $0x38;
	[tilespmem:$0x8E80] =	vst v63  }
0x244: {  	s15 =	simm.s32 $0x4480  }
0x245: {  	[tilespmem:s15], [sflag:$0x1] =	stream.linear.gather [spmem:s14], $0x80, $0x38;
	[tilespmem:$0x8E80] =	vst v63  }
0x246: {  	s15 =	simm.s32 $0x4880  }
0x247: {  	[tilespmem:s15], [sflag:$0x1] =	stream.linear.gather [spmem:s16], $0x80, $0x38;
	[tilespmem:$0x8E80] =	vst v63  }
0x248: {  	s15 =	simm.s32 $0x4C80  }
0x249: {  	[tilespmem:s15], [sflag:$0x1] =	stream.linear.gather [spmem:s17], $0x80, $0x38;
	[tilespmem:$0x8E80] =	vst v63  }
0x24a: {  	s14 =	rddreg [dreg:$0x1d];
	s15 =	simm.s32 $0x4100  }
0x24b: {  	[tilespmem:s15], [sflag:$0x1] =	stream.linear.gather [spmem:s14], $0x80, $0x38;
	[tilespmem:$0x8E80] =	vst v63  }
0x24c: {  	s15 =	simm.s32 $0x4500  }
0x24d: {  	[tilespmem:s15], [sflag:$0x1] =	stream.linear.gather [spmem:s18], $0x80, $0x38;
	[tilespmem:$0x8E80] =	vst v63  }
0x24e: {  	s15 =	simm.s32 $0x4900  }
0x24f: {  	[tilespmem:s15], [sflag:$0x1] =	stream.linear.gather [spmem:s19], $0x80, $0x38;
	[tilespmem:$0x8E80] =	vst v63  }
0x250: {  	s15 =	simm.s32 $0x4D00  }
0x251: {  	[tilespmem:s15], [sflag:$0x1] =	stream.linear.gather [spmem:s20], $0x80, $0x38;
	[tilespmem:$0x8E80] =	vst v63  }
0x252: {  	s14 =	rddreg [dreg:$0x1e];
	s15 =	simm.s32 $0x4180  }
0x253: {  	[tilespmem:s15], [sflag:$0x1] =	stream.linear.gather [spmem:s14], $0x80, $0x38;
	[tilespmem:$0x8E80] =	vst v63  }
0x254: {  	s15 =	simm.s32 $0x4580  }
0x255: {  	[tilespmem:s15], [sflag:$0x1] =	stream.linear.gather [spmem:s21], $0x80, $0x38;
	[tilespmem:$0x8E80] =	vst v63  }
0x256: {  	s15 =	simm.s32 $0x4980  }
0x257: {  	[tilespmem:s15], [sflag:$0x1] =	stream.linear.gather [spmem:s22], $0x80, $0x38;
	[tilespmem:$0x8E80] =	vst v63  }
0x258: {  	s15 =	simm.s32 $0x4D80  }
0x259: {  	[tilespmem:s15], [sflag:$0x1] =	stream.linear.gather [spmem:s23], $0x80, $0x38;
	[tilespmem:$0x8E80] =	vst v63  }
0x25a: {  	s14 =	rddreg [dreg:$0x1f];
	s15 =	simm.s32 $0x4200  }
0x25b: {  	[tilespmem:s15], [sflag:$0x1] =	stream.linear.gather [spmem:s14], $0x80, $0x38;
	[tilespmem:$0x8E80] =	vst v63  }
0x25c: {  	s15 =	simm.s32 $0x4600  }
0x25d: {  	[tilespmem:s15], [sflag:$0x1] =	stream.linear.gather [spmem:s24], $0x80, $0x38;
	[tilespmem:$0x8E80] =	vst v63  }
0x25e: {  	s15 =	simm.s32 $0x4A00  }
0x25f: {  	[tilespmem:s15], [sflag:$0x1] =	stream.linear.gather [spmem:s25], $0x80, $0x38;
	[tilespmem:$0x8E80] =	vst v63  }
0x260: {  	s15 =	simm.s32 $0x4E00  }
0x261: {  	[tilespmem:s15], [sflag:$0x1] =	stream.linear.gather [spmem:s4], $0x80, $0x38;
	[tilespmem:$0x8E80] =	vst v63  }
0x262: {  	_ =	swait.ge [sflag:s31], $0x200  }
0x263: {  	[sflag:s31] =	ssyncset.done $0x0  }
0x264: {  	[sflag:s31] =	ssyncadd.s32 $0xFFFFFE00  }
0x265: {  	_ =	swait.ge [sflag:s31], $0x200  }
0x266: {  	[sflag:s31] =	ssyncset.done $0x0  }
0x267: {  	[sflag:s31] =	ssyncadd.s32 $0xFFFFFE00  }
0x268: {  	_ =	swait.ge [sflag:s31], $0x200  }
0x269: {  	[sflag:s31] =	ssyncset.done $0x0  }
0x26a: {  	[sflag:s31] =	ssyncadd.s32 $0xFFFFFE00  }
0x26b: {  	_ =	swait.ge [sflag:s31], $0x200  }
0x26c: {  	[sflag:s31] =	ssyncset.done $0x0  }
0x26d: {  	[sflag:s31] =	ssyncadd.s32 $0xFFFFFE00  }
0x26e: {  	_ =	swait.ge [sflag:s31], $0x200  }
0x26f: {  	[sflag:s31] =	ssyncset.done $0x0  }
0x270: {  	[sflag:s31] =	ssyncadd.s32 $0xFFFFFE00  }
0x271: {  	_ =	swait.ge [sflag:s31], $0x200  }
0x272: {  	[sflag:s31] =	ssyncset.done $0x0  }
0x273: {  	[sflag:s31] =	ssyncadd.s32 $0xFFFFFE00  }
0x274: {  	_ =	swait.ge [sflag:s31], $0x200  }
0x275: {  	[sflag:s31] =	ssyncset.done $0x0  }
0x276: {  	[sflag:s31] =	ssyncadd.s32 $0xFFFFFE00  }
0x277: {  	_ =	swait.ge [sflag:s31], $0x200  }
0x278: {  	[sflag:s31] =	ssyncset.done $0x0  }
0x279: {  	[sflag:s31] =	ssyncadd.s32 $0xFFFFFE00  }
0x27a: {  	_ =	swait.ge [sflag:s31], $0x200  }
0x27b: {  	[sflag:s31] =	ssyncset.done $0x0  }
0x27c: {  	[sflag:s31] =	ssyncadd.s32 $0xFFFFFE00  }
0x27d: {  	_ =	swait.ge [sflag:s31], $0x200  }
0x27e: {  	[sflag:s31] =	ssyncset.done $0x0  }
0x27f: {  	[sflag:s31] =	ssyncadd.s32 $0xFFFFFE00  }
0x280: {  	_ =	swait.ge [sflag:s31], $0x200  }
0x281: {  	[sflag:s31] =	ssyncset.done $0x0  }
0x282: {  	[sflag:s31] =	ssyncadd.s32 $0xFFFFFE00  }
0x283: {  	_ =	swait.ge [sflag:s31], $0x200  }
0x284: {  	[sflag:s31] =	ssyncset.done $0x0  }
0x285: {  	[sflag:s31] =	ssyncadd.s32 $0xFFFFFE00  }
0x286: {  	_ =	swait.ge [sflag:s31], $0x200  }
0x287: {  	[sflag:s31] =	ssyncset.done $0x0  }
0x288: {  	[sflag:s31] =	ssyncadd.s32 $0xFFFFFE00  }
0x289: {  	_ =	swait.ge [sflag:s31], $0x200  }
0x28a: {  	[sflag:s31] =	ssyncset.done $0x0  }
0x28b: {  	[sflag:s31] =	ssyncadd.s32 $0xFFFFFE00  }
0x28c: {  	_ =	swait.ge [sflag:s31], $0x200  }
0x28d: {  	[sflag:s31] =	ssyncset.done $0x0  }
0x28e: {  	[sflag:s31] =	ssyncadd.s32 $0xFFFFFE00  }
0x28f: {  	_ =	swait.ge [sflag:s31], $0x200  }
0x290: {  	[sflag:s31] =	ssyncset.done $0x0  }
0x291: {  	[sflag:s31] =	ssyncadd.s32 $0xFFFFFE00  }
0x292: {  	_ =	swait.ge [sflag:s31], $0x200  }
0x293: {  	[sflag:s31] =	ssyncset.done $0x0  }
0x294: {  	[sflag:s31] =	ssyncadd.s32 $0xFFFFFE00  }
0x295: {  	_ =	swait.ge [sflag:s31], $0x200  }
0x296: {  	[sflag:s31] =	ssyncset.done $0x0  }
0x297: {  	[sflag:s31] =	ssyncadd.s32 $0xFFFFFE00  }
0x298: {  	_ =	swait.ge [sflag:s31], $0x200  }
0x299: {  	[sflag:s31] =	ssyncset.done $0x0  }
0x29a: {  	[sflag:s31] =	ssyncadd.s32 $0xFFFFFE00  }
0x29b: {  	_ =	swait.ge [sflag:s31], $0x200  }
0x29c: {  	[sflag:s31] =	ssyncset.done $0x0  }
0x29d: {  	[sflag:s31] =	ssyncadd.s32 $0xFFFFFE00  }
0x29e: {  	_ =	swait.ge [sflag:s31], $0x200  }
0x29f: {  	[sflag:s31] =	ssyncset.done $0x0  }
0x2a0: {  	[sflag:s31] =	ssyncadd.s32 $0xFFFFFE00  }
0x2a1: {  	_ =	swait.ge [sflag:s31], $0x200  }
0x2a2: {  	[sflag:s31] =	ssyncset.done $0x0  }
0x2a3: {  	[sflag:s31] =	ssyncadd.s32 $0xFFFFFE00  }
0x2a4: {  	_ =	swait.ge [sflag:s31], $0x200  }
0x2a5: {  	[sflag:s31] =	ssyncset.done $0x0  }
0x2a6: {  	[sflag:s31] =	ssyncadd.s32 $0xFFFFFE00  }
0x2a7: {  	_ =	swait.ge [sflag:s31], $0x200  }
0x2a8: {  	[sflag:s31] =	ssyncset.done $0x0  }
0x2a9: {  	[sflag:s31] =	ssyncadd.s32 $0xFFFFFE00  }
0x2aa: {  	_ =	swait.ge [sflag:s31], $0x200  }
0x2ab: {  	[sflag:s31] =	ssyncset.done $0x0  }
0x2ac: {  	[sflag:s31] =	ssyncadd.s32 $0xFFFFFE00  }
0x2ad: {  	_ =	swait.ge [sflag:s31], $0x200  }
0x2ae: {  	[sflag:s31] =	ssyncset.done $0x0  }
0x2af: {  	[sflag:s31] =	ssyncadd.s32 $0xFFFFFE00  }
0x2b0: {  	_ =	swait.ge [sflag:s31], $0x200  }
0x2b1: {  	[sflag:s31] =	ssyncset.done $0x0  }
0x2b2: {  	[sflag:s31] =	ssyncadd.s32 $0xFFFFFE00  }
0x2b3: {  	_ =	swait.ge [sflag:s31], $0x200  }
0x2b4: {  	[sflag:s31] =	ssyncset.done $0x0  }
0x2b5: {  	[sflag:s31] =	ssyncadd.s32 $0xFFFFFE00  }
0x2b6: {  	_ =	swait.ge [sflag:s31], $0x200  }
0x2b7: {  	[sflag:s31] =	ssyncset.done $0x0  }
0x2b8: {  	[sflag:s31] =	ssyncadd.s32 $0xFFFFFE00  }
0x2b9: {  	_ =	swait.ge [sflag:s31], $0x200  }
0x2ba: {  	[sflag:s31] =	ssyncset.done $0x0  }
0x2bb: {  	[sflag:s31] =	ssyncadd.s32 $0xFFFFFE00  }
0x2bc: {  	_ =	swait.ge [sflag:s31], $0x200  }
0x2bd: {  	[sflag:s31] =	ssyncset.done $0x0  }
0x2be: {  	[sflag:s31] =	ssyncadd.s32 $0xFFFFFE00  }
0x2bf: {  	_ =	swait.ge [sflag:s31], $0x200  }
0x2c0: {  	[sflag:s31] =	ssyncset.done $0x0  }
0x2c1: {  	s14 =	simm.s32 $0x0;
	s15 =	rddreg [dreg:$0x10];
	[sflag:s31] =	ssyncadd.s32 $0xFFFFFE00  }
0x2c2: {  	[hbm4b:s15+s14] =	stream.linear.scatter [tilespmem:s3], [sflag:$0x3], $0x4000, $0x38;
	[tilespmem:$0x8E80] =	vst v63  }
0x2c3: {  	_ =	swait.ge [sflag:s2], $0x4000  }
0x2c4: {  	s5 =	sadd.s32 $0x1, s5;
	s15 =	rddreg [dreg:$0x11]  }
0x2c5: {  	p0 =	sne.s32 s5, s15  }
.Ltmp1:
0x2c6: {  	_ = 	snop;
	(pc) =	sbr.rel @p0 .LBB2_1-.Ltmp1, $3  }
0x2c7: {  	_ =	sdelay $0x1  }
0x2c8: {  	[sflag:s2] =	ssyncset.done $0x0  }
0x2c9: {  	[sflag:s2] =	ssyncadd.s32 $0xFFFFC000  }
0x2ca: {  	_ =	sfence.sel $0x180000  }
0x2cb: {  	[bflag:$0x0] =	sbarrier.arrive $0xFFFF  }
0x2cc: {  	_ =	strace $0x90000047  }
0x2cd: {  	s0 =	stileid.u32;
	[bflag:$0x2] =	sbarrier.arrive $0xFFFF  }
0x2ce: {  	p0 =	sne.s32 s0, $0x0;
	s0 =	rddreg [dreg:$0x3]  }
0x2cf: {  	s0 =	sadd.s32 @!p0 $0x100000, s0  }
0x2d0: {  	[sflag:s0] =	ssyncadd.tile.s32 @!p0 $0x1;
	_ =	shalt  }
.Lfunc_end2:
_tile_overlayer_lowered:
.L_overlay_start_2:
0x2d1: {  	(tag) =	ssettag $0x2  }
0x2d2: {  	s0 =	rddreg [dreg:$0x0];
	s2 =	stileid.u32  }
0x2d3: {  	s1 =	rddreg [dreg:$0x1];
	p0 =	sne.s32 s2, $0x0  }
0x2d4: {  	s3 =	rddreg [dreg:$0x2];
	[bflag:$0x3] =	sbarrier.arrive $0xFFFF;
	s2 =	simm.s32 @!p0 $0x1C03  }
0x2d5: {  	[timem:s3], [sflag:s2] =	dma.local @!p0 [hbm:s0], s1  }
0x2d6: {  	s0 =	simm.s32 @!p0 $0x3  }
0x2d7: {  	_ =	swait.ge @!p0 [sflag:s0], s1  }
0x2d8: {  	s1 =	ssub.s32 @!p0 $0x0, s1;
	[sflag:s0] =	ssyncset.done @!p0 $0x0  }
0x2d9: {  	[sflag:s0] =	ssyncadd.s32 @!p0 s1  }
0x2da: {  	[bflag:$0x3] =	sbarrier.arrive $0xFFFF  }
0x2db: {  	_ =	shalt  }

// kernel: kernel.8.cloned.1.call-start
scs
__scs_entry_jumppad:
0x0: {  	(pc) =	sbr.rel $0x88, $3  }
0x1: {  	(tag) =	ssettag $0x0;
	lr =	simm.s32 $0x1  }
0x2: {  	[smem:$0x3F8E] =	sst lr;
	_ =	strace $0xD0000000  }
0x3: {  	_ = 	snop  }
0x4: {  	_ = 	snop  }
0x5: {  	_ = 	snop  }
0x6: {  	_ = 	snop  }
0x7: {  	_ = 	snop  }
__scs_overlays_trampoline_lowered:
0x8: {  	[smem:$0x3F9D] =	sst s0  }
0x9: {  	[smem:$0x3F9E] =	sst s1  }
0xa: {  	[smem:$0x3F9F] =	sst s2  }
0xb: {  	[smem:$0x3FA0] =	sst s3  }
0xc: {  	[smem:$0x3FA1] =	sst s4  }
0xd: {  	[smem:$0x3FA2] =	sst s5  }
0xe: {  	[smem:$0x3FA3] =	sst s6  }
0xf: {  	[smem:$0x3FA4] =	sst s7  }
0x10: {  	[smem:$0x3FA5] =	sst s8  }
0x11: {  	[smem:$0x3FA6] =	sst s9;
	s0 =	simm.s32 @!p0 $0x0  }
0x12: {  	s1 =	sld [smem:$0x3F8C];
	s0 =	simm.s32 @p0 $0x1  }
0x13: {  	[smem:$0x3FA7] =	sst s0;
	s0 =	simm.s32 @!p1 $0x0  }
0x14: {  	s2 =	sld [smem:$0x3F8B];
	s0 =	simm.s32 @p1 $0x1  }
0x15: {  	[smem:$0x3FA8] =	sst s0;
	s0 =	simm.s32 @!p2 $0x0  }
0x16: {  	s3 =	sld [smem:$0x3FDB];
	s0 =	simm.s32 @p2 $0x1  }
0x17: {  	s4 =	simm.s32 $0x1BF5;
	[smem:$0x3FAA] =	sst s0  }
0x18: {  	s0 =	sld [smem:$0x3F8D];
	_ =	swait.ge [sflag:s4], $0x0  }
0x19: {  	s7 =	sld [smem:$0x3F8E]  }
0x1a: {  	s8 =	sadd.s32 $0xFFFFE003, lr  }
0x1b: {  	s9 =	sadd.s32 $0xFFFFFEF7, lr;
	s5 =	simm.s32 $0xFFFFFFFF;
	p2 =	slt.u32 s8, $0xFFFFF086  }
0x1c: {  	p1 =	slt.u32 s9, $0xF7A;
	s5 =	simm.s32 @!p2 $0x0  }
0x1d: {  	s5 =	simm.s32 @p1 $0x1;
	p0 =	seq.s32 s7, s2  }
0x1e: {  	s7 =	smul.u32 @!p0 $0xF7A, s2;
	p2 =	seq.s32 @!p0 s5, $0x0  }
0x1f: {  	s9 =	smul.u32 $0xF7A, s1;
	s8 =	simm.s32 @!p0 $0x1BF5;
	p2 =	por !p2, p0  }
0x20: {  	[sflag:s8] =	ssyncset.s32 @!p0 $0xFFFFF086;
	s6 =	sadd.s32 @!p0 s3, s7;
	s7 =	simm.s32 @!p0 $0x108  }
0x21: {  	s3 =	sadd.s32 s3, s9;
	s6 =	sadd.s32 @!p0 $0x88, s6;
	s7 =	simm.s32 @p2 $0x1082  }
0x22: {  	[simem:s7], [sflag:s8] =	dma.local @!p0 [hbm:s6], $0xF7A  }
0x23: {  	s9 =	sor.u32 $0xD0000000, s2;
	s6 =	simm.s32 $0x108;
	_ =	swait.ge @!p0 [sflag:s8], $0x0  }
0x24: {  	s3 =	sadd.s32 $0x88, s3;
	s6 =	simm.s32 @!p1 $0x1082;
	[sflag:s4] =	ssyncset.s32 $0xFFFFF086  }
0x25: {  	[simem:s6], [sflag:s4] =	dma.local [hbm:s3], $0xF7A  }
0x26: {  	[smem:$0x3F8E] =	sst s1;
	(tag) =	ssettag s2;
	_ =	strace s9  }
0x27: {  	s1 =	sld [smem:$0x3F9E]  }
0x28: {  	s2 =	sld [smem:$0x3F9F]  }
0x29: {  	s4 =	sld [smem:$0x3FA1]  }
0x2a: {  	p0 =	seq.s32 s5, $0x0;
	s5 =	sld [smem:$0x3FA2]  }
0x2b: {  	s6 =	sld [smem:$0x3FA3]  }
0x2c: {  	s7 =	sld [smem:$0x3FA4]  }
0x2d: {  	s3 =	simm.s32 $0x108;
	s8 =	sld [smem:$0x3FA5]  }
0x2e: {  	s3 =	simm.s32 @!p0 $0x1082;
	s9 =	sld [smem:$0x3FA6]  }
0x2f: {  	lr =	sadd.s32 s0, s3;
	s0 =	sld [smem:$0x3F9D]  }
0x30: {  	s3 =	sld [smem:$0x3FA0]  }
0x31: {  	[smem:$0x3FA9] =	sst s10  }
0x32: {  	s10 =	sld [smem:$0x3FA7];
	_ =	sdelay $0x3  }
0x33: {  	p0 =	seq.s32 s10, $0x1;
	s10 =	sld [smem:$0x3FA9];
	_ =	sdelay $0x3  }
0x34: {  	[smem:$0x3FA9] =	sst s10  }
0x35: {  	s10 =	sld [smem:$0x3FA8];
	_ =	sdelay $0x3  }
0x36: {  	p1 =	seq.s32 s10, $0x1;
	s10 =	sld [smem:$0x3FA9];
	_ =	sdelay $0x3  }
0x37: {  	[smem:$0x3FA9] =	sst s10  }
0x38: {  	s10 =	sld [smem:$0x3FAA]  }
0x39: {  	_ = 	snop;
	(pc) =	sbr.ind lr, $3  }
0x3a: {  	_ = 	snop  }
0x3b: {  	_ = 	snop  }
0x3c: {  	p2 =	seq.s32 s10, $0x1;
	s10 =	sld [smem:$0x3FA9]  }
0x3d: {  	_ =	shalt  }
0x3e: {  	_ =	shalt  }
0x3f: {  	_ =	shalt  }
0x40: {  	_ =	shalt  }
0x41: {  	_ =	shalt  }
0x42: {  	_ =	shalt  }
0x43: {  	_ =	shalt  }
0x44: {  	_ =	shalt  }
0x45: {  	_ =	shalt  }
0x46: {  	_ =	shalt  }
0x47: {  	_ =	shalt  }
0x48: {  	_ =	shalt  }
0x49: {  	_ =	shalt  }
0x4a: {  	_ =	shalt  }
0x4b: {  	_ =	shalt  }
0x4c: {  	_ =	shalt  }
0x4d: {  	_ =	shalt  }
0x4e: {  	_ =	shalt  }
0x4f: {  	_ =	shalt  }
0x50: {  	_ =	shalt  }
0x51: {  	_ =	shalt  }
0x52: {  	_ =	shalt  }
0x53: {  	_ =	shalt  }
0x54: {  	_ =	shalt  }
0x55: {  	_ =	shalt  }
0x56: {  	_ =	shalt  }
0x57: {  	_ =	shalt  }
0x58: {  	_ =	shalt  }
0x59: {  	_ =	shalt  }
0x5a: {  	_ =	shalt  }
0x5b: {  	_ =	shalt  }
0x5c: {  	_ =	shalt  }
0x5d: {  	_ =	shalt  }
0x5e: {  	_ =	shalt  }
0x5f: {  	_ =	shalt  }
0x60: {  	_ =	shalt  }
0x61: {  	_ =	shalt  }
0x62: {  	_ =	shalt  }
0x63: {  	_ =	shalt  }
0x64: {  	_ =	shalt  }
0x65: {  	_ =	shalt  }
0x66: {  	_ =	shalt  }
0x67: {  	_ =	shalt  }
0x68: {  	_ =	shalt  }
0x69: {  	_ =	shalt  }
0x6a: {  	_ =	shalt  }
0x6b: {  	_ =	shalt  }
0x6c: {  	_ =	shalt  }
0x6d: {  	_ =	shalt  }
0x6e: {  	_ =	shalt  }
0x6f: {  	_ =	shalt  }
0x70: {  	_ =	shalt  }
0x71: {  	_ =	shalt  }
0x72: {  	_ =	shalt  }
0x73: {  	_ =	shalt  }
0x74: {  	_ =	shalt  }
0x75: {  	_ =	shalt  }
0x76: {  	_ =	shalt  }
0x77: {  	_ =	shalt  }
0x78: {  	_ =	shalt  }
0x79: {  	_ =	shalt  }
0x7a: {  	_ =	shalt  }
0x7b: {  	_ =	shalt  }
0x7c: {  	_ =	shalt  }
0x7d: {  	_ =	shalt  }
0x7e: {  	_ =	shalt  }
0x7f: {  	_ =	shalt  }
0x80: {  	_ =	shalt  }
0x81: {  	_ =	shalt  }
0x82: {  	_ =	shalt  }
0x83: {  	_ =	shalt  }
0x84: {  	_ =	shalt  }
0x85: {  	_ =	shalt  }
0x86: {  	_ =	shalt  }
0x87: {  	_ =	shalt  }
.Lfunc_end0:
.L_simem_size_0:
called_computation.1_lowered:
.L_overlay_start_0:
0x88: {  	s2 =	sld [smem:$0x3FD9]  }
0x89: {  	s3 =	sld [smem:$0x3FFE];
	_ =	sdelay $0x1  }
0x8a: {  	s1 =	srdreg.scid  }
0x8b: {  	s0 =	sand.u32 $0x1, s1  }
0x8c: {  	s17 =	sshll.u32 s0, $0xA;
	s2 =	sadd.s32 s3, s2  }
0x8d: {  	s2 =	sadd.s32 s2, s17  }
0x8e: {  	[smem:$0x3FB5] =	sst s2  }
0x8f: {  	_ = 	snop  }
0x90: {  	s2 =	sld [smem:$0x3FD0];
	(tm) =	ssettm $0x1  }
0x91: {  	s18 =	sld [smem:$0x3FFB];
	_ =	sdelay $0x3  }
0x92: {  	_ =	strace s18  }
0x93: {  	s3 =	sld [smem:$0x3FFC];
	_ =	sdelay $0x3  }
0x94: {  	_ =	strace s3  }
0x95: {  	s3 =	sld [smem:$0x3FFD];
	_ =	sdelay $0x3  }
0x96: {  	_ =	strace s3  }
0x97: {  	_ =	strace $0x8FFFFFFF  }
0x98: {  	s19 =	sld [smem:$0x3FDB];
	_ =	sdelay $0x1  }
0x99: {  	s4 =	simm.s32 $_scs_section_size  }
0x9a: {  	s5 =	simm.s32 $_size__tile_overlayer_lowered;
	s6 =	simm.s32 $_tile_overlayer_lowered  }
0x9b: {  	s22 =	simm.s32 $0x1BFF;
	s21 =	sshll.u32 s6, $0x1;
	s3 =	sadd.s32 s4, s19  }
0x9c: {  	s7 =	simm.s32 $0x0;
	s20 =	sshll.u32 s5, $0x1;
	s5 =	sadd.s32 s21, s3  }
0x9d: {  	[timem:s7], [sflag:s22] =	dma.local [hbm:s5], s20  }
0x9e: {  	_ =	swait.ge [sflag:s22], s20  }
0x9f: {  	s4 =	ssub.s32 $0x0, s20;
	[sflag:s22] =	ssyncset.done $0x0  }
0xa0: {  	[sflag:s22] =	ssyncadd.s32 s4;
	_ =	sdelay $0x1  }
0xa1: {  	s23 =	simm.s32 $0x1B8B  }
0xa2: {  	_ =	swait.ge [sflag:s23], $0x1  }
0xa3: {  	[sflag:s23] =	ssyncset.done $0x0  }
0xa4: {  	s25 =	simm.s32 $0x1B8E;
	s24 =	sld [smem:$0x3FFE];
	[sflag:s23] =	ssyncadd.s32 $0xFFFFFFFF  }
0xa5: {  	s26 =	simm.s32 $execute0_lowered;
	[smem:$0x3FD2] =	sst s25  }
0xa6: {  	s5 =	sshll.u32 s26, $0x1;
	_ =	strace $0x80000049;
	[dreg:$0x1] =	wrdreg $0xFFFFFFFF  }
0xa7: {  	s28 =	simm.s32 $_size_execute0_lowered;
	s3 =	sadd.s32 s3, s5;
	[dreg:$0x0] =	wrdreg $0x0  }
0xa8: {  	s5 =	sshll.u32 s28, $0x1;
	[dreg:$0x2] =	wrdreg s3  }
0xa9: {  	[dreg:$0x3] =	wrdreg s5  }
0xaa: {  	[dreg:$0x4] =	wrdreg $0xC0  }
0xab: {  	_ =	task [dreg:s7], $0x5FFFF  }
0xac: {  	[dreg:$0x1] =	wrdreg $0xFFFFFFFF  }
0xad: {  	[dreg:$0x0] =	wrdreg $0x60  }
0xae: {  	[dreg:$0x2] =	wrdreg s24  }
0xaf: {  	[dreg:$0x3] =	wrdreg s2  }
0xb0: {  	[dreg:$0x4] =	wrdreg $0x60800  }
0xb1: {  	[dreg:$0x5] =	wrdreg $0x9  }
0xb2: {  	_ =	task.clear_ibuf [dreg:s7], $0x6FFFF;
	_ =	strace $0x90000049  }
0xb3: {  	s29 =	simm.s32 $0x9;
	_ =	strace $0x8000004B  }
0xb4: {  	_ =	swait.ge [sflag:s29], $0x1  }
0xb5: {  	[sflag:s29] =	ssyncadd.s32 $0xFFFFFFFF  }
0xb6: {  	_ =	strace $0x9000004B  }
0xb7: {  	_ =	sfence  }
0xb8: {  	s30 =	sld [smem:$0x0];
	_ =	sdelay $0x2  }
0xb9: {  	s31 =	sshll.u32 s1, $0xD;
	s1 =	sshrl.u32 s1, $0x2  }
0xba: {  	s3 =	sand.u32 $0x4000, s31;
	s1 =	sadd.s32 s1, s30  }
0xbb: {  	s0 =	sor.u32 s3, s0;
	s1 =	sshll.u32 s1, $0x11  }
0xbc: {  	s0 =	sor.u32 s1, s0  }
0xbd: {  	s0 =	sadd.s32 $0x8F2B, s0  }
0xbe: {  	[sflag:s0] =	ssyncadd.remote.s32 $0x1  }
0xbf: {  	_ =	sfence.sel $0xFFFF  }
0xc0: {  	[dreg:$0x0] =	wrdreg $0xFFFFFFFF;
	(pc) =	sbr.abs _section_cstart, $3  }
0xc1: {  	[dreg:$0x1] =	wrdreg $0xFFFFFFFF  }
0xc2: {  	_ =	task.clear_ibuf [dreg:s7], $0x2FFFF;
	_ =	strace $0x9FFFFFFF  }
0xc3: {  	(tm) =	ssettm $0x7FFFFFFF  }
tec
execute0_lowered:
.L_overlay_start_1:
0x0: {  	(tag) =	ssettag $0x1  }
0x1: {  	s4 =	rddreg [dreg:$0x0]  }
0x2: {  	s5 =	rddreg [dreg:$0x1]  }
0x3: {  	s2 =	rddreg [dreg:$0x2];
	s3 =	simm.s32 $0x0  }
0x4: {  	s14 =	simm.s32 $0x2400;
	[smem:$0x7FF] =	sst s3  }
0x5: {  	s15 =	simm.s32 $0x100;
	_ =	strace $0x8000004A;
	[dreg:$0x8] =	wrdreg s14  }
0x6: {  	s16 =	simm.s32 $0x2800;
	[dreg:$0x9] =	wrdreg s15  }
0x7: {  	s17 =	simm.s32 $0x180;
	[dreg:$0xa] =	wrdreg s16  }
0x8: {  	s18 =	simm.s32 $0x2C00;
	[dreg:$0xb] =	wrdreg s17  }
0x9: {  	s19 =	simm.s32 $0x200;
	[dreg:$0xc] =	wrdreg s18  }
0xa: {  	s20 =	simm.s32 $0x2080;
	[dreg:$0xd] =	wrdreg s19  }
0xb: {  	s21 =	simm.s32 $0x280;
	[dreg:$0xe] =	wrdreg s20  }
0xc: {  	s22 =	simm.s32 $0x2480;
	[dreg:$0xf] =	wrdreg s21  }
0xd: {  	s23 =	simm.s32 $0x300;
	[dreg:$0x10] =	wrdreg s22  }
0xe: {  	s24 =	simm.s32 $0x2880;
	[dreg:$0x11] =	wrdreg s23  }
0xf: {  	s0 =	stileid.u32;
	s25 =	simm.s32 $0x380;
	[dreg:$0x12] =	wrdreg s24  }
0x10: {  	s26 =	simm.s32 $0x2C80;
	s6 =	smul.u32 $0x2010, s0;
	[dreg:$0x13] =	wrdreg s25  }
0x11: {  	s9 =	sshll.u32 s0, $0xA;
	s0 =	simm.s32 $0x400;
	[dreg:$0x14] =	wrdreg s26  }
0x12: {  	s10 =	simm.s32 $0x580;
	[dreg:$0x15] =	wrdreg s0  }
0x13: {  	s11 =	simm.s32 $0x2D00;
	[dreg:$0x1b] =	wrdreg s10  }
0x14: {  	[dreg:$0x1c] =	wrdreg s11;
	s14 =	simm.s32 $0x680  }
0x15: {  	s15 =	simm.s32 $0x2580;
	[dreg:$0x1f] =	wrdreg s14  }
0x16: {  	s16 =	simm.s32 $0x700;
	[smem:$0x7AE] =	sst s15  }
0x17: {  	s17 =	simm.s32 $0x2980;
	[smem:$0x7AF] =	sst s16  }
0x18: {  	s18 =	simm.s32 $0x780;
	[smem:$0x7B0] =	sst s17  }
0x19: {  	s19 =	simm.s32 $0x2D80;
	[smem:$0x7B1] =	sst s18  }
0x1a: {  	s20 =	simm.s32 $0x800;
	[smem:$0x7B2] =	sst s19  }
0x1b: {  	s21 =	simm.s32 $0x2200;
	[smem:$0x7B3] =	sst s20  }
0x1c: {  	s22 =	simm.s32 $0x880;
	[smem:$0x7B4] =	sst s21  }
0x1d: {  	s23 =	simm.s32 $0x2600;
	[smem:$0x7B5] =	sst s22  }
0x1e: {  	s24 =	simm.s32 $0x900;
	[smem:$0x7B6] =	sst s23  }
0x1f: {  	s25 =	simm.s32 $0x2A00;
	[smem:$0x7B7] =	sst s24  }
0x20: {  	s26 =	simm.s32 $0x980;
	[smem:$0x7B8] =	sst s25  }
0x21: {  	s0 =	simm.s32 $0x2E00;
	[smem:$0x7B9] =	sst s26  }
0x22: {  	s1 =	srdreg.scid;
	s10 =	simm.s32 $0x2A80;
	[smem:$0x7BA] =	sst s0  }
0x23: {  	s1 =	sand.u32 $0x1, s1;
	s11 =	simm.s32 $0xB80;
	[smem:$0x7C0] =	sst s10  }
0x24: {  	s8 =	sshll.u32 s1, $0xE;
	s12 =	sadd.s32 s6, s2;
	[smem:$0x7C1] =	sst s11  }
0x25: {  	s7 =	sshrl.u32 s6, $0x3;
	s6 =	simm.s32 $0x480;
	[dreg:$0x6] =	wrdreg s12  }
0x26: {  	s8 =	sor.u32 s9, s8;
	s9 =	simm.s32 $0x2900;
	[dreg:$0x17] =	wrdreg s6  }
0x27: {  	s14 =	simm.s32 $0x2300;
	[dreg:$0x1a] =	wrdreg s9  }
0x28: {  	s15 =	simm.s32 $0xC80;
	[smem:$0x7C4] =	sst s14  }
0x29: {  	s16 =	simm.s32 $0x2700;
	[smem:$0x7C5] =	sst s15  }
0x2a: {  	s17 =	simm.s32 $0xD00;
	[smem:$0x7C6] =	sst s16  }
0x2b: {  	s18 =	simm.s32 $0x2B00;
	[smem:$0x7C7] =	sst s17  }
0x2c: {  	s19 =	simm.s32 $0xD80;
	[smem:$0x7C8] =	sst s18  }
0x2d: {  	s20 =	simm.s32 $0x2F00;
	[smem:$0x7C9] =	sst s19  }
0x2e: {  	s21 =	simm.s32 $0xE00;
	[smem:$0x7CA] =	sst s20  }
0x2f: {  	s22 =	simm.s32 $0x2380;
	[smem:$0x7CB] =	sst s21  }
0x30: {  	s23 =	simm.s32 $0xE80;
	[smem:$0x7CC] =	sst s22  }
0x31: {  	s24 =	simm.s32 $0x2780;
	[smem:$0x7CD] =	sst s23  }
0x32: {  	s25 =	simm.s32 $0xF00;
	[smem:$0x7CE] =	sst s24  }
0x33: {  	s26 =	simm.s32 $0x2B80;
	[smem:$0x7CF] =	sst s25  }
0x34: {  	s0 =	simm.s32 $0xF80;
	[smem:$0x7D0] =	sst s26  }
0x35: {  	s10 =	simm.s32 $0x1100;
	[smem:$0x7D1] =	sst s0  }
0x36: {  	s11 =	simm.s32 $0x3800;
	[smem:$0x7D7] =	sst s10  }
0x37: {  	s13 =	sadd.s32 s5, s8;
	[smem:$0x7D8] =	sst s11  }
0x38: {  	s7 =	sadd.s32 s7, s4;
	s5 =	simm.s32 $0x2100;
	[dreg:$0x7] =	wrdreg s13  }
0x39: {  	s4 =	sadd.s32 s8, s4;
	s8 =	simm.s32 $0x500;
	[dreg:$0x16] =	wrdreg s5  }
0x3a: {  	s12 =	simm.s32 $0x600;
	[dreg:$0x19] =	wrdreg s8  }
0x3b: {  	s6 =	simm.s32 $0x2280;
	[dreg:$0x1d] =	wrdreg s12  }
0x3c: {  	s9 =	simm.s32 $0xB00;
	[smem:$0x7BC] =	sst s6  }
0x3d: {  	s14 =	simm.s32 $0x1200;
	[smem:$0x7BF] =	sst s9  }
0x3e: {  	s15 =	simm.s32 $0x3080;
	[smem:$0x7DB] =	sst s14  }
0x3f: {  	s16 =	simm.s32 $0x1280;
	[smem:$0x7DC] =	sst s15  }
0x40: {  	s17 =	simm.s32 $0x3480;
	[smem:$0x7DD] =	sst s16  }
0x41: {  	s18 =	simm.s32 $0x1300;
	[smem:$0x7DE] =	sst s17  }
0x42: {  	s19 =	simm.s32 $0x3880;
	[smem:$0x7DF] =	sst s18  }
0x43: {  	s20 =	simm.s32 $0x1380;
	[smem:$0x7E0] =	sst s19  }
0x44: {  	s21 =	simm.s32 $0x3C80;
	[smem:$0x7E1] =	sst s20  }
0x45: {  	s22 =	simm.s32 $0x1400;
	[smem:$0x7E2] =	sst s21  }
0x46: {  	s23 =	simm.s32 $0x3100;
	[smem:$0x7E3] =	sst s22  }
0x47: {  	s24 =	simm.s32 $0x1480;
	[smem:$0x7E4] =	sst s23  }
0x48: {  	s25 =	simm.s32 $0x3500;
	[smem:$0x7E5] =	sst s24  }
0x49: {  	s26 =	simm.s32 $0x1500;
	[smem:$0x7E6] =	sst s25  }
0x4a: {  	s0 =	simm.s32 $0x3900;
	[smem:$0x7E7] =	sst s26  }
0x4b: {  	s10 =	simm.s32 $0x3580;
	[smem:$0x7E8] =	sst s0  }
0x4c: {  	s11 =	simm.s32 $0x1700;
	[smem:$0x7EE] =	sst s10  }
0x4d: {  	s7 =	sadd.s32 $0x2C00, s7;
	[smem:$0x7EF] =	sst s11  }
0x4e: {  	s4 =	sadd.s32 $0x6E00, s4;
	[dreg:$0x4] =	wrdreg s7  }
0x4f: {  	s13 =	simm.s32 $0x2180;
	[dreg:$0x5] =	wrdreg s4  }
0x50: {  	s5 =	simm.s32 $0xA00;
	[dreg:$0x1e] =	wrdreg s13  }
0x51: {  	s8 =	simm.s32 $0x2680;
	[smem:$0x7BB] =	sst s5  }
0x52: {  	s12 =	simm.s32 $0x2E80;
	[smem:$0x7BE] =	sst s8  }
0x53: {  	s6 =	simm.s32 $0x1000;
	[smem:$0x7C2] =	sst s12  }
0x54: {  	s9 =	simm.s32 $0x3400;
	[smem:$0x7D3] =	sst s6  }
0x55: {  	s14 =	simm.s32 $0x3D80;
	[smem:$0x7D6] =	sst s9  }
0x56: {  	s28 =	simm.s32 $0x1F00;
	s15 =	simm.s32 $0x1800;
	[smem:$0x7F2] =	sst s14  }
0x57: {  	s29 =	simm.s32 $0x3B80;
	s16 =	simm.s32 $0x3200;
	[smem:$0x7F3] =	sst s15  }
0x58: {  	s30 =	simm.s32 $0x1F80;
	s17 =	simm.s32 $0x1880;
	[smem:$0x7F4] =	sst s16  }
0x59: {  	s31 =	simm.s32 $0x3F80;
	s18 =	simm.s32 $0x3600;
	[smem:$0x7F5] =	sst s17  }
0x5a: {  	s1 =	ssub.s32 $0x2, s1;
	s20 =	simm.s32 $0x1900;
	[smem:$0x7F6] =	sst s18  }
0x5b: {  	s19 =	sshrl.u32 s1, $0x1;
	s21 =	simm.s32 $0x3A00;
	[smem:$0x7F7] =	sst s20  }
0x5c: {  	s22 =	simm.s32 $0x1980;
	s23 =	simm.s32 $0x3E00;
	[smem:$0x7F8] =	sst s21  }
0x5d: {  	s24 =	simm.s32 $0x1A00;
	s25 =	simm.s32 $0x3280;
	[smem:$0x7F9] =	sst s22  }
0x5e: {  	s26 =	simm.s32 $0x1A80;
	s7 =	simm.s32 $0x2500;
	[smem:$0x7FA] =	sst s23  }
0x5f: {  	s13 =	simm.s32 $0xC00;
	s5 =	simm.s32 $0x2F80;
	[smem:$0x7FB] =	sst s24  }
0x60: {  	s8 =	simm.s32 $0x1080;
	s12 =	simm.s32 $0x1180;
	[smem:$0x7FC] =	sst s25  }
0x61: {  	s6 =	simm.s32 $0x3D00;
	s9 =	simm.s32 $0x1680;
	[smem:$0x7FD] =	sst s26  }
0x62: {  	s1 =	ssub.s32 s1, s19;
	s14 =	simm.s32 $0x3E80;
	[dreg:$0x18] =	wrdreg s7  }
0x63: {  	s15 =	simm.s32 $0x1C00;
	s16 =	simm.s32 $0x3300;
	[smem:$0x7C3] =	sst s13  }
0x64: {  	s17 =	simm.s32 $0x1C80;
	s18 =	simm.s32 $0x3700;
	[smem:$0x7D2] =	sst s5  }
0x65: {  	s19 =	simm.s32 $0x1D00;
	s20 =	simm.s32 $0x3B00;
	[smem:$0x7D5] =	sst s8  }
0x66: {  	s21 =	simm.s32 $0x1D80;
	s22 =	simm.s32 $0x3F00;
	[smem:$0x7D9] =	sst s12  }
0x67: {  	s23 =	simm.s32 $0x1E00;
	s24 =	simm.s32 $0x3380;
	[smem:$0x7EA] =	sst s6  }
0x68: {  	s25 =	simm.s32 $0x1E80;
	s7 =	simm.s32 $0xA80;
	[smem:$0x7ED] =	sst s9  }
0x69: {  	s26 =	simm.s32 $0x3780;
	s13 =	simm.s32 $0x3C00;
	[smem:$0x7BD] =	sst s7  }
0x6a: {  	s5 =	simm.s32 $0x1580;
	s8 =	simm.s32 $0x3180;
	[smem:$0x7DA] =	sst s13  }
0x6b: {  	s12 =	simm.s32 $0x3980;
	s4 =	smax.u32 s1, $0x1;
	[smem:$0x7E9] =	sst s5  }
0x6c: {  	s6 =	simm.s32 $0x2;
	s9 =	simm.s32 $0x2000;
	[smem:$0x7EC] =	sst s8  }
0x6d: {  	s1 =	simm.s32 $0x1;
	s7 =	simm.s32 $0x3000;
	[smem:$0x7F0] =	sst s12  }
0x6e: {  	s13 =	simm.s32 $0x1780;
	s5 =	simm.s32 $0x4000;
	[smem:$0x7D4] =	sst s7  }
0x6f: {  	s8 =	simm.s32 $0x80;
	s7 =	simm.s32 $0x1600;
	[smem:$0x7F1] =	sst s13  }
0x70: {  	s13 =	simm.s32 $0x1B80;
	[smem:$0x7EB] =	sst s7;
	s7 =	simm.s32 $0x3  }
.LBB2_1:
0x71: {  	s0 =	rddreg [dreg:$0x4]  }
0x72: {  	[tilespmem:s5], [sflag:$0x2] =	stream.linear.gather [hbm4b:s0+s3], $0x2010, $0x38;
	[tilespmem:$0x8090] =	vst v63  }
0x73: {  	s10 =	rddreg [dreg:$0x5]  }
0x74: {  	[tilespmem:s3], [sflag:$0x2] =	stream.linear.gather [hbm4b:s10+s3], $0x2000, $0x38;
	[tilespmem:$0x8090] =	vst v63  }
0x75: {  	_ =	swait.ge [sflag:s6], $0x2010  }
0x76: {  	[sflag:s6] =	ssyncset.done $0x0  }
0x77: {  	[sflag:s6] =	ssyncadd.s32 $0xFFFFDFF0  }
0x78: {  	_ =	swait.ge [sflag:s6], $0x2000  }
0x79: {  	[sflag:s6] =	ssyncset.done $0x0  }
0x7a: {  	s12 =	rddreg [dreg:$0x6];
	[sflag:s6] =	ssyncadd.s32 $0xFFFFE000  }
0x7b: {  	[spmem:s12] =	stream.linear.scatter [tilespmem:s5], [sflag:$0x3], $0x2010, $0x38;
	[tilespmem:$0x8090] =	vst v63  }
0x7c: {  	_ =	swait.ge [sflag:s7], $0x2010  }
0x7d: {  	[sflag:s7] =	ssyncset.done $0x0  }
0x7e: {  	[sflag:s7] =	ssyncadd.s32 $0xFFFFDFF0  }
0x7f: {  	[bflag:$0x0] =	sbarrier.arrive $0xFFFF  }
0x80: {  	[tilespmem:s9], [sflag:$0x1] =	stream.indirect.gather [spmem:s2], $0x1, s3, s8, $0xb8;
	[tilespmem:$0x8090] =	vst v63  }
0x81: {  	s10 =	rddreg [dreg:$0x8]  }
0x82: {  	s12 =	rddreg [dreg:$0x9]  }
0x83: {  	s11 =	rddreg [dreg:$0xa]  }
0x84: {  	s0 =	rddreg [dreg:$0xb]  }
0x85: {  	[tilespmem:s10], [sflag:$0x1] =	stream.indirect.gather [spmem:s2], $0x1, s8, s8, $0xb8;
	[tilespmem:$0x8090] =	vst v63  }
0x86: {  	s10 =	rddreg [dreg:$0xc]  }
0x87: {  	[tilespmem:s11], [sflag:$0x1] =	stream.indirect.gather [spmem:s2], $0x1, s12, s8, $0xb8;
	[tilespmem:$0x8090] =	vst v63  }
0x88: {  	s11 =	rddreg [dreg:$0xd]  }
0x89: {  	s12 =	rddreg [dreg:$0xe]  }
0x8a: {  	[tilespmem:s10], [sflag:$0x1] =	stream.indirect.gather [spmem:s2], $0x1, s0, s8, $0xb8;
	[tilespmem:$0x8090] =	vst v63  }
0x8b: {  	s0 =	rddreg [dreg:$0xf]  }
0x8c: {  	s10 =	rddreg [dreg:$0x10]  }
0x8d: {  	[tilespmem:s12], [sflag:$0x1] =	stream.indirect.gather [spmem:s2], $0x1, s11, s8, $0xb8;
	[tilespmem:$0x8090] =	vst v63  }
0x8e: {  	s11 =	rddreg [dreg:$0x11]  }
0x8f: {  	s12 =	rddreg [dreg:$0x12]  }
0x90: {  	[tilespmem:s10], [sflag:$0x1] =	stream.indirect.gather [spmem:s2], $0x1, s0, s8, $0xb8;
	[tilespmem:$0x8090] =	vst v63  }
0x91: {  	s0 =	rddreg [dreg:$0x13]  }
0x92: {  	s10 =	rddreg [dreg:$0x14]  }
0x93: {  	[tilespmem:s12], [sflag:$0x1] =	stream.indirect.gather [spmem:s2], $0x1, s11, s8, $0xb8;
	[tilespmem:$0x8090] =	vst v63  }
0x94: {  	s11 =	rddreg [dreg:$0x15]  }
0x95: {  	s12 =	rddreg [dreg:$0x16]  }
0x96: {  	[tilespmem:s10], [sflag:$0x1] =	stream.indirect.gather [spmem:s2], $0x1, s0, s8, $0xb8;
	[tilespmem:$0x8090] =	vst v63  }
0x97: {  	s0 =	rddreg [dreg:$0x17]  }
0x98: {  	s10 =	rddreg [dreg:$0x18]  }
0x99: {  	[tilespmem:s12], [sflag:$0x1] =	stream.indirect.gather [spmem:s2], $0x1, s11, s8, $0xb8;
	[tilespmem:$0x8090] =	vst v63  }
0x9a: {  	s11 =	rddreg [dreg:$0x19]  }
0x9b: {  	s12 =	rddreg [dreg:$0x1a]  }
0x9c: {  	[tilespmem:s10], [sflag:$0x1] =	stream.indirect.gather [spmem:s2], $0x1, s0, s8, $0xb8;
	[tilespmem:$0x8090] =	vst v63  }
0x9d: {  	s0 =	rddreg [dreg:$0x1b]  }
0x9e: {  	s10 =	rddreg [dreg:$0x1c]  }
0x9f: {  	[tilespmem:s12], [sflag:$0x1] =	stream.indirect.gather [spmem:s2], $0x1, s11, s8, $0xb8;
	[tilespmem:$0x8090] =	vst v63  }
0xa0: {  	s11 =	rddreg [dreg:$0x1d]  }
0xa1: {  	s12 =	rddreg [dreg:$0x1e]  }
0xa2: {  	[tilespmem:s10], [sflag:$0x1] =	stream.indirect.gather [spmem:s2], $0x1, s0, s8, $0xb8;
	[tilespmem:$0x8090] =	vst v63  }
0xa3: {  	s0 =	rddreg [dreg:$0x1f]  }
0xa4: {  	s10 =	sld [smem:$0x7AE]  }
0xa5: {  	[tilespmem:s12], [sflag:$0x1] =	stream.indirect.gather [spmem:s2], $0x1, s11, s8, $0xb8;
	[tilespmem:$0x8090] =	vst v63  }
0xa6: {  	s11 =	sld [smem:$0x7AF]  }
0xa7: {  	s12 =	sld [smem:$0x7B0]  }
0xa8: {  	[tilespmem:s10], [sflag:$0x1] =	stream.indirect.gather [spmem:s2], $0x1, s0, s8, $0xb8;
	[tilespmem:$0x8090] =	vst v63  }
0xa9: {  	s0 =	sld [smem:$0x7B1]  }
0xaa: {  	s10 =	sld [smem:$0x7B2]  }
0xab: {  	[tilespmem:s12], [sflag:$0x1] =	stream.indirect.gather [spmem:s2], $0x1, s11, s8, $0xb8;
	[tilespmem:$0x8090] =	vst v63  }
0xac: {  	s11 =	sld [smem:$0x7B3]  }
0xad: {  	s12 =	sld [smem:$0x7B4]  }
0xae: {  	[tilespmem:s10], [sflag:$0x1] =	stream.indirect.gather [spmem:s2], $0x1, s0, s8, $0xb8;
	[tilespmem:$0x8090] =	vst v63  }
0xaf: {  	s0 =	sld [smem:$0x7B5]  }
0xb0: {  	s10 =	sld [smem:$0x7B6]  }
0xb1: {  	[tilespmem:s12], [sflag:$0x1] =	stream.indirect.gather [spmem:s2], $0x1, s11, s8, $0xb8;
	[tilespmem:$0x8090] =	vst v63  }
0xb2: {  	s11 =	sld [smem:$0x7B7]  }
0xb3: {  	s12 =	sld [smem:$0x7B8]  }
0xb4: {  	[tilespmem:s10], [sflag:$0x1] =	stream.indirect.gather [spmem:s2], $0x1, s0, s8, $0xb8;
	[tilespmem:$0x8090] =	vst v63  }
0xb5: {  	s0 =	sld [smem:$0x7B9]  }
0xb6: {  	s10 =	sld [smem:$0x7BA]  }
0xb7: {  	[tilespmem:s12], [sflag:$0x1] =	stream.indirect.gather [spmem:s2], $0x1, s11, s8, $0xb8;
	[tilespmem:$0x8090] =	vst v63  }
0xb8: {  	s11 =	sld [smem:$0x7BB]  }
0xb9: {  	s12 =	sld [smem:$0x7BC]  }
0xba: {  	[tilespmem:s10], [sflag:$0x1] =	stream.indirect.gather [spmem:s2], $0x1, s0, s8, $0xb8;
	[tilespmem:$0x8090] =	vst v63  }
0xbb: {  	s0 =	sld [smem:$0x7BD]  }
0xbc: {  	s10 =	sld [smem:$0x7BE]  }
0xbd: {  	[tilespmem:s12], [sflag:$0x1] =	stream.indirect.gather [spmem:s2], $0x1, s11, s8, $0xb8;
	[tilespmem:$0x8090] =	vst v63  }
0xbe: {  	s11 =	sld [smem:$0x7BF]  }
0xbf: {  	s12 =	sld [smem:$0x7C0]  }
0xc0: {  	[tilespmem:s10], [sflag:$0x1] =	stream.indirect.gather [spmem:s2], $0x1, s0, s8, $0xb8;
	[tilespmem:$0x8090] =	vst v63  }
0xc1: {  	s0 =	sld [smem:$0x7C1]  }
0xc2: {  	s10 =	sld [smem:$0x7C2]  }
0xc3: {  	[tilespmem:s12], [sflag:$0x1] =	stream.indirect.gather [spmem:s2], $0x1, s11, s8, $0xb8;
	[tilespmem:$0x8090] =	vst v63  }
0xc4: {  	s11 =	sld [smem:$0x7C3]  }
0xc5: {  	s12 =	sld [smem:$0x7C4]  }
0xc6: {  	[tilespmem:s10], [sflag:$0x1] =	stream.indirect.gather [spmem:s2], $0x1, s0, s8, $0xb8;
	[tilespmem:$0x8090] =	vst v63  }
0xc7: {  	s0 =	sld [smem:$0x7C5]  }
0xc8: {  	s10 =	sld [smem:$0x7C6]  }
0xc9: {  	[tilespmem:s12], [sflag:$0x1] =	stream.indirect.gather [spmem:s2], $0x1, s11, s8, $0xb8;
	[tilespmem:$0x8090] =	vst v63  }
0xca: {  	s11 =	sld [smem:$0x7C7]  }
0xcb: {  	s12 =	sld [smem:$0x7C8]  }
0xcc: {  	[tilespmem:s10], [sflag:$0x1] =	stream.indirect.gather [spmem:s2], $0x1, s0, s8, $0xb8;
	[tilespmem:$0x8090] =	vst v63  }
0xcd: {  	s0 =	sld [smem:$0x7C9]  }
0xce: {  	s10 =	sld [smem:$0x7CA]  }
0xcf: {  	[tilespmem:s12], [sflag:$0x1] =	stream.indirect.gather [spmem:s2], $0x1, s11, s8, $0xb8;
	[tilespmem:$0x8090] =	vst v63  }
0xd0: {  	s11 =	sld [smem:$0x7CB]  }
0xd1: {  	s12 =	sld [smem:$0x7CC]  }
0xd2: {  	[tilespmem:s10], [sflag:$0x1] =	stream.indirect.gather [spmem:s2], $0x1, s0, s8, $0xb8;
	[tilespmem:$0x8090] =	vst v63  }
0xd3: {  	s0 =	sld [smem:$0x7CD]  }
0xd4: {  	s10 =	sld [smem:$0x7CE]  }
0xd5: {  	[tilespmem:s12], [sflag:$0x1] =	stream.indirect.gather [spmem:s2], $0x1, s11, s8, $0xb8;
	[tilespmem:$0x8090] =	vst v63  }
0xd6: {  	s11 =	sld [smem:$0x7CF]  }
0xd7: {  	s12 =	sld [smem:$0x7D0]  }
0xd8: {  	[tilespmem:s10], [sflag:$0x1] =	stream.indirect.gather [spmem:s2], $0x1, s0, s8, $0xb8;
	[tilespmem:$0x8090] =	vst v63  }
0xd9: {  	s0 =	sld [smem:$0x7D1]  }
0xda: {  	s10 =	sld [smem:$0x7D2]  }
0xdb: {  	[tilespmem:s12], [sflag:$0x1] =	stream.indirect.gather [spmem:s2], $0x1, s11, s8, $0xb8;
	[tilespmem:$0x8090] =	vst v63  }
0xdc: {  	s11 =	sld [smem:$0x7D3]  }
0xdd: {  	s12 =	sld [smem:$0x7D4]  }
0xde: {  	[tilespmem:s10], [sflag:$0x1] =	stream.indirect.gather [spmem:s2], $0x1, s0, s8, $0xb8;
	[tilespmem:$0x8090] =	vst v63  }
0xdf: {  	s0 =	sld [smem:$0x7D5]  }
0xe0: {  	s10 =	sld [smem:$0x7D6]  }
0xe1: {  	[tilespmem:s12], [sflag:$0x1] =	stream.indirect.gather [spmem:s2], $0x1, s11, s8, $0xb8;
	[tilespmem:$0x8090] =	vst v63  }
0xe2: {  	s11 =	sld [smem:$0x7D7]  }
0xe3: {  	s12 =	sld [smem:$0x7D8]  }
0xe4: {  	[tilespmem:s10], [sflag:$0x1] =	stream.indirect.gather [spmem:s2], $0x1, s0, s8, $0xb8;
	[tilespmem:$0x8090] =	vst v63  }
0xe5: {  	s0 =	sld [smem:$0x7D9]  }
0xe6: {  	s10 =	sld [smem:$0x7DA]  }
0xe7: {  	[tilespmem:s12], [sflag:$0x1] =	stream.indirect.gather [spmem:s2], $0x1, s11, s8, $0xb8;
	[tilespmem:$0x8090] =	vst v63  }
0xe8: {  	s11 =	sld [smem:$0x7DB]  }
0xe9: {  	s12 =	sld [smem:$0x7DC]  }
0xea: {  	[tilespmem:s10], [sflag:$0x1] =	stream.indirect.gather [spmem:s2], $0x1, s0, s8, $0xb8;
	[tilespmem:$0x8090] =	vst v63  }
0xeb: {  	s0 =	sld [smem:$0x7DD]  }
0xec: {  	s10 =	sld [smem:$0x7DE]  }
0xed: {  	[tilespmem:s12], [sflag:$0x1] =	stream.indirect.gather [spmem:s2], $0x1, s11, s8, $0xb8;
	[tilespmem:$0x8090] =	vst v63  }
0xee: {  	s11 =	sld [smem:$0x7DF]  }
0xef: {  	s12 =	sld [smem:$0x7E0]  }
0xf0: {  	[tilespmem:s10], [sflag:$0x1] =	stream.indirect.gather [spmem:s2], $0x1, s0, s8, $0xb8;
	[tilespmem:$0x8090] =	vst v63  }
0xf1: {  	s0 =	sld [smem:$0x7E1]  }
0xf2: {  	s10 =	sld [smem:$0x7E2]  }
0xf3: {  	[tilespmem:s12], [sflag:$0x1] =	stream.indirect.gather [spmem:s2], $0x1, s11, s8, $0xb8;
	[tilespmem:$0x8090] =	vst v63  }
0xf4: {  	s11 =	sld [smem:$0x7E3]  }
0xf5: {  	s12 =	sld [smem:$0x7E4]  }
0xf6: {  	[tilespmem:s10], [sflag:$0x1] =	stream.indirect.gather [spmem:s2], $0x1, s0, s8, $0xb8;
	[tilespmem:$0x8090] =	vst v63  }
0xf7: {  	s0 =	sld [smem:$0x7E5]  }
0xf8: {  	s10 =	sld [smem:$0x7E6]  }
0xf9: {  	[tilespmem:s12], [sflag:$0x1] =	stream.indirect.gather [spmem:s2], $0x1, s11, s8, $0xb8;
	[tilespmem:$0x8090] =	vst v63  }
0xfa: {  	s11 =	sld [smem:$0x7E7]  }
0xfb: {  	s12 =	sld [smem:$0x7E8]  }
0xfc: {  	[tilespmem:s10], [sflag:$0x1] =	stream.indirect.gather [spmem:s2], $0x1, s0, s8, $0xb8;
	[tilespmem:$0x8090] =	vst v63  }
0xfd: {  	s0 =	sld [smem:$0x7E9]  }
0xfe: {  	s10 =	sld [smem:$0x7EA]  }
0xff: {  	[tilespmem:s12], [sflag:$0x1] =	stream.indirect.gather [spmem:s2], $0x1, s11, s8, $0xb8;
	[tilespmem:$0x8090] =	vst v63  }
0x100: {  	s11 =	sld [smem:$0x7EB]  }
0x101: {  	s12 =	sld [smem:$0x7EC]  }
0x102: {  	[tilespmem:s10], [sflag:$0x1] =	stream.indirect.gather [spmem:s2], $0x1, s0, s8, $0xb8;
	[tilespmem:$0x8090] =	vst v63  }
0x103: {  	s0 =	sld [smem:$0x7ED]  }
0x104: {  	s10 =	sld [smem:$0x7EE]  }
0x105: {  	[tilespmem:s12], [sflag:$0x1] =	stream.indirect.gather [spmem:s2], $0x1, s11, s8, $0xb8;
	[tilespmem:$0x8090] =	vst v63  }
0x106: {  	s11 =	sld [smem:$0x7EF]  }
0x107: {  	s12 =	sld [smem:$0x7F0]  }
0x108: {  	[tilespmem:s10], [sflag:$0x1] =	stream.indirect.gather [spmem:s2], $0x1, s0, s8, $0xb8;
	[tilespmem:$0x8090] =	vst v63  }
0x109: {  	s0 =	sld [smem:$0x7F1]  }
0x10a: {  	s10 =	sld [smem:$0x7F2]  }
0x10b: {  	[tilespmem:s12], [sflag:$0x1] =	stream.indirect.gather [spmem:s2], $0x1, s11, s8, $0xb8;
	[tilespmem:$0x8090] =	vst v63  }
0x10c: {  	s11 =	sld [smem:$0x7F3]  }
0x10d: {  	s12 =	sld [smem:$0x7F4]  }
0x10e: {  	[tilespmem:s10], [sflag:$0x1] =	stream.indirect.gather [spmem:s2], $0x1, s0, s8, $0xb8;
	[tilespmem:$0x8090] =	vst v63  }
0x10f: {  	s0 =	sld [smem:$0x7F5]  }
0x110: {  	s10 =	sld [smem:$0x7F6]  }
0x111: {  	[tilespmem:s12], [sflag:$0x1] =	stream.indirect.gather [spmem:s2], $0x1, s11, s8, $0xb8;
	[tilespmem:$0x8090] =	vst v63  }
0x112: {  	s11 =	sld [smem:$0x7F7]  }
0x113: {  	s12 =	sld [smem:$0x7F8]  }
0x114: {  	[tilespmem:s10], [sflag:$0x1] =	stream.indirect.gather [spmem:s2], $0x1, s0, s8, $0xb8;
	[tilespmem:$0x8090] =	vst v63  }
0x115: {  	s0 =	sld [smem:$0x7F9]  }
0x116: {  	s10 =	sld [smem:$0x7FA]  }
0x117: {  	[tilespmem:s12], [sflag:$0x1] =	stream.indirect.gather [spmem:s2], $0x1, s11, s8, $0xb8;
	[tilespmem:$0x8090] =	vst v63  }
0x118: {  	s11 =	sld [smem:$0x7FB]  }
0x119: {  	s12 =	sld [smem:$0x7FC]  }
0x11a: {  	[tilespmem:s10], [sflag:$0x1] =	stream.indirect.gather [spmem:s2], $0x1, s0, s8, $0xb8;
	[tilespmem:$0x8090] =	vst v63  }
0x11b: {  	s10 =	sld [smem:$0x7FD]  }
0x11c: {  	[tilespmem:s12], [sflag:$0x1] =	stream.indirect.gather [spmem:s2], $0x1, s11, s8, $0xb8;
	[tilespmem:$0x8090] =	vst v63  }
0x11d: {  	s12 =	simm.s32 $0x3680  }
0x11e: {  	[tilespmem:s12], [sflag:$0x1] =	stream.indirect.gather [spmem:s2], $0x1, s10, s8, $0xb8;
	[tilespmem:$0x8090] =	vst v63  }
0x11f: {  	s11 =	simm.s32 $0x3A80;
	s10 =	simm.s32 $0x1B00  }
0x120: {  	[tilespmem:s11], [sflag:$0x1] =	stream.indirect.gather [spmem:s2], $0x1, s10, s8, $0xb8;
	[tilespmem:$0x8090] =	vst v63  }
0x121: {  	_ = 	snop  }
0x122: {  	[tilespmem:s14], [sflag:$0x1] =	stream.indirect.gather [spmem:s2], $0x1, s13, s8, $0xb8;
	[tilespmem:$0x8090] =	vst v63  }
0x123: {  	_ = 	snop  }
0x124: {  	[tilespmem:s16], [sflag:$0x1] =	stream.indirect.gather [spmem:s2], $0x1, s15, s8, $0xb8;
	[tilespmem:$0x8090] =	vst v63  }
0x125: {  	_ = 	snop  }
0x126: {  	[tilespmem:s18], [sflag:$0x1] =	stream.indirect.gather [spmem:s2], $0x1, s17, s8, $0xb8;
	[tilespmem:$0x8090] =	vst v63  }
0x127: {  	_ = 	snop  }
0x128: {  	[tilespmem:s20], [sflag:$0x1] =	stream.indirect.gather [spmem:s2], $0x1, s19, s8, $0xb8;
	[tilespmem:$0x8090] =	vst v63  }
0x129: {  	_ = 	snop  }
0x12a: {  	[tilespmem:s22], [sflag:$0x1] =	stream.indirect.gather [spmem:s2], $0x1, s21, s8, $0xb8;
	[tilespmem:$0x8090] =	vst v63  }
0x12b: {  	_ = 	snop  }
0x12c: {  	[tilespmem:s24], [sflag:$0x1] =	stream.indirect.gather [spmem:s2], $0x1, s23, s8, $0xb8;
	[tilespmem:$0x8090] =	vst v63  }
0x12d: {  	_ = 	snop  }
0x12e: {  	[tilespmem:s26], [sflag:$0x1] =	stream.indirect.gather [spmem:s2], $0x1, s25, s8, $0xb8;
	[tilespmem:$0x8090] =	vst v63  }
0x12f: {  	_ = 	snop  }
0x130: {  	[tilespmem:s29], [sflag:$0x1] =	stream.indirect.gather [spmem:s2], $0x1, s28, s8, $0xb8;
	[tilespmem:$0x8090] =	vst v63  }
0x131: {  	_ = 	snop  }
0x132: {  	[tilespmem:s31], [sflag:$0x1] =	stream.indirect.gather [spmem:s2], $0x1, s30, s8, $0xb8;
	[tilespmem:$0x8090] =	vst v63  }
0x133: {  	_ =	swait.ge [sflag:s1], $0x80  }
0x134: {  	[sflag:s1] =	ssyncset.done $0x0  }
0x135: {  	[sflag:s1] =	ssyncadd.s32 $0xFFFFFF80  }
0x136: {  	_ =	swait.ge [sflag:s1], $0x80  }
0x137: {  	[sflag:s1] =	ssyncset.done $0x0  }
0x138: {  	[sflag:s1] =	ssyncadd.s32 $0xFFFFFF80  }
0x139: {  	_ =	swait.ge [sflag:s1], $0x80  }
0x13a: {  	[sflag:s1] =	ssyncset.done $0x0  }
0x13b: {  	[sflag:s1] =	ssyncadd.s32 $0xFFFFFF80  }
0x13c: {  	_ =	swait.ge [sflag:s1], $0x80  }
0x13d: {  	[sflag:s1] =	ssyncset.done $0x0  }
0x13e: {  	[sflag:s1] =	ssyncadd.s32 $0xFFFFFF80  }
0x13f: {  	_ =	swait.ge [sflag:s1], $0x80  }
0x140: {  	[sflag:s1] =	ssyncset.done $0x0  }
0x141: {  	[sflag:s1] =	ssyncadd.s32 $0xFFFFFF80  }
0x142: {  	_ =	swait.ge [sflag:s1], $0x80  }
0x143: {  	[sflag:s1] =	ssyncset.done $0x0  }
0x144: {  	[sflag:s1] =	ssyncadd.s32 $0xFFFFFF80  }
0x145: {  	_ =	swait.ge [sflag:s1], $0x80  }
0x146: {  	[sflag:s1] =	ssyncset.done $0x0  }
0x147: {  	[sflag:s1] =	ssyncadd.s32 $0xFFFFFF80  }
0x148: {  	_ =	swait.ge [sflag:s1], $0x80  }
0x149: {  	[sflag:s1] =	ssyncset.done $0x0  }
0x14a: {  	[sflag:s1] =	ssyncadd.s32 $0xFFFFFF80  }
0x14b: {  	_ =	swait.ge [sflag:s1], $0x80  }
0x14c: {  	[sflag:s1] =	ssyncset.done $0x0  }
0x14d: {  	[sflag:s1] =	ssyncadd.s32 $0xFFFFFF80  }
0x14e: {  	_ =	swait.ge [sflag:s1], $0x80  }
0x14f: {  	[sflag:s1] =	ssyncset.done $0x0  }
0x150: {  	[sflag:s1] =	ssyncadd.s32 $0xFFFFFF80  }
0x151: {  	_ =	swait.ge [sflag:s1], $0x80  }
0x152: {  	[sflag:s1] =	ssyncset.done $0x0  }
0x153: {  	[sflag:s1] =	ssyncadd.s32 $0xFFFFFF80  }
0x154: {  	_ =	swait.ge [sflag:s1], $0x80  }
0x155: {  	[sflag:s1] =	ssyncset.done $0x0  }
0x156: {  	[sflag:s1] =	ssyncadd.s32 $0xFFFFFF80  }
0x157: {  	_ =	swait.ge [sflag:s1], $0x80  }
0x158: {  	[sflag:s1] =	ssyncset.done $0x0  }
0x159: {  	[sflag:s1] =	ssyncadd.s32 $0xFFFFFF80  }
0x15a: {  	_ =	swait.ge [sflag:s1], $0x80  }
0x15b: {  	[sflag:s1] =	ssyncset.done $0x0  }
0x15c: {  	[sflag:s1] =	ssyncadd.s32 $0xFFFFFF80  }
0x15d: {  	_ =	swait.ge [sflag:s1], $0x80  }
0x15e: {  	[sflag:s1] =	ssyncset.done $0x0  }
0x15f: {  	[sflag:s1] =	ssyncadd.s32 $0xFFFFFF80  }
0x160: {  	_ =	swait.ge [sflag:s1], $0x80  }
0x161: {  	[sflag:s1] =	ssyncset.done $0x0  }
0x162: {  	[sflag:s1] =	ssyncadd.s32 $0xFFFFFF80  }
0x163: {  	_ =	swait.ge [sflag:s1], $0x80  }
0x164: {  	[sflag:s1] =	ssyncset.done $0x0  }
0x165: {  	[sflag:s1] =	ssyncadd.s32 $0xFFFFFF80  }
0x166: {  	_ =	swait.ge [sflag:s1], $0x80  }
0x167: {  	[sflag:s1] =	ssyncset.done $0x0  }
0x168: {  	[sflag:s1] =	ssyncadd.s32 $0xFFFFFF80  }
0x169: {  	_ =	swait.ge [sflag:s1], $0x80  }
0x16a: {  	[sflag:s1] =	ssyncset.done $0x0  }
0x16b: {  	[sflag:s1] =	ssyncadd.s32 $0xFFFFFF80  }
0x16c: {  	_ =	swait.ge [sflag:s1], $0x80  }
0x16d: {  	[sflag:s1] =	ssyncset.done $0x0  }
0x16e: {  	[sflag:s1] =	ssyncadd.s32 $0xFFFFFF80  }
0x16f: {  	_ =	swait.ge [sflag:s1], $0x80  }
0x170: {  	[sflag:s1] =	ssyncset.done $0x0  }
0x171: {  	[sflag:s1] =	ssyncadd.s32 $0xFFFFFF80  }
0x172: {  	_ =	swait.ge [sflag:s1], $0x80  }
0x173: {  	[sflag:s1] =	ssyncset.done $0x0  }
0x174: {  	[sflag:s1] =	ssyncadd.s32 $0xFFFFFF80  }
0x175: {  	_ =	swait.ge [sflag:s1], $0x80  }
0x176: {  	[sflag:s1] =	ssyncset.done $0x0  }
0x177: {  	[sflag:s1] =	ssyncadd.s32 $0xFFFFFF80  }
0x178: {  	_ =	swait.ge [sflag:s1], $0x80  }
0x179: {  	[sflag:s1] =	ssyncset.done $0x0  }
0x17a: {  	[sflag:s1] =	ssyncadd.s32 $0xFFFFFF80  }
0x17b: {  	_ =	swait.ge [sflag:s1], $0x80  }
0x17c: {  	[sflag:s1] =	ssyncset.done $0x0  }
0x17d: {  	[sflag:s1] =	ssyncadd.s32 $0xFFFFFF80  }
0x17e: {  	_ =	swait.ge [sflag:s1], $0x80  }
0x17f: {  	[sflag:s1] =	ssyncset.done $0x0  }
0x180: {  	[sflag:s1] =	ssyncadd.s32 $0xFFFFFF80  }
0x181: {  	_ =	swait.ge [sflag:s1], $0x80  }
0x182: {  	[sflag:s1] =	ssyncset.done $0x0  }
0x183: {  	[sflag:s1] =	ssyncadd.s32 $0xFFFFFF80  }
0x184: {  	_ =	swait.ge [sflag:s1], $0x80  }
0x185: {  	[sflag:s1] =	ssyncset.done $0x0  }
0x186: {  	[sflag:s1] =	ssyncadd.s32 $0xFFFFFF80  }
0x187: {  	_ =	swait.ge [sflag:s1], $0x80  }
0x188: {  	[sflag:s1] =	ssyncset.done $0x0  }
0x189: {  	[sflag:s1] =	ssyncadd.s32 $0xFFFFFF80  }
0x18a: {  	_ =	swait.ge [sflag:s1], $0x80  }
0x18b: {  	[sflag:s1] =	ssyncset.done $0x0  }
0x18c: {  	[sflag:s1] =	ssyncadd.s32 $0xFFFFFF80  }
0x18d: {  	_ =	swait.ge [sflag:s1], $0x80  }
0x18e: {  	[sflag:s1] =	ssyncset.done $0x0  }
0x18f: {  	[sflag:s1] =	ssyncadd.s32 $0xFFFFFF80  }
0x190: {  	_ =	swait.ge [sflag:s1], $0x80  }
0x191: {  	[sflag:s1] =	ssyncset.done $0x0  }
0x192: {  	[sflag:s1] =	ssyncadd.s32 $0xFFFFFF80  }
0x193: {  	_ =	swait.ge [sflag:s1], $0x80  }
0x194: {  	[sflag:s1] =	ssyncset.done $0x0  }
0x195: {  	[sflag:s1] =	ssyncadd.s32 $0xFFFFFF80  }
0x196: {  	_ =	swait.ge [sflag:s1], $0x80  }
0x197: {  	[sflag:s1] =	ssyncset.done $0x0  }
0x198: {  	[sflag:s1] =	ssyncadd.s32 $0xFFFFFF80  }
0x199: {  	_ =	swait.ge [sflag:s1], $0x80  }
0x19a: {  	[sflag:s1] =	ssyncset.done $0x0  }
0x19b: {  	[sflag:s1] =	ssyncadd.s32 $0xFFFFFF80  }
0x19c: {  	_ =	swait.ge [sflag:s1], $0x80  }
0x19d: {  	[sflag:s1] =	ssyncset.done $0x0  }
0x19e: {  	[sflag:s1] =	ssyncadd.s32 $0xFFFFFF80  }
0x19f: {  	_ =	swait.ge [sflag:s1], $0x80  }
0x1a0: {  	[sflag:s1] =	ssyncset.done $0x0  }
0x1a1: {  	[sflag:s1] =	ssyncadd.s32 $0xFFFFFF80  }
0x1a2: {  	_ =	swait.ge [sflag:s1], $0x80  }
0x1a3: {  	[sflag:s1] =	ssyncset.done $0x0  }
0x1a4: {  	[sflag:s1] =	ssyncadd.s32 $0xFFFFFF80  }
0x1a5: {  	_ =	swait.ge [sflag:s1], $0x80  }
0x1a6: {  	[sflag:s1] =	ssyncset.done $0x0  }
0x1a7: {  	[sflag:s1] =	ssyncadd.s32 $0xFFFFFF80  }
0x1a8: {  	_ =	swait.ge [sflag:s1], $0x80  }
0x1a9: {  	[sflag:s1] =	ssyncset.done $0x0  }
0x1aa: {  	[sflag:s1] =	ssyncadd.s32 $0xFFFFFF80  }
0x1ab: {  	_ =	swait.ge [sflag:s1], $0x80  }
0x1ac: {  	[sflag:s1] =	ssyncset.done $0x0  }
0x1ad: {  	[sflag:s1] =	ssyncadd.s32 $0xFFFFFF80  }
0x1ae: {  	_ =	swait.ge [sflag:s1], $0x80  }
0x1af: {  	[sflag:s1] =	ssyncset.done $0x0  }
0x1b0: {  	[sflag:s1] =	ssyncadd.s32 $0xFFFFFF80  }
0x1b1: {  	_ =	swait.ge [sflag:s1], $0x80  }
0x1b2: {  	[sflag:s1] =	ssyncset.done $0x0  }
0x1b3: {  	[sflag:s1] =	ssyncadd.s32 $0xFFFFFF80  }
0x1b4: {  	_ =	swait.ge [sflag:s1], $0x80  }
0x1b5: {  	[sflag:s1] =	ssyncset.done $0x0  }
0x1b6: {  	[sflag:s1] =	ssyncadd.s32 $0xFFFFFF80  }
0x1b7: {  	_ =	swait.ge [sflag:s1], $0x80  }
0x1b8: {  	[sflag:s1] =	ssyncset.done $0x0  }
0x1b9: {  	[sflag:s1] =	ssyncadd.s32 $0xFFFFFF80  }
0x1ba: {  	_ =	swait.ge [sflag:s1], $0x80  }
0x1bb: {  	[sflag:s1] =	ssyncset.done $0x0  }
0x1bc: {  	[sflag:s1] =	ssyncadd.s32 $0xFFFFFF80  }
0x1bd: {  	_ =	swait.ge [sflag:s1], $0x80  }
0x1be: {  	[sflag:s1] =	ssyncset.done $0x0  }
0x1bf: {  	[sflag:s1] =	ssyncadd.s32 $0xFFFFFF80  }
0x1c0: {  	_ =	swait.ge [sflag:s1], $0x80  }
0x1c1: {  	[sflag:s1] =	ssyncset.done $0x0  }
0x1c2: {  	[sflag:s1] =	ssyncadd.s32 $0xFFFFFF80  }
0x1c3: {  	_ =	swait.ge [sflag:s1], $0x80  }
0x1c4: {  	[sflag:s1] =	ssyncset.done $0x0  }
0x1c5: {  	[sflag:s1] =	ssyncadd.s32 $0xFFFFFF80  }
0x1c6: {  	_ =	swait.ge [sflag:s1], $0x80  }
0x1c7: {  	[sflag:s1] =	ssyncset.done $0x0  }
0x1c8: {  	[sflag:s1] =	ssyncadd.s32 $0xFFFFFF80  }
0x1c9: {  	_ =	swait.ge [sflag:s1], $0x80  }
0x1ca: {  	[sflag:s1] =	ssyncset.done $0x0  }
0x1cb: {  	[sflag:s1] =	ssyncadd.s32 $0xFFFFFF80  }
0x1cc: {  	_ =	swait.ge [sflag:s1], $0x80  }
0x1cd: {  	[sflag:s1] =	ssyncset.done $0x0  }
0x1ce: {  	[sflag:s1] =	ssyncadd.s32 $0xFFFFFF80  }
0x1cf: {  	_ =	swait.ge [sflag:s1], $0x80  }
0x1d0: {  	[sflag:s1] =	ssyncset.done $0x0  }
0x1d1: {  	[sflag:s1] =	ssyncadd.s32 $0xFFFFFF80  }
0x1d2: {  	_ =	swait.ge [sflag:s1], $0x80  }
0x1d3: {  	[sflag:s1] =	ssyncset.done $0x0  }
0x1d4: {  	[sflag:s1] =	ssyncadd.s32 $0xFFFFFF80  }
0x1d5: {  	_ =	swait.ge [sflag:s1], $0x80  }
0x1d6: {  	[sflag:s1] =	ssyncset.done $0x0  }
0x1d7: {  	[sflag:s1] =	ssyncadd.s32 $0xFFFFFF80  }
0x1d8: {  	_ =	swait.ge [sflag:s1], $0x80  }
0x1d9: {  	[sflag:s1] =	ssyncset.done $0x0  }
0x1da: {  	[sflag:s1] =	ssyncadd.s32 $0xFFFFFF80  }
0x1db: {  	_ =	swait.ge [sflag:s1], $0x80  }
0x1dc: {  	[sflag:s1] =	ssyncset.done $0x0  }
0x1dd: {  	[sflag:s1] =	ssyncadd.s32 $0xFFFFFF80  }
0x1de: {  	_ =	swait.ge [sflag:s1], $0x80  }
0x1df: {  	[sflag:s1] =	ssyncset.done $0x0  }
0x1e0: {  	[sflag:s1] =	ssyncadd.s32 $0xFFFFFF80  }
0x1e1: {  	_ =	swait.ge [sflag:s1], $0x80  }
0x1e2: {  	[sflag:s1] =	ssyncset.done $0x0  }
0x1e3: {  	[sflag:s1] =	ssyncadd.s32 $0xFFFFFF80  }
0x1e4: {  	_ =	swait.ge [sflag:s1], $0x80  }
0x1e5: {  	[sflag:s1] =	ssyncset.done $0x0  }
0x1e6: {  	[sflag:s1] =	ssyncadd.s32 $0xFFFFFF80  }
0x1e7: {  	_ =	swait.ge [sflag:s1], $0x80  }
0x1e8: {  	[sflag:s1] =	ssyncset.done $0x0  }
0x1e9: {  	[sflag:s1] =	ssyncadd.s32 $0xFFFFFF80  }
0x1ea: {  	_ =	swait.ge [sflag:s1], $0x80  }
0x1eb: {  	[sflag:s1] =	ssyncset.done $0x0  }
0x1ec: {  	[sflag:s1] =	ssyncadd.s32 $0xFFFFFF80  }
0x1ed: {  	_ =	swait.ge [sflag:s1], $0x80  }
0x1ee: {  	[sflag:s1] =	ssyncset.done $0x0  }
0x1ef: {  	[sflag:s1] =	ssyncadd.s32 $0xFFFFFF80  }
0x1f0: {  	_ =	swait.ge [sflag:s1], $0x80  }
0x1f1: {  	p0 =	sne.s32 s4, $0x1;
	[sflag:s1] =	ssyncset.done $0x0  }
.Ltmp0:
0x1f2: {  	s12 =	rddreg [dreg:$0x7];
	[sflag:s1] =	ssyncadd.s32 $0xFFFFFF80;
	(pc) =	sbr.rel @p0 .LBB2_1-.Ltmp0, $4  }
0x1f3: {  	[hbm4b:s12+s3] =	stream.linear.scatter [tilespmem:s9], [sflag:$0x3], $0x2000, $0x38;
	[tilespmem:$0x8090] =	vst v63  }
0x1f4: {  	_ =	swait.ge [sflag:s7], $0x2000  }
0x1f5: {  	[sflag:s7] =	ssyncset.done $0x0  }
0x1f6: {  	s4 =	sadd.s32 $0xFFFFFFFF, s4;
	[sflag:s7] =	ssyncadd.s32 $0xFFFFE000  }
0x1f7: {  	_ =	sfence.sel $0x180000  }
0x1f8: {  	[bflag:$0x0] =	sbarrier.arrive $0xFFFF  }
0x1f9: {  	_ =	strace $0x9000004A  }
0x1fa: {  	s0 =	stileid.u32;
	[bflag:$0x2] =	sbarrier.arrive $0xFFFF  }
0x1fb: {  	p0 =	sne.s32 s0, $0x0;
	s0 =	rddreg [dreg:$0x3]  }
0x1fc: {  	s0 =	sadd.s32 @!p0 $0x100000, s0  }
0x1fd: {  	[sflag:s0] =	ssyncadd.tile.s32 @!p0 $0x1;
	_ =	shalt  }
.Lfunc_end2:
_tile_overlayer_lowered:
.L_overlay_start_2:
0x1fe: {  	(tag) =	ssettag $0x2  }
0x1ff: {  	s0 =	rddreg [dreg:$0x0];
	s2 =	stileid.u32  }
0x200: {  	s1 =	rddreg [dreg:$0x1];
	p0 =	sne.s32 s2, $0x0  }
0x201: {  	s3 =	rddreg [dreg:$0x2];
	[bflag:$0x3] =	sbarrier.arrive $0xFFFF;
	s2 =	simm.s32 @!p0 $0x1C03  }
0x202: {  	[timem:s3], [sflag:s2] =	dma.local @!p0 [hbm:s0], s1  }
0x203: {  	s0 =	simm.s32 @!p0 $0x3  }
0x204: {  	_ =	swait.ge @!p0 [sflag:s0], s1  }
0x205: {  	s1 =	ssub.s32 @!p0 $0x0, s1;
	[sflag:s0] =	ssyncset.done @!p0 $0x0  }
0x206: {  	[sflag:s0] =	ssyncadd.s32 @!p0 s1  }
0x207: {  	[bflag:$0x3] =	sbarrier.arrive $0xFFFF  }
0x208: {  	_ =	shalt  }

</sc_bundles>
